<compile_context>
chip_gen: v7x
topology: tpu7x:2x2x1
jax: 0.10.2.dev20260603
libtpu: 0.0.44.dev20260713+nightly
codegen_flags: <defaults>
</compile_context>

<pallas_src>
import functools
import jax
import jax.numpy as jnp
from jax import lax
from jax.experimental import pallas as pl
from jax.experimental.pallas import tpu as pltpu
from jax.experimental.pallas import tpu_sc as plsc

N = 10000
E = 160000
F = 64
F2 = 128
NP = 10
B = 1000
R0 = 4

NC = 2
NS = 16
NW = NC * NS

GCH = 128
EP = 163840
RPT = EP // NW
CPT = RPT // GCH
GNB = 2
GIT = CPT // GNB
SGRP = 2
SIT = CPT // SGRP
NA = 10240
CIT = EP // GCH // NW

_f32 = jnp.float32


def _mm(a, b):
    return jax.lax.dot_general(a, b, (((1,), (0,)), ((), ())),
                               precision=jax.lax.Precision.HIGHEST)



def _enc_body(hin, E0, e0, E1, e1, Wx, ba, h_o, pre_o):
    hs = []
    ps = []
    for i in (0, 1):
        t = jax.nn.relu(_mm(hin[...][:, 4 * i:4 * i + 4], E0[...]) + e0[...])
        h = _mm(t, E1[...]) + e1[...]
        hs.append(h)
        ps.append(_mm(h, Wx[...]) + ba[...])
    h_o[...] = jnp.concatenate(hs, axis=1)
    pre_o[...] = jnp.concatenate(ps, axis=1)


def _edge_body(z, ea_t, W1e, Wb, bb, u_o):
    zv = z[...]
    eaw = jax.lax.dot_general(ea_t[...], W1e[...], (((0,), (0,)), ((), ())),
                              precision=jax.lax.Precision.HIGHEST)
    us = []
    for i in (0, 1):
        t = jax.nn.relu(zv[:, F * i:F * i + F] + eaw)
        us.append(jax.nn.relu(_mm(t, Wb[...]) + bb[...]))
    u_o[...] = jnp.concatenate(us, axis=1)


def _node_body(h, Pa, Pb, ind, Vh, Wg, bg, bVa, Vb, bVb, Vc, bVc, Wxn, ban,
               hn_o, pren_o):
    P = Pa[...] + Pb[...]
    hv = h[...]
    ibg = ind[...] * bg[...] + bVa[...]
    hs = []
    ps = []
    for i in (0, 1):
        g1 = jax.nn.relu(_mm(hv[:, F * i:F * i + F], Vh[...])
                         + _mm(P[:, F * i:F * i + F], Wg[...]) + ibg)
        g2 = jax.nn.relu(_mm(g1, Vb[...]) + bVb[...])
        hn = _mm(g2, Vc[...]) + bVc[...]
        hs.append(hn)
        ps.append(_mm(hn, Wxn[...]) + ban[...])
    hn_o[...] = jnp.concatenate(hs, axis=1)
    pren_o[...] = jnp.concatenate(ps, axis=1)


def _dec_body(hr, offs, D0h, D0o, d0, D1, d1, D2, d2, out_o):
    t1 = jax.nn.relu(offs[...] * D0o[...] + _mm(hr[...], D0h[...]) + d0[...])
    t2 = jax.nn.relu(_mm(t1, D1[...]) + d1[...])
    out_o[...] = _mm(t2, D2[...]) + d2[...]


def _full(shape):
    return pl.BlockSpec(shape, lambda i: (0,) * len(shape))


def _rows(rb, w):
    return pl.BlockSpec((rb, w), lambda i: (i, 0))


def _tc_enc(hin, consts):
    return pl.pallas_call(
        _enc_body,
        grid=(10,),
        in_specs=[_rows(1000, 8)] + [_full(c.shape) for c in consts],
        out_specs=[_rows(1000, F2), _rows(1000, F2)],
        out_shape=[jax.ShapeDtypeStruct((N, F2), _f32)] * 2,
    )(hin, *consts)


def _tc_edge(z, ea2, consts):
    return pl.pallas_call(
        _edge_body,
        grid=(40,),
        in_specs=[_rows(4096, F2), pl.BlockSpec((4, 4096), lambda i: (0, i))]
        + [_full(c.shape) for c in consts],
        out_specs=_rows(4096, F2),
        out_shape=jax.ShapeDtypeStruct((EP, F2), _f32),
    )(z, ea2, *consts)


def _tc_node(h, Pa, Pb, ind, consts):
    return pl.pallas_call(
        _node_body,
        grid=(5,),
        in_specs=[_rows(2000, F2), _rows(2000, F2), _rows(2000, F2),
                  _rows(2000, 1)] + [_full(c.shape) for c in consts],
        out_specs=[_rows(2000, F2), _rows(2000, F2)],
        out_shape=[jax.ShapeDtypeStruct((N, F2), _f32)] * 2,
    )(h, Pa, Pb, ind, *consts)


def _tc_dec(hr, offs, consts):
    return pl.pallas_call(
        _dec_body,
        grid=(1,),
        in_specs=[_rows(2 * B, F), _rows(2 * B, 1)] + [_full(c.shape) for c in consts],
        out_specs=_rows(2 * B, 1),
        out_shape=jax.ShapeDtypeStruct((2 * B, 1), _f32),
    )(hr, offs, *consts)



@functools.cache
def _make_sc_gather():
    mesh = plsc.VectorSubcoreMesh(core_axis_name="c", subcore_axis_name="s")
    return functools.partial(
        pl.kernel,
        mesh=mesh,
        out_type=jax.ShapeDtypeStruct((EP, F2), _f32),
        scratch_types=[
            pltpu.VMEM((RPT,), jnp.int32),
            pltpu.VMEM((GCH, F2), _f32),
            pltpu.VMEM((GCH, F2), _f32),
            pltpu.VMEM_SHARED((N, F2), _f32),
            pltpu.SemaphoreType.DMA,
            pltpu.SemaphoreType.DMA,
            pltpu.SemaphoreType.DMA,
        ],
    )(_sc_gather_body)


def _sc_gather_body(table, srcp, z_out, idx_v, r0, r1, stable, gsem,
                    w0, w1):
    wid = lax.axis_index("s") * NC + lax.axis_index("c")
    sid = lax.axis_index("s")
    base = wid * RPT

    @pl.when(sid == 0)
    def _():
        pltpu.sync_copy(table, stable)

    pltpu.sync_copy(srcp.at[pl.ds(base, RPT)], idx_v)
    plsc.subcore_barrier()
    bufs = ((r0, w0), (r1, w1))

    def group(g, carry):
        @pl.when(g > 0)
        def _():
            for b, (rows_v, wsem) in enumerate(bufs):
                goff = (GNB * g + b) * GCH
                pltpu.make_async_copy(
                    rows_v, z_out.at[pl.ds(base + goff, GCH)], wsem
                ).wait()

        cps = []
        for b, (rows_v, wsem) in enumerate(bufs):
            goff = (GNB * g + b) * GCH
            cps.append(pltpu.async_copy(
                stable.at[idx_v.at[pl.ds(goff, GCH)]], rows_v, gsem))
        for cp in cps:
            cp.wait()
        for b, (rows_v, wsem) in enumerate(bufs):
            goff = (GNB * g + b) * GCH
            pltpu.async_copy(rows_v, z_out.at[pl.ds(base + goff, GCH)], wsem)
        return carry

    lax.fori_loop(0, GIT, group, 0)
    for b, (rows_v, wsem) in enumerate(bufs):
        pltpu.make_async_copy(
            rows_v, z_out.at[pl.ds(b * GCH, GCH)], wsem
        ).wait()


@functools.cache
def _make_sc_scatter():
    mesh = plsc.VectorSubcoreMesh(core_axis_name="c", subcore_axis_name="s")
    return functools.partial(
        pl.kernel,
        mesh=mesh,
        out_type=(jax.ShapeDtypeStruct((N, F2), _f32),
                  jax.ShapeDtypeStruct((N, F2), _f32)),
        scratch_types=[
            pltpu.VMEM((CPT, GCH), jnp.int32),
            pltpu.VMEM((SGRP * GCH, F2), _f32),
            pltpu.VMEM_SHARED((NA, F2), _f32),
            pltpu.SemaphoreType.DMA,
        ],
    )(_sc_scatter_body)


def _sc_scatter_body(u, dst_rs, zeros2, pa_out, pb_out, idx_v, rows_v, acc,
                     lsem):
    cid = lax.axis_index("c")
    sid = lax.axis_index("s")
    pltpu.sync_copy(zeros2.at[pl.ds(sid * 640, 640)],
                    acc.at[pl.ds(sid * 640, 640)])
    pltpu.sync_copy(dst_rs.at[pl.ds(cid * (NS * CPT) + sid * CPT, CPT)], idx_v)
    plsc.subcore_barrier()

    ubase = (cid * NS + sid) * RPT

    def group(g, carry):
        goff = g * (SGRP * GCH)
        cps = []
        for k in range(SGRP):
            cp = pltpu.async_copy(
                u.at[pl.ds(ubase + goff + k * GCH, GCH)],
                rows_v.at[pl.ds(k * GCH, GCH)],
                lsem,
            )
            cps.append(cp)
        for cp in cps:
            cp.wait()
        for k in range(SGRP):
            pltpu.sync_copy(rows_v.at[pl.ds(k * GCH, GCH)],
                            acc.at[idx_v.at[g * SGRP + k]],
                            add=True)
        return carry

    lax.fori_loop(0, SIT, group, 0)
    plsc.subcore_barrier()

    def dump(out):
        pltpu.sync_copy(acc.at[pl.ds(sid * 624, 624)],
                        out.at[pl.ds(sid * 624, 624)])

        @pl.when(sid == 0)
        def _():
            pltpu.sync_copy(acc.at[pl.ds(NS * 624, N - NS * 624)],
                            out.at[pl.ds(NS * 624, N - NS * 624)])

    @pl.when(cid == 0)
    def _():
        dump(pa_out)

    @pl.when(cid == 1)
    def _():
        dump(pb_out)


@functools.cache
def _make_sc_indeg():
    mesh = plsc.VectorSubcoreMesh(core_axis_name="c", subcore_axis_name="s")
    return functools.partial(
        pl.kernel,
        mesh=mesh,
        out_type=(jax.ShapeDtypeStruct((N, 16), _f32),
                  jax.ShapeDtypeStruct((N, 16), _f32)),
        scratch_types=[
            pltpu.VMEM((CIT, GCH), jnp.int32),
            pltpu.VMEM((GCH, 16), _f32),
            pltpu.VMEM_SHARED((NA, 16), _f32),
            pltpu.SemaphoreType.DMA,
        ],
    )(_sc_indeg_body)


def _sc_indeg_body(dst_rs, zeros16, ones16, da_out, db_out, idx_v, ones_v,
                   acc, dsem):
    cid = lax.axis_index("c")
    sid = lax.axis_index("s")
    pltpu.sync_copy(zeros16.at[pl.ds(sid * 640, 640)],
                    acc.at[pl.ds(sid * 640, 640)])
    pltpu.sync_copy(ones16, ones_v)
    pltpu.sync_copy(dst_rs.at[pl.ds(cid * (NS * CIT) + sid * CIT, CIT)], idx_v)
    plsc.subcore_barrier()

    def chunk(j, carry):
        pltpu.async_copy(ones_v, acc.at[idx_v.at[j]], add=True, sem=dsem)
        return carry

    lax.fori_loop(0, CIT, chunk, 0)

    def drain(j, carry):
        pltpu.make_async_copy(ones_v, acc.at[idx_v.at[j]], dsem).wait()
        return carry

    lax.fori_loop(0, CIT, drain, 0)
    plsc.subcore_barrier()

    def dump(out):
        pltpu.sync_copy(acc.at[pl.ds(sid * 624, 624)],
                        out.at[pl.ds(sid * 624, 624)])

        @pl.when(sid == 0)
        def _():
            pltpu.sync_copy(acc.at[pl.ds(NS * 624, N - NS * 624)],
                            out.at[pl.ds(NS * 624, N - NS * 624)])

    @pl.when(cid == 0)
    def _():
        dump(da_out)

    @pl.when(cid == 1)
    def _():
        dump(db_out)



def kernel(x, edge_index, edge_attr, bz_number, dimq, omega_p, batch, params):
    src = edge_index[0].astype(jnp.int32)
    dst = edge_index[1].astype(jnp.int32)

    x3 = x.reshape(B, NP, 3)
    hins = []
    for i in range(2):
        r = R0 + i
        xi = x3.at[:, r, 2].set(1.0)
        offs = jnp.broadcast_to(xi[:, r:r + 1, 0], (B, NP))
        hins.append(jnp.concatenate([offs[..., None], xi], axis=-1).reshape(N, 4))
    hin = jnp.concatenate(hins, axis=1)

    srcp = jnp.zeros((EP,), jnp.int32).at[:E].set(src)
    dst_rs = jnp.full((EP,), N, jnp.int32).at[:E].set(dst).reshape(EP // GCH, GCH)
    ea_t = jnp.pad(edge_attr.T, ((0, 0), (0, EP - E)))

    zeros2 = jnp.zeros((NA, F2), _f32)
    zeros16 = jnp.zeros((NA, 16), _f32)
    ones16 = jnp.ones((GCH, 16), _f32)

    convs = params['convs']
    enc = params['enc']
    dec = params['dec']

    def r1(v):
        return v.reshape(1, -1)

    edge_consts = []
    node_consts = []
    W1x = [None] * 5
    ba1 = [None] * 5
    for c, cp in enumerate(convs):
        inc = F * 2 if c == 0 else F
        Wa, ba = cp['m1'][0]
        Wb, bb = cp['m1'][1]
        Wc, bc = cp['m1'][2]
        Va, bVa = cp['m2'][0]
        Vb, bVb = cp['m2'][1]
        Vc2, bVc = cp['m2'][2]
        W1x[c] = Wa[:F]
        ba1[c] = r1(ba)
        Vg = Va[inc:inc + F]
        edge_consts.append((Wa[inc:inc + 4], Wb, r1(bb)))
        node_consts.append([Va[:F], Wc @ Vg, r1(bc @ Vg), r1(bVa),
                            Vb, r1(bVb), Vc2, r1(bVc)])
    zf = jnp.zeros((F, F), _f32)
    for c in range(5):
        if c < 4:
            node_consts[c] += [W1x[c + 1], ba1[c + 1]]
        else:
            node_consts[c] += [zf, r1(jnp.zeros((F,), _f32))]

    sc_gather = _make_sc_gather()
    sc_scatter = _make_sc_scatter()
    dega, degb = _make_sc_indeg()(dst_rs, zeros16, ones16)
    ind = dega[:, :1] + degb[:, :1]

    h, pre = _tc_enc(hin, [enc[0][0], r1(enc[0][1]), enc[1][0], r1(enc[1][1]),
                           W1x[0], ba1[0]])
    for c in range(5):
        z = sc_gather(pre, srcp)
        u = _tc_edge(z, ea_t, list(edge_consts[c]))
        Pa, Pb = sc_scatter(u, dst_rs, zeros2)
        h, pre = _tc_node(h, Pa, Pb, ind, node_consts[c])

    h4 = h.reshape(B, NP, F2)
    hr = jnp.concatenate([h4[:, R0, :F], h4[:, R0 + 1, F:]], axis=0)
    xr = x[:, 0].reshape(B, NP)
    offs = jnp.concatenate([xr[:, R0], xr[:, R0 + 1]], axis=0).reshape(2 * B, 1)

    D0, d0 = dec[0]
    D1, d1 = dec[1]
    D2, d2 = dec[2]
    out = _tc_dec(hr, offs, [D0[1:], r1(D0[0]), r1(d0), D1, r1(d1), D2, r1(d2)])
    return out.reshape(2, B).T

# --- scband reference (transcript-rebuilt; emitter-appended) ---
"""Pipeline reference for scband-floquet-recurrent-solver-83047487636114 (READ-ONLY COPY).

The authoritative reference and input builder live on the scoring server;
editing this copy changes nothing except your own understanding.
"""

import jax, jax.numpy as jnp
import numpy as np

F_DIM = 64
MSG = 64
ED = 4
MEMO = 2
N_NODES = 10000
N_EDGES = 160000
DIMQ = 2
BZ = 2
NODES_PER = DIMQ * (2 * BZ + 1)
BATCHN = N_NODES // NODES_PER


def _lin(key, i, o):
    return (jax.random.normal(key, (i, o), jnp.float32) / np.sqrt(i), jnp.zeros((o,), jnp.float32))


def _mlp3(h, layers):
    h = jax.nn.relu(h @ layers[0][0] + layers[0][1])
    h = jax.nn.relu(h @ layers[1][0] + layers[1][1])
    return h @ layers[2][0] + layers[2][1]


def _conv(h, edge_index, edge_attr, cp):
    src = edge_index[0]
    dst = edge_index[1]
    xj = jnp.take(h, src, axis=0)
    msg = _mlp3(jnp.concatenate([xj, edge_attr], axis=-1), cp['m1'])
    agg = jax.ops.segment_sum(msg, dst, num_segments=h.shape[0])
    return _mlp3(jnp.concatenate([h, agg], axis=-1), cp['m2'])


def _make_params(key):
    ks = iter(jax.random.split(key, 64))
    enc = [_lin(next(ks), 4, F_DIM), _lin(next(ks), F_DIM, F_DIM)]
    convs = []
    for c in range(5):
        inc = F_DIM * MEMO if c == 0 else F_DIM
        m1 = [_lin(next(ks), inc + ED, MSG), _lin(next(ks), MSG, MSG), _lin(next(ks), MSG, MSG)]
        m2 = [_lin(next(ks), MSG + inc, MSG), _lin(next(ks), MSG, MSG), _lin(next(ks), MSG, F_DIM)]
        convs.append({'m1': m1, 'm2': m2})
    dec = [_lin(next(ks), F_DIM + 1, 256), _lin(next(ks), 256, 64), _lin(next(ks), 64, 1)]
    return {'enc': enc, 'convs': convs, 'dec': dec}


def _fwd(x, edge_attr, params, edge_index, bz_number, dimq, batch_number):
    N = x.shape[0]
    nodes_number = DIMQ * (2 * BZ + 1)
    x_memo = jnp.zeros((N, F_DIM * (MEMO - 1)), jnp.float32)
    cols = []
    for i in range(DIMQ):
        xi = jax.lax.stop_gradient(x)  # original uses x.detach().clone()
        root_idx = bz_number * dimq + i + nodes_number * jnp.arange(batch_number)
        xi = xi.at[root_idx, 2].set(1.0)
        offsets = jnp.repeat(xi[root_idx, 0], nodes_number)
        h = jnp.concatenate([offsets[:, None], xi], axis=1)
        e = params['enc']
        h = jax.nn.relu(h @ e[0][0] + e[0][1]) @ e[1][0] + e[1][1]
        h = jnp.concatenate([h, x_memo], axis=-1)
        for cp in params['convs']:
            h = _conv(h, edge_index, edge_attr, cp)
        h = jnp.concatenate([offsets[:, None], h], axis=1)
        dec_in = h.reshape(batch_number, nodes_number, -1)[:, bz_number * dimq + i, :]
        d = params['dec']
        t = jax.nn.relu(dec_in @ d[0][0] + d[0][1])
        t = jax.nn.relu(t @ d[1][0] + d[1][1])
        t = t @ d[2][0] + d[2][1]
        cols.append(t.reshape(-1))
    return jnp.squeeze(jnp.stack(cols, axis=1))


def setup_inputs(seed: int = 0):
    key = jax.random.key(seed)
    k1, k2, k3, k4 = jax.random.split(key, 4)
    x = jax.random.normal(k1, (N_NODES, 3), jnp.float32)
    edge_index = jax.random.randint(k2, (2, N_EDGES), 0, N_NODES)
    edge_attr = jax.random.normal(k3, (N_EDGES, ED), jnp.float32)
    batch = jnp.repeat(jnp.arange(BATCHN, dtype=jnp.int32), NODES_PER)
    params = _make_params(k4)
    return {'x': x, 'edge_index': edge_index, 'edge_attr': edge_attr, 'bz_number': BZ, 'dimq': DIMQ, 'omega_p': 1.0, 'batch': batch, 'params': params}


def reference(x, edge_index, edge_attr, bz_number, dimq, omega_p, batch, params):
    batch_number = batch.shape[0] // (DIMQ * (2 * BZ + 1))
    return _fwd(x, edge_attr, params, edge_index, bz_number, dimq, batch_number)

if __name__ == "__main__":
    import jax
    _d = setup_inputs()
    print(jax.jit(kernel)(*tuple(_d.values())))

</pallas_src>

<mosaic_0001>
#map = affine_map<(d0, d1) -> (0, 0)>
module attributes {stable_mosaic.version = 14 : i64} {
  func.func @_sc_scatter_body(%arg0: i32, %arg1: i32, %arg2: memref<163840x128xf32, #tpu.memory_space<hbm>>, %arg3: memref<1280x128xi32, #tpu.memory_space<hbm>>, %arg4: memref<10240x128xf32, #tpu.memory_space<hbm>>, %arg5: memref<10000x128xf32, #tpu.memory_space<hbm>>, %arg6: memref<10000x128xf32, #tpu.memory_space<hbm>>, %arg7: memref<40x128xi32, #tpu.memory_space<vmem>>, %arg8: memref<256x128xf32, #tpu.memory_space<vmem>>, %arg9: memref<10240x128xf32, #tpu.memory_space<vmem_shared>>, %arg10: memref<!tpu.dma_semaphore, #tpu.memory_space<semaphore_mem>>) attributes {dimension_semantics = [#tpu.dimension_semantics<core_parallel>, #tpu.dimension_semantics<subcore_parallel>], iteration_bounds = array<i64: 2, 16>, scalar_prefetch = 0 : i64, scratch_operands = 4 : i64, tpu.core_type = #tpu.core_type<sc_vector_subcore>, window_params = [{transform_indices = #map}, {transform_indices = #map}, {transform_indices = #map}, {transform_indices = #map}, {transform_indices = #map}]} {
    %mul3A = arith.constant 640 : i32
    %mul3A_0 = arith.muli %arg1, %mul3A : i32
    %mul3A_1 = arith.constant 640 : i32
    %mul3A_2 = arith.muli %arg1, %mul3A_1 : i32
    "tpu.region"() ({
      %run_scoped3A = tpu.sem_alloc : memref<!tpu.dma_semaphore, #tpu.memory_space<semaphore_mem>>
      %dma_start3A = arith.constant 0 : i32
      %dma_start3A_25 = tpu.memref_slice %arg9[%mul3A_2, %dma_start3A] : memref<10240x128xf32, #tpu.memory_space<vmem_shared>> -> memref<640x128xf32, #tpu.memory_space<vmem_shared>>
      %dma_start3A_26 = arith.constant 0 : i32
      %dma_start3A_27 = tpu.memref_slice %arg4[%mul3A_0, %dma_start3A_26] : memref<10240x128xf32, #tpu.memory_space<hbm>> -> memref<640x128xf32, #tpu.memory_space<hbm>>
      tpu.enqueue_dma source(%dma_start3A_27 : memref<640x128xf32, #tpu.memory_space<hbm>>) target(%dma_start3A_25 : memref<640x128xf32, #tpu.memory_space<vmem_shared>>) target_semaphore(%run_scoped3A : memref<!tpu.dma_semaphore, #tpu.memory_space<semaphore_mem>>)
      %dma_wait3A = arith.constant 0 : i32
      %dma_wait3A_28 = tpu.memref_slice %arg9[%mul3A_2, %dma_wait3A] : memref<10240x128xf32, #tpu.memory_space<vmem_shared>> -> memref<640x128xf32, #tpu.memory_space<vmem_shared>>
      %dma_wait3A_29 = arith.constant 0 : i32
      %dma_wait3A_30 = tpu.memref_slice %arg4[%mul3A_0, %dma_wait3A_29] : memref<10240x128xf32, #tpu.memory_space<hbm>> -> memref<640x128xf32, #tpu.memory_space<hbm>>
      tpu.wait_dma2 semaphore(%run_scoped3A : memref<!tpu.dma_semaphore, #tpu.memory_space<semaphore_mem>>) src(%dma_wait3A_30 : memref<640x128xf32, #tpu.memory_space<hbm>>) dst(%dma_wait3A_28 : memref<640x128xf32, #tpu.memory_space<vmem_shared>>)
      tpu.yield
    }) : () -> ()
    %mul3A_3 = arith.constant 640 : i32
    %mul3A_4 = arith.muli %arg0, %mul3A_3 : i32
    %mul3A_5 = arith.constant 40 : i32
    %mul3A_6 = arith.muli %arg1, %mul3A_5 : i32
    %add3A = arith.addi %mul3A_4, %mul3A_6 : i32
    "tpu.region"() ({
      %run_scoped3A = tpu.sem_alloc : memref<!tpu.dma_semaphore, #tpu.memory_space<semaphore_mem>>
      %dma_start3A = arith.constant 0 : i32
      %dma_start3A_25 = tpu.memref_slice %arg3[%add3A, %dma_start3A] : memref<1280x128xi32, #tpu.memory_space<hbm>> -> memref<40x128xi32, #tpu.memory_space<hbm>>
      %dma_start3A_26 = arith.constant 0 : i32
      %dma_start3A_27 = tpu.memref_slice %arg3[%add3A, %dma_start3A_26] : memref<1280x128xi32, #tpu.memory_space<hbm>> -> memref<40x128xi32, #tpu.memory_space<hbm>>
      tpu.enqueue_dma source(%dma_start3A_27 : memref<40x128xi32, #tpu.memory_space<hbm>>) target(%arg7 : memref<40x128xi32, #tpu.memory_space<vmem>>) target_semaphore(%run_scoped3A : memref<!tpu.dma_semaphore, #tpu.memory_space<semaphore_mem>>)
      %dma_wait3A = arith.constant 0 : i32
      %dma_wait3A_28 = tpu.memref_slice %arg3[%add3A, %dma_wait3A] : memref<1280x128xi32, #tpu.memory_space<hbm>> -> memref<40x128xi32, #tpu.memory_space<hbm>>
      %dma_wait3A_29 = arith.constant 0 : i32
      %dma_wait3A_30 = tpu.memref_slice %arg3[%add3A, %dma_wait3A_29] : memref<1280x128xi32, #tpu.memory_space<hbm>> -> memref<40x128xi32, #tpu.memory_space<hbm>>
      tpu.wait_dma2 semaphore(%run_scoped3A : memref<!tpu.dma_semaphore, #tpu.memory_space<semaphore_mem>>) src(%dma_wait3A_30 : memref<40x128xi32, #tpu.memory_space<hbm>>) dst(%arg7 : memref<40x128xi32, #tpu.memory_space<vmem>>)
      tpu.yield
    }) : () -> ()
    %barrier3A = arith.constant 0 : index
    tpu.barrier barrier_id(%barrier3A)
    %mul3A_7 = arith.constant 16 : i32
    %mul3A_8 = arith.muli %arg0, %mul3A_7 : i32
    %add3A_9 = arith.addi %mul3A_8, %arg1 : i32
    %mul3A_10 = arith.constant 5120 : i32
    %mul3A_11 = arith.muli %add3A_9, %mul3A_10 : i32
    %scan3A = arith.constant 0 : i32
    %scan3A_12 = arith.constant 0 : i32
    %scan3A_13 = arith.constant 20 : i32
    %scan3A_14 = arith.addi %scan3A_12, %scan3A_13 : i32
    %scan3A_15 = arith.constant 1 : i32
    scf.for %scan3A_25 = %scan3A_12 to %scan3A_14 step %scan3A_15  : i32 {
      %mul3A_26 = arith.constant 256 : i32
      %mul3A_27 = arith.muli %scan3A_25, %mul3A_26 : i32
      %add3A_28 = arith.addi %mul3A_11, %mul3A_27 : i32
      %add3A_29 = arith.constant 0 : i32
      %add3A_30 = arith.addi %add3A_28, %add3A_29 : i32
      %dma_start3A = arith.constant 0 : i32
      %dma_start3A_31 = arith.constant 0 : i32
      %dma_start3A_32 = tpu.memref_slice %arg8[%dma_start3A, %dma_start3A_31] : memref<256x128xf32, #tpu.memory_space<vmem>> -> memref<128x128xf32, #tpu.memory_space<vmem>>
      %dma_start3A_33 = arith.constant 0 : i32
      %dma_start3A_34 = tpu.memref_slice %arg2[%add3A_30, %dma_start3A_33] : memref<163840x128xf32, #tpu.memory_space<hbm>> -> memref<128x128xf32, #tpu.memory_space<hbm>>
      %dma_start3A_35 = arith.constant 0 : i32
      %dma_start3A_36 = arith.constant 0 : i32
      %dma_start3A_37 = tpu.memref_slice %arg8[%dma_start3A_35, %dma_start3A_36] : memref<256x128xf32, #tpu.memory_space<vmem>> -> memref<128x128xf32, #tpu.memory_space<vmem>>
      %dma_start3A_38 = arith.constant 0 : i32
      %dma_start3A_39 = tpu.memref_slice %arg2[%add3A_30, %dma_start3A_38] : memref<163840x128xf32, #tpu.memory_space<hbm>> -> memref<128x128xf32, #tpu.memory_space<hbm>>
      tpu.enqueue_dma source(%dma_start3A_39 : memref<128x128xf32, #tpu.memory_space<hbm>>) target(%dma_start3A_37 : memref<128x128xf32, #tpu.memory_space<vmem>>) target_semaphore(%arg10 : memref<!tpu.dma_semaphore, #tpu.memory_space<semaphore_mem>>)
      %add3A_40 = arith.addi %mul3A_11, %mul3A_27 : i32
      %add3A_41 = arith.constant 128 : i32
      %add3A_42 = arith.addi %add3A_40, %add3A_41 : i32
      %dma_start3A_43 = arith.constant 128 : i32
      %dma_start3A_44 = arith.constant 0 : i32
      %dma_start3A_45 = tpu.memref_slice %arg8[%dma_start3A_43, %dma_start3A_44] : memref<256x128xf32, #tpu.memory_space<vmem>> -> memref<128x128xf32, #tpu.memory_space<vmem>>
      %dma_start3A_46 = arith.constant 0 : i32
      %dma_start3A_47 = tpu.memref_slice %arg2[%add3A_42, %dma_start3A_46] : memref<163840x128xf32, #tpu.memory_space<hbm>> -> memref<128x128xf32, #tpu.memory_space<hbm>>
      %dma_start3A_48 = arith.constant 128 : i32
      %dma_start3A_49 = arith.constant 0 : i32
      %dma_start3A_50 = tpu.memref_slice %arg8[%dma_start3A_48, %dma_start3A_49] : memref<256x128xf32, #tpu.memory_space<vmem>> -> memref<128x128xf32, #tpu.memory_space<vmem>>
      %dma_start3A_51 = arith.constant 0 : i32
      %dma_start3A_52 = tpu.memref_slice %arg2[%add3A_42, %dma_start3A_51] : memref<163840x128xf32, #tpu.memory_space<hbm>> -> memref<128x128xf32, #tpu.memory_space<hbm>>
      tpu.enqueue_dma source(%dma_start3A_52 : memref<128x128xf32, #tpu.memory_space<hbm>>) target(%dma_start3A_50 : memref<128x128xf32, #tpu.memory_space<vmem>>) target_semaphore(%arg10 : memref<!tpu.dma_semaphore, #tpu.memory_space<semaphore_mem>>)
      %dma_wait3A = arith.constant 0 : i32
      %dma_wait3A_53 = arith.constant 0 : i32
      %dma_wait3A_54 = tpu.memref_slice %arg8[%dma_wait3A, %dma_wait3A_53] : memref<256x128xf32, #tpu.memory_space<vmem>> -> memref<128x128xf32, #tpu.memory_space<vmem>>
      %dma_wait3A_55 = arith.constant 0 : i32
      %dma_wait3A_56 = tpu.memref_slice %arg2[%add3A_30, %dma_wait3A_55] : memref<163840x128xf32, #tpu.memory_space<hbm>> -> memref<128x128xf32, #tpu.memory_space<hbm>>
      %dma_wait3A_57 = arith.constant 0 : i32
      %dma_wait3A_58 = arith.constant 0 : i32
      %dma_wait3A_59 = tpu.memref_slice %arg8[%dma_wait3A_57, %dma_wait3A_58] : memref<256x128xf32, #tpu.memory_space<vmem>> -> memref<128x128xf32, #tpu.memory_space<vmem>>
      %dma_wait3A_60 = arith.constant 0 : i32
      %dma_wait3A_61 = tpu.memref_slice %arg2[%add3A_30, %dma_wait3A_60] : memref<163840x128xf32, #tpu.memory_space<hbm>> -> memref<128x128xf32, #tpu.memory_space<hbm>>
      tpu.wait_dma2 semaphore(%arg10 : memref<!tpu.dma_semaphore, #tpu.memory_space<semaphore_mem>>) src(%dma_wait3A_61 : memref<128x128xf32, #tpu.memory_space<hbm>>) dst(%dma_wait3A_59 : memref<128x128xf32, #tpu.memory_space<vmem>>)
      %dma_wait3A_62 = arith.constant 128 : i32
      %dma_wait3A_63 = arith.constant 0 : i32
      %dma_wait3A_64 = tpu.memref_slice %arg8[%dma_wait3A_62, %dma_wait3A_63] : memref<256x128xf32, #tpu.memory_space<vmem>> -> memref<128x128xf32, #tpu.memory_space<vmem>>
      %dma_wait3A_65 = arith.constant 0 : i32
      %dma_wait3A_66 = tpu.memref_slice %arg2[%add3A_42, %dma_wait3A_65] : memref<163840x128xf32, #tpu.memory_space<hbm>> -> memref<128x128xf32, #tpu.memory_space<hbm>>
      %dma_wait3A_67 = arith.constant 128 : i32
      %dma_wait3A_68 = arith.constant 0 : i32
      %dma_wait3A_69 = tpu.memref_slice %arg8[%dma_wait3A_67, %dma_wait3A_68] : memref<256x128xf32, #tpu.memory_space<vmem>> -> memref<128x128xf32, #tpu.memory_space<vmem>>
      %dma_wait3A_70 = arith.constant 0 : i32
      %dma_wait3A_71 = tpu.memref_slice %arg2[%add3A_42, %dma_wait3A_70] : memref<163840x128xf32, #tpu.memory_space<hbm>> -> memref<128x128xf32, #tpu.memory_space<hbm>>
      tpu.wait_dma2 semaphore(%arg10 : memref<!tpu.dma_semaphore, #tpu.memory_space<semaphore_mem>>) src(%dma_wait3A_71 : memref<128x128xf32, #tpu.memory_space<hbm>>) dst(%dma_wait3A_69 : memref<128x128xf32, #tpu.memory_space<vmem>>)
      %mul3A_72 = arith.constant 2 : i32
      %mul3A_73 = arith.muli %scan3A_25, %mul3A_72 : i32
      %add3A_74 = arith.constant 0 : i32
      %add3A_75 = arith.addi %mul3A_73, %add3A_74 : i32
      "tpu.region"() ({
        %run_scoped3A = tpu.sem_alloc : memref<!tpu.dma_semaphore, #tpu.memory_space<semaphore_mem>>
        %dma_start3A_80 = arith.constant 0 : i32
        %dma_start3A_81 = arith.constant 0 : i32
        %dma_start3A_82 = tpu.memref_slice %arg8[%dma_start3A_80, %dma_start3A_81] : memref<256x128xf32, #tpu.memory_space<vmem>> -> memref<128x128xf32, #tpu.memory_space<vmem>>
        %dma_start3A_83 = arith.constant 0 : i32
        %dma_start3A_84 = tpu.memref_slice %arg7[%add3A_75, %dma_start3A_83] : memref<40x128xi32, #tpu.memory_space<vmem>> -> memref<1x128xi32, #tpu.memory_space<vmem>>
        %dma_start3A_85 = tpu.memref_squeeze %dma_start3A_84 : memref<1x128xi32, #tpu.memory_space<vmem>> -> memref<128xi32, #tpu.memory_space<vmem>>
        %dma_start3A_86 = arith.constant 0 : i32
        %dma_start3A_87 = arith.constant 0 : i32
        %dma_start3A_88 = tpu.memref_slice %arg9[%dma_start3A_86, %dma_start3A_87] : memref<10240x128xf32, #tpu.memory_space<vmem_shared>> -> memref<10240x128xf32, #tpu.memory_space<vmem_shared>>
        tpu.enqueue_indirect_dma source(%dma_start3A_82 : memref<128x128xf32, #tpu.memory_space<vmem>>) target(%dma_start3A_88 : memref<10240x128xf32, #tpu.memory_space<vmem_shared>>) offsets(%dma_start3A_85 : memref<128xi32, #tpu.memory_space<vmem>>) semaphore(%run_scoped3A : memref<!tpu.dma_semaphore, #tpu.memory_space<semaphore_mem>>) {add = true}
        %dma_wait3A_89 = arith.constant 0 : i32
        %dma_wait3A_90 = arith.constant 0 : i32
        %dma_wait3A_91 = tpu.memref_slice %arg8[%dma_wait3A_89, %dma_wait3A_90] : memref<256x128xf32, #tpu.memory_space<vmem>> -> memref<128x128xf32, #tpu.memory_space<vmem>>
        %dma_wait3A_92 = arith.constant 0 : i32
        %dma_wait3A_93 = tpu.memref_slice %arg7[%add3A_75, %dma_wait3A_92] : memref<40x128xi32, #tpu.memory_space<vmem>> -> memref<1x128xi32, #tpu.memory_space<vmem>>
        %dma_wait3A_94 = tpu.memref_squeeze %dma_wait3A_93 : memref<1x128xi32, #tpu.memory_space<vmem>> -> memref<128xi32, #tpu.memory_space<vmem>>
        %dma_wait3A_95 = arith.constant 0 : i32
        %dma_wait3A_96 = arith.constant 0 : i32
        %dma_wait3A_97 = tpu.memref_slice %arg9[%dma_wait3A_95, %dma_wait3A_96] : memref<10240x128xf32, #tpu.memory_space<vmem_shared>> -> memref<10240x128xf32, #tpu.memory_space<vmem_shared>>
        tpu.wait_indirect_dma semaphore(%run_scoped3A : memref<!tpu.dma_semaphore, #tpu.memory_space<semaphore_mem>>) src(%dma_wait3A_91 : memref<128x128xf32, #tpu.memory_space<vmem>>) dst(%dma_wait3A_97 : memref<10240x128xf32, #tpu.memory_space<vmem_shared>>)
        tpu.yield
      }) : () -> ()
      %mul3A_76 = arith.constant 2 : i32
      %mul3A_77 = arith.muli %scan3A_25, %mul3A_76 : i32
      %add3A_78 = arith.constant 1 : i32
      %add3A_79 = arith.addi %mul3A_77, %add3A_78 : i32
      "tpu.region"() ({
        %run_scoped3A = tpu.sem_alloc : memref<!tpu.dma_semaphore, #tpu.memory_space<semaphore_mem>>
        %dma_start3A_80 = arith.constant 128 : i32
        %dma_start3A_81 = arith.constant 0 : i32
        %dma_start3A_82 = tpu.memref_slice %arg8[%dma_start3A_80, %dma_start3A_81] : memref<256x128xf32, #tpu.memory_space<vmem>> -> memref<128x128xf32, #tpu.memory_space<vmem>>
        %dma_start3A_83 = arith.constant 0 : i32
        %dma_start3A_84 = tpu.memref_slice %arg7[%add3A_79, %dma_start3A_83] : memref<40x128xi32, #tpu.memory_space<vmem>> -> memref<1x128xi32, #tpu.memory_space<vmem>>
        %dma_start3A_85 = tpu.memref_squeeze %dma_start3A_84 : memref<1x128xi32, #tpu.memory_space<vmem>> -> memref<128xi32, #tpu.memory_space<vmem>>
        %dma_start3A_86 = arith.constant 0 : i32
        %dma_start3A_87 = arith.constant 0 : i32
        %dma_start3A_88 = tpu.memref_slice %arg9[%dma_start3A_86, %dma_start3A_87] : memref<10240x128xf32, #tpu.memory_space<vmem_shared>> -> memref<10240x128xf32, #tpu.memory_space<vmem_shared>>
        tpu.enqueue_indirect_dma source(%dma_start3A_82 : memref<128x128xf32, #tpu.memory_space<vmem>>) target(%dma_start3A_88 : memref<10240x128xf32, #tpu.memory_space<vmem_shared>>) offsets(%dma_start3A_85 : memref<128xi32, #tpu.memory_space<vmem>>) semaphore(%run_scoped3A : memref<!tpu.dma_semaphore, #tpu.memory_space<semaphore_mem>>) {add = true}
        %dma_wait3A_89 = arith.constant 128 : i32
        %dma_wait3A_90 = arith.constant 0 : i32
        %dma_wait3A_91 = tpu.memref_slice %arg8[%dma_wait3A_89, %dma_wait3A_90] : memref<256x128xf32, #tpu.memory_space<vmem>> -> memref<128x128xf32, #tpu.memory_space<vmem>>
        %dma_wait3A_92 = arith.constant 0 : i32
        %dma_wait3A_93 = tpu.memref_slice %arg7[%add3A_79, %dma_wait3A_92] : memref<40x128xi32, #tpu.memory_space<vmem>> -> memref<1x128xi32, #tpu.memory_space<vmem>>
        %dma_wait3A_94 = tpu.memref_squeeze %dma_wait3A_93 : memref<1x128xi32, #tpu.memory_space<vmem>> -> memref<128xi32, #tpu.memory_space<vmem>>
        %dma_wait3A_95 = arith.constant 0 : i32
        %dma_wait3A_96 = arith.constant 0 : i32
        %dma_wait3A_97 = tpu.memref_slice %arg9[%dma_wait3A_95, %dma_wait3A_96] : memref<10240x128xf32, #tpu.memory_space<vmem_shared>> -> memref<10240x128xf32, #tpu.memory_space<vmem_shared>>
        tpu.wait_indirect_dma semaphore(%run_scoped3A : memref<!tpu.dma_semaphore, #tpu.memory_space<semaphore_mem>>) src(%dma_wait3A_91 : memref<128x128xf32, #tpu.memory_space<vmem>>) dst(%dma_wait3A_97 : memref<10240x128xf32, #tpu.memory_space<vmem_shared>>)
        tpu.yield
      }) : () -> ()
    }
    %scan3A_16 = arith.constant 20 : i32
    %barrier3A_17 = arith.constant 0 : index
    tpu.barrier barrier_id(%barrier3A_17)
    %eq3A = arith.constant 0 : i32
    %eq3A_18 = arith.cmpi eq, %arg0, %eq3A : i32
    %convert_element_type3A = arith.extui %eq3A_18 : i1 to i32
    %cond3A = arith.constant 0 : i32
    %cond3A_19 = arith.cmpi ne, %convert_element_type3A, %cond3A : i32
    scf.if %cond3A_19 {
      %mul3A_25 = arith.constant 624 : i32
      %mul3A_26 = arith.muli %arg1, %mul3A_25 : i32
      %mul3A_27 = arith.constant 624 : i32
      %mul3A_28 = arith.muli %arg1, %mul3A_27 : i32
      "tpu.region"() ({
        %run_scoped3A = tpu.sem_alloc : memref<!tpu.dma_semaphore, #tpu.memory_space<semaphore_mem>>
        %dma_start3A = arith.constant 0 : i32
        %dma_start3A_34 = tpu.memref_slice %arg5[%mul3A_28, %dma_start3A] : memref<10000x128xf32, #tpu.memory_space<hbm>> -> memref<624x128xf32, #tpu.memory_space<hbm>>
        %dma_start3A_35 = arith.constant 0 : i32
        %dma_start3A_36 = tpu.memref_slice %arg9[%mul3A_26, %dma_start3A_35] : memref<10240x128xf32, #tpu.memory_space<vmem_shared>> -> memref<624x128xf32, #tpu.memory_space<vmem_shared>>
        tpu.enqueue_dma source(%dma_start3A_36 : memref<624x128xf32, #tpu.memory_space<vmem_shared>>) target(%dma_start3A_34 : memref<624x128xf32, #tpu.memory_space<hbm>>) target_semaphore(%run_scoped3A : memref<!tpu.dma_semaphore, #tpu.memory_space<semaphore_mem>>)
        %dma_wait3A = arith.constant 0 : i32
        %dma_wait3A_37 = tpu.memref_slice %arg5[%mul3A_28, %dma_wait3A] : memref<10000x128xf32, #tpu.memory_space<hbm>> -> memref<624x128xf32, #tpu.memory_space<hbm>>
        %dma_wait3A_38 = arith.constant 0 : i32
        %dma_wait3A_39 = tpu.memref_slice %arg9[%mul3A_26, %dma_wait3A_38] : memref<10240x128xf32, #tpu.memory_space<vmem_shared>> -> memref<624x128xf32, #tpu.memory_space<vmem_shared>>
        tpu.wait_dma2 semaphore(%run_scoped3A : memref<!tpu.dma_semaphore, #tpu.memory_space<semaphore_mem>>) src(%dma_wait3A_39 : memref<624x128xf32, #tpu.memory_space<vmem_shared>>) dst(%dma_wait3A_37 : memref<624x128xf32, #tpu.memory_space<hbm>>)
        tpu.yield
      }) : () -> ()
      %eq3A_29 = arith.constant 0 : i32
      %eq3A_30 = arith.cmpi eq, %arg1, %eq3A_29 : i32
      %convert_element_type3A_31 = arith.extui %eq3A_30 : i1 to i32
      %cond3A_32 = arith.constant 0 : i32
      %cond3A_33 = arith.cmpi ne, %convert_element_type3A_31, %cond3A_32 : i32
      scf.if %cond3A_33 {
        "tpu.region"() ({
          %run_scoped3A = tpu.sem_alloc : memref<!tpu.dma_semaphore, #tpu.memory_space<semaphore_mem>>
          %dma_start3A = arith.constant 9984 : i32
          %dma_start3A_34 = arith.constant 0 : i32
          %dma_start3A_35 = tpu.memref_slice %arg5[%dma_start3A, %dma_start3A_34] : memref<10000x128xf32, #tpu.memory_space<hbm>> -> memref<16x128xf32, #tpu.memory_space<hbm>>
          %dma_start3A_36 = arith.constant 9984 : i32
          %dma_start3A_37 = arith.constant 0 : i32
          %dma_start3A_38 = tpu.memref_slice %arg9[%dma_start3A_36, %dma_start3A_37] : memref<10240x128xf32, #tpu.memory_space<vmem_shared>> -> memref<16x128xf32, #tpu.memory_space<vmem_shared>>
          tpu.enqueue_dma source(%dma_start3A_38 : memref<16x128xf32, #tpu.memory_space<vmem_shared>>) target(%dma_start3A_35 : memref<16x128xf32, #tpu.memory_space<hbm>>) target_semaphore(%run_scoped3A : memref<!tpu.dma_semaphore, #tpu.memory_space<semaphore_mem>>)
          %dma_wait3A = arith.constant 9984 : i32
          %dma_wait3A_39 = arith.constant 0 : i32
          %dma_wait3A_40 = tpu.memref_slice %arg5[%dma_wait3A, %dma_wait3A_39] : memref<10000x128xf32, #tpu.memory_space<hbm>> -> memref<16x128xf32, #tpu.memory_space<hbm>>
          %dma_wait3A_41 = arith.constant 9984 : i32
          %dma_wait3A_42 = arith.constant 0 : i32
          %dma_wait3A_43 = tpu.memref_slice %arg9[%dma_wait3A_41, %dma_wait3A_42] : memref<10240x128xf32, #tpu.memory_space<vmem_shared>> -> memref<16x128xf32, #tpu.memory_space<vmem_shared>>
          tpu.wait_dma2 semaphore(%run_scoped3A : memref<!tpu.dma_semaphore, #tpu.memory_space<semaphore_mem>>) src(%dma_wait3A_43 : memref<16x128xf32, #tpu.memory_space<vmem_shared>>) dst(%dma_wait3A_40 : memref<16x128xf32, #tpu.memory_space<hbm>>)
          tpu.yield
        }) : () -> ()
      } else {
      }
    } else {
    }
    %eq3A_20 = arith.constant 1 : i32
    %eq3A_21 = arith.cmpi eq, %arg0, %eq3A_20 : i32
    %convert_element_type3A_22 = arith.extui %eq3A_21 : i1 to i32
    %cond3A_23 = arith.constant 0 : i32
    %cond3A_24 = arith.cmpi ne, %convert_element_type3A_22, %cond3A_23 : i32
    scf.if %cond3A_24 {
      %mul3A_25 = arith.constant 624 : i32
      %mul3A_26 = arith.muli %arg1, %mul3A_25 : i32
      %mul3A_27 = arith.constant 624 : i32
      %mul3A_28 = arith.muli %arg1, %mul3A_27 : i32
      "tpu.region"() ({
        %run_scoped3A = tpu.sem_alloc : memref<!tpu.dma_semaphore, #tpu.memory_space<semaphore_mem>>
        %dma_start3A = arith.constant 0 : i32
        %dma_start3A_34 = tpu.memref_slice %arg6[%mul3A_28, %dma_start3A] : memref<10000x128xf32, #tpu.memory_space<hbm>> -> memref<624x128xf32, #tpu.memory_space<hbm>>
        %dma_start3A_35 = arith.constant 0 : i32
        %dma_start3A_36 = tpu.memref_slice %arg9[%mul3A_26, %dma_start3A_35] : memref<10240x128xf32, #tpu.memory_space<vmem_shared>> -> memref<624x128xf32, #tpu.memory_space<vmem_shared>>
        tpu.enqueue_dma source(%dma_start3A_36 : memref<624x128xf32, #tpu.memory_space<vmem_shared>>) target(%dma_start3A_34 : memref<624x128xf32, #tpu.memory_space<hbm>>) target_semaphore(%run_scoped3A : memref<!tpu.dma_semaphore, #tpu.memory_space<semaphore_mem>>)
        %dma_wait3A = arith.constant 0 : i32
        %dma_wait3A_37 = tpu.memref_slice %arg6[%mul3A_28, %dma_wait3A] : memref<10000x128xf32, #tpu.memory_space<hbm>> -> memref<624x128xf32, #tpu.memory_space<hbm>>
        %dma_wait3A_38 = arith.constant 0 : i32
        %dma_wait3A_39 = tpu.memref_slice %arg9[%mul3A_26, %dma_wait3A_38] : memref<10240x128xf32, #tpu.memory_space<vmem_shared>> -> memref<624x128xf32, #tpu.memory_space<vmem_shared>>
        tpu.wait_dma2 semaphore(%run_scoped3A : memref<!tpu.dma_semaphore, #tpu.memory_space<semaphore_mem>>) src(%dma_wait3A_39 : memref<624x128xf32, #tpu.memory_space<vmem_shared>>) dst(%dma_wait3A_37 : memref<624x128xf32, #tpu.memory_space<hbm>>)
        tpu.yield
      }) : () -> ()
      %eq3A_29 = arith.constant 0 : i32
      %eq3A_30 = arith.cmpi eq, %arg1, %eq3A_29 : i32
      %convert_element_type3A_31 = arith.extui %eq3A_30 : i1 to i32
      %cond3A_32 = arith.constant 0 : i32
      %cond3A_33 = arith.cmpi ne, %convert_element_type3A_31, %cond3A_32 : i32
      scf.if %cond3A_33 {
        "tpu.region"() ({
          %run_scoped3A = tpu.sem_alloc : memref<!tpu.dma_semaphore, #tpu.memory_space<semaphore_mem>>
          %dma_start3A = arith.constant 9984 : i32
          %dma_start3A_34 = arith.constant 0 : i32
          %dma_start3A_35 = tpu.memref_slice %arg6[%dma_start3A, %dma_start3A_34] : memref<10000x128xf32, #tpu.memory_space<hbm>> -> memref<16x128xf32, #tpu.memory_space<hbm>>
          %dma_start3A_36 = arith.constant 9984 : i32
          %dma_start3A_37 = arith.constant 0 : i32
          %dma_start3A_38 = tpu.memref_slice %arg9[%dma_start3A_36, %dma_start3A_37] : memref<10240x128xf32, #tpu.memory_space<vmem_shared>> -> memref<16x128xf32, #tpu.memory_space<vmem_shared>>
          tpu.enqueue_dma source(%dma_start3A_38 : memref<16x128xf32, #tpu.memory_space<vmem_shared>>) target(%dma_start3A_35 : memref<16x128xf32, #tpu.memory_space<hbm>>) target_semaphore(%run_scoped3A : memref<!tpu.dma_semaphore, #tpu.memory_space<semaphore_mem>>)
          %dma_wait3A = arith.constant 9984 : i32
          %dma_wait3A_39 = arith.constant 0 : i32
          %dma_wait3A_40 = tpu.memref_slice %arg6[%dma_wait3A, %dma_wait3A_39] : memref<10000x128xf32, #tpu.memory_space<hbm>> -> memref<16x128xf32, #tpu.memory_space<hbm>>
          %dma_wait3A_41 = arith.constant 9984 : i32
          %dma_wait3A_42 = arith.constant 0 : i32
          %dma_wait3A_43 = tpu.memref_slice %arg9[%dma_wait3A_41, %dma_wait3A_42] : memref<10240x128xf32, #tpu.memory_space<vmem_shared>> -> memref<16x128xf32, #tpu.memory_space<vmem_shared>>
          tpu.wait_dma2 semaphore(%run_scoped3A : memref<!tpu.dma_semaphore, #tpu.memory_space<semaphore_mem>>) src(%dma_wait3A_43 : memref<16x128xf32, #tpu.memory_space<vmem_shared>>) dst(%dma_wait3A_40 : memref<16x128xf32, #tpu.memory_space<hbm>>)
          tpu.yield
        }) : () -> ()
      } else {
      }
    } else {
    }
    return
  }
}

#map = affine_map<(d0, d1) -> (0, 0)>
#map1 = affine_map<(d0, d1) -> (0)>
module attributes {stable_mosaic.version = 14 : i64} {
  func.func @_sc_gather_body(%arg0: i32, %arg1: i32, %arg2: memref<10000x128xf32, #tpu.memory_space<hbm>>, %arg3: memref<163840xi32, #tpu.memory_space<hbm>>, %arg4: memref<163840x128xf32, #tpu.memory_space<hbm>>, %arg5: memref<5120xi32, #tpu.memory_space<vmem>>, %arg6: memref<128x128xf32, #tpu.memory_space<vmem>>, %arg7: memref<128x128xf32, #tpu.memory_space<vmem>>, %arg8: memref<10000x128xf32, #tpu.memory_space<vmem_shared>>, %arg9: memref<!tpu.dma_semaphore, #tpu.memory_space<semaphore_mem>>, %arg10: memref<!tpu.dma_semaphore, #tpu.memory_space<semaphore_mem>>, %arg11: memref<!tpu.dma_semaphore, #tpu.memory_space<semaphore_mem>>) attributes {dimension_semantics = [#tpu.dimension_semantics<core_parallel>, #tpu.dimension_semantics<subcore_parallel>], iteration_bounds = array<i64: 2, 16>, scalar_prefetch = 0 : i64, scratch_operands = 7 : i64, tpu.core_type = #tpu.core_type<sc_vector_subcore>, window_params = [{transform_indices = #map}, {transform_indices = #map1}, {transform_indices = #map}]} {
    %mul3A = arith.constant 2 : i32
    %mul3A_0 = arith.muli %arg1, %mul3A : i32
    %add3A = arith.addi %mul3A_0, %arg0 : i32
    %mul3A_1 = arith.constant 5120 : i32
    %mul3A_2 = arith.muli %add3A, %mul3A_1 : i32
    %eq3A = arith.constant 0 : i32
    %eq3A_3 = arith.cmpi eq, %arg1, %eq3A : i32
    %convert_element_type3A = arith.extui %eq3A_3 : i1 to i32
    %cond3A = arith.constant 0 : i32
    %cond3A_4 = arith.cmpi ne, %convert_element_type3A, %cond3A : i32
    scf.if %cond3A_4 {
      "tpu.region"() ({
        %run_scoped3A = tpu.sem_alloc : memref<!tpu.dma_semaphore, #tpu.memory_space<semaphore_mem>>
        tpu.enqueue_dma source(%arg2 : memref<10000x128xf32, #tpu.memory_space<hbm>>) target(%arg8 : memref<10000x128xf32, #tpu.memory_space<vmem_shared>>) target_semaphore(%run_scoped3A : memref<!tpu.dma_semaphore, #tpu.memory_space<semaphore_mem>>)
        tpu.wait_dma2 semaphore(%run_scoped3A : memref<!tpu.dma_semaphore, #tpu.memory_space<semaphore_mem>>) src(%arg2 : memref<10000x128xf32, #tpu.memory_space<hbm>>) dst(%arg8 : memref<10000x128xf32, #tpu.memory_space<vmem_shared>>)
        tpu.yield
      }) : () -> ()
    } else {
    }
    "tpu.region"() ({
      %run_scoped3A = tpu.sem_alloc : memref<!tpu.dma_semaphore, #tpu.memory_space<semaphore_mem>>
      %dma_start3A = tpu.memref_slice %arg3[%mul3A_2] : memref<163840xi32, #tpu.memory_space<hbm>> -> memref<5120xi32, #tpu.memory_space<hbm>>
      %dma_start3A_21 = tpu.memref_slice %arg3[%mul3A_2] : memref<163840xi32, #tpu.memory_space<hbm>> -> memref<5120xi32, #tpu.memory_space<hbm>>
      tpu.enqueue_dma source(%dma_start3A_21 : memref<5120xi32, #tpu.memory_space<hbm>>) target(%arg5 : memref<5120xi32, #tpu.memory_space<vmem>>) target_semaphore(%run_scoped3A : memref<!tpu.dma_semaphore, #tpu.memory_space<semaphore_mem>>)
      %dma_wait3A_22 = tpu.memref_slice %arg3[%mul3A_2] : memref<163840xi32, #tpu.memory_space<hbm>> -> memref<5120xi32, #tpu.memory_space<hbm>>
      %dma_wait3A_23 = tpu.memref_slice %arg3[%mul3A_2] : memref<163840xi32, #tpu.memory_space<hbm>> -> memref<5120xi32, #tpu.memory_space<hbm>>
      tpu.wait_dma2 semaphore(%run_scoped3A : memref<!tpu.dma_semaphore, #tpu.memory_space<semaphore_mem>>) src(%dma_wait3A_23 : memref<5120xi32, #tpu.memory_space<hbm>>) dst(%arg5 : memref<5120xi32, #tpu.memory_space<vmem>>)
      tpu.yield
    }) : () -> ()
    %barrier3A = arith.constant 0 : index
    tpu.barrier barrier_id(%barrier3A)
    %scan3A = arith.constant 0 : i32
    %scan3A_5 = arith.constant 0 : i32
    %scan3A_6 = arith.constant 20 : i32
    %scan3A_7 = arith.addi %scan3A_5, %scan3A_6 : i32
    %scan3A_8 = arith.constant 1 : i32
    scf.for %scan3A_21 = %scan3A_5 to %scan3A_7 step %scan3A_8  : i32 {
      %gt3A = arith.constant 0 : i32
      %gt3A_22 = arith.cmpi sgt, %scan3A_21, %gt3A : i32
      %convert_element_type3A_23 = arith.extui %gt3A_22 : i1 to i32
      %cond3A_24 = arith.constant 0 : i32
      %cond3A_25 = arith.cmpi ne, %convert_element_type3A_23, %cond3A_24 : i32
      scf.if %cond3A_25 {
        %mul3A_75 = arith.constant 2 : i32
        %mul3A_76 = arith.muli %mul3A_75, %scan3A_21 : i32
        %add3A_77 = arith.constant 0 : i32
        %add3A_78 = arith.addi %mul3A_76, %add3A_77 : i32
        %mul3A_79 = arith.constant 128 : i32
        %mul3A_80 = arith.muli %add3A_78, %mul3A_79 : i32
        %add3A_81 = arith.addi %mul3A_2, %mul3A_80 : i32
        %dma_wait3A_82 = arith.constant 0 : i32
        %dma_wait3A_83 = tpu.memref_slice %arg4[%add3A_81, %dma_wait3A_82] : memref<163840x128xf32, #tpu.memory_space<hbm>> -> memref<128x128xf32, #tpu.memory_space<hbm>>
        %dma_wait3A_84 = arith.constant 0 : i32
        %dma_wait3A_85 = tpu.memref_slice %arg4[%add3A_81, %dma_wait3A_84] : memref<163840x128xf32, #tpu.memory_space<hbm>> -> memref<128x128xf32, #tpu.memory_space<hbm>>
        tpu.wait_dma2 semaphore(%arg10 : memref<!tpu.dma_semaphore, #tpu.memory_space<semaphore_mem>>) src(%arg6 : memref<128x128xf32, #tpu.memory_space<vmem>>) dst(%dma_wait3A_85 : memref<128x128xf32, #tpu.memory_space<hbm>>)
        %mul3A_86 = arith.constant 2 : i32
        %mul3A_87 = arith.muli %mul3A_86, %scan3A_21 : i32
        %add3A_88 = arith.constant 1 : i32
        %add3A_89 = arith.addi %mul3A_87, %add3A_88 : i32
        %mul3A_90 = arith.constant 128 : i32
        %mul3A_91 = arith.muli %add3A_89, %mul3A_90 : i32
        %add3A_92 = arith.addi %mul3A_2, %mul3A_91 : i32
        %dma_wait3A_93 = arith.constant 0 : i32
        %dma_wait3A_94 = tpu.memref_slice %arg4[%add3A_92, %dma_wait3A_93] : memref<163840x128xf32, #tpu.memory_space<hbm>> -> memref<128x128xf32, #tpu.memory_space<hbm>>
        %dma_wait3A_95 = arith.constant 0 : i32
        %dma_wait3A_96 = tpu.memref_slice %arg4[%add3A_92, %dma_wait3A_95] : memref<163840x128xf32, #tpu.memory_space<hbm>> -> memref<128x128xf32, #tpu.memory_space<hbm>>
        tpu.wait_dma2 semaphore(%arg11 : memref<!tpu.dma_semaphore, #tpu.memory_space<semaphore_mem>>) src(%arg7 : memref<128x128xf32, #tpu.memory_space<vmem>>) dst(%dma_wait3A_96 : memref<128x128xf32, #tpu.memory_space<hbm>>)
      } else {
      }
      %mul3A_26 = arith.constant 2 : i32
      %mul3A_27 = arith.muli %mul3A_26, %scan3A_21 : i32
      %add3A_28 = arith.constant 0 : i32
      %add3A_29 = arith.addi %mul3A_27, %add3A_28 : i32
      %mul3A_30 = arith.constant 128 : i32
      %mul3A_31 = arith.muli %add3A_29, %mul3A_30 : i32
      %dma_start3A = tpu.memref_slice %arg5[%mul3A_31] : memref<5120xi32, #tpu.memory_space<vmem>> -> memref<128xi32, #tpu.memory_space<vmem>>
      %dma_start3A_32 = arith.constant 0 : i32
      %dma_start3A_33 = arith.constant 0 : i32
      %dma_start3A_34 = tpu.memref_slice %arg8[%dma_start3A_32, %dma_start3A_33] : memref<10000x128xf32, #tpu.memory_space<vmem_shared>> -> memref<10000x128xf32, #tpu.memory_space<vmem_shared>>
      tpu.enqueue_indirect_dma source(%dma_start3A_34 : memref<10000x128xf32, #tpu.memory_space<vmem_shared>>) target(%arg6 : memref<128x128xf32, #tpu.memory_space<vmem>>) offsets(%dma_start3A : memref<128xi32, #tpu.memory_space<vmem>>) semaphore(%arg9 : memref<!tpu.dma_semaphore, #tpu.memory_space<semaphore_mem>>)
      %mul3A_35 = arith.constant 2 : i32
      %mul3A_36 = arith.muli %mul3A_35, %scan3A_21 : i32
      %add3A_37 = arith.constant 1 : i32
      %add3A_38 = arith.addi %mul3A_36, %add3A_37 : i32
      %mul3A_39 = arith.constant 128 : i32
      %mul3A_40 = arith.muli %add3A_38, %mul3A_39 : i32
      %dma_start3A_41 = tpu.memref_slice %arg5[%mul3A_40] : memref<5120xi32, #tpu.memory_space<vmem>> -> memref<128xi32, #tpu.memory_space<vmem>>
      %dma_start3A_42 = arith.constant 0 : i32
      %dma_start3A_43 = arith.constant 0 : i32
      %dma_start3A_44 = tpu.memref_slice %arg8[%dma_start3A_42, %dma_start3A_43] : memref<10000x128xf32, #tpu.memory_space<vmem_shared>> -> memref<10000x128xf32, #tpu.memory_space<vmem_shared>>
      tpu.enqueue_indirect_dma source(%dma_start3A_44 : memref<10000x128xf32, #tpu.memory_space<vmem_shared>>) target(%arg7 : memref<128x128xf32, #tpu.memory_space<vmem>>) offsets(%dma_start3A_41 : memref<128xi32, #tpu.memory_space<vmem>>) semaphore(%arg9 : memref<!tpu.dma_semaphore, #tpu.memory_space<semaphore_mem>>)
      %dma_wait3A_45 = tpu.memref_slice %arg5[%mul3A_31] : memref<5120xi32, #tpu.memory_space<vmem>> -> memref<128xi32, #tpu.memory_space<vmem>>
      %dma_wait3A_46 = arith.constant 0 : i32
      %dma_wait3A_47 = arith.constant 0 : i32
      %dma_wait3A_48 = tpu.memref_slice %arg8[%dma_wait3A_46, %dma_wait3A_47] : memref<10000x128xf32, #tpu.memory_space<vmem_shared>> -> memref<10000x128xf32, #tpu.memory_space<vmem_shared>>
      tpu.wait_indirect_dma semaphore(%arg9 : memref<!tpu.dma_semaphore, #tpu.memory_space<semaphore_mem>>) src(%dma_wait3A_48 : memref<10000x128xf32, #tpu.memory_space<vmem_shared>>) dst(%arg6 : memref<128x128xf32, #tpu.memory_space<vmem>>)
      %dma_wait3A_49 = tpu.memref_slice %arg5[%mul3A_40] : memref<5120xi32, #tpu.memory_space<vmem>> -> memref<128xi32, #tpu.memory_space<vmem>>
      %dma_wait3A_50 = arith.constant 0 : i32
      %dma_wait3A_51 = arith.constant 0 : i32
      %dma_wait3A_52 = tpu.memref_slice %arg8[%dma_wait3A_50, %dma_wait3A_51] : memref<10000x128xf32, #tpu.memory_space<vmem_shared>> -> memref<10000x128xf32, #tpu.memory_space<vmem_shared>>
      tpu.wait_indirect_dma semaphore(%arg9 : memref<!tpu.dma_semaphore, #tpu.memory_space<semaphore_mem>>) src(%dma_wait3A_52 : memref<10000x128xf32, #tpu.memory_space<vmem_shared>>) dst(%arg7 : memref<128x128xf32, #tpu.memory_space<vmem>>)
      %mul3A_53 = arith.constant 2 : i32
      %mul3A_54 = arith.muli %mul3A_53, %scan3A_21 : i32
      %add3A_55 = arith.constant 0 : i32
      %add3A_56 = arith.addi %mul3A_54, %add3A_55 : i32
      %mul3A_57 = arith.constant 128 : i32
      %mul3A_58 = arith.muli %add3A_56, %mul3A_57 : i32
      %add3A_59 = arith.addi %mul3A_2, %mul3A_58 : i32
      %dma_start3A_60 = arith.constant 0 : i32
      %dma_start3A_61 = tpu.memref_slice %arg4[%add3A_59, %dma_start3A_60] : memref<163840x128xf32, #tpu.memory_space<hbm>> -> memref<128x128xf32, #tpu.memory_space<hbm>>
      %dma_start3A_62 = arith.constant 0 : i32
      %dma_start3A_63 = tpu.memref_slice %arg4[%add3A_59, %dma_start3A_62] : memref<163840x128xf32, #tpu.memory_space<hbm>> -> memref<128x128xf32, #tpu.memory_space<hbm>>
      tpu.enqueue_dma source(%arg6 : memref<128x128xf32, #tpu.memory_space<vmem>>) target(%dma_start3A_63 : memref<128x128xf32, #tpu.memory_space<hbm>>) target_semaphore(%arg10 : memref<!tpu.dma_semaphore, #tpu.memory_space<semaphore_mem>>)
      %mul3A_64 = arith.constant 2 : i32
      %mul3A_65 = arith.muli %mul3A_64, %scan3A_21 : i32
      %add3A_66 = arith.constant 1 : i32
      %add3A_67 = arith.addi %mul3A_65, %add3A_66 : i32
      %mul3A_68 = arith.constant 128 : i32
      %mul3A_69 = arith.muli %add3A_67, %mul3A_68 : i32
      %add3A_70 = arith.addi %mul3A_2, %mul3A_69 : i32
      %dma_start3A_71 = arith.constant 0 : i32
      %dma_start3A_72 = tpu.memref_slice %arg4[%add3A_70, %dma_start3A_71] : memref<163840x128xf32, #tpu.memory_space<hbm>> -> memref<128x128xf32, #tpu.memory_space<hbm>>
      %dma_start3A_73 = arith.constant 0 : i32
      %dma_start3A_74 = tpu.memref_slice %arg4[%add3A_70, %dma_start3A_73] : memref<163840x128xf32, #tpu.memory_space<hbm>> -> memref<128x128xf32, #tpu.memory_space<hbm>>
      tpu.enqueue_dma source(%arg7 : memref<128x128xf32, #tpu.memory_space<vmem>>) target(%dma_start3A_74 : memref<128x128xf32, #tpu.memory_space<hbm>>) target_semaphore(%arg11 : memref<!tpu.dma_semaphore, #tpu.memory_space<semaphore_mem>>)
    }
    %scan3A_9 = arith.constant 20 : i32
    %dma_wait3A = arith.constant 0 : i32
    %dma_wait3A_10 = arith.constant 0 : i32
    %dma_wait3A_11 = tpu.memref_slice %arg4[%dma_wait3A, %dma_wait3A_10] : memref<163840x128xf32, #tpu.memory_space<hbm>> -> memref<128x128xf32, #tpu.memory_space<hbm>>
    %dma_wait3A_12 = arith.constant 0 : i32
    %dma_wait3A_13 = arith.constant 0 : i32
    %dma_wait3A_14 = tpu.memref_slice %arg4[%dma_wait3A_12, %dma_wait3A_13] : memref<163840x128xf32, #tpu.memory_space<hbm>> -> memref<128x128xf32, #tpu.memory_space<hbm>>
    tpu.wait_dma2 semaphore(%arg10 : memref<!tpu.dma_semaphore, #tpu.memory_space<semaphore_mem>>) src(%arg6 : memref<128x128xf32, #tpu.memory_space<vmem>>) dst(%dma_wait3A_14 : memref<128x128xf32, #tpu.memory_space<hbm>>)
    %dma_wait3A_15 = arith.constant 128 : i32
    %dma_wait3A_16 = arith.constant 0 : i32
    %dma_wait3A_17 = tpu.memref_slice %arg4[%dma_wait3A_15, %dma_wait3A_16] : memref<163840x128xf32, #tpu.memory_space<hbm>> -> memref<128x128xf32, #tpu.memory_space<hbm>>
    %dma_wait3A_18 = arith.constant 128 : i32
    %dma_wait3A_19 = arith.constant 0 : i32
    %dma_wait3A_20 = tpu.memref_slice %arg4[%dma_wait3A_18, %dma_wait3A_19] : memref<163840x128xf32, #tpu.memory_space<hbm>> -> memref<128x128xf32, #tpu.memory_space<hbm>>
    tpu.wait_dma2 semaphore(%arg11 : memref<!tpu.dma_semaphore, #tpu.memory_space<semaphore_mem>>) src(%arg7 : memref<128x128xf32, #tpu.memory_space<vmem>>) dst(%dma_wait3A_20 : memref<128x128xf32, #tpu.memory_space<hbm>>)
    return
  }
}

#map = affine_map<(d0, d1) -> (0, 0)>
#map1 = affine_map<(d0, d1) -> (0)>
module attributes {stable_mosaic.version = 14 : i64} {
  func.func @_sc_gather_body(%arg0: i32, %arg1: i32, %arg2: memref<10000x128xf32, #tpu.memory_space<hbm>>, %arg3: memref<163840xi32, #tpu.memory_space<hbm>>, %arg4: memref<163840x128xf32, #tpu.memory_space<hbm>>, %arg5: memref<5120xi32, #tpu.memory_space<vmem>>, %arg6: memref<128x128xf32, #tpu.memory_space<vmem>>, %arg7: memref<128x128xf32, #tpu.memory_space<vmem>>, %arg8: memref<10000x128xf32, #tpu.memory_space<vmem_shared>>, %arg9: memref<!tpu.dma_semaphore, #tpu.memory_space<semaphore_mem>>, %arg10: memref<!tpu.dma_semaphore, #tpu.memory_space<semaphore_mem>>, %arg11: memref<!tpu.dma_semaphore, #tpu.memory_space<semaphore_mem>>) attributes {dimension_semantics = [#tpu.dimension_semantics<core_parallel>, #tpu.dimension_semantics<subcore_parallel>], iteration_bounds = array<i64: 2, 16>, scalar_prefetch = 0 : i64, scratch_operands = 7 : i64, tpu.core_type = #tpu.core_type<sc_vector_subcore>, window_params = [{transform_indices = #map}, {transform_indices = #map1}, {transform_indices = #map}]} {
    %mul3A = arith.constant 2 : i32
    %mul3A_0 = arith.muli %arg1, %mul3A : i32
    %add3A = arith.addi %mul3A_0, %arg0 : i32
    %mul3A_1 = arith.constant 5120 : i32
    %mul3A_2 = arith.muli %add3A, %mul3A_1 : i32
    %eq3A = arith.constant 0 : i32
    %eq3A_3 = arith.cmpi eq, %arg1, %eq3A : i32
    %convert_element_type3A = arith.extui %eq3A_3 : i1 to i32
    %cond3A = arith.constant 0 : i32
    %cond3A_4 = arith.cmpi ne, %convert_element_type3A, %cond3A : i32
    scf.if %cond3A_4 {
      "tpu.region"() ({
        %run_scoped3A = tpu.sem_alloc : memref<!tpu.dma_semaphore, #tpu.memory_space<semaphore_mem>>
        tpu.enqueue_dma source(%arg2 : memref<10000x128xf32, #tpu.memory_space<hbm>>) target(%arg8 : memref<10000x128xf32, #tpu.memory_space<vmem_shared>>) target_semaphore(%run_scoped3A : memref<!tpu.dma_semaphore, #tpu.memory_space<semaphore_mem>>)
        tpu.wait_dma2 semaphore(%run_scoped3A : memref<!tpu.dma_semaphore, #tpu.memory_space<semaphore_mem>>) src(%arg2 : memref<10000x128xf32, #tpu.memory_space<hbm>>) dst(%arg8 : memref<10000x128xf32, #tpu.memory_space<vmem_shared>>)
        tpu.yield
      }) : () -> ()
    } else {
    }
    "tpu.region"() ({
      %run_scoped3A = tpu.sem_alloc : memref<!tpu.dma_semaphore, #tpu.memory_space<semaphore_mem>>
      %dma_start3A = tpu.memref_slice %arg3[%mul3A_2] : memref<163840xi32, #tpu.memory_space<hbm>> -> memref<5120xi32, #tpu.memory_space<hbm>>
      %dma_start3A_21 = tpu.memref_slice %arg3[%mul3A_2] : memref<163840xi32, #tpu.memory_space<hbm>> -> memref<5120xi32, #tpu.memory_space<hbm>>
      tpu.enqueue_dma source(%dma_start3A_21 : memref<5120xi32, #tpu.memory_space<hbm>>) target(%arg5 : memref<5120xi32, #tpu.memory_space<vmem>>) target_semaphore(%run_scoped3A : memref<!tpu.dma_semaphore, #tpu.memory_space<semaphore_mem>>)
      %dma_wait3A_22 = tpu.memref_slice %arg3[%mul3A_2] : memref<163840xi32, #tpu.memory_space<hbm>> -> memref<5120xi32, #tpu.memory_space<hbm>>
      %dma_wait3A_23 = tpu.memref_slice %arg3[%mul3A_2] : memref<163840xi32, #tpu.memory_space<hbm>> -> memref<5120xi32, #tpu.memory_space<hbm>>
      tpu.wait_dma2 semaphore(%run_scoped3A : memref<!tpu.dma_semaphore, #tpu.memory_space<semaphore_mem>>) src(%dma_wait3A_23 : memref<5120xi32, #tpu.memory_space<hbm>>) dst(%arg5 : memref<5120xi32, #tpu.memory_space<vmem>>)
      tpu.yield
    }) : () -> ()
    %barrier3A = arith.constant 0 : index
    tpu.barrier barrier_id(%barrier3A)
    %scan3A = arith.constant 0 : i32
    %scan3A_5 = arith.constant 0 : i32
    %scan3A_6 = arith.constant 20 : i32
    %scan3A_7 = arith.addi %scan3A_5, %scan3A_6 : i32
    %scan3A_8 = arith.constant 1 : i32
    scf.for %scan3A_21 = %scan3A_5 to %scan3A_7 step %scan3A_8  : i32 {
      %gt3A = arith.constant 0 : i32
      %gt3A_22 = arith.cmpi sgt, %scan3A_21, %gt3A : i32
      %convert_element_type3A_23 = arith.extui %gt3A_22 : i1 to i32
      %cond3A_24 = arith.constant 0 : i32
      %cond3A_25 = arith.cmpi ne, %convert_element_type3A_23, %cond3A_24 : i32
      scf.if %cond3A_25 {
        %mul3A_75 = arith.constant 2 : i32
        %mul3A_76 = arith.muli %mul3A_75, %scan3A_21 : i32
        %add3A_77 = arith.constant 0 : i32
        %add3A_78 = arith.addi %mul3A_76, %add3A_77 : i32
        %mul3A_79 = arith.constant 128 : i32
        %mul3A_80 = arith.muli %add3A_78, %mul3A_79 : i32
        %add3A_81 = arith.addi %mul3A_2, %mul3A_80 : i32
        %dma_wait3A_82 = arith.constant 0 : i32
        %dma_wait3A_83 = tpu.memref_slice %arg4[%add3A_81, %dma_wait3A_82] : memref<163840x128xf32, #tpu.memory_space<hbm>> -> memref<128x128xf32, #tpu.memory_space<hbm>>
        %dma_wait3A_84 = arith.constant 0 : i32
        %dma_wait3A_85 = tpu.memref_slice %arg4[%add3A_81, %dma_wait3A_84] : memref<163840x128xf32, #tpu.memory_space<hbm>> -> memref<128x128xf32, #tpu.memory_space<hbm>>
        tpu.wait_dma2 semaphore(%arg10 : memref<!tpu.dma_semaphore, #tpu.memory_space<semaphore_mem>>) src(%arg6 : memref<128x128xf32, #tpu.memory_space<vmem>>) dst(%dma_wait3A_85 : memref<128x128xf32, #tpu.memory_space<hbm>>)
        %mul3A_86 = arith.constant 2 : i32
        %mul3A_87 = arith.muli %mul3A_86, %scan3A_21 : i32
        %add3A_88 = arith.constant 1 : i32
        %add3A_89 = arith.addi %mul3A_87, %add3A_88 : i32
        %mul3A_90 = arith.constant 128 : i32
        %mul3A_91 = arith.muli %add3A_89, %mul3A_90 : i32
        %add3A_92 = arith.addi %mul3A_2, %mul3A_91 : i32
        %dma_wait3A_93 = arith.constant 0 : i32
        %dma_wait3A_94 = tpu.memref_slice %arg4[%add3A_92, %dma_wait3A_93] : memref<163840x128xf32, #tpu.memory_space<hbm>> -> memref<128x128xf32, #tpu.memory_space<hbm>>
        %dma_wait3A_95 = arith.constant 0 : i32
        %dma_wait3A_96 = tpu.memref_slice %arg4[%add3A_92, %dma_wait3A_95] : memref<163840x128xf32, #tpu.memory_space<hbm>> -> memref<128x128xf32, #tpu.memory_space<hbm>>
        tpu.wait_dma2 semaphore(%arg11 : memref<!tpu.dma_semaphore, #tpu.memory_space<semaphore_mem>>) src(%arg7 : memref<128x128xf32, #tpu.memory_space<vmem>>) dst(%dma_wait3A_96 : memref<128x128xf32, #tpu.memory_space<hbm>>)
      } else {
      }
      %mul3A_26 = arith.constant 2 : i32
      %mul3A_27 = arith.muli %mul3A_26, %scan3A_21 : i32
      %add3A_28 = arith.constant 0 : i32
      %add3A_29 = arith.addi %mul3A_27, %add3A_28 : i32
      %mul3A_30 = arith.constant 128 : i32
      %mul3A_31 = arith.muli %add3A_29, %mul3A_30 : i32
      %dma_start3A = tpu.memref_slice %arg5[%mul3A_31] : memref<5120xi32, #tpu.memory_space<vmem>> -> memref<128xi32, #tpu.memory_space<vmem>>
      %dma_start3A_32 = arith.constant 0 : i32
      %dma_start3A_33 = arith.constant 0 : i32
      %dma_start3A_34 = tpu.memref_slice %arg8[%dma_start3A_32, %dma_start3A_33] : memref<10000x128xf32, #tpu.memory_space<vmem_shared>> -> memref<10000x128xf32, #tpu.memory_space<vmem_shared>>
      tpu.enqueue_indirect_dma source(%dma_start3A_34 : memref<10000x128xf32, #tpu.memory_space<vmem_shared>>) target(%arg6 : memref<128x128xf32, #tpu.memory_space<vmem>>) offsets(%dma_start3A : memref<128xi32, #tpu.memory_space<vmem>>) semaphore(%arg9 : memref<!tpu.dma_semaphore, #tpu.memory_space<semaphore_mem>>)
      %mul3A_35 = arith.constant 2 : i32
      %mul3A_36 = arith.muli %mul3A_35, %scan3A_21 : i32
      %add3A_37 = arith.constant 1 : i32
      %add3A_38 = arith.addi %mul3A_36, %add3A_37 : i32
      %mul3A_39 = arith.constant 128 : i32
      %mul3A_40 = arith.muli %add3A_38, %mul3A_39 : i32
      %dma_start3A_41 = tpu.memref_slice %arg5[%mul3A_40] : memref<5120xi32, #tpu.memory_space<vmem>> -> memref<128xi32, #tpu.memory_space<vmem>>
      %dma_start3A_42 = arith.constant 0 : i32
      %dma_start3A_43 = arith.constant 0 : i32
      %dma_start3A_44 = tpu.memref_slice %arg8[%dma_start3A_42, %dma_start3A_43] : memref<10000x128xf32, #tpu.memory_space<vmem_shared>> -> memref<10000x128xf32, #tpu.memory_space<vmem_shared>>
      tpu.enqueue_indirect_dma source(%dma_start3A_44 : memref<10000x128xf32, #tpu.memory_space<vmem_shared>>) target(%arg7 : memref<128x128xf32, #tpu.memory_space<vmem>>) offsets(%dma_start3A_41 : memref<128xi32, #tpu.memory_space<vmem>>) semaphore(%arg9 : memref<!tpu.dma_semaphore, #tpu.memory_space<semaphore_mem>>)
      %dma_wait3A_45 = tpu.memref_slice %arg5[%mul3A_31] : memref<5120xi32, #tpu.memory_space<vmem>> -> memref<128xi32, #tpu.memory_space<vmem>>
      %dma_wait3A_46 = arith.constant 0 : i32
      %dma_wait3A_47 = arith.constant 0 : i32
      %dma_wait3A_48 = tpu.memref_slice %arg8[%dma_wait3A_46, %dma_wait3A_47] : memref<10000x128xf32, #tpu.memory_space<vmem_shared>> -> memref<10000x128xf32, #tpu.memory_space<vmem_shared>>
      tpu.wait_indirect_dma semaphore(%arg9 : memref<!tpu.dma_semaphore, #tpu.memory_space<semaphore_mem>>) src(%dma_wait3A_48 : memref<10000x128xf32, #tpu.memory_space<vmem_shared>>) dst(%arg6 : memref<128x128xf32, #tpu.memory_space<vmem>>)
      %dma_wait3A_49 = tpu.memref_slice %arg5[%mul3A_40] : memref<5120xi32, #tpu.memory_space<vmem>> -> memref<128xi32, #tpu.memory_space<vmem>>
      %dma_wait3A_50 = arith.constant 0 : i32
      %dma_wait3A_51 = arith.constant 0 : i32
      %dma_wait3A_52 = tpu.memref_slice %arg8[%dma_wait3A_50, %dma_wait3A_51] : memref<10000x128xf32, #tpu.memory_space<vmem_shared>> -> memref<10000x128xf32, #tpu.memory_space<vmem_shared>>
      tpu.wait_indirect_dma semaphore(%arg9 : memref<!tpu.dma_semaphore, #tpu.memory_space<semaphore_mem>>) src(%dma_wait3A_52 : memref<10000x128xf32, #tpu.memory_space<vmem_shared>>) dst(%arg7 : memref<128x128xf32, #tpu.memory_space<vmem>>)
      %mul3A_53 = arith.constant 2 : i32
      %mul3A_54 = arith.muli %mul3A_53, %scan3A_21 : i32
      %add3A_55 = arith.constant 0 : i32
      %add3A_56 = arith.addi %mul3A_54, %add3A_55 : i32
      %mul3A_57 = arith.constant 128 : i32
      %mul3A_58 = arith.muli %add3A_56, %mul3A_57 : i32
      %add3A_59 = arith.addi %mul3A_2, %mul3A_58 : i32
      %dma_start3A_60 = arith.constant 0 : i32
      %dma_start3A_61 = tpu.memref_slice %arg4[%add3A_59, %dma_start3A_60] : memref<163840x128xf32, #tpu.memory_space<hbm>> -> memref<128x128xf32, #tpu.memory_space<hbm>>
      %dma_start3A_62 = arith.constant 0 : i32
      %dma_start3A_63 = tpu.memref_slice %arg4[%add3A_59, %dma_start3A_62] : memref<163840x128xf32, #tpu.memory_space<hbm>> -> memref<128x128xf32, #tpu.memory_space<hbm>>
      tpu.enqueue_dma source(%arg6 : memref<128x128xf32, #tpu.memory_space<vmem>>) target(%dma_start3A_63 : memref<128x128xf32, #tpu.memory_space<hbm>>) target_semaphore(%arg10 : memref<!tpu.dma_semaphore, #tpu.memory_space<semaphore_mem>>)
      %mul3A_64 = arith.constant 2 : i32
      %mul3A_65 = arith.muli %mul3A_64, %scan3A_21 : i32
      %add3A_66 = arith.constant 1 : i32
      %add3A_67 = arith.addi %mul3A_65, %add3A_66 : i32
      %mul3A_68 = arith.constant 128 : i32
      %mul3A_69 = arith.muli %add3A_67, %mul3A_68 : i32
      %add3A_70 = arith.addi %mul3A_2, %mul3A_69 : i32
      %dma_start3A_71 = arith.constant 0 : i32
      %dma_start3A_72 = tpu.memref_slice %arg4[%add3A_70, %dma_start3A_71] : memref<163840x128xf32, #tpu.memory_space<hbm>> -> memref<128x128xf32, #tpu.memory_space<hbm>>
      %dma_start3A_73 = arith.constant 0 : i32
      %dma_start3A_74 = tpu.memref_slice %arg4[%add3A_70, %dma_start3A_73] : memref<163840x128xf32, #tpu.memory_space<hbm>> -> memref<128x128xf32, #tpu.memory_space<hbm>>
      tpu.enqueue_dma source(%arg7 : memref<128x128xf32, #tpu.memory_space<vmem>>) target(%dma_start3A_74 : memref<128x128xf32, #tpu.memory_space<hbm>>) target_semaphore(%arg11 : memref<!tpu.dma_semaphore, #tpu.memory_space<semaphore_mem>>)
    }
    %scan3A_9 = arith.constant 20 : i32
    %dma_wait3A = arith.constant 0 : i32
    %dma_wait3A_10 = arith.constant 0 : i32
    %dma_wait3A_11 = tpu.memref_slice %arg4[%dma_wait3A, %dma_wait3A_10] : memref<163840x128xf32, #tpu.memory_space<hbm>> -> memref<128x128xf32, #tpu.memory_space<hbm>>
    %dma_wait3A_12 = arith.constant 0 : i32
    %dma_wait3A_13 = arith.constant 0 : i32
    %dma_wait3A_14 = tpu.memref_slice %arg4[%dma_wait3A_12, %dma_wait3A_13] : memref<163840x128xf32, #tpu.memory_space<hbm>> -> memref<128x128xf32, #tpu.memory_space<hbm>>
    tpu.wait_dma2 semaphore(%arg10 : memref<!tpu.dma_semaphore, #tpu.memory_space<semaphore_mem>>) src(%arg6 : memref<128x128xf32, #tpu.memory_space<vmem>>) dst(%dma_wait3A_14 : memref<128x128xf32, #tpu.memory_space<hbm>>)
    %dma_wait3A_15 = arith.constant 128 : i32
    %dma_wait3A_16 = arith.constant 0 : i32
    %dma_wait3A_17 = tpu.memref_slice %arg4[%dma_wait3A_15, %dma_wait3A_16] : memref<163840x128xf32, #tpu.memory_space<hbm>> -> memref<128x128xf32, #tpu.memory_space<hbm>>
    %dma_wait3A_18 = arith.constant 128 : i32
    %dma_wait3A_19 = arith.constant 0 : i32
    %dma_wait3A_20 = tpu.memref_slice %arg4[%dma_wait3A_18, %dma_wait3A_19] : memref<163840x128xf32, #tpu.memory_space<hbm>> -> memref<128x128xf32, #tpu.memory_space<hbm>>
    tpu.wait_dma2 semaphore(%arg11 : memref<!tpu.dma_semaphore, #tpu.memory_space<semaphore_mem>>) src(%arg7 : memref<128x128xf32, #tpu.memory_space<vmem>>) dst(%dma_wait3A_20 : memref<128x128xf32, #tpu.memory_space<hbm>>)
    return
  }
}

#map = affine_map<(d0, d1) -> (0, 0)>
module attributes {stable_mosaic.version = 14 : i64} {
  func.func @_sc_indeg_body(%arg0: i32, %arg1: i32, %arg2: memref<1280x128xi32, #tpu.memory_space<hbm>>, %arg3: memref<10240x16xf32, #tpu.memory_space<hbm>>, %arg4: memref<128x16xf32, #tpu.memory_space<hbm>>, %arg5: memref<10000x16xf32, #tpu.memory_space<hbm>>, %arg6: memref<10000x16xf32, #tpu.memory_space<hbm>>, %arg7: memref<40x128xi32, #tpu.memory_space<vmem>>, %arg8: memref<128x16xf32, #tpu.memory_space<vmem>>, %arg9: memref<10240x16xf32, #tpu.memory_space<vmem_shared>>, %arg10: memref<!tpu.dma_semaphore, #tpu.memory_space<semaphore_mem>>) attributes {dimension_semantics = [#tpu.dimension_semantics<core_parallel>, #tpu.dimension_semantics<subcore_parallel>], iteration_bounds = array<i64: 2, 16>, scalar_prefetch = 0 : i64, scratch_operands = 4 : i64, tpu.core_type = #tpu.core_type<sc_vector_subcore>, window_params = [{transform_indices = #map}, {transform_indices = #map}, {transform_indices = #map}, {transform_indices = #map}, {transform_indices = #map}]} {
    %mul3A = arith.constant 640 : i32
    %mul3A_0 = arith.muli %arg1, %mul3A : i32
    %mul3A_1 = arith.constant 640 : i32
    %mul3A_2 = arith.muli %arg1, %mul3A_1 : i32
    "tpu.region"() ({
      %run_scoped3A = tpu.sem_alloc : memref<!tpu.dma_semaphore, #tpu.memory_space<semaphore_mem>>
      %dma_start3A = arith.constant 0 : i32
      %dma_start3A_26 = tpu.memref_slice %arg9[%mul3A_2, %dma_start3A] : memref<10240x16xf32, #tpu.memory_space<vmem_shared>> -> memref<640x16xf32, #tpu.memory_space<vmem_shared>>
      %dma_start3A_27 = arith.constant 0 : i32
      %dma_start3A_28 = tpu.memref_slice %arg3[%mul3A_0, %dma_start3A_27] : memref<10240x16xf32, #tpu.memory_space<hbm>> -> memref<640x16xf32, #tpu.memory_space<hbm>>
      tpu.enqueue_dma source(%dma_start3A_28 : memref<640x16xf32, #tpu.memory_space<hbm>>) target(%dma_start3A_26 : memref<640x16xf32, #tpu.memory_space<vmem_shared>>) target_semaphore(%run_scoped3A : memref<!tpu.dma_semaphore, #tpu.memory_space<semaphore_mem>>)
      %dma_wait3A = arith.constant 0 : i32
      %dma_wait3A_29 = tpu.memref_slice %arg9[%mul3A_2, %dma_wait3A] : memref<10240x16xf32, #tpu.memory_space<vmem_shared>> -> memref<640x16xf32, #tpu.memory_space<vmem_shared>>
      %dma_wait3A_30 = arith.constant 0 : i32
      %dma_wait3A_31 = tpu.memref_slice %arg3[%mul3A_0, %dma_wait3A_30] : memref<10240x16xf32, #tpu.memory_space<hbm>> -> memref<640x16xf32, #tpu.memory_space<hbm>>
      tpu.wait_dma2 semaphore(%run_scoped3A : memref<!tpu.dma_semaphore, #tpu.memory_space<semaphore_mem>>) src(%dma_wait3A_31 : memref<640x16xf32, #tpu.memory_space<hbm>>) dst(%dma_wait3A_29 : memref<640x16xf32, #tpu.memory_space<vmem_shared>>)
      tpu.yield
    }) : () -> ()
    "tpu.region"() ({
      %run_scoped3A = tpu.sem_alloc : memref<!tpu.dma_semaphore, #tpu.memory_space<semaphore_mem>>
      tpu.enqueue_dma source(%arg4 : memref<128x16xf32, #tpu.memory_space<hbm>>) target(%arg8 : memref<128x16xf32, #tpu.memory_space<vmem>>) target_semaphore(%run_scoped3A : memref<!tpu.dma_semaphore, #tpu.memory_space<semaphore_mem>>)
      tpu.wait_dma2 semaphore(%run_scoped3A : memref<!tpu.dma_semaphore, #tpu.memory_space<semaphore_mem>>) src(%arg4 : memref<128x16xf32, #tpu.memory_space<hbm>>) dst(%arg8 : memref<128x16xf32, #tpu.memory_space<vmem>>)
      tpu.yield
    }) : () -> ()
    %mul3A_3 = arith.constant 640 : i32
    %mul3A_4 = arith.muli %arg0, %mul3A_3 : i32
    %mul3A_5 = arith.constant 40 : i32
    %mul3A_6 = arith.muli %arg1, %mul3A_5 : i32
    %add3A = arith.addi %mul3A_4, %mul3A_6 : i32
    "tpu.region"() ({
      %run_scoped3A = tpu.sem_alloc : memref<!tpu.dma_semaphore, #tpu.memory_space<semaphore_mem>>
      %dma_start3A = arith.constant 0 : i32
      %dma_start3A_26 = tpu.memref_slice %arg2[%add3A, %dma_start3A] : memref<1280x128xi32, #tpu.memory_space<hbm>> -> memref<40x128xi32, #tpu.memory_space<hbm>>
      %dma_start3A_27 = arith.constant 0 : i32
      %dma_start3A_28 = tpu.memref_slice %arg2[%add3A, %dma_start3A_27] : memref<1280x128xi32, #tpu.memory_space<hbm>> -> memref<40x128xi32, #tpu.memory_space<hbm>>
      tpu.enqueue_dma source(%dma_start3A_28 : memref<40x128xi32, #tpu.memory_space<hbm>>) target(%arg7 : memref<40x128xi32, #tpu.memory_space<vmem>>) target_semaphore(%run_scoped3A : memref<!tpu.dma_semaphore, #tpu.memory_space<semaphore_mem>>)
      %dma_wait3A = arith.constant 0 : i32
      %dma_wait3A_29 = tpu.memref_slice %arg2[%add3A, %dma_wait3A] : memref<1280x128xi32, #tpu.memory_space<hbm>> -> memref<40x128xi32, #tpu.memory_space<hbm>>
      %dma_wait3A_30 = arith.constant 0 : i32
      %dma_wait3A_31 = tpu.memref_slice %arg2[%add3A, %dma_wait3A_30] : memref<1280x128xi32, #tpu.memory_space<hbm>> -> memref<40x128xi32, #tpu.memory_space<hbm>>
      tpu.wait_dma2 semaphore(%run_scoped3A : memref<!tpu.dma_semaphore, #tpu.memory_space<semaphore_mem>>) src(%dma_wait3A_31 : memref<40x128xi32, #tpu.memory_space<hbm>>) dst(%arg7 : memref<40x128xi32, #tpu.memory_space<vmem>>)
      tpu.yield
    }) : () -> ()
    %barrier3A = arith.constant 0 : index
    tpu.barrier barrier_id(%barrier3A)
    %scan3A = arith.constant 0 : i32
    %scan3A_7 = arith.constant 0 : i32
    %scan3A_8 = arith.constant 40 : i32
    %scan3A_9 = arith.addi %scan3A_7, %scan3A_8 : i32
    %scan3A_10 = arith.constant 1 : i32
    scf.for %scan3A_26 = %scan3A_7 to %scan3A_9 step %scan3A_10  : i32 {
      %dma_start3A = arith.constant 0 : i32
      %dma_start3A_27 = tpu.memref_slice %arg7[%scan3A_26, %dma_start3A] : memref<40x128xi32, #tpu.memory_space<vmem>> -> memref<1x128xi32, #tpu.memory_space<vmem>>
      %dma_start3A_28 = tpu.memref_squeeze %dma_start3A_27 : memref<1x128xi32, #tpu.memory_space<vmem>> -> memref<128xi32, #tpu.memory_space<vmem>>
      %dma_start3A_29 = arith.constant 0 : i32
      %dma_start3A_30 = arith.constant 0 : i32
      %dma_start3A_31 = tpu.memref_slice %arg9[%dma_start3A_29, %dma_start3A_30] : memref<10240x16xf32, #tpu.memory_space<vmem_shared>> -> memref<10240x16xf32, #tpu.memory_space<vmem_shared>>
      tpu.enqueue_indirect_dma source(%arg8 : memref<128x16xf32, #tpu.memory_space<vmem>>) target(%dma_start3A_31 : memref<10240x16xf32, #tpu.memory_space<vmem_shared>>) offsets(%dma_start3A_28 : memref<128xi32, #tpu.memory_space<vmem>>) semaphore(%arg10 : memref<!tpu.dma_semaphore, #tpu.memory_space<semaphore_mem>>) {add = true}
    }
    %scan3A_11 = arith.constant 40 : i32
    %scan3A_12 = arith.constant 0 : i32
    %scan3A_13 = arith.constant 0 : i32
    %scan3A_14 = arith.constant 40 : i32
    %scan3A_15 = arith.addi %scan3A_13, %scan3A_14 : i32
    %scan3A_16 = arith.constant 1 : i32
    scf.for %scan3A_26 = %scan3A_13 to %scan3A_15 step %scan3A_16  : i32 {
      %dma_wait3A = arith.constant 0 : i32
      %dma_wait3A_27 = tpu.memref_slice %arg7[%scan3A_26, %dma_wait3A] : memref<40x128xi32, #tpu.memory_space<vmem>> -> memref<1x128xi32, #tpu.memory_space<vmem>>
      %dma_wait3A_28 = tpu.memref_squeeze %dma_wait3A_27 : memref<1x128xi32, #tpu.memory_space<vmem>> -> memref<128xi32, #tpu.memory_space<vmem>>
      %dma_wait3A_29 = arith.constant 0 : i32
      %dma_wait3A_30 = arith.constant 0 : i32
      %dma_wait3A_31 = tpu.memref_slice %arg9[%dma_wait3A_29, %dma_wait3A_30] : memref<10240x16xf32, #tpu.memory_space<vmem_shared>> -> memref<10240x16xf32, #tpu.memory_space<vmem_shared>>
      tpu.wait_indirect_dma semaphore(%arg10 : memref<!tpu.dma_semaphore, #tpu.memory_space<semaphore_mem>>) src(%arg8 : memref<128x16xf32, #tpu.memory_space<vmem>>) dst(%dma_wait3A_31 : memref<10240x16xf32, #tpu.memory_space<vmem_shared>>)
    }
    %scan3A_17 = arith.constant 40 : i32
    %barrier3A_18 = arith.constant 0 : index
    tpu.barrier barrier_id(%barrier3A_18)
    %eq3A = arith.constant 0 : i32
    %eq3A_19 = arith.cmpi eq, %arg0, %eq3A : i32
    %convert_element_type3A = arith.extui %eq3A_19 : i1 to i32
    %cond3A = arith.constant 0 : i32
    %cond3A_20 = arith.cmpi ne, %convert_element_type3A, %cond3A : i32
    scf.if %cond3A_20 {
      %mul3A_26 = arith.constant 624 : i32
      %mul3A_27 = arith.muli %arg1, %mul3A_26 : i32
      %mul3A_28 = arith.constant 624 : i32
      %mul3A_29 = arith.muli %arg1, %mul3A_28 : i32
      "tpu.region"() ({
        %run_scoped3A = tpu.sem_alloc : memref<!tpu.dma_semaphore, #tpu.memory_space<semaphore_mem>>
        %dma_start3A = arith.constant 0 : i32
        %dma_start3A_35 = tpu.memref_slice %arg5[%mul3A_29, %dma_start3A] : memref<10000x16xf32, #tpu.memory_space<hbm>> -> memref<624x16xf32, #tpu.memory_space<hbm>>
        %dma_start3A_36 = arith.constant 0 : i32
        %dma_start3A_37 = tpu.memref_slice %arg9[%mul3A_27, %dma_start3A_36] : memref<10240x16xf32, #tpu.memory_space<vmem_shared>> -> memref<624x16xf32, #tpu.memory_space<vmem_shared>>
        tpu.enqueue_dma source(%dma_start3A_37 : memref<624x16xf32, #tpu.memory_space<vmem_shared>>) target(%dma_start3A_35 : memref<624x16xf32, #tpu.memory_space<hbm>>) target_semaphore(%run_scoped3A : memref<!tpu.dma_semaphore, #tpu.memory_space<semaphore_mem>>)
        %dma_wait3A = arith.constant 0 : i32
        %dma_wait3A_38 = tpu.memref_slice %arg5[%mul3A_29, %dma_wait3A] : memref<10000x16xf32, #tpu.memory_space<hbm>> -> memref<624x16xf32, #tpu.memory_space<hbm>>
        %dma_wait3A_39 = arith.constant 0 : i32
        %dma_wait3A_40 = tpu.memref_slice %arg9[%mul3A_27, %dma_wait3A_39] : memref<10240x16xf32, #tpu.memory_space<vmem_shared>> -> memref<624x16xf32, #tpu.memory_space<vmem_shared>>
        tpu.wait_dma2 semaphore(%run_scoped3A : memref<!tpu.dma_semaphore, #tpu.memory_space<semaphore_mem>>) src(%dma_wait3A_40 : memref<624x16xf32, #tpu.memory_space<vmem_shared>>) dst(%dma_wait3A_38 : memref<624x16xf32, #tpu.memory_space<hbm>>)
        tpu.yield
      }) : () -> ()
      %eq3A_30 = arith.constant 0 : i32
      %eq3A_31 = arith.cmpi eq, %arg1, %eq3A_30 : i32
      %convert_element_type3A_32 = arith.extui %eq3A_31 : i1 to i32
      %cond3A_33 = arith.constant 0 : i32
      %cond3A_34 = arith.cmpi ne, %convert_element_type3A_32, %cond3A_33 : i32
      scf.if %cond3A_34 {
        "tpu.region"() ({
          %run_scoped3A = tpu.sem_alloc : memref<!tpu.dma_semaphore, #tpu.memory_space<semaphore_mem>>
          %dma_start3A = arith.constant 9984 : i32
          %dma_start3A_35 = arith.constant 0 : i32
          %dma_start3A_36 = tpu.memref_slice %arg5[%dma_start3A, %dma_start3A_35] : memref<10000x16xf32, #tpu.memory_space<hbm>> -> memref<16x16xf32, #tpu.memory_space<hbm>>
          %dma_start3A_37 = arith.constant 9984 : i32
          %dma_start3A_38 = arith.constant 0 : i32
          %dma_start3A_39 = tpu.memref_slice %arg9[%dma_start3A_37, %dma_start3A_38] : memref<10240x16xf32, #tpu.memory_space<vmem_shared>> -> memref<16x16xf32, #tpu.memory_space<vmem_shared>>
          tpu.enqueue_dma source(%dma_start3A_39 : memref<16x16xf32, #tpu.memory_space<vmem_shared>>) target(%dma_start3A_36 : memref<16x16xf32, #tpu.memory_space<hbm>>) target_semaphore(%run_scoped3A : memref<!tpu.dma_semaphore, #tpu.memory_space<semaphore_mem>>)
          %dma_wait3A = arith.constant 9984 : i32
          %dma_wait3A_40 = arith.constant 0 : i32
          %dma_wait3A_41 = tpu.memref_slice %arg5[%dma_wait3A, %dma_wait3A_40] : memref<10000x16xf32, #tpu.memory_space<hbm>> -> memref<16x16xf32, #tpu.memory_space<hbm>>
          %dma_wait3A_42 = arith.constant 9984 : i32
          %dma_wait3A_43 = arith.constant 0 : i32
          %dma_wait3A_44 = tpu.memref_slice %arg9[%dma_wait3A_42, %dma_wait3A_43] : memref<10240x16xf32, #tpu.memory_space<vmem_shared>> -> memref<16x16xf32, #tpu.memory_space<vmem_shared>>
          tpu.wait_dma2 semaphore(%run_scoped3A : memref<!tpu.dma_semaphore, #tpu.memory_space<semaphore_mem>>) src(%dma_wait3A_44 : memref<16x16xf32, #tpu.memory_space<vmem_shared>>) dst(%dma_wait3A_41 : memref<16x16xf32, #tpu.memory_space<hbm>>)
          tpu.yield
        }) : () -> ()
      } else {
      }
    } else {
    }
    %eq3A_21 = arith.constant 1 : i32
    %eq3A_22 = arith.cmpi eq, %arg0, %eq3A_21 : i32
    %convert_element_type3A_23 = arith.extui %eq3A_22 : i1 to i32
    %cond3A_24 = arith.constant 0 : i32
    %cond3A_25 = arith.cmpi ne, %convert_element_type3A_23, %cond3A_24 : i32
    scf.if %cond3A_25 {
      %mul3A_26 = arith.constant 624 : i32
      %mul3A_27 = arith.muli %arg1, %mul3A_26 : i32
      %mul3A_28 = arith.constant 624 : i32
      %mul3A_29 = arith.muli %arg1, %mul3A_28 : i32
      "tpu.region"() ({
        %run_scoped3A = tpu.sem_alloc : memref<!tpu.dma_semaphore, #tpu.memory_space<semaphore_mem>>
        %dma_start3A = arith.constant 0 : i32
        %dma_start3A_35 = tpu.memref_slice %arg6[%mul3A_29, %dma_start3A] : memref<10000x16xf32, #tpu.memory_space<hbm>> -> memref<624x16xf32, #tpu.memory_space<hbm>>
        %dma_start3A_36 = arith.constant 0 : i32
        %dma_start3A_37 = tpu.memref_slice %arg9[%mul3A_27, %dma_start3A_36] : memref<10240x16xf32, #tpu.memory_space<vmem_shared>> -> memref<624x16xf32, #tpu.memory_space<vmem_shared>>
        tpu.enqueue_dma source(%dma_start3A_37 : memref<624x16xf32, #tpu.memory_space<vmem_shared>>) target(%dma_start3A_35 : memref<624x16xf32, #tpu.memory_space<hbm>>) target_semaphore(%run_scoped3A : memref<!tpu.dma_semaphore, #tpu.memory_space<semaphore_mem>>)
        %dma_wait3A = arith.constant 0 : i32
        %dma_wait3A_38 = tpu.memref_slice %arg6[%mul3A_29, %dma_wait3A] : memref<10000x16xf32, #tpu.memory_space<hbm>> -> memref<624x16xf32, #tpu.memory_space<hbm>>
        %dma_wait3A_39 = arith.constant 0 : i32
        %dma_wait3A_40 = tpu.memref_slice %arg9[%mul3A_27, %dma_wait3A_39] : memref<10240x16xf32, #tpu.memory_space<vmem_shared>> -> memref<624x16xf32, #tpu.memory_space<vmem_shared>>
        tpu.wait_dma2 semaphore(%run_scoped3A : memref<!tpu.dma_semaphore, #tpu.memory_space<semaphore_mem>>) src(%dma_wait3A_40 : memref<624x16xf32, #tpu.memory_space<vmem_shared>>) dst(%dma_wait3A_38 : memref<624x16xf32, #tpu.memory_space<hbm>>)
        tpu.yield
      }) : () -> ()
      %eq3A_30 = arith.constant 0 : i32
      %eq3A_31 = arith.cmpi eq, %arg1, %eq3A_30 : i32
      %convert_element_type3A_32 = arith.extui %eq3A_31 : i1 to i32
      %cond3A_33 = arith.constant 0 : i32
      %cond3A_34 = arith.cmpi ne, %convert_element_type3A_32, %cond3A_33 : i32
      scf.if %cond3A_34 {
        "tpu.region"() ({
          %run_scoped3A = tpu.sem_alloc : memref<!tpu.dma_semaphore, #tpu.memory_space<semaphore_mem>>
          %dma_start3A = arith.constant 9984 : i32
          %dma_start3A_35 = arith.constant 0 : i32
          %dma_start3A_36 = tpu.memref_slice %arg6[%dma_start3A, %dma_start3A_35] : memref<10000x16xf32, #tpu.memory_space<hbm>> -> memref<16x16xf32, #tpu.memory_space<hbm>>
          %dma_start3A_37 = arith.constant 9984 : i32
          %dma_start3A_38 = arith.constant 0 : i32
          %dma_start3A_39 = tpu.memref_slice %arg9[%dma_start3A_37, %dma_start3A_38] : memref<10240x16xf32, #tpu.memory_space<vmem_shared>> -> memref<16x16xf32, #tpu.memory_space<vmem_shared>>
          tpu.enqueue_dma source(%dma_start3A_39 : memref<16x16xf32, #tpu.memory_space<vmem_shared>>) target(%dma_start3A_36 : memref<16x16xf32, #tpu.memory_space<hbm>>) target_semaphore(%run_scoped3A : memref<!tpu.dma_semaphore, #tpu.memory_space<semaphore_mem>>)
          %dma_wait3A = arith.constant 9984 : i32
          %dma_wait3A_40 = arith.constant 0 : i32
          %dma_wait3A_41 = tpu.memref_slice %arg6[%dma_wait3A, %dma_wait3A_40] : memref<10000x16xf32, #tpu.memory_space<hbm>> -> memref<16x16xf32, #tpu.memory_space<hbm>>
          %dma_wait3A_42 = arith.constant 9984 : i32
          %dma_wait3A_43 = arith.constant 0 : i32
          %dma_wait3A_44 = tpu.memref_slice %arg9[%dma_wait3A_42, %dma_wait3A_43] : memref<10240x16xf32, #tpu.memory_space<vmem_shared>> -> memref<16x16xf32, #tpu.memory_space<vmem_shared>>
          tpu.wait_dma2 semaphore(%run_scoped3A : memref<!tpu.dma_semaphore, #tpu.memory_space<semaphore_mem>>) src(%dma_wait3A_44 : memref<16x16xf32, #tpu.memory_space<vmem_shared>>) dst(%dma_wait3A_41 : memref<16x16xf32, #tpu.memory_space<hbm>>)
          tpu.yield
        }) : () -> ()
      } else {
      }
    } else {
    }
    return
  }
}

#map = affine_map<(d0, d1) -> (0, 0)>
module attributes {stable_mosaic.version = 14 : i64} {
  func.func @_sc_scatter_body(%arg0: i32, %arg1: i32, %arg2: memref<163840x128xf32, #tpu.memory_space<hbm>>, %arg3: memref<1280x128xi32, #tpu.memory_space<hbm>>, %arg4: memref<10240x128xf32, #tpu.memory_space<hbm>>, %arg5: memref<10000x128xf32, #tpu.memory_space<hbm>>, %arg6: memref<10000x128xf32, #tpu.memory_space<hbm>>, %arg7: memref<40x128xi32, #tpu.memory_space<vmem>>, %arg8: memref<256x128xf32, #tpu.memory_space<vmem>>, %arg9: memref<10240x128xf32, #tpu.memory_space<vmem_shared>>, %arg10: memref<!tpu.dma_semaphore, #tpu.memory_space<semaphore_mem>>) attributes {dimension_semantics = [#tpu.dimension_semantics<core_parallel>, #tpu.dimension_semantics<subcore_parallel>], iteration_bounds = array<i64: 2, 16>, scalar_prefetch = 0 : i64, scratch_operands = 4 : i64, tpu.core_type = #tpu.core_type<sc_vector_subcore>, window_params = [{transform_indices = #map}, {transform_indices = #map}, {transform_indices = #map}, {transform_indices = #map}, {transform_indices = #map}]} {
    %mul3A = arith.constant 640 : i32
    %mul3A_0 = arith.muli %arg1, %mul3A : i32
    %mul3A_1 = arith.constant 640 : i32
    %mul3A_2 = arith.muli %arg1, %mul3A_1 : i32
    "tpu.region"() ({
      %run_scoped3A = tpu.sem_alloc : memref<!tpu.dma_semaphore, #tpu.memory_space<semaphore_mem>>
      %dma_start3A = arith.constant 0 : i32
      %dma_start3A_25 = tpu.memref_slice %arg9[%mul3A_2, %dma_start3A] : memref<10240x128xf32, #tpu.memory_space<vmem_shared>> -> memref<640x128xf32, #tpu.memory_space<vmem_shared>>
      %dma_start3A_26 = arith.constant 0 : i32
      %dma_start3A_27 = tpu.memref_slice %arg4[%mul3A_0, %dma_start3A_26] : memref<10240x128xf32, #tpu.memory_space<hbm>> -> memref<640x128xf32, #tpu.memory_space<hbm>>
      tpu.enqueue_dma source(%dma_start3A_27 : memref<640x128xf32, #tpu.memory_space<hbm>>) target(%dma_start3A_25 : memref<640x128xf32, #tpu.memory_space<vmem_shared>>) target_semaphore(%run_scoped3A : memref<!tpu.dma_semaphore, #tpu.memory_space<semaphore_mem>>)
      %dma_wait3A = arith.constant 0 : i32
      %dma_wait3A_28 = tpu.memref_slice %arg9[%mul3A_2, %dma_wait3A] : memref<10240x128xf32, #tpu.memory_space<vmem_shared>> -> memref<640x128xf32, #tpu.memory_space<vmem_shared>>
      %dma_wait3A_29 = arith.constant 0 : i32
      %dma_wait3A_30 = tpu.memref_slice %arg4[%mul3A_0, %dma_wait3A_29] : memref<10240x128xf32, #tpu.memory_space<hbm>> -> memref<640x128xf32, #tpu.memory_space<hbm>>
      tpu.wait_dma2 semaphore(%run_scoped3A : memref<!tpu.dma_semaphore, #tpu.memory_space<semaphore_mem>>) src(%dma_wait3A_30 : memref<640x128xf32, #tpu.memory_space<hbm>>) dst(%dma_wait3A_28 : memref<640x128xf32, #tpu.memory_space<vmem_shared>>)
      tpu.yield
    }) : () -> ()
    %mul3A_3 = arith.constant 640 : i32
    %mul3A_4 = arith.muli %arg0, %mul3A_3 : i32
    %mul3A_5 = arith.constant 40 : i32
    %mul3A_6 = arith.muli %arg1, %mul3A_5 : i32
    %add3A = arith.addi %mul3A_4, %mul3A_6 : i32
    "tpu.region"() ({
      %run_scoped3A = tpu.sem_alloc : memref<!tpu.dma_semaphore, #tpu.memory_space<semaphore_mem>>
      %dma_start3A = arith.constant 0 : i32
      %dma_start3A_25 = tpu.memref_slice %arg3[%add3A, %dma_start3A] : memref<1280x128xi32, #tpu.memory_space<hbm>> -> memref<40x128xi32, #tpu.memory_space<hbm>>
      %dma_start3A_26 = arith.constant 0 : i32
      %dma_start3A_27 = tpu.memref_slice %arg3[%add3A, %dma_start3A_26] : memref<1280x128xi32, #tpu.memory_space<hbm>> -> memref<40x128xi32, #tpu.memory_space<hbm>>
      tpu.enqueue_dma source(%dma_start3A_27 : memref<40x128xi32, #tpu.memory_space<hbm>>) target(%arg7 : memref<40x128xi32, #tpu.memory_space<vmem>>) target_semaphore(%run_scoped3A : memref<!tpu.dma_semaphore, #tpu.memory_space<semaphore_mem>>)
      %dma_wait3A = arith.constant 0 : i32
      %dma_wait3A_28 = tpu.memref_slice %arg3[%add3A, %dma_wait3A] : memref<1280x128xi32, #tpu.memory_space<hbm>> -> memref<40x128xi32, #tpu.memory_space<hbm>>
      %dma_wait3A_29 = arith.constant 0 : i32
      %dma_wait3A_30 = tpu.memref_slice %arg3[%add3A, %dma_wait3A_29] : memref<1280x128xi32, #tpu.memory_space<hbm>> -> memref<40x128xi32, #tpu.memory_space<hbm>>
      tpu.wait_dma2 semaphore(%run_scoped3A : memref<!tpu.dma_semaphore, #tpu.memory_space<semaphore_mem>>) src(%dma_wait3A_30 : memref<40x128xi32, #tpu.memory_space<hbm>>) dst(%arg7 : memref<40x128xi32, #tpu.memory_space<vmem>>)
      tpu.yield
    }) : () -> ()
    %barrier3A = arith.constant 0 : index
    tpu.barrier barrier_id(%barrier3A)
    %mul3A_7 = arith.constant 16 : i32
    %mul3A_8 = arith.muli %arg0, %mul3A_7 : i32
    %add3A_9 = arith.addi %mul3A_8, %arg1 : i32
    %mul3A_10 = arith.constant 5120 : i32
    %mul3A_11 = arith.muli %add3A_9, %mul3A_10 : i32
    %scan3A = arith.constant 0 : i32
    %scan3A_12 = arith.constant 0 : i32
    %scan3A_13 = arith.constant 20 : i32
    %scan3A_14 = arith.addi %scan3A_12, %scan3A_13 : i32
    %scan3A_15 = arith.constant 1 : i32
    scf.for %scan3A_25 = %scan3A_12 to %scan3A_14 step %scan3A_15  : i32 {
      %mul3A_26 = arith.constant 256 : i32
      %mul3A_27 = arith.muli %scan3A_25, %mul3A_26 : i32
      %add3A_28 = arith.addi %mul3A_11, %mul3A_27 : i32
      %add3A_29 = arith.constant 0 : i32
      %add3A_30 = arith.addi %add3A_28, %add3A_29 : i32
      %dma_start3A = arith.constant 0 : i32
      %dma_start3A_31 = arith.constant 0 : i32
      %dma_start3A_32 = tpu.memref_slice %arg8[%dma_start3A, %dma_start3A_31] : memref<256x128xf32, #tpu.memory_space<vmem>> -> memref<128x128xf32, #tpu.memory_space<vmem>>
      %dma_start3A_33 = arith.constant 0 : i32
      %dma_start3A_34 = tpu.memref_slice %arg2[%add3A_30, %dma_start3A_33] : memref<163840x128xf32, #tpu.memory_space<hbm>> -> memref<128x128xf32, #tpu.memory_space<hbm>>
      %dma_start3A_35 = arith.constant 0 : i32
      %dma_start3A_36 = arith.constant 0 : i32
      %dma_start3A_37 = tpu.memref_slice %arg8[%dma_start3A_35, %dma_start3A_36] : memref<256x128xf32, #tpu.memory_space<vmem>> -> memref<128x128xf32, #tpu.memory_space<vmem>>
      %dma_start3A_38 = arith.constant 0 : i32
      %dma_start3A_39 = tpu.memref_slice %arg2[%add3A_30, %dma_start3A_38] : memref<163840x128xf32, #tpu.memory_space<hbm>> -> memref<128x128xf32, #tpu.memory_space<hbm>>
      tpu.enqueue_dma source(%dma_start3A_39 : memref<128x128xf32, #tpu.memory_space<hbm>>) target(%dma_start3A_37 : memref<128x128xf32, #tpu.memory_space<vmem>>) target_semaphore(%arg10 : memref<!tpu.dma_semaphore, #tpu.memory_space<semaphore_mem>>)
      %add3A_40 = arith.addi %mul3A_11, %mul3A_27 : i32
      %add3A_41 = arith.constant 128 : i32
      %add3A_42 = arith.addi %add3A_40, %add3A_41 : i32
      %dma_start3A_43 = arith.constant 128 : i32
      %dma_start3A_44 = arith.constant 0 : i32
      %dma_start3A_45 = tpu.memref_slice %arg8[%dma_start3A_43, %dma_start3A_44] : memref<256x128xf32, #tpu.memory_space<vmem>> -> memref<128x128xf32, #tpu.memory_space<vmem>>
      %dma_start3A_46 = arith.constant 0 : i32
      %dma_start3A_47 = tpu.memref_slice %arg2[%add3A_42, %dma_start3A_46] : memref<163840x128xf32, #tpu.memory_space<hbm>> -> memref<128x128xf32, #tpu.memory_space<hbm>>
      %dma_start3A_48 = arith.constant 128 : i32
      %dma_start3A_49 = arith.constant 0 : i32
      %dma_start3A_50 = tpu.memref_slice %arg8[%dma_start3A_48, %dma_start3A_49] : memref<256x128xf32, #tpu.memory_space<vmem>> -> memref<128x128xf32, #tpu.memory_space<vmem>>
      %dma_start3A_51 = arith.constant 0 : i32
      %dma_start3A_52 = tpu.memref_slice %arg2[%add3A_42, %dma_start3A_51] : memref<163840x128xf32, #tpu.memory_space<hbm>> -> memref<128x128xf32, #tpu.memory_space<hbm>>
      tpu.enqueue_dma source(%dma_start3A_52 : memref<128x128xf32, #tpu.memory_space<hbm>>) target(%dma_start3A_50 : memref<128x128xf32, #tpu.memory_space<vmem>>) target_semaphore(%arg10 : memref<!tpu.dma_semaphore, #tpu.memory_space<semaphore_mem>>)
      %dma_wait3A = arith.constant 0 : i32
      %dma_wait3A_53 = arith.constant 0 : i32
      %dma_wait3A_54 = tpu.memref_slice %arg8[%dma_wait3A, %dma_wait3A_53] : memref<256x128xf32, #tpu.memory_space<vmem>> -> memref<128x128xf32, #tpu.memory_space<vmem>>
      %dma_wait3A_55 = arith.constant 0 : i32
      %dma_wait3A_56 = tpu.memref_slice %arg2[%add3A_30, %dma_wait3A_55] : memref<163840x128xf32, #tpu.memory_space<hbm>> -> memref<128x128xf32, #tpu.memory_space<hbm>>
      %dma_wait3A_57 = arith.constant 0 : i32
      %dma_wait3A_58 = arith.constant 0 : i32
      %dma_wait3A_59 = tpu.memref_slice %arg8[%dma_wait3A_57, %dma_wait3A_58] : memref<256x128xf32, #tpu.memory_space<vmem>> -> memref<128x128xf32, #tpu.memory_space<vmem>>
      %dma_wait3A_60 = arith.constant 0 : i32
      %dma_wait3A_61 = tpu.memref_slice %arg2[%add3A_30, %dma_wait3A_60] : memref<163840x128xf32, #tpu.memory_space<hbm>> -> memref<128x128xf32, #tpu.memory_space<hbm>>
      tpu.wait_dma2 semaphore(%arg10 : memref<!tpu.dma_semaphore, #tpu.memory_space<semaphore_mem>>) src(%dma_wait3A_61 : memref<128x128xf32, #tpu.memory_space<hbm>>) dst(%dma_wait3A_59 : memref<128x128xf32, #tpu.memory_space<vmem>>)
      %dma_wait3A_62 = arith.constant 128 : i32
      %dma_wait3A_63 = arith.constant 0 : i32
      %dma_wait3A_64 = tpu.memref_slice %arg8[%dma_wait3A_62, %dma_wait3A_63] : memref<256x128xf32, #tpu.memory_space<vmem>> -> memref<128x128xf32, #tpu.memory_space<vmem>>
      %dma_wait3A_65 = arith.constant 0 : i32
      %dma_wait3A_66 = tpu.memref_slice %arg2[%add3A_42, %dma_wait3A_65] : memref<163840x128xf32, #tpu.memory_space<hbm>> -> memref<128x128xf32, #tpu.memory_space<hbm>>
      %dma_wait3A_67 = arith.constant 128 : i32
      %dma_wait3A_68 = arith.constant 0 : i32
      %dma_wait3A_69 = tpu.memref_slice %arg8[%dma_wait3A_67, %dma_wait3A_68] : memref<256x128xf32, #tpu.memory_space<vmem>> -> memref<128x128xf32, #tpu.memory_space<vmem>>
      %dma_wait3A_70 = arith.constant 0 : i32
      %dma_wait3A_71 = tpu.memref_slice %arg2[%add3A_42, %dma_wait3A_70] : memref<163840x128xf32, #tpu.memory_space<hbm>> -> memref<128x128xf32, #tpu.memory_space<hbm>>
      tpu.wait_dma2 semaphore(%arg10 : memref<!tpu.dma_semaphore, #tpu.memory_space<semaphore_mem>>) src(%dma_wait3A_71 : memref<128x128xf32, #tpu.memory_space<hbm>>) dst(%dma_wait3A_69 : memref<128x128xf32, #tpu.memory_space<vmem>>)
      %mul3A_72 = arith.constant 2 : i32
      %mul3A_73 = arith.muli %scan3A_25, %mul3A_72 : i32
      %add3A_74 = arith.constant 0 : i32
      %add3A_75 = arith.addi %mul3A_73, %add3A_74 : i32
      "tpu.region"() ({
        %run_scoped3A = tpu.sem_alloc : memref<!tpu.dma_semaphore, #tpu.memory_space<semaphore_mem>>
        %dma_start3A_80 = arith.constant 0 : i32
        %dma_start3A_81 = arith.constant 0 : i32
        %dma_start3A_82 = tpu.memref_slice %arg8[%dma_start3A_80, %dma_start3A_81] : memref<256x128xf32, #tpu.memory_space<vmem>> -> memref<128x128xf32, #tpu.memory_space<vmem>>
        %dma_start3A_83 = arith.constant 0 : i32
        %dma_start3A_84 = tpu.memref_slice %arg7[%add3A_75, %dma_start3A_83] : memref<40x128xi32, #tpu.memory_space<vmem>> -> memref<1x128xi32, #tpu.memory_space<vmem>>
        %dma_start3A_85 = tpu.memref_squeeze %dma_start3A_84 : memref<1x128xi32, #tpu.memory_space<vmem>> -> memref<128xi32, #tpu.memory_space<vmem>>
        %dma_start3A_86 = arith.constant 0 : i32
        %dma_start3A_87 = arith.constant 0 : i32
        %dma_start3A_88 = tpu.memref_slice %arg9[%dma_start3A_86, %dma_start3A_87] : memref<10240x128xf32, #tpu.memory_space<vmem_shared>> -> memref<10240x128xf32, #tpu.memory_space<vmem_shared>>
        tpu.enqueue_indirect_dma source(%dma_start3A_82 : memref<128x128xf32, #tpu.memory_space<vmem>>) target(%dma_start3A_88 : memref<10240x128xf32, #tpu.memory_space<vmem_shared>>) offsets(%dma_start3A_85 : memref<128xi32, #tpu.memory_space<vmem>>) semaphore(%run_scoped3A : memref<!tpu.dma_semaphore, #tpu.memory_space<semaphore_mem>>) {add = true}
        %dma_wait3A_89 = arith.constant 0 : i32
        %dma_wait3A_90 = arith.constant 0 : i32
        %dma_wait3A_91 = tpu.memref_slice %arg8[%dma_wait3A_89, %dma_wait3A_90] : memref<256x128xf32, #tpu.memory_space<vmem>> -> memref<128x128xf32, #tpu.memory_space<vmem>>
        %dma_wait3A_92 = arith.constant 0 : i32
        %dma_wait3A_93 = tpu.memref_slice %arg7[%add3A_75, %dma_wait3A_92] : memref<40x128xi32, #tpu.memory_space<vmem>> -> memref<1x128xi32, #tpu.memory_space<vmem>>
        %dma_wait3A_94 = tpu.memref_squeeze %dma_wait3A_93 : memref<1x128xi32, #tpu.memory_space<vmem>> -> memref<128xi32, #tpu.memory_space<vmem>>
        %dma_wait3A_95 = arith.constant 0 : i32
        %dma_wait3A_96 = arith.constant 0 : i32
        %dma_wait3A_97 = tpu.memref_slice %arg9[%dma_wait3A_95, %dma_wait3A_96] : memref<10240x128xf32, #tpu.memory_space<vmem_shared>> -> memref<10240x128xf32, #tpu.memory_space<vmem_shared>>
        tpu.wait_indirect_dma semaphore(%run_scoped3A : memref<!tpu.dma_semaphore, #tpu.memory_space<semaphore_mem>>) src(%dma_wait3A_91 : memref<128x128xf32, #tpu.memory_space<vmem>>) dst(%dma_wait3A_97 : memref<10240x128xf32, #tpu.memory_space<vmem_shared>>)
        tpu.yield
      }) : () -> ()
      %mul3A_76 = arith.constant 2 : i32
      %mul3A_77 = arith.muli %scan3A_25, %mul3A_76 : i32
      %add3A_78 = arith.constant 1 : i32
      %add3A_79 = arith.addi %mul3A_77, %add3A_78 : i32
      "tpu.region"() ({
        %run_scoped3A = tpu.sem_alloc : memref<!tpu.dma_semaphore, #tpu.memory_space<semaphore_mem>>
        %dma_start3A_80 = arith.constant 128 : i32
        %dma_start3A_81 = arith.constant 0 : i32
        %dma_start3A_82 = tpu.memref_slice %arg8[%dma_start3A_80, %dma_start3A_81] : memref<256x128xf32, #tpu.memory_space<vmem>> -> memref<128x128xf32, #tpu.memory_space<vmem>>
        %dma_start3A_83 = arith.constant 0 : i32
        %dma_start3A_84 = tpu.memref_slice %arg7[%add3A_79, %dma_start3A_83] : memref<40x128xi32, #tpu.memory_space<vmem>> -> memref<1x128xi32, #tpu.memory_space<vmem>>
        %dma_start3A_85 = tpu.memref_squeeze %dma_start3A_84 : memref<1x128xi32, #tpu.memory_space<vmem>> -> memref<128xi32, #tpu.memory_space<vmem>>
        %dma_start3A_86 = arith.constant 0 : i32
        %dma_start3A_87 = arith.constant 0 : i32
        %dma_start3A_88 = tpu.memref_slice %arg9[%dma_start3A_86, %dma_start3A_87] : memref<10240x128xf32, #tpu.memory_space<vmem_shared>> -> memref<10240x128xf32, #tpu.memory_space<vmem_shared>>
        tpu.enqueue_indirect_dma source(%dma_start3A_82 : memref<128x128xf32, #tpu.memory_space<vmem>>) target(%dma_start3A_88 : memref<10240x128xf32, #tpu.memory_space<vmem_shared>>) offsets(%dma_start3A_85 : memref<128xi32, #tpu.memory_space<vmem>>) semaphore(%run_scoped3A : memref<!tpu.dma_semaphore, #tpu.memory_space<semaphore_mem>>) {add = true}
        %dma_wait3A_89 = arith.constant 128 : i32
        %dma_wait3A_90 = arith.constant 0 : i32
        %dma_wait3A_91 = tpu.memref_slice %arg8[%dma_wait3A_89, %dma_wait3A_90] : memref<256x128xf32, #tpu.memory_space<vmem>> -> memref<128x128xf32, #tpu.memory_space<vmem>>
        %dma_wait3A_92 = arith.constant 0 : i32
        %dma_wait3A_93 = tpu.memref_slice %arg7[%add3A_79, %dma_wait3A_92] : memref<40x128xi32, #tpu.memory_space<vmem>> -> memref<1x128xi32, #tpu.memory_space<vmem>>
        %dma_wait3A_94 = tpu.memref_squeeze %dma_wait3A_93 : memref<1x128xi32, #tpu.memory_space<vmem>> -> memref<128xi32, #tpu.memory_space<vmem>>
        %dma_wait3A_95 = arith.constant 0 : i32
        %dma_wait3A_96 = arith.constant 0 : i32
        %dma_wait3A_97 = tpu.memref_slice %arg9[%dma_wait3A_95, %dma_wait3A_96] : memref<10240x128xf32, #tpu.memory_space<vmem_shared>> -> memref<10240x128xf32, #tpu.memory_space<vmem_shared>>
        tpu.wait_indirect_dma semaphore(%run_scoped3A : memref<!tpu.dma_semaphore, #tpu.memory_space<semaphore_mem>>) src(%dma_wait3A_91 : memref<128x128xf32, #tpu.memory_space<vmem>>) dst(%dma_wait3A_97 : memref<10240x128xf32, #tpu.memory_space<vmem_shared>>)
        tpu.yield
      }) : () -> ()
    }
    %scan3A_16 = arith.constant 20 : i32
    %barrier3A_17 = arith.constant 0 : index
    tpu.barrier barrier_id(%barrier3A_17)
    %eq3A = arith.constant 0 : i32
    %eq3A_18 = arith.cmpi eq, %arg0, %eq3A : i32
    %convert_element_type3A = arith.extui %eq3A_18 : i1 to i32
    %cond3A = arith.constant 0 : i32
    %cond3A_19 = arith.cmpi ne, %convert_element_type3A, %cond3A : i32
    scf.if %cond3A_19 {
      %mul3A_25 = arith.constant 624 : i32
      %mul3A_26 = arith.muli %arg1, %mul3A_25 : i32
      %mul3A_27 = arith.constant 624 : i32
      %mul3A_28 = arith.muli %arg1, %mul3A_27 : i32
      "tpu.region"() ({
        %run_scoped3A = tpu.sem_alloc : memref<!tpu.dma_semaphore, #tpu.memory_space<semaphore_mem>>
        %dma_start3A = arith.constant 0 : i32
        %dma_start3A_34 = tpu.memref_slice %arg5[%mul3A_28, %dma_start3A] : memref<10000x128xf32, #tpu.memory_space<hbm>> -> memref<624x128xf32, #tpu.memory_space<hbm>>
        %dma_start3A_35 = arith.constant 0 : i32
        %dma_start3A_36 = tpu.memref_slice %arg9[%mul3A_26, %dma_start3A_35] : memref<10240x128xf32, #tpu.memory_space<vmem_shared>> -> memref<624x128xf32, #tpu.memory_space<vmem_shared>>
        tpu.enqueue_dma source(%dma_start3A_36 : memref<624x128xf32, #tpu.memory_space<vmem_shared>>) target(%dma_start3A_34 : memref<624x128xf32, #tpu.memory_space<hbm>>) target_semaphore(%run_scoped3A : memref<!tpu.dma_semaphore, #tpu.memory_space<semaphore_mem>>)
        %dma_wait3A = arith.constant 0 : i32
        %dma_wait3A_37 = tpu.memref_slice %arg5[%mul3A_28, %dma_wait3A] : memref<10000x128xf32, #tpu.memory_space<hbm>> -> memref<624x128xf32, #tpu.memory_space<hbm>>
        %dma_wait3A_38 = arith.constant 0 : i32
        %dma_wait3A_39 = tpu.memref_slice %arg9[%mul3A_26, %dma_wait3A_38] : memref<10240x128xf32, #tpu.memory_space<vmem_shared>> -> memref<624x128xf32, #tpu.memory_space<vmem_shared>>
        tpu.wait_dma2 semaphore(%run_scoped3A : memref<!tpu.dma_semaphore, #tpu.memory_space<semaphore_mem>>) src(%dma_wait3A_39 : memref<624x128xf32, #tpu.memory_space<vmem_shared>>) dst(%dma_wait3A_37 : memref<624x128xf32, #tpu.memory_space<hbm>>)
        tpu.yield
      }) : () -> ()
      %eq3A_29 = arith.constant 0 : i32
      %eq3A_30 = arith.cmpi eq, %arg1, %eq3A_29 : i32
      %convert_element_type3A_31 = arith.extui %eq3A_30 : i1 to i32
      %cond3A_32 = arith.constant 0 : i32
      %cond3A_33 = arith.cmpi ne, %convert_element_type3A_31, %cond3A_32 : i32
      scf.if %cond3A_33 {
        "tpu.region"() ({
          %run_scoped3A = tpu.sem_alloc : memref<!tpu.dma_semaphore, #tpu.memory_space<semaphore_mem>>
          %dma_start3A = arith.constant 9984 : i32
          %dma_start3A_34 = arith.constant 0 : i32
          %dma_start3A_35 = tpu.memref_slice %arg5[%dma_start3A, %dma_start3A_34] : memref<10000x128xf32, #tpu.memory_space<hbm>> -> memref<16x128xf32, #tpu.memory_space<hbm>>
          %dma_start3A_36 = arith.constant 9984 : i32
          %dma_start3A_37 = arith.constant 0 : i32
          %dma_start3A_38 = tpu.memref_slice %arg9[%dma_start3A_36, %dma_start3A_37] : memref<10240x128xf32, #tpu.memory_space<vmem_shared>> -> memref<16x128xf32, #tpu.memory_space<vmem_shared>>
          tpu.enqueue_dma source(%dma_start3A_38 : memref<16x128xf32, #tpu.memory_space<vmem_shared>>) target(%dma_start3A_35 : memref<16x128xf32, #tpu.memory_space<hbm>>) target_semaphore(%run_scoped3A : memref<!tpu.dma_semaphore, #tpu.memory_space<semaphore_mem>>)
          %dma_wait3A = arith.constant 9984 : i32
          %dma_wait3A_39 = arith.constant 0 : i32
          %dma_wait3A_40 = tpu.memref_slice %arg5[%dma_wait3A, %dma_wait3A_39] : memref<10000x128xf32, #tpu.memory_space<hbm>> -> memref<16x128xf32, #tpu.memory_space<hbm>>
          %dma_wait3A_41 = arith.constant 9984 : i32
          %dma_wait3A_42 = arith.constant 0 : i32
          %dma_wait3A_43 = tpu.memref_slice %arg9[%dma_wait3A_41, %dma_wait3A_42] : memref<10240x128xf32, #tpu.memory_space<vmem_shared>> -> memref<16x128xf32, #tpu.memory_space<vmem_shared>>
          tpu.wait_dma2 semaphore(%run_scoped3A : memref<!tpu.dma_semaphore, #tpu.memory_space<semaphore_mem>>) src(%dma_wait3A_43 : memref<16x128xf32, #tpu.memory_space<vmem_shared>>) dst(%dma_wait3A_40 : memref<16x128xf32, #tpu.memory_space<hbm>>)
          tpu.yield
        }) : () -> ()
      } else {
      }
    } else {
    }
    %eq3A_20 = arith.constant 1 : i32
    %eq3A_21 = arith.cmpi eq, %arg0, %eq3A_20 : i32
    %convert_element_type3A_22 = arith.extui %eq3A_21 : i1 to i32
    %cond3A_23 = arith.constant 0 : i32
    %cond3A_24 = arith.cmpi ne, %convert_element_type3A_22, %cond3A_23 : i32
    scf.if %cond3A_24 {
      %mul3A_25 = arith.constant 624 : i32
      %mul3A_26 = arith.muli %arg1, %mul3A_25 : i32
      %mul3A_27 = arith.constant 624 : i32
      %mul3A_28 = arith.muli %arg1, %mul3A_27 : i32
      "tpu.region"() ({
        %run_scoped3A = tpu.sem_alloc : memref<!tpu.dma_semaphore, #tpu.memory_space<semaphore_mem>>
        %dma_start3A = arith.constant 0 : i32
        %dma_start3A_34 = tpu.memref_slice %arg6[%mul3A_28, %dma_start3A] : memref<10000x128xf32, #tpu.memory_space<hbm>> -> memref<624x128xf32, #tpu.memory_space<hbm>>
        %dma_start3A_35 = arith.constant 0 : i32
        %dma_start3A_36 = tpu.memref_slice %arg9[%mul3A_26, %dma_start3A_35] : memref<10240x128xf32, #tpu.memory_space<vmem_shared>> -> memref<624x128xf32, #tpu.memory_space<vmem_shared>>
        tpu.enqueue_dma source(%dma_start3A_36 : memref<624x128xf32, #tpu.memory_space<vmem_shared>>) target(%dma_start3A_34 : memref<624x128xf32, #tpu.memory_space<hbm>>) target_semaphore(%run_scoped3A : memref<!tpu.dma_semaphore, #tpu.memory_space<semaphore_mem>>)
        %dma_wait3A = arith.constant 0 : i32
        %dma_wait3A_37 = tpu.memref_slice %arg6[%mul3A_28, %dma_wait3A] : memref<10000x128xf32, #tpu.memory_space<hbm>> -> memref<624x128xf32, #tpu.memory_space<hbm>>
        %dma_wait3A_38 = arith.constant 0 : i32
        %dma_wait3A_39 = tpu.memref_slice %arg9[%mul3A_26, %dma_wait3A_38] : memref<10240x128xf32, #tpu.memory_space<vmem_shared>> -> memref<624x128xf32, #tpu.memory_space<vmem_shared>>
        tpu.wait_dma2 semaphore(%run_scoped3A : memref<!tpu.dma_semaphore, #tpu.memory_space<semaphore_mem>>) src(%dma_wait3A_39 : memref<624x128xf32, #tpu.memory_space<vmem_shared>>) dst(%dma_wait3A_37 : memref<624x128xf32, #tpu.memory_space<hbm>>)
        tpu.yield
      }) : () -> ()
      %eq3A_29 = arith.constant 0 : i32
      %eq3A_30 = arith.cmpi eq, %arg1, %eq3A_29 : i32
      %convert_element_type3A_31 = arith.extui %eq3A_30 : i1 to i32
      %cond3A_32 = arith.constant 0 : i32
      %cond3A_33 = arith.cmpi ne, %convert_element_type3A_31, %cond3A_32 : i32
      scf.if %cond3A_33 {
        "tpu.region"() ({
          %run_scoped3A = tpu.sem_alloc : memref<!tpu.dma_semaphore, #tpu.memory_space<semaphore_mem>>
          %dma_start3A = arith.constant 9984 : i32
          %dma_start3A_34 = arith.constant 0 : i32
          %dma_start3A_35 = tpu.memref_slice %arg6[%dma_start3A, %dma_start3A_34] : memref<10000x128xf32, #tpu.memory_space<hbm>> -> memref<16x128xf32, #tpu.memory_space<hbm>>
          %dma_start3A_36 = arith.constant 9984 : i32
          %dma_start3A_37 = arith.constant 0 : i32
          %dma_start3A_38 = tpu.memref_slice %arg9[%dma_start3A_36, %dma_start3A_37] : memref<10240x128xf32, #tpu.memory_space<vmem_shared>> -> memref<16x128xf32, #tpu.memory_space<vmem_shared>>
          tpu.enqueue_dma source(%dma_start3A_38 : memref<16x128xf32, #tpu.memory_space<vmem_shared>>) target(%dma_start3A_35 : memref<16x128xf32, #tpu.memory_space<hbm>>) target_semaphore(%run_scoped3A : memref<!tpu.dma_semaphore, #tpu.memory_space<semaphore_mem>>)
          %dma_wait3A = arith.constant 9984 : i32
          %dma_wait3A_39 = arith.constant 0 : i32
          %dma_wait3A_40 = tpu.memref_slice %arg6[%dma_wait3A, %dma_wait3A_39] : memref<10000x128xf32, #tpu.memory_space<hbm>> -> memref<16x128xf32, #tpu.memory_space<hbm>>
          %dma_wait3A_41 = arith.constant 9984 : i32
          %dma_wait3A_42 = arith.constant 0 : i32
          %dma_wait3A_43 = tpu.memref_slice %arg9[%dma_wait3A_41, %dma_wait3A_42] : memref<10240x128xf32, #tpu.memory_space<vmem_shared>> -> memref<16x128xf32, #tpu.memory_space<vmem_shared>>
          tpu.wait_dma2 semaphore(%run_scoped3A : memref<!tpu.dma_semaphore, #tpu.memory_space<semaphore_mem>>) src(%dma_wait3A_43 : memref<16x128xf32, #tpu.memory_space<vmem_shared>>) dst(%dma_wait3A_40 : memref<16x128xf32, #tpu.memory_space<hbm>>)
          tpu.yield
        }) : () -> ()
      } else {
      }
    } else {
    }
    return
  }
}

#map = affine_map<(d0, d1) -> (0, 0)>
#map1 = affine_map<(d0, d1) -> (0)>
module attributes {stable_mosaic.version = 14 : i64} {
  func.func @_sc_gather_body(%arg0: i32, %arg1: i32, %arg2: memref<10000x128xf32, #tpu.memory_space<hbm>>, %arg3: memref<163840xi32, #tpu.memory_space<hbm>>, %arg4: memref<163840x128xf32, #tpu.memory_space<hbm>>, %arg5: memref<5120xi32, #tpu.memory_space<vmem>>, %arg6: memref<128x128xf32, #tpu.memory_space<vmem>>, %arg7: memref<128x128xf32, #tpu.memory_space<vmem>>, %arg8: memref<10000x128xf32, #tpu.memory_space<vmem_shared>>, %arg9: memref<!tpu.dma_semaphore, #tpu.memory_space<semaphore_mem>>, %arg10: memref<!tpu.dma_semaphore, #tpu.memory_space<semaphore_mem>>, %arg11: memref<!tpu.dma_semaphore, #tpu.memory_space<semaphore_mem>>) attributes {dimension_semantics = [#tpu.dimension_semantics<core_parallel>, #tpu.dimension_semantics<subcore_parallel>], iteration_bounds = array<i64: 2, 16>, scalar_prefetch = 0 : i64, scratch_operands = 7 : i64, tpu.core_type = #tpu.core_type<sc_vector_subcore>, window_params = [{transform_indices = #map}, {transform_indices = #map1}, {transform_indices = #map}]} {
    %mul3A = arith.constant 2 : i32
    %mul3A_0 = arith.muli %arg1, %mul3A : i32
    %add3A = arith.addi %mul3A_0, %arg0 : i32
    %mul3A_1 = arith.constant 5120 : i32
    %mul3A_2 = arith.muli %add3A, %mul3A_1 : i32
    %eq3A = arith.constant 0 : i32
    %eq3A_3 = arith.cmpi eq, %arg1, %eq3A : i32
    %convert_element_type3A = arith.extui %eq3A_3 : i1 to i32
    %cond3A = arith.constant 0 : i32
    %cond3A_4 = arith.cmpi ne, %convert_element_type3A, %cond3A : i32
    scf.if %cond3A_4 {
      "tpu.region"() ({
        %run_scoped3A = tpu.sem_alloc : memref<!tpu.dma_semaphore, #tpu.memory_space<semaphore_mem>>
        tpu.enqueue_dma source(%arg2 : memref<10000x128xf32, #tpu.memory_space<hbm>>) target(%arg8 : memref<10000x128xf32, #tpu.memory_space<vmem_shared>>) target_semaphore(%run_scoped3A : memref<!tpu.dma_semaphore, #tpu.memory_space<semaphore_mem>>)
        tpu.wait_dma2 semaphore(%run_scoped3A : memref<!tpu.dma_semaphore, #tpu.memory_space<semaphore_mem>>) src(%arg2 : memref<10000x128xf32, #tpu.memory_space<hbm>>) dst(%arg8 : memref<10000x128xf32, #tpu.memory_space<vmem_shared>>)
        tpu.yield
      }) : () -> ()
    } else {
    }
    "tpu.region"() ({
      %run_scoped3A = tpu.sem_alloc : memref<!tpu.dma_semaphore, #tpu.memory_space<semaphore_mem>>
      %dma_start3A = tpu.memref_slice %arg3[%mul3A_2] : memref<163840xi32, #tpu.memory_space<hbm>> -> memref<5120xi32, #tpu.memory_space<hbm>>
      %dma_start3A_21 = tpu.memref_slice %arg3[%mul3A_2] : memref<163840xi32, #tpu.memory_space<hbm>> -> memref<5120xi32, #tpu.memory_space<hbm>>
      tpu.enqueue_dma source(%dma_start3A_21 : memref<5120xi32, #tpu.memory_space<hbm>>) target(%arg5 : memref<5120xi32, #tpu.memory_space<vmem>>) target_semaphore(%run_scoped3A : memref<!tpu.dma_semaphore, #tpu.memory_space<semaphore_mem>>)
      %dma_wait3A_22 = tpu.memref_slice %arg3[%mul3A_2] : memref<163840xi32, #tpu.memory_space<hbm>> -> memref<5120xi32, #tpu.memory_space<hbm>>
      %dma_wait3A_23 = tpu.memref_slice %arg3[%mul3A_2] : memref<163840xi32, #tpu.memory_space<hbm>> -> memref<5120xi32, #tpu.memory_space<hbm>>
      tpu.wait_dma2 semaphore(%run_scoped3A : memref<!tpu.dma_semaphore, #tpu.memory_space<semaphore_mem>>) src(%dma_wait3A_23 : memref<5120xi32, #tpu.memory_space<hbm>>) dst(%arg5 : memref<5120xi32, #tpu.memory_space<vmem>>)
      tpu.yield
    }) : () -> ()
    %barrier3A = arith.constant 0 : index
    tpu.barrier barrier_id(%barrier3A)
    %scan3A = arith.constant 0 : i32
    %scan3A_5 = arith.constant 0 : i32
    %scan3A_6 = arith.constant 20 : i32
    %scan3A_7 = arith.addi %scan3A_5, %scan3A_6 : i32
    %scan3A_8 = arith.constant 1 : i32
    scf.for %scan3A_21 = %scan3A_5 to %scan3A_7 step %scan3A_8  : i32 {
      %gt3A = arith.constant 0 : i32
      %gt3A_22 = arith.cmpi sgt, %scan3A_21, %gt3A : i32
      %convert_element_type3A_23 = arith.extui %gt3A_22 : i1 to i32
      %cond3A_24 = arith.constant 0 : i32
      %cond3A_25 = arith.cmpi ne, %convert_element_type3A_23, %cond3A_24 : i32
      scf.if %cond3A_25 {
        %mul3A_75 = arith.constant 2 : i32
        %mul3A_76 = arith.muli %mul3A_75, %scan3A_21 : i32
        %add3A_77 = arith.constant 0 : i32
        %add3A_78 = arith.addi %mul3A_76, %add3A_77 : i32
        %mul3A_79 = arith.constant 128 : i32
        %mul3A_80 = arith.muli %add3A_78, %mul3A_79 : i32
        %add3A_81 = arith.addi %mul3A_2, %mul3A_80 : i32
        %dma_wait3A_82 = arith.constant 0 : i32
        %dma_wait3A_83 = tpu.memref_slice %arg4[%add3A_81, %dma_wait3A_82] : memref<163840x128xf32, #tpu.memory_space<hbm>> -> memref<128x128xf32, #tpu.memory_space<hbm>>
        %dma_wait3A_84 = arith.constant 0 : i32
        %dma_wait3A_85 = tpu.memref_slice %arg4[%add3A_81, %dma_wait3A_84] : memref<163840x128xf32, #tpu.memory_space<hbm>> -> memref<128x128xf32, #tpu.memory_space<hbm>>
        tpu.wait_dma2 semaphore(%arg10 : memref<!tpu.dma_semaphore, #tpu.memory_space<semaphore_mem>>) src(%arg6 : memref<128x128xf32, #tpu.memory_space<vmem>>) dst(%dma_wait3A_85 : memref<128x128xf32, #tpu.memory_space<hbm>>)
        %mul3A_86 = arith.constant 2 : i32
        %mul3A_87 = arith.muli %mul3A_86, %scan3A_21 : i32
        %add3A_88 = arith.constant 1 : i32
        %add3A_89 = arith.addi %mul3A_87, %add3A_88 : i32
        %mul3A_90 = arith.constant 128 : i32
        %mul3A_91 = arith.muli %add3A_89, %mul3A_90 : i32
        %add3A_92 = arith.addi %mul3A_2, %mul3A_91 : i32
        %dma_wait3A_93 = arith.constant 0 : i32
        %dma_wait3A_94 = tpu.memref_slice %arg4[%add3A_92, %dma_wait3A_93] : memref<163840x128xf32, #tpu.memory_space<hbm>> -> memref<128x128xf32, #tpu.memory_space<hbm>>
        %dma_wait3A_95 = arith.constant 0 : i32
        %dma_wait3A_96 = tpu.memref_slice %arg4[%add3A_92, %dma_wait3A_95] : memref<163840x128xf32, #tpu.memory_space<hbm>> -> memref<128x128xf32, #tpu.memory_space<hbm>>
        tpu.wait_dma2 semaphore(%arg11 : memref<!tpu.dma_semaphore, #tpu.memory_space<semaphore_mem>>) src(%arg7 : memref<128x128xf32, #tpu.memory_space<vmem>>) dst(%dma_wait3A_96 : memref<128x128xf32, #tpu.memory_space<hbm>>)
      } else {
      }
      %mul3A_26 = arith.constant 2 : i32
      %mul3A_27 = arith.muli %mul3A_26, %scan3A_21 : i32
      %add3A_28 = arith.constant 0 : i32
      %add3A_29 = arith.addi %mul3A_27, %add3A_28 : i32
      %mul3A_30 = arith.constant 128 : i32
      %mul3A_31 = arith.muli %add3A_29, %mul3A_30 : i32
      %dma_start3A = tpu.memref_slice %arg5[%mul3A_31] : memref<5120xi32, #tpu.memory_space<vmem>> -> memref<128xi32, #tpu.memory_space<vmem>>
      %dma_start3A_32 = arith.constant 0 : i32
      %dma_start3A_33 = arith.constant 0 : i32
      %dma_start3A_34 = tpu.memref_slice %arg8[%dma_start3A_32, %dma_start3A_33] : memref<10000x128xf32, #tpu.memory_space<vmem_shared>> -> memref<10000x128xf32, #tpu.memory_space<vmem_shared>>
      tpu.enqueue_indirect_dma source(%dma_start3A_34 : memref<10000x128xf32, #tpu.memory_space<vmem_shared>>) target(%arg6 : memref<128x128xf32, #tpu.memory_space<vmem>>) offsets(%dma_start3A : memref<128xi32, #tpu.memory_space<vmem>>) semaphore(%arg9 : memref<!tpu.dma_semaphore, #tpu.memory_space<semaphore_mem>>)
      %mul3A_35 = arith.constant 2 : i32
      %mul3A_36 = arith.muli %mul3A_35, %scan3A_21 : i32
      %add3A_37 = arith.constant 1 : i32
      %add3A_38 = arith.addi %mul3A_36, %add3A_37 : i32
      %mul3A_39 = arith.constant 128 : i32
      %mul3A_40 = arith.muli %add3A_38, %mul3A_39 : i32
      %dma_start3A_41 = tpu.memref_slice %arg5[%mul3A_40] : memref<5120xi32, #tpu.memory_space<vmem>> -> memref<128xi32, #tpu.memory_space<vmem>>
      %dma_start3A_42 = arith.constant 0 : i32
      %dma_start3A_43 = arith.constant 0 : i32
      %dma_start3A_44 = tpu.memref_slice %arg8[%dma_start3A_42, %dma_start3A_43] : memref<10000x128xf32, #tpu.memory_space<vmem_shared>> -> memref<10000x128xf32, #tpu.memory_space<vmem_shared>>
      tpu.enqueue_indirect_dma source(%dma_start3A_44 : memref<10000x128xf32, #tpu.memory_space<vmem_shared>>) target(%arg7 : memref<128x128xf32, #tpu.memory_space<vmem>>) offsets(%dma_start3A_41 : memref<128xi32, #tpu.memory_space<vmem>>) semaphore(%arg9 : memref<!tpu.dma_semaphore, #tpu.memory_space<semaphore_mem>>)
      %dma_wait3A_45 = tpu.memref_slice %arg5[%mul3A_31] : memref<5120xi32, #tpu.memory_space<vmem>> -> memref<128xi32, #tpu.memory_space<vmem>>
      %dma_wait3A_46 = arith.constant 0 : i32
      %dma_wait3A_47 = arith.constant 0 : i32
      %dma_wait3A_48 = tpu.memref_slice %arg8[%dma_wait3A_46, %dma_wait3A_47] : memref<10000x128xf32, #tpu.memory_space<vmem_shared>> -> memref<10000x128xf32, #tpu.memory_space<vmem_shared>>
      tpu.wait_indirect_dma semaphore(%arg9 : memref<!tpu.dma_semaphore, #tpu.memory_space<semaphore_mem>>) src(%dma_wait3A_48 : memref<10000x128xf32, #tpu.memory_space<vmem_shared>>) dst(%arg6 : memref<128x128xf32, #tpu.memory_space<vmem>>)
      %dma_wait3A_49 = tpu.memref_slice %arg5[%mul3A_40] : memref<5120xi32, #tpu.memory_space<vmem>> -> memref<128xi32, #tpu.memory_space<vmem>>
      %dma_wait3A_50 = arith.constant 0 : i32
      %dma_wait3A_51 = arith.constant 0 : i32
      %dma_wait3A_52 = tpu.memref_slice %arg8[%dma_wait3A_50, %dma_wait3A_51] : memref<10000x128xf32, #tpu.memory_space<vmem_shared>> -> memref<10000x128xf32, #tpu.memory_space<vmem_shared>>
      tpu.wait_indirect_dma semaphore(%arg9 : memref<!tpu.dma_semaphore, #tpu.memory_space<semaphore_mem>>) src(%dma_wait3A_52 : memref<10000x128xf32, #tpu.memory_space<vmem_shared>>) dst(%arg7 : memref<128x128xf32, #tpu.memory_space<vmem>>)
      %mul3A_53 = arith.constant 2 : i32
      %mul3A_54 = arith.muli %mul3A_53, %scan3A_21 : i32
      %add3A_55 = arith.constant 0 : i32
      %add3A_56 = arith.addi %mul3A_54, %add3A_55 : i32
      %mul3A_57 = arith.constant 128 : i32
      %mul3A_58 = arith.muli %add3A_56, %mul3A_57 : i32
      %add3A_59 = arith.addi %mul3A_2, %mul3A_58 : i32
      %dma_start3A_60 = arith.constant 0 : i32
      %dma_start3A_61 = tpu.memref_slice %arg4[%add3A_59, %dma_start3A_60] : memref<163840x128xf32, #tpu.memory_space<hbm>> -> memref<128x128xf32, #tpu.memory_space<hbm>>
      %dma_start3A_62 = arith.constant 0 : i32
      %dma_start3A_63 = tpu.memref_slice %arg4[%add3A_59, %dma_start3A_62] : memref<163840x128xf32, #tpu.memory_space<hbm>> -> memref<128x128xf32, #tpu.memory_space<hbm>>
      tpu.enqueue_dma source(%arg6 : memref<128x128xf32, #tpu.memory_space<vmem>>) target(%dma_start3A_63 : memref<128x128xf32, #tpu.memory_space<hbm>>) target_semaphore(%arg10 : memref<!tpu.dma_semaphore, #tpu.memory_space<semaphore_mem>>)
      %mul3A_64 = arith.constant 2 : i32
      %mul3A_65 = arith.muli %mul3A_64, %scan3A_21 : i32
      %add3A_66 = arith.constant 1 : i32
      %add3A_67 = arith.addi %mul3A_65, %add3A_66 : i32
      %mul3A_68 = arith.constant 128 : i32
      %mul3A_69 = arith.muli %add3A_67, %mul3A_68 : i32
      %add3A_70 = arith.addi %mul3A_2, %mul3A_69 : i32
      %dma_start3A_71 = arith.constant 0 : i32
      %dma_start3A_72 = tpu.memref_slice %arg4[%add3A_70, %dma_start3A_71] : memref<163840x128xf32, #tpu.memory_space<hbm>> -> memref<128x128xf32, #tpu.memory_space<hbm>>
      %dma_start3A_73 = arith.constant 0 : i32
      %dma_start3A_74 = tpu.memref_slice %arg4[%add3A_70, %dma_start3A_73] : memref<163840x128xf32, #tpu.memory_space<hbm>> -> memref<128x128xf32, #tpu.memory_space<hbm>>
      tpu.enqueue_dma source(%arg7 : memref<128x128xf32, #tpu.memory_space<vmem>>) target(%dma_start3A_74 : memref<128x128xf32, #tpu.memory_space<hbm>>) target_semaphore(%arg11 : memref<!tpu.dma_semaphore, #tpu.memory_space<semaphore_mem>>)
    }
    %scan3A_9 = arith.constant 20 : i32
    %dma_wait3A = arith.constant 0 : i32
    %dma_wait3A_10 = arith.constant 0 : i32
    %dma_wait3A_11 = tpu.memref_slice %arg4[%dma_wait3A, %dma_wait3A_10] : memref<163840x128xf32, #tpu.memory_space<hbm>> -> memref<128x128xf32, #tpu.memory_space<hbm>>
    %dma_wait3A_12 = arith.constant 0 : i32
    %dma_wait3A_13 = arith.constant 0 : i32
    %dma_wait3A_14 = tpu.memref_slice %arg4[%dma_wait3A_12, %dma_wait3A_13] : memref<163840x128xf32, #tpu.memory_space<hbm>> -> memref<128x128xf32, #tpu.memory_space<hbm>>
    tpu.wait_dma2 semaphore(%arg10 : memref<!tpu.dma_semaphore, #tpu.memory_space<semaphore_mem>>) src(%arg6 : memref<128x128xf32, #tpu.memory_space<vmem>>) dst(%dma_wait3A_14 : memref<128x128xf32, #tpu.memory_space<hbm>>)
    %dma_wait3A_15 = arith.constant 128 : i32
    %dma_wait3A_16 = arith.constant 0 : i32
    %dma_wait3A_17 = tpu.memref_slice %arg4[%dma_wait3A_15, %dma_wait3A_16] : memref<163840x128xf32, #tpu.memory_space<hbm>> -> memref<128x128xf32, #tpu.memory_space<hbm>>
    %dma_wait3A_18 = arith.constant 128 : i32
    %dma_wait3A_19 = arith.constant 0 : i32
    %dma_wait3A_20 = tpu.memref_slice %arg4[%dma_wait3A_18, %dma_wait3A_19] : memref<163840x128xf32, #tpu.memory_space<hbm>> -> memref<128x128xf32, #tpu.memory_space<hbm>>
    tpu.wait_dma2 semaphore(%arg11 : memref<!tpu.dma_semaphore, #tpu.memory_space<semaphore_mem>>) src(%arg7 : memref<128x128xf32, #tpu.memory_space<vmem>>) dst(%dma_wait3A_20 : memref<128x128xf32, #tpu.memory_space<hbm>>)
    return
  }
}

#map = affine_map<(d0, d1) -> (0, 0)>
module attributes {stable_mosaic.version = 14 : i64} {
  func.func @_sc_scatter_body(%arg0: i32, %arg1: i32, %arg2: memref<163840x128xf32, #tpu.memory_space<hbm>>, %arg3: memref<1280x128xi32, #tpu.memory_space<hbm>>, %arg4: memref<10240x128xf32, #tpu.memory_space<hbm>>, %arg5: memref<10000x128xf32, #tpu.memory_space<hbm>>, %arg6: memref<10000x128xf32, #tpu.memory_space<hbm>>, %arg7: memref<40x128xi32, #tpu.memory_space<vmem>>, %arg8: memref<256x128xf32, #tpu.memory_space<vmem>>, %arg9: memref<10240x128xf32, #tpu.memory_space<vmem_shared>>, %arg10: memref<!tpu.dma_semaphore, #tpu.memory_space<semaphore_mem>>) attributes {dimension_semantics = [#tpu.dimension_semantics<core_parallel>, #tpu.dimension_semantics<subcore_parallel>], iteration_bounds = array<i64: 2, 16>, scalar_prefetch = 0 : i64, scratch_operands = 4 : i64, tpu.core_type = #tpu.core_type<sc_vector_subcore>, window_params = [{transform_indices = #map}, {transform_indices = #map}, {transform_indices = #map}, {transform_indices = #map}, {transform_indices = #map}]} {
    %mul3A = arith.constant 640 : i32
    %mul3A_0 = arith.muli %arg1, %mul3A : i32
    %mul3A_1 = arith.constant 640 : i32
    %mul3A_2 = arith.muli %arg1, %mul3A_1 : i32
    "tpu.region"() ({
      %run_scoped3A = tpu.sem_alloc : memref<!tpu.dma_semaphore, #tpu.memory_space<semaphore_mem>>
      %dma_start3A = arith.constant 0 : i32
      %dma_start3A_25 = tpu.memref_slice %arg9[%mul3A_2, %dma_start3A] : memref<10240x128xf32, #tpu.memory_space<vmem_shared>> -> memref<640x128xf32, #tpu.memory_space<vmem_shared>>
      %dma_start3A_26 = arith.constant 0 : i32
      %dma_start3A_27 = tpu.memref_slice %arg4[%mul3A_0, %dma_start3A_26] : memref<10240x128xf32, #tpu.memory_space<hbm>> -> memref<640x128xf32, #tpu.memory_space<hbm>>
      tpu.enqueue_dma source(%dma_start3A_27 : memref<640x128xf32, #tpu.memory_space<hbm>>) target(%dma_start3A_25 : memref<640x128xf32, #tpu.memory_space<vmem_shared>>) target_semaphore(%run_scoped3A : memref<!tpu.dma_semaphore, #tpu.memory_space<semaphore_mem>>)
      %dma_wait3A = arith.constant 0 : i32
      %dma_wait3A_28 = tpu.memref_slice %arg9[%mul3A_2, %dma_wait3A] : memref<10240x128xf32, #tpu.memory_space<vmem_shared>> -> memref<640x128xf32, #tpu.memory_space<vmem_shared>>
      %dma_wait3A_29 = arith.constant 0 : i32
      %dma_wait3A_30 = tpu.memref_slice %arg4[%mul3A_0, %dma_wait3A_29] : memref<10240x128xf32, #tpu.memory_space<hbm>> -> memref<640x128xf32, #tpu.memory_space<hbm>>
      tpu.wait_dma2 semaphore(%run_scoped3A : memref<!tpu.dma_semaphore, #tpu.memory_space<semaphore_mem>>) src(%dma_wait3A_30 : memref<640x128xf32, #tpu.memory_space<hbm>>) dst(%dma_wait3A_28 : memref<640x128xf32, #tpu.memory_space<vmem_shared>>)
      tpu.yield
    }) : () -> ()
    %mul3A_3 = arith.constant 640 : i32
    %mul3A_4 = arith.muli %arg0, %mul3A_3 : i32
    %mul3A_5 = arith.constant 40 : i32
    %mul3A_6 = arith.muli %arg1, %mul3A_5 : i32
    %add3A = arith.addi %mul3A_4, %mul3A_6 : i32
    "tpu.region"() ({
      %run_scoped3A = tpu.sem_alloc : memref<!tpu.dma_semaphore, #tpu.memory_space<semaphore_mem>>
      %dma_start3A = arith.constant 0 : i32
      %dma_start3A_25 = tpu.memref_slice %arg3[%add3A, %dma_start3A] : memref<1280x128xi32, #tpu.memory_space<hbm>> -> memref<40x128xi32, #tpu.memory_space<hbm>>
      %dma_start3A_26 = arith.constant 0 : i32
      %dma_start3A_27 = tpu.memref_slice %arg3[%add3A, %dma_start3A_26] : memref<1280x128xi32, #tpu.memory_space<hbm>> -> memref<40x128xi32, #tpu.memory_space<hbm>>
      tpu.enqueue_dma source(%dma_start3A_27 : memref<40x128xi32, #tpu.memory_space<hbm>>) target(%arg7 : memref<40x128xi32, #tpu.memory_space<vmem>>) target_semaphore(%run_scoped3A : memref<!tpu.dma_semaphore, #tpu.memory_space<semaphore_mem>>)
      %dma_wait3A = arith.constant 0 : i32
      %dma_wait3A_28 = tpu.memref_slice %arg3[%add3A, %dma_wait3A] : memref<1280x128xi32, #tpu.memory_space<hbm>> -> memref<40x128xi32, #tpu.memory_space<hbm>>
      %dma_wait3A_29 = arith.constant 0 : i32
      %dma_wait3A_30 = tpu.memref_slice %arg3[%add3A, %dma_wait3A_29] : memref<1280x128xi32, #tpu.memory_space<hbm>> -> memref<40x128xi32, #tpu.memory_space<hbm>>
      tpu.wait_dma2 semaphore(%run_scoped3A : memref<!tpu.dma_semaphore, #tpu.memory_space<semaphore_mem>>) src(%dma_wait3A_30 : memref<40x128xi32, #tpu.memory_space<hbm>>) dst(%arg7 : memref<40x128xi32, #tpu.memory_space<vmem>>)
      tpu.yield
    }) : () -> ()
    %barrier3A = arith.constant 0 : index
    tpu.barrier barrier_id(%barrier3A)
    %mul3A_7 = arith.constant 16 : i32
    %mul3A_8 = arith.muli %arg0, %mul3A_7 : i32
    %add3A_9 = arith.addi %mul3A_8, %arg1 : i32
    %mul3A_10 = arith.constant 5120 : i32
    %mul3A_11 = arith.muli %add3A_9, %mul3A_10 : i32
    %scan3A = arith.constant 0 : i32
    %scan3A_12 = arith.constant 0 : i32
    %scan3A_13 = arith.constant 20 : i32
    %scan3A_14 = arith.addi %scan3A_12, %scan3A_13 : i32
    %scan3A_15 = arith.constant 1 : i32
    scf.for %scan3A_25 = %scan3A_12 to %scan3A_14 step %scan3A_15  : i32 {
      %mul3A_26 = arith.constant 256 : i32
      %mul3A_27 = arith.muli %scan3A_25, %mul3A_26 : i32
      %add3A_28 = arith.addi %mul3A_11, %mul3A_27 : i32
      %add3A_29 = arith.constant 0 : i32
      %add3A_30 = arith.addi %add3A_28, %add3A_29 : i32
      %dma_start3A = arith.constant 0 : i32
      %dma_start3A_31 = arith.constant 0 : i32
      %dma_start3A_32 = tpu.memref_slice %arg8[%dma_start3A, %dma_start3A_31] : memref<256x128xf32, #tpu.memory_space<vmem>> -> memref<128x128xf32, #tpu.memory_space<vmem>>
      %dma_start3A_33 = arith.constant 0 : i32
      %dma_start3A_34 = tpu.memref_slice %arg2[%add3A_30, %dma_start3A_33] : memref<163840x128xf32, #tpu.memory_space<hbm>> -> memref<128x128xf32, #tpu.memory_space<hbm>>
      %dma_start3A_35 = arith.constant 0 : i32
      %dma_start3A_36 = arith.constant 0 : i32
      %dma_start3A_37 = tpu.memref_slice %arg8[%dma_start3A_35, %dma_start3A_36] : memref<256x128xf32, #tpu.memory_space<vmem>> -> memref<128x128xf32, #tpu.memory_space<vmem>>
      %dma_start3A_38 = arith.constant 0 : i32
      %dma_start3A_39 = tpu.memref_slice %arg2[%add3A_30, %dma_start3A_38] : memref<163840x128xf32, #tpu.memory_space<hbm>> -> memref<128x128xf32, #tpu.memory_space<hbm>>
      tpu.enqueue_dma source(%dma_start3A_39 : memref<128x128xf32, #tpu.memory_space<hbm>>) target(%dma_start3A_37 : memref<128x128xf32, #tpu.memory_space<vmem>>) target_semaphore(%arg10 : memref<!tpu.dma_semaphore, #tpu.memory_space<semaphore_mem>>)
      %add3A_40 = arith.addi %mul3A_11, %mul3A_27 : i32
      %add3A_41 = arith.constant 128 : i32
      %add3A_42 = arith.addi %add3A_40, %add3A_41 : i32
      %dma_start3A_43 = arith.constant 128 : i32
      %dma_start3A_44 = arith.constant 0 : i32
      %dma_start3A_45 = tpu.memref_slice %arg8[%dma_start3A_43, %dma_start3A_44] : memref<256x128xf32, #tpu.memory_space<vmem>> -> memref<128x128xf32, #tpu.memory_space<vmem>>
      %dma_start3A_46 = arith.constant 0 : i32
      %dma_start3A_47 = tpu.memref_slice %arg2[%add3A_42, %dma_start3A_46] : memref<163840x128xf32, #tpu.memory_space<hbm>> -> memref<128x128xf32, #tpu.memory_space<hbm>>
      %dma_start3A_48 = arith.constant 128 : i32
      %dma_start3A_49 = arith.constant 0 : i32
      %dma_start3A_50 = tpu.memref_slice %arg8[%dma_start3A_48, %dma_start3A_49] : memref<256x128xf32, #tpu.memory_space<vmem>> -> memref<128x128xf32, #tpu.memory_space<vmem>>
      %dma_start3A_51 = arith.constant 0 : i32
      %dma_start3A_52 = tpu.memref_slice %arg2[%add3A_42, %dma_start3A_51] : memref<163840x128xf32, #tpu.memory_space<hbm>> -> memref<128x128xf32, #tpu.memory_space<hbm>>
      tpu.enqueue_dma source(%dma_start3A_52 : memref<128x128xf32, #tpu.memory_space<hbm>>) target(%dma_start3A_50 : memref<128x128xf32, #tpu.memory_space<vmem>>) target_semaphore(%arg10 : memref<!tpu.dma_semaphore, #tpu.memory_space<semaphore_mem>>)
      %dma_wait3A = arith.constant 0 : i32
      %dma_wait3A_53 = arith.constant 0 : i32
      %dma_wait3A_54 = tpu.memref_slice %arg8[%dma_wait3A, %dma_wait3A_53] : memref<256x128xf32, #tpu.memory_space<vmem>> -> memref<128x128xf32, #tpu.memory_space<vmem>>
      %dma_wait3A_55 = arith.constant 0 : i32
      %dma_wait3A_56 = tpu.memref_slice %arg2[%add3A_30, %dma_wait3A_55] : memref<163840x128xf32, #tpu.memory_space<hbm>> -> memref<128x128xf32, #tpu.memory_space<hbm>>
      %dma_wait3A_57 = arith.constant 0 : i32
      %dma_wait3A_58 = arith.constant 0 : i32
      %dma_wait3A_59 = tpu.memref_slice %arg8[%dma_wait3A_57, %dma_wait3A_58] : memref<256x128xf32, #tpu.memory_space<vmem>> -> memref<128x128xf32, #tpu.memory_space<vmem>>
      %dma_wait3A_60 = arith.constant 0 : i32
      %dma_wait3A_61 = tpu.memref_slice %arg2[%add3A_30, %dma_wait3A_60] : memref<163840x128xf32, #tpu.memory_space<hbm>> -> memref<128x128xf32, #tpu.memory_space<hbm>>
      tpu.wait_dma2 semaphore(%arg10 : memref<!tpu.dma_semaphore, #tpu.memory_space<semaphore_mem>>) src(%dma_wait3A_61 : memref<128x128xf32, #tpu.memory_space<hbm>>) dst(%dma_wait3A_59 : memref<128x128xf32, #tpu.memory_space<vmem>>)
      %dma_wait3A_62 = arith.constant 128 : i32
      %dma_wait3A_63 = arith.constant 0 : i32
      %dma_wait3A_64 = tpu.memref_slice %arg8[%dma_wait3A_62, %dma_wait3A_63] : memref<256x128xf32, #tpu.memory_space<vmem>> -> memref<128x128xf32, #tpu.memory_space<vmem>>
      %dma_wait3A_65 = arith.constant 0 : i32
      %dma_wait3A_66 = tpu.memref_slice %arg2[%add3A_42, %dma_wait3A_65] : memref<163840x128xf32, #tpu.memory_space<hbm>> -> memref<128x128xf32, #tpu.memory_space<hbm>>
      %dma_wait3A_67 = arith.constant 128 : i32
      %dma_wait3A_68 = arith.constant 0 : i32
      %dma_wait3A_69 = tpu.memref_slice %arg8[%dma_wait3A_67, %dma_wait3A_68] : memref<256x128xf32, #tpu.memory_space<vmem>> -> memref<128x128xf32, #tpu.memory_space<vmem>>
      %dma_wait3A_70 = arith.constant 0 : i32
      %dma_wait3A_71 = tpu.memref_slice %arg2[%add3A_42, %dma_wait3A_70] : memref<163840x128xf32, #tpu.memory_space<hbm>> -> memref<128x128xf32, #tpu.memory_space<hbm>>
      tpu.wait_dma2 semaphore(%arg10 : memref<!tpu.dma_semaphore, #tpu.memory_space<semaphore_mem>>) src(%dma_wait3A_71 : memref<128x128xf32, #tpu.memory_space<hbm>>) dst(%dma_wait3A_69 : memref<128x128xf32, #tpu.memory_space<vmem>>)
      %mul3A_72 = arith.constant 2 : i32
      %mul3A_73 = arith.muli %scan3A_25, %mul3A_72 : i32
      %add3A_74 = arith.constant 0 : i32
      %add3A_75 = arith.addi %mul3A_73, %add3A_74 : i32
      "tpu.region"() ({
        %run_scoped3A = tpu.sem_alloc : memref<!tpu.dma_semaphore, #tpu.memory_space<semaphore_mem>>
        %dma_start3A_80 = arith.constant 0 : i32
        %dma_start3A_81 = arith.constant 0 : i32
        %dma_start3A_82 = tpu.memref_slice %arg8[%dma_start3A_80, %dma_start3A_81] : memref<256x128xf32, #tpu.memory_space<vmem>> -> memref<128x128xf32, #tpu.memory_space<vmem>>
        %dma_start3A_83 = arith.constant 0 : i32
        %dma_start3A_84 = tpu.memref_slice %arg7[%add3A_75, %dma_start3A_83] : memref<40x128xi32, #tpu.memory_space<vmem>> -> memref<1x128xi32, #tpu.memory_space<vmem>>
        %dma_start3A_85 = tpu.memref_squeeze %dma_start3A_84 : memref<1x128xi32, #tpu.memory_space<vmem>> -> memref<128xi32, #tpu.memory_space<vmem>>
        %dma_start3A_86 = arith.constant 0 : i32
        %dma_start3A_87 = arith.constant 0 : i32
        %dma_start3A_88 = tpu.memref_slice %arg9[%dma_start3A_86, %dma_start3A_87] : memref<10240x128xf32, #tpu.memory_space<vmem_shared>> -> memref<10240x128xf32, #tpu.memory_space<vmem_shared>>
        tpu.enqueue_indirect_dma source(%dma_start3A_82 : memref<128x128xf32, #tpu.memory_space<vmem>>) target(%dma_start3A_88 : memref<10240x128xf32, #tpu.memory_space<vmem_shared>>) offsets(%dma_start3A_85 : memref<128xi32, #tpu.memory_space<vmem>>) semaphore(%run_scoped3A : memref<!tpu.dma_semaphore, #tpu.memory_space<semaphore_mem>>) {add = true}
        %dma_wait3A_89 = arith.constant 0 : i32
        %dma_wait3A_90 = arith.constant 0 : i32
        %dma_wait3A_91 = tpu.memref_slice %arg8[%dma_wait3A_89, %dma_wait3A_90] : memref<256x128xf32, #tpu.memory_space<vmem>> -> memref<128x128xf32, #tpu.memory_space<vmem>>
        %dma_wait3A_92 = arith.constant 0 : i32
        %dma_wait3A_93 = tpu.memref_slice %arg7[%add3A_75, %dma_wait3A_92] : memref<40x128xi32, #tpu.memory_space<vmem>> -> memref<1x128xi32, #tpu.memory_space<vmem>>
        %dma_wait3A_94 = tpu.memref_squeeze %dma_wait3A_93 : memref<1x128xi32, #tpu.memory_space<vmem>> -> memref<128xi32, #tpu.memory_space<vmem>>
        %dma_wait3A_95 = arith.constant 0 : i32
        %dma_wait3A_96 = arith.constant 0 : i32
        %dma_wait3A_97 = tpu.memref_slice %arg9[%dma_wait3A_95, %dma_wait3A_96] : memref<10240x128xf32, #tpu.memory_space<vmem_shared>> -> memref<10240x128xf32, #tpu.memory_space<vmem_shared>>
        tpu.wait_indirect_dma semaphore(%run_scoped3A : memref<!tpu.dma_semaphore, #tpu.memory_space<semaphore_mem>>) src(%dma_wait3A_91 : memref<128x128xf32, #tpu.memory_space<vmem>>) dst(%dma_wait3A_97 : memref<10240x128xf32, #tpu.memory_space<vmem_shared>>)
        tpu.yield
      }) : () -> ()
      %mul3A_76 = arith.constant 2 : i32
      %mul3A_77 = arith.muli %scan3A_25, %mul3A_76 : i32
      %add3A_78 = arith.constant 1 : i32
      %add3A_79 = arith.addi %mul3A_77, %add3A_78 : i32
      "tpu.region"() ({
        %run_scoped3A = tpu.sem_alloc : memref<!tpu.dma_semaphore, #tpu.memory_space<semaphore_mem>>
        %dma_start3A_80 = arith.constant 128 : i32
        %dma_start3A_81 = arith.constant 0 : i32
        %dma_start3A_82 = tpu.memref_slice %arg8[%dma_start3A_80, %dma_start3A_81] : memref<256x128xf32, #tpu.memory_space<vmem>> -> memref<128x128xf32, #tpu.memory_space<vmem>>
        %dma_start3A_83 = arith.constant 0 : i32
        %dma_start3A_84 = tpu.memref_slice %arg7[%add3A_79, %dma_start3A_83] : memref<40x128xi32, #tpu.memory_space<vmem>> -> memref<1x128xi32, #tpu.memory_space<vmem>>
        %dma_start3A_85 = tpu.memref_squeeze %dma_start3A_84 : memref<1x128xi32, #tpu.memory_space<vmem>> -> memref<128xi32, #tpu.memory_space<vmem>>
        %dma_start3A_86 = arith.constant 0 : i32
        %dma_start3A_87 = arith.constant 0 : i32
        %dma_start3A_88 = tpu.memref_slice %arg9[%dma_start3A_86, %dma_start3A_87] : memref<10240x128xf32, #tpu.memory_space<vmem_shared>> -> memref<10240x128xf32, #tpu.memory_space<vmem_shared>>
        tpu.enqueue_indirect_dma source(%dma_start3A_82 : memref<128x128xf32, #tpu.memory_space<vmem>>) target(%dma_start3A_88 : memref<10240x128xf32, #tpu.memory_space<vmem_shared>>) offsets(%dma_start3A_85 : memref<128xi32, #tpu.memory_space<vmem>>) semaphore(%run_scoped3A : memref<!tpu.dma_semaphore, #tpu.memory_space<semaphore_mem>>) {add = true}
        %dma_wait3A_89 = arith.constant 128 : i32
        %dma_wait3A_90 = arith.constant 0 : i32
        %dma_wait3A_91 = tpu.memref_slice %arg8[%dma_wait3A_89, %dma_wait3A_90] : memref<256x128xf32, #tpu.memory_space<vmem>> -> memref<128x128xf32, #tpu.memory_space<vmem>>
        %dma_wait3A_92 = arith.constant 0 : i32
        %dma_wait3A_93 = tpu.memref_slice %arg7[%add3A_79, %dma_wait3A_92] : memref<40x128xi32, #tpu.memory_space<vmem>> -> memref<1x128xi32, #tpu.memory_space<vmem>>
        %dma_wait3A_94 = tpu.memref_squeeze %dma_wait3A_93 : memref<1x128xi32, #tpu.memory_space<vmem>> -> memref<128xi32, #tpu.memory_space<vmem>>
        %dma_wait3A_95 = arith.constant 0 : i32
        %dma_wait3A_96 = arith.constant 0 : i32
        %dma_wait3A_97 = tpu.memref_slice %arg9[%dma_wait3A_95, %dma_wait3A_96] : memref<10240x128xf32, #tpu.memory_space<vmem_shared>> -> memref<10240x128xf32, #tpu.memory_space<vmem_shared>>
        tpu.wait_indirect_dma semaphore(%run_scoped3A : memref<!tpu.dma_semaphore, #tpu.memory_space<semaphore_mem>>) src(%dma_wait3A_91 : memref<128x128xf32, #tpu.memory_space<vmem>>) dst(%dma_wait3A_97 : memref<10240x128xf32, #tpu.memory_space<vmem_shared>>)
        tpu.yield
      }) : () -> ()
    }
    %scan3A_16 = arith.constant 20 : i32
    %barrier3A_17 = arith.constant 0 : index
    tpu.barrier barrier_id(%barrier3A_17)
    %eq3A = arith.constant 0 : i32
    %eq3A_18 = arith.cmpi eq, %arg0, %eq3A : i32
    %convert_element_type3A = arith.extui %eq3A_18 : i1 to i32
    %cond3A = arith.constant 0 : i32
    %cond3A_19 = arith.cmpi ne, %convert_element_type3A, %cond3A : i32
    scf.if %cond3A_19 {
      %mul3A_25 = arith.constant 624 : i32
      %mul3A_26 = arith.muli %arg1, %mul3A_25 : i32
      %mul3A_27 = arith.constant 624 : i32
      %mul3A_28 = arith.muli %arg1, %mul3A_27 : i32
      "tpu.region"() ({
        %run_scoped3A = tpu.sem_alloc : memref<!tpu.dma_semaphore, #tpu.memory_space<semaphore_mem>>
        %dma_start3A = arith.constant 0 : i32
        %dma_start3A_34 = tpu.memref_slice %arg5[%mul3A_28, %dma_start3A] : memref<10000x128xf32, #tpu.memory_space<hbm>> -> memref<624x128xf32, #tpu.memory_space<hbm>>
        %dma_start3A_35 = arith.constant 0 : i32
        %dma_start3A_36 = tpu.memref_slice %arg9[%mul3A_26, %dma_start3A_35] : memref<10240x128xf32, #tpu.memory_space<vmem_shared>> -> memref<624x128xf32, #tpu.memory_space<vmem_shared>>
        tpu.enqueue_dma source(%dma_start3A_36 : memref<624x128xf32, #tpu.memory_space<vmem_shared>>) target(%dma_start3A_34 : memref<624x128xf32, #tpu.memory_space<hbm>>) target_semaphore(%run_scoped3A : memref<!tpu.dma_semaphore, #tpu.memory_space<semaphore_mem>>)
        %dma_wait3A = arith.constant 0 : i32
        %dma_wait3A_37 = tpu.memref_slice %arg5[%mul3A_28, %dma_wait3A] : memref<10000x128xf32, #tpu.memory_space<hbm>> -> memref<624x128xf32, #tpu.memory_space<hbm>>
        %dma_wait3A_38 = arith.constant 0 : i32
        %dma_wait3A_39 = tpu.memref_slice %arg9[%mul3A_26, %dma_wait3A_38] : memref<10240x128xf32, #tpu.memory_space<vmem_shared>> -> memref<624x128xf32, #tpu.memory_space<vmem_shared>>
        tpu.wait_dma2 semaphore(%run_scoped3A : memref<!tpu.dma_semaphore, #tpu.memory_space<semaphore_mem>>) src(%dma_wait3A_39 : memref<624x128xf32, #tpu.memory_space<vmem_shared>>) dst(%dma_wait3A_37 : memref<624x128xf32, #tpu.memory_space<hbm>>)
        tpu.yield
      }) : () -> ()
      %eq3A_29 = arith.constant 0 : i32
      %eq3A_30 = arith.cmpi eq, %arg1, %eq3A_29 : i32
      %convert_element_type3A_31 = arith.extui %eq3A_30 : i1 to i32
      %cond3A_32 = arith.constant 0 : i32
      %cond3A_33 = arith.cmpi ne, %convert_element_type3A_31, %cond3A_32 : i32
      scf.if %cond3A_33 {
        "tpu.region"() ({
          %run_scoped3A = tpu.sem_alloc : memref<!tpu.dma_semaphore, #tpu.memory_space<semaphore_mem>>
          %dma_start3A = arith.constant 9984 : i32
          %dma_start3A_34 = arith.constant 0 : i32
          %dma_start3A_35 = tpu.memref_slice %arg5[%dma_start3A, %dma_start3A_34] : memref<10000x128xf32, #tpu.memory_space<hbm>> -> memref<16x128xf32, #tpu.memory_space<hbm>>
          %dma_start3A_36 = arith.constant 9984 : i32
          %dma_start3A_37 = arith.constant 0 : i32
          %dma_start3A_38 = tpu.memref_slice %arg9[%dma_start3A_36, %dma_start3A_37] : memref<10240x128xf32, #tpu.memory_space<vmem_shared>> -> memref<16x128xf32, #tpu.memory_space<vmem_shared>>
          tpu.enqueue_dma source(%dma_start3A_38 : memref<16x128xf32, #tpu.memory_space<vmem_shared>>) target(%dma_start3A_35 : memref<16x128xf32, #tpu.memory_space<hbm>>) target_semaphore(%run_scoped3A : memref<!tpu.dma_semaphore, #tpu.memory_space<semaphore_mem>>)
          %dma_wait3A = arith.constant 9984 : i32
          %dma_wait3A_39 = arith.constant 0 : i32
          %dma_wait3A_40 = tpu.memref_slice %arg5[%dma_wait3A, %dma_wait3A_39] : memref<10000x128xf32, #tpu.memory_space<hbm>> -> memref<16x128xf32, #tpu.memory_space<hbm>>
          %dma_wait3A_41 = arith.constant 9984 : i32
          %dma_wait3A_42 = arith.constant 0 : i32
          %dma_wait3A_43 = tpu.memref_slice %arg9[%dma_wait3A_41, %dma_wait3A_42] : memref<10240x128xf32, #tpu.memory_space<vmem_shared>> -> memref<16x128xf32, #tpu.memory_space<vmem_shared>>
          tpu.wait_dma2 semaphore(%run_scoped3A : memref<!tpu.dma_semaphore, #tpu.memory_space<semaphore_mem>>) src(%dma_wait3A_43 : memref<16x128xf32, #tpu.memory_space<vmem_shared>>) dst(%dma_wait3A_40 : memref<16x128xf32, #tpu.memory_space<hbm>>)
          tpu.yield
        }) : () -> ()
      } else {
      }
    } else {
    }
    %eq3A_20 = arith.constant 1 : i32
    %eq3A_21 = arith.cmpi eq, %arg0, %eq3A_20 : i32
    %convert_element_type3A_22 = arith.extui %eq3A_21 : i1 to i32
    %cond3A_23 = arith.constant 0 : i32
    %cond3A_24 = arith.cmpi ne, %convert_element_type3A_22, %cond3A_23 : i32
    scf.if %cond3A_24 {
      %mul3A_25 = arith.constant 624 : i32
      %mul3A_26 = arith.muli %arg1, %mul3A_25 : i32
      %mul3A_27 = arith.constant 624 : i32
      %mul3A_28 = arith.muli %arg1, %mul3A_27 : i32
      "tpu.region"() ({
        %run_scoped3A = tpu.sem_alloc : memref<!tpu.dma_semaphore, #tpu.memory_space<semaphore_mem>>
        %dma_start3A = arith.constant 0 : i32
        %dma_start3A_34 = tpu.memref_slice %arg6[%mul3A_28, %dma_start3A] : memref<10000x128xf32, #tpu.memory_space<hbm>> -> memref<624x128xf32, #tpu.memory_space<hbm>>
        %dma_start3A_35 = arith.constant 0 : i32
        %dma_start3A_36 = tpu.memref_slice %arg9[%mul3A_26, %dma_start3A_35] : memref<10240x128xf32, #tpu.memory_space<vmem_shared>> -> memref<624x128xf32, #tpu.memory_space<vmem_shared>>
        tpu.enqueue_dma source(%dma_start3A_36 : memref<624x128xf32, #tpu.memory_space<vmem_shared>>) target(%dma_start3A_34 : memref<624x128xf32, #tpu.memory_space<hbm>>) target_semaphore(%run_scoped3A : memref<!tpu.dma_semaphore, #tpu.memory_space<semaphore_mem>>)
        %dma_wait3A = arith.constant 0 : i32
        %dma_wait3A_37 = tpu.memref_slice %arg6[%mul3A_28, %dma_wait3A] : memref<10000x128xf32, #tpu.memory_space<hbm>> -> memref<624x128xf32, #tpu.memory_space<hbm>>
        %dma_wait3A_38 = arith.constant 0 : i32
        %dma_wait3A_39 = tpu.memref_slice %arg9[%mul3A_26, %dma_wait3A_38] : memref<10240x128xf32, #tpu.memory_space<vmem_shared>> -> memref<624x128xf32, #tpu.memory_space<vmem_shared>>
        tpu.wait_dma2 semaphore(%run_scoped3A : memref<!tpu.dma_semaphore, #tpu.memory_space<semaphore_mem>>) src(%dma_wait3A_39 : memref<624x128xf32, #tpu.memory_space<vmem_shared>>) dst(%dma_wait3A_37 : memref<624x128xf32, #tpu.memory_space<hbm>>)
        tpu.yield
      }) : () -> ()
      %eq3A_29 = arith.constant 0 : i32
      %eq3A_30 = arith.cmpi eq, %arg1, %eq3A_29 : i32
      %convert_element_type3A_31 = arith.extui %eq3A_30 : i1 to i32
      %cond3A_32 = arith.constant 0 : i32
      %cond3A_33 = arith.cmpi ne, %convert_element_type3A_31, %cond3A_32 : i32
      scf.if %cond3A_33 {
        "tpu.region"() ({
          %run_scoped3A = tpu.sem_alloc : memref<!tpu.dma_semaphore, #tpu.memory_space<semaphore_mem>>
          %dma_start3A = arith.constant 9984 : i32
          %dma_start3A_34 = arith.constant 0 : i32
          %dma_start3A_35 = tpu.memref_slice %arg6[%dma_start3A, %dma_start3A_34] : memref<10000x128xf32, #tpu.memory_space<hbm>> -> memref<16x128xf32, #tpu.memory_space<hbm>>
          %dma_start3A_36 = arith.constant 9984 : i32
          %dma_start3A_37 = arith.constant 0 : i32
          %dma_start3A_38 = tpu.memref_slice %arg9[%dma_start3A_36, %dma_start3A_37] : memref<10240x128xf32, #tpu.memory_space<vmem_shared>> -> memref<16x128xf32, #tpu.memory_space<vmem_shared>>
          tpu.enqueue_dma source(%dma_start3A_38 : memref<16x128xf32, #tpu.memory_space<vmem_shared>>) target(%dma_start3A_35 : memref<16x128xf32, #tpu.memory_space<hbm>>) target_semaphore(%run_scoped3A : memref<!tpu.dma_semaphore, #tpu.memory_space<semaphore_mem>>)
          %dma_wait3A = arith.constant 9984 : i32
          %dma_wait3A_39 = arith.constant 0 : i32
          %dma_wait3A_40 = tpu.memref_slice %arg6[%dma_wait3A, %dma_wait3A_39] : memref<10000x128xf32, #tpu.memory_space<hbm>> -> memref<16x128xf32, #tpu.memory_space<hbm>>
          %dma_wait3A_41 = arith.constant 9984 : i32
          %dma_wait3A_42 = arith.constant 0 : i32
          %dma_wait3A_43 = tpu.memref_slice %arg9[%dma_wait3A_41, %dma_wait3A_42] : memref<10240x128xf32, #tpu.memory_space<vmem_shared>> -> memref<16x128xf32, #tpu.memory_space<vmem_shared>>
          tpu.wait_dma2 semaphore(%run_scoped3A : memref<!tpu.dma_semaphore, #tpu.memory_space<semaphore_mem>>) src(%dma_wait3A_43 : memref<16x128xf32, #tpu.memory_space<vmem_shared>>) dst(%dma_wait3A_40 : memref<16x128xf32, #tpu.memory_space<hbm>>)
          tpu.yield
        }) : () -> ()
      } else {
      }
    } else {
    }
    return
  }
}

#map = affine_map<(d0, d1) -> (0, 0)>
#map1 = affine_map<(d0, d1) -> (0)>
module attributes {stable_mosaic.version = 14 : i64} {
  func.func @_sc_gather_body(%arg0: i32, %arg1: i32, %arg2: memref<10000x128xf32, #tpu.memory_space<hbm>>, %arg3: memref<163840xi32, #tpu.memory_space<hbm>>, %arg4: memref<163840x128xf32, #tpu.memory_space<hbm>>, %arg5: memref<5120xi32, #tpu.memory_space<vmem>>, %arg6: memref<128x128xf32, #tpu.memory_space<vmem>>, %arg7: memref<128x128xf32, #tpu.memory_space<vmem>>, %arg8: memref<10000x128xf32, #tpu.memory_space<vmem_shared>>, %arg9: memref<!tpu.dma_semaphore, #tpu.memory_space<semaphore_mem>>, %arg10: memref<!tpu.dma_semaphore, #tpu.memory_space<semaphore_mem>>, %arg11: memref<!tpu.dma_semaphore, #tpu.memory_space<semaphore_mem>>) attributes {dimension_semantics = [#tpu.dimension_semantics<core_parallel>, #tpu.dimension_semantics<subcore_parallel>], iteration_bounds = array<i64: 2, 16>, scalar_prefetch = 0 : i64, scratch_operands = 7 : i64, tpu.core_type = #tpu.core_type<sc_vector_subcore>, window_params = [{transform_indices = #map}, {transform_indices = #map1}, {transform_indices = #map}]} {
    %mul3A = arith.constant 2 : i32
    %mul3A_0 = arith.muli %arg1, %mul3A : i32
    %add3A = arith.addi %mul3A_0, %arg0 : i32
    %mul3A_1 = arith.constant 5120 : i32
    %mul3A_2 = arith.muli %add3A, %mul3A_1 : i32
    %eq3A = arith.constant 0 : i32
    %eq3A_3 = arith.cmpi eq, %arg1, %eq3A : i32
    %convert_element_type3A = arith.extui %eq3A_3 : i1 to i32
    %cond3A = arith.constant 0 : i32
    %cond3A_4 = arith.cmpi ne, %convert_element_type3A, %cond3A : i32
    scf.if %cond3A_4 {
      "tpu.region"() ({
        %run_scoped3A = tpu.sem_alloc : memref<!tpu.dma_semaphore, #tpu.memory_space<semaphore_mem>>
        tpu.enqueue_dma source(%arg2 : memref<10000x128xf32, #tpu.memory_space<hbm>>) target(%arg8 : memref<10000x128xf32, #tpu.memory_space<vmem_shared>>) target_semaphore(%run_scoped3A : memref<!tpu.dma_semaphore, #tpu.memory_space<semaphore_mem>>)
        tpu.wait_dma2 semaphore(%run_scoped3A : memref<!tpu.dma_semaphore, #tpu.memory_space<semaphore_mem>>) src(%arg2 : memref<10000x128xf32, #tpu.memory_space<hbm>>) dst(%arg8 : memref<10000x128xf32, #tpu.memory_space<vmem_shared>>)
        tpu.yield
      }) : () -> ()
    } else {
    }
    "tpu.region"() ({
      %run_scoped3A = tpu.sem_alloc : memref<!tpu.dma_semaphore, #tpu.memory_space<semaphore_mem>>
      %dma_start3A = tpu.memref_slice %arg3[%mul3A_2] : memref<163840xi32, #tpu.memory_space<hbm>> -> memref<5120xi32, #tpu.memory_space<hbm>>
      %dma_start3A_21 = tpu.memref_slice %arg3[%mul3A_2] : memref<163840xi32, #tpu.memory_space<hbm>> -> memref<5120xi32, #tpu.memory_space<hbm>>
      tpu.enqueue_dma source(%dma_start3A_21 : memref<5120xi32, #tpu.memory_space<hbm>>) target(%arg5 : memref<5120xi32, #tpu.memory_space<vmem>>) target_semaphore(%run_scoped3A : memref<!tpu.dma_semaphore, #tpu.memory_space<semaphore_mem>>)
      %dma_wait3A_22 = tpu.memref_slice %arg3[%mul3A_2] : memref<163840xi32, #tpu.memory_space<hbm>> -> memref<5120xi32, #tpu.memory_space<hbm>>
      %dma_wait3A_23 = tpu.memref_slice %arg3[%mul3A_2] : memref<163840xi32, #tpu.memory_space<hbm>> -> memref<5120xi32, #tpu.memory_space<hbm>>
      tpu.wait_dma2 semaphore(%run_scoped3A : memref<!tpu.dma_semaphore, #tpu.memory_space<semaphore_mem>>) src(%dma_wait3A_23 : memref<5120xi32, #tpu.memory_space<hbm>>) dst(%arg5 : memref<5120xi32, #tpu.memory_space<vmem>>)
      tpu.yield
    }) : () -> ()
    %barrier3A = arith.constant 0 : index
    tpu.barrier barrier_id(%barrier3A)
    %scan3A = arith.constant 0 : i32
    %scan3A_5 = arith.constant 0 : i32
    %scan3A_6 = arith.constant 20 : i32
    %scan3A_7 = arith.addi %scan3A_5, %scan3A_6 : i32
    %scan3A_8 = arith.constant 1 : i32
    scf.for %scan3A_21 = %scan3A_5 to %scan3A_7 step %scan3A_8  : i32 {
      %gt3A = arith.constant 0 : i32
      %gt3A_22 = arith.cmpi sgt, %scan3A_21, %gt3A : i32
      %convert_element_type3A_23 = arith.extui %gt3A_22 : i1 to i32
      %cond3A_24 = arith.constant 0 : i32
      %cond3A_25 = arith.cmpi ne, %convert_element_type3A_23, %cond3A_24 : i32
      scf.if %cond3A_25 {
        %mul3A_75 = arith.constant 2 : i32
        %mul3A_76 = arith.muli %mul3A_75, %scan3A_21 : i32
        %add3A_77 = arith.constant 0 : i32
        %add3A_78 = arith.addi %mul3A_76, %add3A_77 : i32
        %mul3A_79 = arith.constant 128 : i32
        %mul3A_80 = arith.muli %add3A_78, %mul3A_79 : i32
        %add3A_81 = arith.addi %mul3A_2, %mul3A_80 : i32
        %dma_wait3A_82 = arith.constant 0 : i32
        %dma_wait3A_83 = tpu.memref_slice %arg4[%add3A_81, %dma_wait3A_82] : memref<163840x128xf32, #tpu.memory_space<hbm>> -> memref<128x128xf32, #tpu.memory_space<hbm>>
        %dma_wait3A_84 = arith.constant 0 : i32
        %dma_wait3A_85 = tpu.memref_slice %arg4[%add3A_81, %dma_wait3A_84] : memref<163840x128xf32, #tpu.memory_space<hbm>> -> memref<128x128xf32, #tpu.memory_space<hbm>>
        tpu.wait_dma2 semaphore(%arg10 : memref<!tpu.dma_semaphore, #tpu.memory_space<semaphore_mem>>) src(%arg6 : memref<128x128xf32, #tpu.memory_space<vmem>>) dst(%dma_wait3A_85 : memref<128x128xf32, #tpu.memory_space<hbm>>)
        %mul3A_86 = arith.constant 2 : i32
        %mul3A_87 = arith.muli %mul3A_86, %scan3A_21 : i32
        %add3A_88 = arith.constant 1 : i32
        %add3A_89 = arith.addi %mul3A_87, %add3A_88 : i32
        %mul3A_90 = arith.constant 128 : i32
        %mul3A_91 = arith.muli %add3A_89, %mul3A_90 : i32
        %add3A_92 = arith.addi %mul3A_2, %mul3A_91 : i32
        %dma_wait3A_93 = arith.constant 0 : i32
        %dma_wait3A_94 = tpu.memref_slice %arg4[%add3A_92, %dma_wait3A_93] : memref<163840x128xf32, #tpu.memory_space<hbm>> -> memref<128x128xf32, #tpu.memory_space<hbm>>
        %dma_wait3A_95 = arith.constant 0 : i32
        %dma_wait3A_96 = tpu.memref_slice %arg4[%add3A_92, %dma_wait3A_95] : memref<163840x128xf32, #tpu.memory_space<hbm>> -> memref<128x128xf32, #tpu.memory_space<hbm>>
        tpu.wait_dma2 semaphore(%arg11 : memref<!tpu.dma_semaphore, #tpu.memory_space<semaphore_mem>>) src(%arg7 : memref<128x128xf32, #tpu.memory_space<vmem>>) dst(%dma_wait3A_96 : memref<128x128xf32, #tpu.memory_space<hbm>>)
      } else {
      }
      %mul3A_26 = arith.constant 2 : i32
      %mul3A_27 = arith.muli %mul3A_26, %scan3A_21 : i32
      %add3A_28 = arith.constant 0 : i32
      %add3A_29 = arith.addi %mul3A_27, %add3A_28 : i32
      %mul3A_30 = arith.constant 128 : i32
      %mul3A_31 = arith.muli %add3A_29, %mul3A_30 : i32
      %dma_start3A = tpu.memref_slice %arg5[%mul3A_31] : memref<5120xi32, #tpu.memory_space<vmem>> -> memref<128xi32, #tpu.memory_space<vmem>>
      %dma_start3A_32 = arith.constant 0 : i32
      %dma_start3A_33 = arith.constant 0 : i32
      %dma_start3A_34 = tpu.memref_slice %arg8[%dma_start3A_32, %dma_start3A_33] : memref<10000x128xf32, #tpu.memory_space<vmem_shared>> -> memref<10000x128xf32, #tpu.memory_space<vmem_shared>>
      tpu.enqueue_indirect_dma source(%dma_start3A_34 : memref<10000x128xf32, #tpu.memory_space<vmem_shared>>) target(%arg6 : memref<128x128xf32, #tpu.memory_space<vmem>>) offsets(%dma_start3A : memref<128xi32, #tpu.memory_space<vmem>>) semaphore(%arg9 : memref<!tpu.dma_semaphore, #tpu.memory_space<semaphore_mem>>)
      %mul3A_35 = arith.constant 2 : i32
      %mul3A_36 = arith.muli %mul3A_35, %scan3A_21 : i32
      %add3A_37 = arith.constant 1 : i32
      %add3A_38 = arith.addi %mul3A_36, %add3A_37 : i32
      %mul3A_39 = arith.constant 128 : i32
      %mul3A_40 = arith.muli %add3A_38, %mul3A_39 : i32
      %dma_start3A_41 = tpu.memref_slice %arg5[%mul3A_40] : memref<5120xi32, #tpu.memory_space<vmem>> -> memref<128xi32, #tpu.memory_space<vmem>>
      %dma_start3A_42 = arith.constant 0 : i32
      %dma_start3A_43 = arith.constant 0 : i32
      %dma_start3A_44 = tpu.memref_slice %arg8[%dma_start3A_42, %dma_start3A_43] : memref<10000x128xf32, #tpu.memory_space<vmem_shared>> -> memref<10000x128xf32, #tpu.memory_space<vmem_shared>>
      tpu.enqueue_indirect_dma source(%dma_start3A_44 : memref<10000x128xf32, #tpu.memory_space<vmem_shared>>) target(%arg7 : memref<128x128xf32, #tpu.memory_space<vmem>>) offsets(%dma_start3A_41 : memref<128xi32, #tpu.memory_space<vmem>>) semaphore(%arg9 : memref<!tpu.dma_semaphore, #tpu.memory_space<semaphore_mem>>)
      %dma_wait3A_45 = tpu.memref_slice %arg5[%mul3A_31] : memref<5120xi32, #tpu.memory_space<vmem>> -> memref<128xi32, #tpu.memory_space<vmem>>
      %dma_wait3A_46 = arith.constant 0 : i32
      %dma_wait3A_47 = arith.constant 0 : i32
      %dma_wait3A_48 = tpu.memref_slice %arg8[%dma_wait3A_46, %dma_wait3A_47] : memref<10000x128xf32, #tpu.memory_space<vmem_shared>> -> memref<10000x128xf32, #tpu.memory_space<vmem_shared>>
      tpu.wait_indirect_dma semaphore(%arg9 : memref<!tpu.dma_semaphore, #tpu.memory_space<semaphore_mem>>) src(%dma_wait3A_48 : memref<10000x128xf32, #tpu.memory_space<vmem_shared>>) dst(%arg6 : memref<128x128xf32, #tpu.memory_space<vmem>>)
      %dma_wait3A_49 = tpu.memref_slice %arg5[%mul3A_40] : memref<5120xi32, #tpu.memory_space<vmem>> -> memref<128xi32, #tpu.memory_space<vmem>>
      %dma_wait3A_50 = arith.constant 0 : i32
      %dma_wait3A_51 = arith.constant 0 : i32
      %dma_wait3A_52 = tpu.memref_slice %arg8[%dma_wait3A_50, %dma_wait3A_51] : memref<10000x128xf32, #tpu.memory_space<vmem_shared>> -> memref<10000x128xf32, #tpu.memory_space<vmem_shared>>
      tpu.wait_indirect_dma semaphore(%arg9 : memref<!tpu.dma_semaphore, #tpu.memory_space<semaphore_mem>>) src(%dma_wait3A_52 : memref<10000x128xf32, #tpu.memory_space<vmem_shared>>) dst(%arg7 : memref<128x128xf32, #tpu.memory_space<vmem>>)
      %mul3A_53 = arith.constant 2 : i32
      %mul3A_54 = arith.muli %mul3A_53, %scan3A_21 : i32
      %add3A_55 = arith.constant 0 : i32
      %add3A_56 = arith.addi %mul3A_54, %add3A_55 : i32
      %mul3A_57 = arith.constant 128 : i32
      %mul3A_58 = arith.muli %add3A_56, %mul3A_57 : i32
      %add3A_59 = arith.addi %mul3A_2, %mul3A_58 : i32
      %dma_start3A_60 = arith.constant 0 : i32
      %dma_start3A_61 = tpu.memref_slice %arg4[%add3A_59, %dma_start3A_60] : memref<163840x128xf32, #tpu.memory_space<hbm>> -> memref<128x128xf32, #tpu.memory_space<hbm>>
      %dma_start3A_62 = arith.constant 0 : i32
      %dma_start3A_63 = tpu.memref_slice %arg4[%add3A_59, %dma_start3A_62] : memref<163840x128xf32, #tpu.memory_space<hbm>> -> memref<128x128xf32, #tpu.memory_space<hbm>>
      tpu.enqueue_dma source(%arg6 : memref<128x128xf32, #tpu.memory_space<vmem>>) target(%dma_start3A_63 : memref<128x128xf32, #tpu.memory_space<hbm>>) target_semaphore(%arg10 : memref<!tpu.dma_semaphore, #tpu.memory_space<semaphore_mem>>)
      %mul3A_64 = arith.constant 2 : i32
      %mul3A_65 = arith.muli %mul3A_64, %scan3A_21 : i32
      %add3A_66 = arith.constant 1 : i32
      %add3A_67 = arith.addi %mul3A_65, %add3A_66 : i32
      %mul3A_68 = arith.constant 128 : i32
      %mul3A_69 = arith.muli %add3A_67, %mul3A_68 : i32
      %add3A_70 = arith.addi %mul3A_2, %mul3A_69 : i32
      %dma_start3A_71 = arith.constant 0 : i32
      %dma_start3A_72 = tpu.memref_slice %arg4[%add3A_70, %dma_start3A_71] : memref<163840x128xf32, #tpu.memory_space<hbm>> -> memref<128x128xf32, #tpu.memory_space<hbm>>
      %dma_start3A_73 = arith.constant 0 : i32
      %dma_start3A_74 = tpu.memref_slice %arg4[%add3A_70, %dma_start3A_73] : memref<163840x128xf32, #tpu.memory_space<hbm>> -> memref<128x128xf32, #tpu.memory_space<hbm>>
      tpu.enqueue_dma source(%arg7 : memref<128x128xf32, #tpu.memory_space<vmem>>) target(%dma_start3A_74 : memref<128x128xf32, #tpu.memory_space<hbm>>) target_semaphore(%arg11 : memref<!tpu.dma_semaphore, #tpu.memory_space<semaphore_mem>>)
    }
    %scan3A_9 = arith.constant 20 : i32
    %dma_wait3A = arith.constant 0 : i32
    %dma_wait3A_10 = arith.constant 0 : i32
    %dma_wait3A_11 = tpu.memref_slice %arg4[%dma_wait3A, %dma_wait3A_10] : memref<163840x128xf32, #tpu.memory_space<hbm>> -> memref<128x128xf32, #tpu.memory_space<hbm>>
    %dma_wait3A_12 = arith.constant 0 : i32
    %dma_wait3A_13 = arith.constant 0 : i32
    %dma_wait3A_14 = tpu.memref_slice %arg4[%dma_wait3A_12, %dma_wait3A_13] : memref<163840x128xf32, #tpu.memory_space<hbm>> -> memref<128x128xf32, #tpu.memory_space<hbm>>
    tpu.wait_dma2 semaphore(%arg10 : memref<!tpu.dma_semaphore, #tpu.memory_space<semaphore_mem>>) src(%arg6 : memref<128x128xf32, #tpu.memory_space<vmem>>) dst(%dma_wait3A_14 : memref<128x128xf32, #tpu.memory_space<hbm>>)
    %dma_wait3A_15 = arith.constant 128 : i32
    %dma_wait3A_16 = arith.constant 0 : i32
    %dma_wait3A_17 = tpu.memref_slice %arg4[%dma_wait3A_15, %dma_wait3A_16] : memref<163840x128xf32, #tpu.memory_space<hbm>> -> memref<128x128xf32, #tpu.memory_space<hbm>>
    %dma_wait3A_18 = arith.constant 128 : i32
    %dma_wait3A_19 = arith.constant 0 : i32
    %dma_wait3A_20 = tpu.memref_slice %arg4[%dma_wait3A_18, %dma_wait3A_19] : memref<163840x128xf32, #tpu.memory_space<hbm>> -> memref<128x128xf32, #tpu.memory_space<hbm>>
    tpu.wait_dma2 semaphore(%arg11 : memref<!tpu.dma_semaphore, #tpu.memory_space<semaphore_mem>>) src(%arg7 : memref<128x128xf32, #tpu.memory_space<vmem>>) dst(%dma_wait3A_20 : memref<128x128xf32, #tpu.memory_space<hbm>>)
    return
  }
}

#map = affine_map<(d0, d1) -> (0, 0)>
module attributes {stable_mosaic.version = 14 : i64} {
  func.func @_sc_scatter_body(%arg0: i32, %arg1: i32, %arg2: memref<163840x128xf32, #tpu.memory_space<hbm>>, %arg3: memref<1280x128xi32, #tpu.memory_space<hbm>>, %arg4: memref<10240x128xf32, #tpu.memory_space<hbm>>, %arg5: memref<10000x128xf32, #tpu.memory_space<hbm>>, %arg6: memref<10000x128xf32, #tpu.memory_space<hbm>>, %arg7: memref<40x128xi32, #tpu.memory_space<vmem>>, %arg8: memref<256x128xf32, #tpu.memory_space<vmem>>, %arg9: memref<10240x128xf32, #tpu.memory_space<vmem_shared>>, %arg10: memref<!tpu.dma_semaphore, #tpu.memory_space<semaphore_mem>>) attributes {dimension_semantics = [#tpu.dimension_semantics<core_parallel>, #tpu.dimension_semantics<subcore_parallel>], iteration_bounds = array<i64: 2, 16>, scalar_prefetch = 0 : i64, scratch_operands = 4 : i64, tpu.core_type = #tpu.core_type<sc_vector_subcore>, window_params = [{transform_indices = #map}, {transform_indices = #map}, {transform_indices = #map}, {transform_indices = #map}, {transform_indices = #map}]} {
    %mul3A = arith.constant 640 : i32
    %mul3A_0 = arith.muli %arg1, %mul3A : i32
    %mul3A_1 = arith.constant 640 : i32
    %mul3A_2 = arith.muli %arg1, %mul3A_1 : i32
    "tpu.region"() ({
      %run_scoped3A = tpu.sem_alloc : memref<!tpu.dma_semaphore, #tpu.memory_space<semaphore_mem>>
      %dma_start3A = arith.constant 0 : i32
      %dma_start3A_25 = tpu.memref_slice %arg9[%mul3A_2, %dma_start3A] : memref<10240x128xf32, #tpu.memory_space<vmem_shared>> -> memref<640x128xf32, #tpu.memory_space<vmem_shared>>
      %dma_start3A_26 = arith.constant 0 : i32
      %dma_start3A_27 = tpu.memref_slice %arg4[%mul3A_0, %dma_start3A_26] : memref<10240x128xf32, #tpu.memory_space<hbm>> -> memref<640x128xf32, #tpu.memory_space<hbm>>
      tpu.enqueue_dma source(%dma_start3A_27 : memref<640x128xf32, #tpu.memory_space<hbm>>) target(%dma_start3A_25 : memref<640x128xf32, #tpu.memory_space<vmem_shared>>) target_semaphore(%run_scoped3A : memref<!tpu.dma_semaphore, #tpu.memory_space<semaphore_mem>>)
      %dma_wait3A = arith.constant 0 : i32
      %dma_wait3A_28 = tpu.memref_slice %arg9[%mul3A_2, %dma_wait3A] : memref<10240x128xf32, #tpu.memory_space<vmem_shared>> -> memref<640x128xf32, #tpu.memory_space<vmem_shared>>
      %dma_wait3A_29 = arith.constant 0 : i32
      %dma_wait3A_30 = tpu.memref_slice %arg4[%mul3A_0, %dma_wait3A_29] : memref<10240x128xf32, #tpu.memory_space<hbm>> -> memref<640x128xf32, #tpu.memory_space<hbm>>
      tpu.wait_dma2 semaphore(%run_scoped3A : memref<!tpu.dma_semaphore, #tpu.memory_space<semaphore_mem>>) src(%dma_wait3A_30 : memref<640x128xf32, #tpu.memory_space<hbm>>) dst(%dma_wait3A_28 : memref<640x128xf32, #tpu.memory_space<vmem_shared>>)
      tpu.yield
    }) : () -> ()
    %mul3A_3 = arith.constant 640 : i32
    %mul3A_4 = arith.muli %arg0, %mul3A_3 : i32
    %mul3A_5 = arith.constant 40 : i32
    %mul3A_6 = arith.muli %arg1, %mul3A_5 : i32
    %add3A = arith.addi %mul3A_4, %mul3A_6 : i32
    "tpu.region"() ({
      %run_scoped3A = tpu.sem_alloc : memref<!tpu.dma_semaphore, #tpu.memory_space<semaphore_mem>>
      %dma_start3A = arith.constant 0 : i32
      %dma_start3A_25 = tpu.memref_slice %arg3[%add3A, %dma_start3A] : memref<1280x128xi32, #tpu.memory_space<hbm>> -> memref<40x128xi32, #tpu.memory_space<hbm>>
      %dma_start3A_26 = arith.constant 0 : i32
      %dma_start3A_27 = tpu.memref_slice %arg3[%add3A, %dma_start3A_26] : memref<1280x128xi32, #tpu.memory_space<hbm>> -> memref<40x128xi32, #tpu.memory_space<hbm>>
      tpu.enqueue_dma source(%dma_start3A_27 : memref<40x128xi32, #tpu.memory_space<hbm>>) target(%arg7 : memref<40x128xi32, #tpu.memory_space<vmem>>) target_semaphore(%run_scoped3A : memref<!tpu.dma_semaphore, #tpu.memory_space<semaphore_mem>>)
      %dma_wait3A = arith.constant 0 : i32
      %dma_wait3A_28 = tpu.memref_slice %arg3[%add3A, %dma_wait3A] : memref<1280x128xi32, #tpu.memory_space<hbm>> -> memref<40x128xi32, #tpu.memory_space<hbm>>
      %dma_wait3A_29 = arith.constant 0 : i32
      %dma_wait3A_30 = tpu.memref_slice %arg3[%add3A, %dma_wait3A_29] : memref<1280x128xi32, #tpu.memory_space<hbm>> -> memref<40x128xi32, #tpu.memory_space<hbm>>
      tpu.wait_dma2 semaphore(%run_scoped3A : memref<!tpu.dma_semaphore, #tpu.memory_space<semaphore_mem>>) src(%dma_wait3A_30 : memref<40x128xi32, #tpu.memory_space<hbm>>) dst(%arg7 : memref<40x128xi32, #tpu.memory_space<vmem>>)
      tpu.yield
    }) : () -> ()
    %barrier3A = arith.constant 0 : index
    tpu.barrier barrier_id(%barrier3A)
    %mul3A_7 = arith.constant 16 : i32
    %mul3A_8 = arith.muli %arg0, %mul3A_7 : i32
    %add3A_9 = arith.addi %mul3A_8, %arg1 : i32
    %mul3A_10 = arith.constant 5120 : i32
    %mul3A_11 = arith.muli %add3A_9, %mul3A_10 : i32
    %scan3A = arith.constant 0 : i32
    %scan3A_12 = arith.constant 0 : i32
    %scan3A_13 = arith.constant 20 : i32
    %scan3A_14 = arith.addi %scan3A_12, %scan3A_13 : i32
    %scan3A_15 = arith.constant 1 : i32
    scf.for %scan3A_25 = %scan3A_12 to %scan3A_14 step %scan3A_15  : i32 {
      %mul3A_26 = arith.constant 256 : i32
      %mul3A_27 = arith.muli %scan3A_25, %mul3A_26 : i32
      %add3A_28 = arith.addi %mul3A_11, %mul3A_27 : i32
      %add3A_29 = arith.constant 0 : i32
      %add3A_30 = arith.addi %add3A_28, %add3A_29 : i32
      %dma_start3A = arith.constant 0 : i32
      %dma_start3A_31 = arith.constant 0 : i32
      %dma_start3A_32 = tpu.memref_slice %arg8[%dma_start3A, %dma_start3A_31] : memref<256x128xf32, #tpu.memory_space<vmem>> -> memref<128x128xf32, #tpu.memory_space<vmem>>
      %dma_start3A_33 = arith.constant 0 : i32
      %dma_start3A_34 = tpu.memref_slice %arg2[%add3A_30, %dma_start3A_33] : memref<163840x128xf32, #tpu.memory_space<hbm>> -> memref<128x128xf32, #tpu.memory_space<hbm>>
      %dma_start3A_35 = arith.constant 0 : i32
      %dma_start3A_36 = arith.constant 0 : i32
      %dma_start3A_37 = tpu.memref_slice %arg8[%dma_start3A_35, %dma_start3A_36] : memref<256x128xf32, #tpu.memory_space<vmem>> -> memref<128x128xf32, #tpu.memory_space<vmem>>
      %dma_start3A_38 = arith.constant 0 : i32
      %dma_start3A_39 = tpu.memref_slice %arg2[%add3A_30, %dma_start3A_38] : memref<163840x128xf32, #tpu.memory_space<hbm>> -> memref<128x128xf32, #tpu.memory_space<hbm>>
      tpu.enqueue_dma source(%dma_start3A_39 : memref<128x128xf32, #tpu.memory_space<hbm>>) target(%dma_start3A_37 : memref<128x128xf32, #tpu.memory_space<vmem>>) target_semaphore(%arg10 : memref<!tpu.dma_semaphore, #tpu.memory_space<semaphore_mem>>)
      %add3A_40 = arith.addi %mul3A_11, %mul3A_27 : i32
      %add3A_41 = arith.constant 128 : i32
      %add3A_42 = arith.addi %add3A_40, %add3A_41 : i32
      %dma_start3A_43 = arith.constant 128 : i32
      %dma_start3A_44 = arith.constant 0 : i32
      %dma_start3A_45 = tpu.memref_slice %arg8[%dma_start3A_43, %dma_start3A_44] : memref<256x128xf32, #tpu.memory_space<vmem>> -> memref<128x128xf32, #tpu.memory_space<vmem>>
      %dma_start3A_46 = arith.constant 0 : i32
      %dma_start3A_47 = tpu.memref_slice %arg2[%add3A_42, %dma_start3A_46] : memref<163840x128xf32, #tpu.memory_space<hbm>> -> memref<128x128xf32, #tpu.memory_space<hbm>>
      %dma_start3A_48 = arith.constant 128 : i32
      %dma_start3A_49 = arith.constant 0 : i32
      %dma_start3A_50 = tpu.memref_slice %arg8[%dma_start3A_48, %dma_start3A_49] : memref<256x128xf32, #tpu.memory_space<vmem>> -> memref<128x128xf32, #tpu.memory_space<vmem>>
      %dma_start3A_51 = arith.constant 0 : i32
      %dma_start3A_52 = tpu.memref_slice %arg2[%add3A_42, %dma_start3A_51] : memref<163840x128xf32, #tpu.memory_space<hbm>> -> memref<128x128xf32, #tpu.memory_space<hbm>>
      tpu.enqueue_dma source(%dma_start3A_52 : memref<128x128xf32, #tpu.memory_space<hbm>>) target(%dma_start3A_50 : memref<128x128xf32, #tpu.memory_space<vmem>>) target_semaphore(%arg10 : memref<!tpu.dma_semaphore, #tpu.memory_space<semaphore_mem>>)
      %dma_wait3A = arith.constant 0 : i32
      %dma_wait3A_53 = arith.constant 0 : i32
      %dma_wait3A_54 = tpu.memref_slice %arg8[%dma_wait3A, %dma_wait3A_53] : memref<256x128xf32, #tpu.memory_space<vmem>> -> memref<128x128xf32, #tpu.memory_space<vmem>>
      %dma_wait3A_55 = arith.constant 0 : i32
      %dma_wait3A_56 = tpu.memref_slice %arg2[%add3A_30, %dma_wait3A_55] : memref<163840x128xf32, #tpu.memory_space<hbm>> -> memref<128x128xf32, #tpu.memory_space<hbm>>
      %dma_wait3A_57 = arith.constant 0 : i32
      %dma_wait3A_58 = arith.constant 0 : i32
      %dma_wait3A_59 = tpu.memref_slice %arg8[%dma_wait3A_57, %dma_wait3A_58] : memref<256x128xf32, #tpu.memory_space<vmem>> -> memref<128x128xf32, #tpu.memory_space<vmem>>
      %dma_wait3A_60 = arith.constant 0 : i32
      %dma_wait3A_61 = tpu.memref_slice %arg2[%add3A_30, %dma_wait3A_60] : memref<163840x128xf32, #tpu.memory_space<hbm>> -> memref<128x128xf32, #tpu.memory_space<hbm>>
      tpu.wait_dma2 semaphore(%arg10 : memref<!tpu.dma_semaphore, #tpu.memory_space<semaphore_mem>>) src(%dma_wait3A_61 : memref<128x128xf32, #tpu.memory_space<hbm>>) dst(%dma_wait3A_59 : memref<128x128xf32, #tpu.memory_space<vmem>>)
      %dma_wait3A_62 = arith.constant 128 : i32
      %dma_wait3A_63 = arith.constant 0 : i32
      %dma_wait3A_64 = tpu.memref_slice %arg8[%dma_wait3A_62, %dma_wait3A_63] : memref<256x128xf32, #tpu.memory_space<vmem>> -> memref<128x128xf32, #tpu.memory_space<vmem>>
      %dma_wait3A_65 = arith.constant 0 : i32
      %dma_wait3A_66 = tpu.memref_slice %arg2[%add3A_42, %dma_wait3A_65] : memref<163840x128xf32, #tpu.memory_space<hbm>> -> memref<128x128xf32, #tpu.memory_space<hbm>>
      %dma_wait3A_67 = arith.constant 128 : i32
      %dma_wait3A_68 = arith.constant 0 : i32
      %dma_wait3A_69 = tpu.memref_slice %arg8[%dma_wait3A_67, %dma_wait3A_68] : memref<256x128xf32, #tpu.memory_space<vmem>> -> memref<128x128xf32, #tpu.memory_space<vmem>>
      %dma_wait3A_70 = arith.constant 0 : i32
      %dma_wait3A_71 = tpu.memref_slice %arg2[%add3A_42, %dma_wait3A_70] : memref<163840x128xf32, #tpu.memory_space<hbm>> -> memref<128x128xf32, #tpu.memory_space<hbm>>
      tpu.wait_dma2 semaphore(%arg10 : memref<!tpu.dma_semaphore, #tpu.memory_space<semaphore_mem>>) src(%dma_wait3A_71 : memref<128x128xf32, #tpu.memory_space<hbm>>) dst(%dma_wait3A_69 : memref<128x128xf32, #tpu.memory_space<vmem>>)
      %mul3A_72 = arith.constant 2 : i32
      %mul3A_73 = arith.muli %scan3A_25, %mul3A_72 : i32
      %add3A_74 = arith.constant 0 : i32
      %add3A_75 = arith.addi %mul3A_73, %add3A_74 : i32
      "tpu.region"() ({
        %run_scoped3A = tpu.sem_alloc : memref<!tpu.dma_semaphore, #tpu.memory_space<semaphore_mem>>
        %dma_start3A_80 = arith.constant 0 : i32
        %dma_start3A_81 = arith.constant 0 : i32
        %dma_start3A_82 = tpu.memref_slice %arg8[%dma_start3A_80, %dma_start3A_81] : memref<256x128xf32, #tpu.memory_space<vmem>> -> memref<128x128xf32, #tpu.memory_space<vmem>>
        %dma_start3A_83 = arith.constant 0 : i32
        %dma_start3A_84 = tpu.memref_slice %arg7[%add3A_75, %dma_start3A_83] : memref<40x128xi32, #tpu.memory_space<vmem>> -> memref<1x128xi32, #tpu.memory_space<vmem>>
        %dma_start3A_85 = tpu.memref_squeeze %dma_start3A_84 : memref<1x128xi32, #tpu.memory_space<vmem>> -> memref<128xi32, #tpu.memory_space<vmem>>
        %dma_start3A_86 = arith.constant 0 : i32
        %dma_start3A_87 = arith.constant 0 : i32
        %dma_start3A_88 = tpu.memref_slice %arg9[%dma_start3A_86, %dma_start3A_87] : memref<10240x128xf32, #tpu.memory_space<vmem_shared>> -> memref<10240x128xf32, #tpu.memory_space<vmem_shared>>
        tpu.enqueue_indirect_dma source(%dma_start3A_82 : memref<128x128xf32, #tpu.memory_space<vmem>>) target(%dma_start3A_88 : memref<10240x128xf32, #tpu.memory_space<vmem_shared>>) offsets(%dma_start3A_85 : memref<128xi32, #tpu.memory_space<vmem>>) semaphore(%run_scoped3A : memref<!tpu.dma_semaphore, #tpu.memory_space<semaphore_mem>>) {add = true}
        %dma_wait3A_89 = arith.constant 0 : i32
        %dma_wait3A_90 = arith.constant 0 : i32
        %dma_wait3A_91 = tpu.memref_slice %arg8[%dma_wait3A_89, %dma_wait3A_90] : memref<256x128xf32, #tpu.memory_space<vmem>> -> memref<128x128xf32, #tpu.memory_space<vmem>>
        %dma_wait3A_92 = arith.constant 0 : i32
        %dma_wait3A_93 = tpu.memref_slice %arg7[%add3A_75, %dma_wait3A_92] : memref<40x128xi32, #tpu.memory_space<vmem>> -> memref<1x128xi32, #tpu.memory_space<vmem>>
        %dma_wait3A_94 = tpu.memref_squeeze %dma_wait3A_93 : memref<1x128xi32, #tpu.memory_space<vmem>> -> memref<128xi32, #tpu.memory_space<vmem>>
        %dma_wait3A_95 = arith.constant 0 : i32
        %dma_wait3A_96 = arith.constant 0 : i32
        %dma_wait3A_97 = tpu.memref_slice %arg9[%dma_wait3A_95, %dma_wait3A_96] : memref<10240x128xf32, #tpu.memory_space<vmem_shared>> -> memref<10240x128xf32, #tpu.memory_space<vmem_shared>>
        tpu.wait_indirect_dma semaphore(%run_scoped3A : memref<!tpu.dma_semaphore, #tpu.memory_space<semaphore_mem>>) src(%dma_wait3A_91 : memref<128x128xf32, #tpu.memory_space<vmem>>) dst(%dma_wait3A_97 : memref<10240x128xf32, #tpu.memory_space<vmem_shared>>)
        tpu.yield
      }) : () -> ()
      %mul3A_76 = arith.constant 2 : i32
      %mul3A_77 = arith.muli %scan3A_25, %mul3A_76 : i32
      %add3A_78 = arith.constant 1 : i32
      %add3A_79 = arith.addi %mul3A_77, %add3A_78 : i32
      "tpu.region"() ({
        %run_scoped3A = tpu.sem_alloc : memref<!tpu.dma_semaphore, #tpu.memory_space<semaphore_mem>>
        %dma_start3A_80 = arith.constant 128 : i32
        %dma_start3A_81 = arith.constant 0 : i32
        %dma_start3A_82 = tpu.memref_slice %arg8[%dma_start3A_80, %dma_start3A_81] : memref<256x128xf32, #tpu.memory_space<vmem>> -> memref<128x128xf32, #tpu.memory_space<vmem>>
        %dma_start3A_83 = arith.constant 0 : i32
        %dma_start3A_84 = tpu.memref_slice %arg7[%add3A_79, %dma_start3A_83] : memref<40x128xi32, #tpu.memory_space<vmem>> -> memref<1x128xi32, #tpu.memory_space<vmem>>
        %dma_start3A_85 = tpu.memref_squeeze %dma_start3A_84 : memref<1x128xi32, #tpu.memory_space<vmem>> -> memref<128xi32, #tpu.memory_space<vmem>>
        %dma_start3A_86 = arith.constant 0 : i32
        %dma_start3A_87 = arith.constant 0 : i32
        %dma_start3A_88 = tpu.memref_slice %arg9[%dma_start3A_86, %dma_start3A_87] : memref<10240x128xf32, #tpu.memory_space<vmem_shared>> -> memref<10240x128xf32, #tpu.memory_space<vmem_shared>>
        tpu.enqueue_indirect_dma source(%dma_start3A_82 : memref<128x128xf32, #tpu.memory_space<vmem>>) target(%dma_start3A_88 : memref<10240x128xf32, #tpu.memory_space<vmem_shared>>) offsets(%dma_start3A_85 : memref<128xi32, #tpu.memory_space<vmem>>) semaphore(%run_scoped3A : memref<!tpu.dma_semaphore, #tpu.memory_space<semaphore_mem>>) {add = true}
        %dma_wait3A_89 = arith.constant 128 : i32
        %dma_wait3A_90 = arith.constant 0 : i32
        %dma_wait3A_91 = tpu.memref_slice %arg8[%dma_wait3A_89, %dma_wait3A_90] : memref<256x128xf32, #tpu.memory_space<vmem>> -> memref<128x128xf32, #tpu.memory_space<vmem>>
        %dma_wait3A_92 = arith.constant 0 : i32
        %dma_wait3A_93 = tpu.memref_slice %arg7[%add3A_79, %dma_wait3A_92] : memref<40x128xi32, #tpu.memory_space<vmem>> -> memref<1x128xi32, #tpu.memory_space<vmem>>
        %dma_wait3A_94 = tpu.memref_squeeze %dma_wait3A_93 : memref<1x128xi32, #tpu.memory_space<vmem>> -> memref<128xi32, #tpu.memory_space<vmem>>
        %dma_wait3A_95 = arith.constant 0 : i32
        %dma_wait3A_96 = arith.constant 0 : i32
        %dma_wait3A_97 = tpu.memref_slice %arg9[%dma_wait3A_95, %dma_wait3A_96] : memref<10240x128xf32, #tpu.memory_space<vmem_shared>> -> memref<10240x128xf32, #tpu.memory_space<vmem_shared>>
        tpu.wait_indirect_dma semaphore(%run_scoped3A : memref<!tpu.dma_semaphore, #tpu.memory_space<semaphore_mem>>) src(%dma_wait3A_91 : memref<128x128xf32, #tpu.memory_space<vmem>>) dst(%dma_wait3A_97 : memref<10240x128xf32, #tpu.memory_space<vmem_shared>>)
        tpu.yield
      }) : () -> ()
    }
    %scan3A_16 = arith.constant 20 : i32
    %barrier3A_17 = arith.constant 0 : index
    tpu.barrier barrier_id(%barrier3A_17)
    %eq3A = arith.constant 0 : i32
    %eq3A_18 = arith.cmpi eq, %arg0, %eq3A : i32
    %convert_element_type3A = arith.extui %eq3A_18 : i1 to i32
    %cond3A = arith.constant 0 : i32
    %cond3A_19 = arith.cmpi ne, %convert_element_type3A, %cond3A : i32
    scf.if %cond3A_19 {
      %mul3A_25 = arith.constant 624 : i32
      %mul3A_26 = arith.muli %arg1, %mul3A_25 : i32
      %mul3A_27 = arith.constant 624 : i32
      %mul3A_28 = arith.muli %arg1, %mul3A_27 : i32
      "tpu.region"() ({
        %run_scoped3A = tpu.sem_alloc : memref<!tpu.dma_semaphore, #tpu.memory_space<semaphore_mem>>
        %dma_start3A = arith.constant 0 : i32
        %dma_start3A_34 = tpu.memref_slice %arg5[%mul3A_28, %dma_start3A] : memref<10000x128xf32, #tpu.memory_space<hbm>> -> memref<624x128xf32, #tpu.memory_space<hbm>>
        %dma_start3A_35 = arith.constant 0 : i32
        %dma_start3A_36 = tpu.memref_slice %arg9[%mul3A_26, %dma_start3A_35] : memref<10240x128xf32, #tpu.memory_space<vmem_shared>> -> memref<624x128xf32, #tpu.memory_space<vmem_shared>>
        tpu.enqueue_dma source(%dma_start3A_36 : memref<624x128xf32, #tpu.memory_space<vmem_shared>>) target(%dma_start3A_34 : memref<624x128xf32, #tpu.memory_space<hbm>>) target_semaphore(%run_scoped3A : memref<!tpu.dma_semaphore, #tpu.memory_space<semaphore_mem>>)
        %dma_wait3A = arith.constant 0 : i32
        %dma_wait3A_37 = tpu.memref_slice %arg5[%mul3A_28, %dma_wait3A] : memref<10000x128xf32, #tpu.memory_space<hbm>> -> memref<624x128xf32, #tpu.memory_space<hbm>>
        %dma_wait3A_38 = arith.constant 0 : i32
        %dma_wait3A_39 = tpu.memref_slice %arg9[%mul3A_26, %dma_wait3A_38] : memref<10240x128xf32, #tpu.memory_space<vmem_shared>> -> memref<624x128xf32, #tpu.memory_space<vmem_shared>>
        tpu.wait_dma2 semaphore(%run_scoped3A : memref<!tpu.dma_semaphore, #tpu.memory_space<semaphore_mem>>) src(%dma_wait3A_39 : memref<624x128xf32, #tpu.memory_space<vmem_shared>>) dst(%dma_wait3A_37 : memref<624x128xf32, #tpu.memory_space<hbm>>)
        tpu.yield
      }) : () -> ()
      %eq3A_29 = arith.constant 0 : i32
      %eq3A_30 = arith.cmpi eq, %arg1, %eq3A_29 : i32
      %convert_element_type3A_31 = arith.extui %eq3A_30 : i1 to i32
      %cond3A_32 = arith.constant 0 : i32
      %cond3A_33 = arith.cmpi ne, %convert_element_type3A_31, %cond3A_32 : i32
      scf.if %cond3A_33 {
        "tpu.region"() ({
          %run_scoped3A = tpu.sem_alloc : memref<!tpu.dma_semaphore, #tpu.memory_space<semaphore_mem>>
          %dma_start3A = arith.constant 9984 : i32
          %dma_start3A_34 = arith.constant 0 : i32
          %dma_start3A_35 = tpu.memref_slice %arg5[%dma_start3A, %dma_start3A_34] : memref<10000x128xf32, #tpu.memory_space<hbm>> -> memref<16x128xf32, #tpu.memory_space<hbm>>
          %dma_start3A_36 = arith.constant 9984 : i32
          %dma_start3A_37 = arith.constant 0 : i32
          %dma_start3A_38 = tpu.memref_slice %arg9[%dma_start3A_36, %dma_start3A_37] : memref<10240x128xf32, #tpu.memory_space<vmem_shared>> -> memref<16x128xf32, #tpu.memory_space<vmem_shared>>
          tpu.enqueue_dma source(%dma_start3A_38 : memref<16x128xf32, #tpu.memory_space<vmem_shared>>) target(%dma_start3A_35 : memref<16x128xf32, #tpu.memory_space<hbm>>) target_semaphore(%run_scoped3A : memref<!tpu.dma_semaphore, #tpu.memory_space<semaphore_mem>>)
          %dma_wait3A = arith.constant 9984 : i32
          %dma_wait3A_39 = arith.constant 0 : i32
          %dma_wait3A_40 = tpu.memref_slice %arg5[%dma_wait3A, %dma_wait3A_39] : memref<10000x128xf32, #tpu.memory_space<hbm>> -> memref<16x128xf32, #tpu.memory_space<hbm>>
          %dma_wait3A_41 = arith.constant 9984 : i32
          %dma_wait3A_42 = arith.constant 0 : i32
          %dma_wait3A_43 = tpu.memref_slice %arg9[%dma_wait3A_41, %dma_wait3A_42] : memref<10240x128xf32, #tpu.memory_space<vmem_shared>> -> memref<16x128xf32, #tpu.memory_space<vmem_shared>>
          tpu.wait_dma2 semaphore(%run_scoped3A : memref<!tpu.dma_semaphore, #tpu.memory_space<semaphore_mem>>) src(%dma_wait3A_43 : memref<16x128xf32, #tpu.memory_space<vmem_shared>>) dst(%dma_wait3A_40 : memref<16x128xf32, #tpu.memory_space<hbm>>)
          tpu.yield
        }) : () -> ()
      } else {
      }
    } else {
    }
    %eq3A_20 = arith.constant 1 : i32
    %eq3A_21 = arith.cmpi eq, %arg0, %eq3A_20 : i32
    %convert_element_type3A_22 = arith.extui %eq3A_21 : i1 to i32
    %cond3A_23 = arith.constant 0 : i32
    %cond3A_24 = arith.cmpi ne, %convert_element_type3A_22, %cond3A_23 : i32
    scf.if %cond3A_24 {
      %mul3A_25 = arith.constant 624 : i32
      %mul3A_26 = arith.muli %arg1, %mul3A_25 : i32
      %mul3A_27 = arith.constant 624 : i32
      %mul3A_28 = arith.muli %arg1, %mul3A_27 : i32
      "tpu.region"() ({
        %run_scoped3A = tpu.sem_alloc : memref<!tpu.dma_semaphore, #tpu.memory_space<semaphore_mem>>
        %dma_start3A = arith.constant 0 : i32
        %dma_start3A_34 = tpu.memref_slice %arg6[%mul3A_28, %dma_start3A] : memref<10000x128xf32, #tpu.memory_space<hbm>> -> memref<624x128xf32, #tpu.memory_space<hbm>>
        %dma_start3A_35 = arith.constant 0 : i32
        %dma_start3A_36 = tpu.memref_slice %arg9[%mul3A_26, %dma_start3A_35] : memref<10240x128xf32, #tpu.memory_space<vmem_shared>> -> memref<624x128xf32, #tpu.memory_space<vmem_shared>>
        tpu.enqueue_dma source(%dma_start3A_36 : memref<624x128xf32, #tpu.memory_space<vmem_shared>>) target(%dma_start3A_34 : memref<624x128xf32, #tpu.memory_space<hbm>>) target_semaphore(%run_scoped3A : memref<!tpu.dma_semaphore, #tpu.memory_space<semaphore_mem>>)
        %dma_wait3A = arith.constant 0 : i32
        %dma_wait3A_37 = tpu.memref_slice %arg6[%mul3A_28, %dma_wait3A] : memref<10000x128xf32, #tpu.memory_space<hbm>> -> memref<624x128xf32, #tpu.memory_space<hbm>>
        %dma_wait3A_38 = arith.constant 0 : i32
        %dma_wait3A_39 = tpu.memref_slice %arg9[%mul3A_26, %dma_wait3A_38] : memref<10240x128xf32, #tpu.memory_space<vmem_shared>> -> memref<624x128xf32, #tpu.memory_space<vmem_shared>>
        tpu.wait_dma2 semaphore(%run_scoped3A : memref<!tpu.dma_semaphore, #tpu.memory_space<semaphore_mem>>) src(%dma_wait3A_39 : memref<624x128xf32, #tpu.memory_space<vmem_shared>>) dst(%dma_wait3A_37 : memref<624x128xf32, #tpu.memory_space<hbm>>)
        tpu.yield
      }) : () -> ()
      %eq3A_29 = arith.constant 0 : i32
      %eq3A_30 = arith.cmpi eq, %arg1, %eq3A_29 : i32
      %convert_element_type3A_31 = arith.extui %eq3A_30 : i1 to i32
      %cond3A_32 = arith.constant 0 : i32
      %cond3A_33 = arith.cmpi ne, %convert_element_type3A_31, %cond3A_32 : i32
      scf.if %cond3A_33 {
        "tpu.region"() ({
          %run_scoped3A = tpu.sem_alloc : memref<!tpu.dma_semaphore, #tpu.memory_space<semaphore_mem>>
          %dma_start3A = arith.constant 9984 : i32
          %dma_start3A_34 = arith.constant 0 : i32
          %dma_start3A_35 = tpu.memref_slice %arg6[%dma_start3A, %dma_start3A_34] : memref<10000x128xf32, #tpu.memory_space<hbm>> -> memref<16x128xf32, #tpu.memory_space<hbm>>
          %dma_start3A_36 = arith.constant 9984 : i32
          %dma_start3A_37 = arith.constant 0 : i32
          %dma_start3A_38 = tpu.memref_slice %arg9[%dma_start3A_36, %dma_start3A_37] : memref<10240x128xf32, #tpu.memory_space<vmem_shared>> -> memref<16x128xf32, #tpu.memory_space<vmem_shared>>
          tpu.enqueue_dma source(%dma_start3A_38 : memref<16x128xf32, #tpu.memory_space<vmem_shared>>) target(%dma_start3A_35 : memref<16x128xf32, #tpu.memory_space<hbm>>) target_semaphore(%run_scoped3A : memref<!tpu.dma_semaphore, #tpu.memory_space<semaphore_mem>>)
          %dma_wait3A = arith.constant 9984 : i32
          %dma_wait3A_39 = arith.constant 0 : i32
          %dma_wait3A_40 = tpu.memref_slice %arg6[%dma_wait3A, %dma_wait3A_39] : memref<10000x128xf32, #tpu.memory_space<hbm>> -> memref<16x128xf32, #tpu.memory_space<hbm>>
          %dma_wait3A_41 = arith.constant 9984 : i32
          %dma_wait3A_42 = arith.constant 0 : i32
          %dma_wait3A_43 = tpu.memref_slice %arg9[%dma_wait3A_41, %dma_wait3A_42] : memref<10240x128xf32, #tpu.memory_space<vmem_shared>> -> memref<16x128xf32, #tpu.memory_space<vmem_shared>>
          tpu.wait_dma2 semaphore(%run_scoped3A : memref<!tpu.dma_semaphore, #tpu.memory_space<semaphore_mem>>) src(%dma_wait3A_43 : memref<16x128xf32, #tpu.memory_space<vmem_shared>>) dst(%dma_wait3A_40 : memref<16x128xf32, #tpu.memory_space<hbm>>)
          tpu.yield
        }) : () -> ()
      } else {
      }
    } else {
    }
    return
  }
}

#map = affine_map<(d0, d1) -> (0, 0)>
#map1 = affine_map<(d0, d1) -> (0)>
module attributes {stable_mosaic.version = 14 : i64} {
  func.func @_sc_gather_body(%arg0: i32, %arg1: i32, %arg2: memref<10000x128xf32, #tpu.memory_space<hbm>>, %arg3: memref<163840xi32, #tpu.memory_space<hbm>>, %arg4: memref<163840x128xf32, #tpu.memory_space<hbm>>, %arg5: memref<5120xi32, #tpu.memory_space<vmem>>, %arg6: memref<128x128xf32, #tpu.memory_space<vmem>>, %arg7: memref<128x128xf32, #tpu.memory_space<vmem>>, %arg8: memref<10000x128xf32, #tpu.memory_space<vmem_shared>>, %arg9: memref<!tpu.dma_semaphore, #tpu.memory_space<semaphore_mem>>, %arg10: memref<!tpu.dma_semaphore, #tpu.memory_space<semaphore_mem>>, %arg11: memref<!tpu.dma_semaphore, #tpu.memory_space<semaphore_mem>>) attributes {dimension_semantics = [#tpu.dimension_semantics<core_parallel>, #tpu.dimension_semantics<subcore_parallel>], iteration_bounds = array<i64: 2, 16>, scalar_prefetch = 0 : i64, scratch_operands = 7 : i64, tpu.core_type = #tpu.core_type<sc_vector_subcore>, window_params = [{transform_indices = #map}, {transform_indices = #map1}, {transform_indices = #map}]} {
    %mul3A = arith.constant 2 : i32
    %mul3A_0 = arith.muli %arg1, %mul3A : i32
    %add3A = arith.addi %mul3A_0, %arg0 : i32
    %mul3A_1 = arith.constant 5120 : i32
    %mul3A_2 = arith.muli %add3A, %mul3A_1 : i32
    %eq3A = arith.constant 0 : i32
    %eq3A_3 = arith.cmpi eq, %arg1, %eq3A : i32
    %convert_element_type3A = arith.extui %eq3A_3 : i1 to i32
    %cond3A = arith.constant 0 : i32
    %cond3A_4 = arith.cmpi ne, %convert_element_type3A, %cond3A : i32
    scf.if %cond3A_4 {
      "tpu.region"() ({
        %run_scoped3A = tpu.sem_alloc : memref<!tpu.dma_semaphore, #tpu.memory_space<semaphore_mem>>
        tpu.enqueue_dma source(%arg2 : memref<10000x128xf32, #tpu.memory_space<hbm>>) target(%arg8 : memref<10000x128xf32, #tpu.memory_space<vmem_shared>>) target_semaphore(%run_scoped3A : memref<!tpu.dma_semaphore, #tpu.memory_space<semaphore_mem>>)
        tpu.wait_dma2 semaphore(%run_scoped3A : memref<!tpu.dma_semaphore, #tpu.memory_space<semaphore_mem>>) src(%arg2 : memref<10000x128xf32, #tpu.memory_space<hbm>>) dst(%arg8 : memref<10000x128xf32, #tpu.memory_space<vmem_shared>>)
        tpu.yield
      }) : () -> ()
    } else {
    }
    "tpu.region"() ({
      %run_scoped3A = tpu.sem_alloc : memref<!tpu.dma_semaphore, #tpu.memory_space<semaphore_mem>>
      %dma_start3A = tpu.memref_slice %arg3[%mul3A_2] : memref<163840xi32, #tpu.memory_space<hbm>> -> memref<5120xi32, #tpu.memory_space<hbm>>
      %dma_start3A_21 = tpu.memref_slice %arg3[%mul3A_2] : memref<163840xi32, #tpu.memory_space<hbm>> -> memref<5120xi32, #tpu.memory_space<hbm>>
      tpu.enqueue_dma source(%dma_start3A_21 : memref<5120xi32, #tpu.memory_space<hbm>>) target(%arg5 : memref<5120xi32, #tpu.memory_space<vmem>>) target_semaphore(%run_scoped3A : memref<!tpu.dma_semaphore, #tpu.memory_space<semaphore_mem>>)
      %dma_wait3A_22 = tpu.memref_slice %arg3[%mul3A_2] : memref<163840xi32, #tpu.memory_space<hbm>> -> memref<5120xi32, #tpu.memory_space<hbm>>
      %dma_wait3A_23 = tpu.memref_slice %arg3[%mul3A_2] : memref<163840xi32, #tpu.memory_space<hbm>> -> memref<5120xi32, #tpu.memory_space<hbm>>
      tpu.wait_dma2 semaphore(%run_scoped3A : memref<!tpu.dma_semaphore, #tpu.memory_space<semaphore_mem>>) src(%dma_wait3A_23 : memref<5120xi32, #tpu.memory_space<hbm>>) dst(%arg5 : memref<5120xi32, #tpu.memory_space<vmem>>)
      tpu.yield
    }) : () -> ()
    %barrier3A = arith.constant 0 : index
    tpu.barrier barrier_id(%barrier3A)
    %scan3A = arith.constant 0 : i32
    %scan3A_5 = arith.constant 0 : i32
    %scan3A_6 = arith.constant 20 : i32
    %scan3A_7 = arith.addi %scan3A_5, %scan3A_6 : i32
    %scan3A_8 = arith.constant 1 : i32
    scf.for %scan3A_21 = %scan3A_5 to %scan3A_7 step %scan3A_8  : i32 {
      %gt3A = arith.constant 0 : i32
      %gt3A_22 = arith.cmpi sgt, %scan3A_21, %gt3A : i32
      %convert_element_type3A_23 = arith.extui %gt3A_22 : i1 to i32
      %cond3A_24 = arith.constant 0 : i32
      %cond3A_25 = arith.cmpi ne, %convert_element_type3A_23, %cond3A_24 : i32
      scf.if %cond3A_25 {
        %mul3A_75 = arith.constant 2 : i32
        %mul3A_76 = arith.muli %mul3A_75, %scan3A_21 : i32
        %add3A_77 = arith.constant 0 : i32
        %add3A_78 = arith.addi %mul3A_76, %add3A_77 : i32
        %mul3A_79 = arith.constant 128 : i32
        %mul3A_80 = arith.muli %add3A_78, %mul3A_79 : i32
        %add3A_81 = arith.addi %mul3A_2, %mul3A_80 : i32
        %dma_wait3A_82 = arith.constant 0 : i32
        %dma_wait3A_83 = tpu.memref_slice %arg4[%add3A_81, %dma_wait3A_82] : memref<163840x128xf32, #tpu.memory_space<hbm>> -> memref<128x128xf32, #tpu.memory_space<hbm>>
        %dma_wait3A_84 = arith.constant 0 : i32
        %dma_wait3A_85 = tpu.memref_slice %arg4[%add3A_81, %dma_wait3A_84] : memref<163840x128xf32, #tpu.memory_space<hbm>> -> memref<128x128xf32, #tpu.memory_space<hbm>>
        tpu.wait_dma2 semaphore(%arg10 : memref<!tpu.dma_semaphore, #tpu.memory_space<semaphore_mem>>) src(%arg6 : memref<128x128xf32, #tpu.memory_space<vmem>>) dst(%dma_wait3A_85 : memref<128x128xf32, #tpu.memory_space<hbm>>)
        %mul3A_86 = arith.constant 2 : i32
        %mul3A_87 = arith.muli %mul3A_86, %scan3A_21 : i32
        %add3A_88 = arith.constant 1 : i32
        %add3A_89 = arith.addi %mul3A_87, %add3A_88 : i32
        %mul3A_90 = arith.constant 128 : i32
        %mul3A_91 = arith.muli %add3A_89, %mul3A_90 : i32
        %add3A_92 = arith.addi %mul3A_2, %mul3A_91 : i32
        %dma_wait3A_93 = arith.constant 0 : i32
        %dma_wait3A_94 = tpu.memref_slice %arg4[%add3A_92, %dma_wait3A_93] : memref<163840x128xf32, #tpu.memory_space<hbm>> -> memref<128x128xf32, #tpu.memory_space<hbm>>
        %dma_wait3A_95 = arith.constant 0 : i32
        %dma_wait3A_96 = tpu.memref_slice %arg4[%add3A_92, %dma_wait3A_95] : memref<163840x128xf32, #tpu.memory_space<hbm>> -> memref<128x128xf32, #tpu.memory_space<hbm>>
        tpu.wait_dma2 semaphore(%arg11 : memref<!tpu.dma_semaphore, #tpu.memory_space<semaphore_mem>>) src(%arg7 : memref<128x128xf32, #tpu.memory_space<vmem>>) dst(%dma_wait3A_96 : memref<128x128xf32, #tpu.memory_space<hbm>>)
      } else {
      }
      %mul3A_26 = arith.constant 2 : i32
      %mul3A_27 = arith.muli %mul3A_26, %scan3A_21 : i32
      %add3A_28 = arith.constant 0 : i32
      %add3A_29 = arith.addi %mul3A_27, %add3A_28 : i32
      %mul3A_30 = arith.constant 128 : i32
      %mul3A_31 = arith.muli %add3A_29, %mul3A_30 : i32
      %dma_start3A = tpu.memref_slice %arg5[%mul3A_31] : memref<5120xi32, #tpu.memory_space<vmem>> -> memref<128xi32, #tpu.memory_space<vmem>>
      %dma_start3A_32 = arith.constant 0 : i32
      %dma_start3A_33 = arith.constant 0 : i32
      %dma_start3A_34 = tpu.memref_slice %arg8[%dma_start3A_32, %dma_start3A_33] : memref<10000x128xf32, #tpu.memory_space<vmem_shared>> -> memref<10000x128xf32, #tpu.memory_space<vmem_shared>>
      tpu.enqueue_indirect_dma source(%dma_start3A_34 : memref<10000x128xf32, #tpu.memory_space<vmem_shared>>) target(%arg6 : memref<128x128xf32, #tpu.memory_space<vmem>>) offsets(%dma_start3A : memref<128xi32, #tpu.memory_space<vmem>>) semaphore(%arg9 : memref<!tpu.dma_semaphore, #tpu.memory_space<semaphore_mem>>)
      %mul3A_35 = arith.constant 2 : i32
      %mul3A_36 = arith.muli %mul3A_35, %scan3A_21 : i32
      %add3A_37 = arith.constant 1 : i32
      %add3A_38 = arith.addi %mul3A_36, %add3A_37 : i32
      %mul3A_39 = arith.constant 128 : i32
      %mul3A_40 = arith.muli %add3A_38, %mul3A_39 : i32
      %dma_start3A_41 = tpu.memref_slice %arg5[%mul3A_40] : memref<5120xi32, #tpu.memory_space<vmem>> -> memref<128xi32, #tpu.memory_space<vmem>>
      %dma_start3A_42 = arith.constant 0 : i32
      %dma_start3A_43 = arith.constant 0 : i32
      %dma_start3A_44 = tpu.memref_slice %arg8[%dma_start3A_42, %dma_start3A_43] : memref<10000x128xf32, #tpu.memory_space<vmem_shared>> -> memref<10000x128xf32, #tpu.memory_space<vmem_shared>>
      tpu.enqueue_indirect_dma source(%dma_start3A_44 : memref<10000x128xf32, #tpu.memory_space<vmem_shared>>) target(%arg7 : memref<128x128xf32, #tpu.memory_space<vmem>>) offsets(%dma_start3A_41 : memref<128xi32, #tpu.memory_space<vmem>>) semaphore(%arg9 : memref<!tpu.dma_semaphore, #tpu.memory_space<semaphore_mem>>)
      %dma_wait3A_45 = tpu.memref_slice %arg5[%mul3A_31] : memref<5120xi32, #tpu.memory_space<vmem>> -> memref<128xi32, #tpu.memory_space<vmem>>
      %dma_wait3A_46 = arith.constant 0 : i32
      %dma_wait3A_47 = arith.constant 0 : i32
      %dma_wait3A_48 = tpu.memref_slice %arg8[%dma_wait3A_46, %dma_wait3A_47] : memref<10000x128xf32, #tpu.memory_space<vmem_shared>> -> memref<10000x128xf32, #tpu.memory_space<vmem_shared>>
      tpu.wait_indirect_dma semaphore(%arg9 : memref<!tpu.dma_semaphore, #tpu.memory_space<semaphore_mem>>) src(%dma_wait3A_48 : memref<10000x128xf32, #tpu.memory_space<vmem_shared>>) dst(%arg6 : memref<128x128xf32, #tpu.memory_space<vmem>>)
      %dma_wait3A_49 = tpu.memref_slice %arg5[%mul3A_40] : memref<5120xi32, #tpu.memory_space<vmem>> -> memref<128xi32, #tpu.memory_space<vmem>>
      %dma_wait3A_50 = arith.constant 0 : i32
      %dma_wait3A_51 = arith.constant 0 : i32
      %dma_wait3A_52 = tpu.memref_slice %arg8[%dma_wait3A_50, %dma_wait3A_51] : memref<10000x128xf32, #tpu.memory_space<vmem_shared>> -> memref<10000x128xf32, #tpu.memory_space<vmem_shared>>
      tpu.wait_indirect_dma semaphore(%arg9 : memref<!tpu.dma_semaphore, #tpu.memory_space<semaphore_mem>>) src(%dma_wait3A_52 : memref<10000x128xf32, #tpu.memory_space<vmem_shared>>) dst(%arg7 : memref<128x128xf32, #tpu.memory_space<vmem>>)
      %mul3A_53 = arith.constant 2 : i32
      %mul3A_54 = arith.muli %mul3A_53, %scan3A_21 : i32
      %add3A_55 = arith.constant 0 : i32
      %add3A_56 = arith.addi %mul3A_54, %add3A_55 : i32
      %mul3A_57 = arith.constant 128 : i32
      %mul3A_58 = arith.muli %add3A_56, %mul3A_57 : i32
      %add3A_59 = arith.addi %mul3A_2, %mul3A_58 : i32
      %dma_start3A_60 = arith.constant 0 : i32
      %dma_start3A_61 = tpu.memref_slice %arg4[%add3A_59, %dma_start3A_60] : memref<163840x128xf32, #tpu.memory_space<hbm>> -> memref<128x128xf32, #tpu.memory_space<hbm>>
      %dma_start3A_62 = arith.constant 0 : i32
      %dma_start3A_63 = tpu.memref_slice %arg4[%add3A_59, %dma_start3A_62] : memref<163840x128xf32, #tpu.memory_space<hbm>> -> memref<128x128xf32, #tpu.memory_space<hbm>>
      tpu.enqueue_dma source(%arg6 : memref<128x128xf32, #tpu.memory_space<vmem>>) target(%dma_start3A_63 : memref<128x128xf32, #tpu.memory_space<hbm>>) target_semaphore(%arg10 : memref<!tpu.dma_semaphore, #tpu.memory_space<semaphore_mem>>)
      %mul3A_64 = arith.constant 2 : i32
      %mul3A_65 = arith.muli %mul3A_64, %scan3A_21 : i32
      %add3A_66 = arith.constant 1 : i32
      %add3A_67 = arith.addi %mul3A_65, %add3A_66 : i32
      %mul3A_68 = arith.constant 128 : i32
      %mul3A_69 = arith.muli %add3A_67, %mul3A_68 : i32
      %add3A_70 = arith.addi %mul3A_2, %mul3A_69 : i32
      %dma_start3A_71 = arith.constant 0 : i32
      %dma_start3A_72 = tpu.memref_slice %arg4[%add3A_70, %dma_start3A_71] : memref<163840x128xf32, #tpu.memory_space<hbm>> -> memref<128x128xf32, #tpu.memory_space<hbm>>
      %dma_start3A_73 = arith.constant 0 : i32
      %dma_start3A_74 = tpu.memref_slice %arg4[%add3A_70, %dma_start3A_73] : memref<163840x128xf32, #tpu.memory_space<hbm>> -> memref<128x128xf32, #tpu.memory_space<hbm>>
      tpu.enqueue_dma source(%arg7 : memref<128x128xf32, #tpu.memory_space<vmem>>) target(%dma_start3A_74 : memref<128x128xf32, #tpu.memory_space<hbm>>) target_semaphore(%arg11 : memref<!tpu.dma_semaphore, #tpu.memory_space<semaphore_mem>>)
    }
    %scan3A_9 = arith.constant 20 : i32
    %dma_wait3A = arith.constant 0 : i32
    %dma_wait3A_10 = arith.constant 0 : i32
    %dma_wait3A_11 = tpu.memref_slice %arg4[%dma_wait3A, %dma_wait3A_10] : memref<163840x128xf32, #tpu.memory_space<hbm>> -> memref<128x128xf32, #tpu.memory_space<hbm>>
    %dma_wait3A_12 = arith.constant 0 : i32
    %dma_wait3A_13 = arith.constant 0 : i32
    %dma_wait3A_14 = tpu.memref_slice %arg4[%dma_wait3A_12, %dma_wait3A_13] : memref<163840x128xf32, #tpu.memory_space<hbm>> -> memref<128x128xf32, #tpu.memory_space<hbm>>
    tpu.wait_dma2 semaphore(%arg10 : memref<!tpu.dma_semaphore, #tpu.memory_space<semaphore_mem>>) src(%arg6 : memref<128x128xf32, #tpu.memory_space<vmem>>) dst(%dma_wait3A_14 : memref<128x128xf32, #tpu.memory_space<hbm>>)
    %dma_wait3A_15 = arith.constant 128 : i32
    %dma_wait3A_16 = arith.constant 0 : i32
    %dma_wait3A_17 = tpu.memref_slice %arg4[%dma_wait3A_15, %dma_wait3A_16] : memref<163840x128xf32, #tpu.memory_space<hbm>> -> memref<128x128xf32, #tpu.memory_space<hbm>>
    %dma_wait3A_18 = arith.constant 128 : i32
    %dma_wait3A_19 = arith.constant 0 : i32
    %dma_wait3A_20 = tpu.memref_slice %arg4[%dma_wait3A_18, %dma_wait3A_19] : memref<163840x128xf32, #tpu.memory_space<hbm>> -> memref<128x128xf32, #tpu.memory_space<hbm>>
    tpu.wait_dma2 semaphore(%arg11 : memref<!tpu.dma_semaphore, #tpu.memory_space<semaphore_mem>>) src(%arg7 : memref<128x128xf32, #tpu.memory_space<vmem>>) dst(%dma_wait3A_20 : memref<128x128xf32, #tpu.memory_space<hbm>>)
    return
  }
}

#map = affine_map<(d0, d1) -> (0, 0)>
module attributes {stable_mosaic.version = 14 : i64} {
  func.func @_sc_scatter_body(%arg0: i32, %arg1: i32, %arg2: memref<163840x128xf32, #tpu.memory_space<hbm>>, %arg3: memref<1280x128xi32, #tpu.memory_space<hbm>>, %arg4: memref<10240x128xf32, #tpu.memory_space<hbm>>, %arg5: memref<10000x128xf32, #tpu.memory_space<hbm>>, %arg6: memref<10000x128xf32, #tpu.memory_space<hbm>>, %arg7: memref<40x128xi32, #tpu.memory_space<vmem>>, %arg8: memref<256x128xf32, #tpu.memory_space<vmem>>, %arg9: memref<10240x128xf32, #tpu.memory_space<vmem_shared>>, %arg10: memref<!tpu.dma_semaphore, #tpu.memory_space<semaphore_mem>>) attributes {dimension_semantics = [#tpu.dimension_semantics<core_parallel>, #tpu.dimension_semantics<subcore_parallel>], iteration_bounds = array<i64: 2, 16>, scalar_prefetch = 0 : i64, scratch_operands = 4 : i64, tpu.core_type = #tpu.core_type<sc_vector_subcore>, window_params = [{transform_indices = #map}, {transform_indices = #map}, {transform_indices = #map}, {transform_indices = #map}, {transform_indices = #map}]} {
    %mul3A = arith.constant 640 : i32
    %mul3A_0 = arith.muli %arg1, %mul3A : i32
    %mul3A_1 = arith.constant 640 : i32
    %mul3A_2 = arith.muli %arg1, %mul3A_1 : i32
    "tpu.region"() ({
      %run_scoped3A = tpu.sem_alloc : memref<!tpu.dma_semaphore, #tpu.memory_space<semaphore_mem>>
      %dma_start3A = arith.constant 0 : i32
      %dma_start3A_25 = tpu.memref_slice %arg9[%mul3A_2, %dma_start3A] : memref<10240x128xf32, #tpu.memory_space<vmem_shared>> -> memref<640x128xf32, #tpu.memory_space<vmem_shared>>
      %dma_start3A_26 = arith.constant 0 : i32
      %dma_start3A_27 = tpu.memref_slice %arg4[%mul3A_0, %dma_start3A_26] : memref<10240x128xf32, #tpu.memory_space<hbm>> -> memref<640x128xf32, #tpu.memory_space<hbm>>
      tpu.enqueue_dma source(%dma_start3A_27 : memref<640x128xf32, #tpu.memory_space<hbm>>) target(%dma_start3A_25 : memref<640x128xf32, #tpu.memory_space<vmem_shared>>) target_semaphore(%run_scoped3A : memref<!tpu.dma_semaphore, #tpu.memory_space<semaphore_mem>>)
      %dma_wait3A = arith.constant 0 : i32
      %dma_wait3A_28 = tpu.memref_slice %arg9[%mul3A_2, %dma_wait3A] : memref<10240x128xf32, #tpu.memory_space<vmem_shared>> -> memref<640x128xf32, #tpu.memory_space<vmem_shared>>
      %dma_wait3A_29 = arith.constant 0 : i32
      %dma_wait3A_30 = tpu.memref_slice %arg4[%mul3A_0, %dma_wait3A_29] : memref<10240x128xf32, #tpu.memory_space<hbm>> -> memref<640x128xf32, #tpu.memory_space<hbm>>
      tpu.wait_dma2 semaphore(%run_scoped3A : memref<!tpu.dma_semaphore, #tpu.memory_space<semaphore_mem>>) src(%dma_wait3A_30 : memref<640x128xf32, #tpu.memory_space<hbm>>) dst(%dma_wait3A_28 : memref<640x128xf32, #tpu.memory_space<vmem_shared>>)
      tpu.yield
    }) : () -> ()
    %mul3A_3 = arith.constant 640 : i32
    %mul3A_4 = arith.muli %arg0, %mul3A_3 : i32
    %mul3A_5 = arith.constant 40 : i32
    %mul3A_6 = arith.muli %arg1, %mul3A_5 : i32
    %add3A = arith.addi %mul3A_4, %mul3A_6 : i32
    "tpu.region"() ({
      %run_scoped3A = tpu.sem_alloc : memref<!tpu.dma_semaphore, #tpu.memory_space<semaphore_mem>>
      %dma_start3A = arith.constant 0 : i32
      %dma_start3A_25 = tpu.memref_slice %arg3[%add3A, %dma_start3A] : memref<1280x128xi32, #tpu.memory_space<hbm>> -> memref<40x128xi32, #tpu.memory_space<hbm>>
      %dma_start3A_26 = arith.constant 0 : i32
      %dma_start3A_27 = tpu.memref_slice %arg3[%add3A, %dma_start3A_26] : memref<1280x128xi32, #tpu.memory_space<hbm>> -> memref<40x128xi32, #tpu.memory_space<hbm>>
      tpu.enqueue_dma source(%dma_start3A_27 : memref<40x128xi32, #tpu.memory_space<hbm>>) target(%arg7 : memref<40x128xi32, #tpu.memory_space<vmem>>) target_semaphore(%run_scoped3A : memref<!tpu.dma_semaphore, #tpu.memory_space<semaphore_mem>>)
      %dma_wait3A = arith.constant 0 : i32
      %dma_wait3A_28 = tpu.memref_slice %arg3[%add3A, %dma_wait3A] : memref<1280x128xi32, #tpu.memory_space<hbm>> -> memref<40x128xi32, #tpu.memory_space<hbm>>
      %dma_wait3A_29 = arith.constant 0 : i32
      %dma_wait3A_30 = tpu.memref_slice %arg3[%add3A, %dma_wait3A_29] : memref<1280x128xi32, #tpu.memory_space<hbm>> -> memref<40x128xi32, #tpu.memory_space<hbm>>
      tpu.wait_dma2 semaphore(%run_scoped3A : memref<!tpu.dma_semaphore, #tpu.memory_space<semaphore_mem>>) src(%dma_wait3A_30 : memref<40x128xi32, #tpu.memory_space<hbm>>) dst(%arg7 : memref<40x128xi32, #tpu.memory_space<vmem>>)
      tpu.yield
    }) : () -> ()
    %barrier3A = arith.constant 0 : index
    tpu.barrier barrier_id(%barrier3A)
    %mul3A_7 = arith.constant 16 : i32
    %mul3A_8 = arith.muli %arg0, %mul3A_7 : i32
    %add3A_9 = arith.addi %mul3A_8, %arg1 : i32
    %mul3A_10 = arith.constant 5120 : i32
    %mul3A_11 = arith.muli %add3A_9, %mul3A_10 : i32
    %scan3A = arith.constant 0 : i32
    %scan3A_12 = arith.constant 0 : i32
    %scan3A_13 = arith.constant 20 : i32
    %scan3A_14 = arith.addi %scan3A_12, %scan3A_13 : i32
    %scan3A_15 = arith.constant 1 : i32
    scf.for %scan3A_25 = %scan3A_12 to %scan3A_14 step %scan3A_15  : i32 {
      %mul3A_26 = arith.constant 256 : i32
      %mul3A_27 = arith.muli %scan3A_25, %mul3A_26 : i32
      %add3A_28 = arith.addi %mul3A_11, %mul3A_27 : i32
      %add3A_29 = arith.constant 0 : i32
      %add3A_30 = arith.addi %add3A_28, %add3A_29 : i32
      %dma_start3A = arith.constant 0 : i32
      %dma_start3A_31 = arith.constant 0 : i32
      %dma_start3A_32 = tpu.memref_slice %arg8[%dma_start3A, %dma_start3A_31] : memref<256x128xf32, #tpu.memory_space<vmem>> -> memref<128x128xf32, #tpu.memory_space<vmem>>
      %dma_start3A_33 = arith.constant 0 : i32
      %dma_start3A_34 = tpu.memref_slice %arg2[%add3A_30, %dma_start3A_33] : memref<163840x128xf32, #tpu.memory_space<hbm>> -> memref<128x128xf32, #tpu.memory_space<hbm>>
      %dma_start3A_35 = arith.constant 0 : i32
      %dma_start3A_36 = arith.constant 0 : i32
      %dma_start3A_37 = tpu.memref_slice %arg8[%dma_start3A_35, %dma_start3A_36] : memref<256x128xf32, #tpu.memory_space<vmem>> -> memref<128x128xf32, #tpu.memory_space<vmem>>
      %dma_start3A_38 = arith.constant 0 : i32
      %dma_start3A_39 = tpu.memref_slice %arg2[%add3A_30, %dma_start3A_38] : memref<163840x128xf32, #tpu.memory_space<hbm>> -> memref<128x128xf32, #tpu.memory_space<hbm>>
      tpu.enqueue_dma source(%dma_start3A_39 : memref<128x128xf32, #tpu.memory_space<hbm>>) target(%dma_start3A_37 : memref<128x128xf32, #tpu.memory_space<vmem>>) target_semaphore(%arg10 : memref<!tpu.dma_semaphore, #tpu.memory_space<semaphore_mem>>)
      %add3A_40 = arith.addi %mul3A_11, %mul3A_27 : i32
      %add3A_41 = arith.constant 128 : i32
      %add3A_42 = arith.addi %add3A_40, %add3A_41 : i32
      %dma_start3A_43 = arith.constant 128 : i32
      %dma_start3A_44 = arith.constant 0 : i32
      %dma_start3A_45 = tpu.memref_slice %arg8[%dma_start3A_43, %dma_start3A_44] : memref<256x128xf32, #tpu.memory_space<vmem>> -> memref<128x128xf32, #tpu.memory_space<vmem>>
      %dma_start3A_46 = arith.constant 0 : i32
      %dma_start3A_47 = tpu.memref_slice %arg2[%add3A_42, %dma_start3A_46] : memref<163840x128xf32, #tpu.memory_space<hbm>> -> memref<128x128xf32, #tpu.memory_space<hbm>>
      %dma_start3A_48 = arith.constant 128 : i32
      %dma_start3A_49 = arith.constant 0 : i32
      %dma_start3A_50 = tpu.memref_slice %arg8[%dma_start3A_48, %dma_start3A_49] : memref<256x128xf32, #tpu.memory_space<vmem>> -> memref<128x128xf32, #tpu.memory_space<vmem>>
      %dma_start3A_51 = arith.constant 0 : i32
      %dma_start3A_52 = tpu.memref_slice %arg2[%add3A_42, %dma_start3A_51] : memref<163840x128xf32, #tpu.memory_space<hbm>> -> memref<128x128xf32, #tpu.memory_space<hbm>>
      tpu.enqueue_dma source(%dma_start3A_52 : memref<128x128xf32, #tpu.memory_space<hbm>>) target(%dma_start3A_50 : memref<128x128xf32, #tpu.memory_space<vmem>>) target_semaphore(%arg10 : memref<!tpu.dma_semaphore, #tpu.memory_space<semaphore_mem>>)
      %dma_wait3A = arith.constant 0 : i32
      %dma_wait3A_53 = arith.constant 0 : i32
      %dma_wait3A_54 = tpu.memref_slice %arg8[%dma_wait3A, %dma_wait3A_53] : memref<256x128xf32, #tpu.memory_space<vmem>> -> memref<128x128xf32, #tpu.memory_space<vmem>>
      %dma_wait3A_55 = arith.constant 0 : i32
      %dma_wait3A_56 = tpu.memref_slice %arg2[%add3A_30, %dma_wait3A_55] : memref<163840x128xf32, #tpu.memory_space<hbm>> -> memref<128x128xf32, #tpu.memory_space<hbm>>
      %dma_wait3A_57 = arith.constant 0 : i32
      %dma_wait3A_58 = arith.constant 0 : i32
      %dma_wait3A_59 = tpu.memref_slice %arg8[%dma_wait3A_57, %dma_wait3A_58] : memref<256x128xf32, #tpu.memory_space<vmem>> -> memref<128x128xf32, #tpu.memory_space<vmem>>
      %dma_wait3A_60 = arith.constant 0 : i32
      %dma_wait3A_61 = tpu.memref_slice %arg2[%add3A_30, %dma_wait3A_60] : memref<163840x128xf32, #tpu.memory_space<hbm>> -> memref<128x128xf32, #tpu.memory_space<hbm>>
      tpu.wait_dma2 semaphore(%arg10 : memref<!tpu.dma_semaphore, #tpu.memory_space<semaphore_mem>>) src(%dma_wait3A_61 : memref<128x128xf32, #tpu.memory_space<hbm>>) dst(%dma_wait3A_59 : memref<128x128xf32, #tpu.memory_space<vmem>>)
      %dma_wait3A_62 = arith.constant 128 : i32
      %dma_wait3A_63 = arith.constant 0 : i32
      %dma_wait3A_64 = tpu.memref_slice %arg8[%dma_wait3A_62, %dma_wait3A_63] : memref<256x128xf32, #tpu.memory_space<vmem>> -> memref<128x128xf32, #tpu.memory_space<vmem>>
      %dma_wait3A_65 = arith.constant 0 : i32
      %dma_wait3A_66 = tpu.memref_slice %arg2[%add3A_42, %dma_wait3A_65] : memref<163840x128xf32, #tpu.memory_space<hbm>> -> memref<128x128xf32, #tpu.memory_space<hbm>>
      %dma_wait3A_67 = arith.constant 128 : i32
      %dma_wait3A_68 = arith.constant 0 : i32
      %dma_wait3A_69 = tpu.memref_slice %arg8[%dma_wait3A_67, %dma_wait3A_68] : memref<256x128xf32, #tpu.memory_space<vmem>> -> memref<128x128xf32, #tpu.memory_space<vmem>>
      %dma_wait3A_70 = arith.constant 0 : i32
      %dma_wait3A_71 = tpu.memref_slice %arg2[%add3A_42, %dma_wait3A_70] : memref<163840x128xf32, #tpu.memory_space<hbm>> -> memref<128x128xf32, #tpu.memory_space<hbm>>
      tpu.wait_dma2 semaphore(%arg10 : memref<!tpu.dma_semaphore, #tpu.memory_space<semaphore_mem>>) src(%dma_wait3A_71 : memref<128x128xf32, #tpu.memory_space<hbm>>) dst(%dma_wait3A_69 : memref<128x128xf32, #tpu.memory_space<vmem>>)
      %mul3A_72 = arith.constant 2 : i32
      %mul3A_73 = arith.muli %scan3A_25, %mul3A_72 : i32
      %add3A_74 = arith.constant 0 : i32
      %add3A_75 = arith.addi %mul3A_73, %add3A_74 : i32
      "tpu.region"() ({
        %run_scoped3A = tpu.sem_alloc : memref<!tpu.dma_semaphore, #tpu.memory_space<semaphore_mem>>
        %dma_start3A_80 = arith.constant 0 : i32
        %dma_start3A_81 = arith.constant 0 : i32
        %dma_start3A_82 = tpu.memref_slice %arg8[%dma_start3A_80, %dma_start3A_81] : memref<256x128xf32, #tpu.memory_space<vmem>> -> memref<128x128xf32, #tpu.memory_space<vmem>>
        %dma_start3A_83 = arith.constant 0 : i32
        %dma_start3A_84 = tpu.memref_slice %arg7[%add3A_75, %dma_start3A_83] : memref<40x128xi32, #tpu.memory_space<vmem>> -> memref<1x128xi32, #tpu.memory_space<vmem>>
        %dma_start3A_85 = tpu.memref_squeeze %dma_start3A_84 : memref<1x128xi32, #tpu.memory_space<vmem>> -> memref<128xi32, #tpu.memory_space<vmem>>
        %dma_start3A_86 = arith.constant 0 : i32
        %dma_start3A_87 = arith.constant 0 : i32
        %dma_start3A_88 = tpu.memref_slice %arg9[%dma_start3A_86, %dma_start3A_87] : memref<10240x128xf32, #tpu.memory_space<vmem_shared>> -> memref<10240x128xf32, #tpu.memory_space<vmem_shared>>
        tpu.enqueue_indirect_dma source(%dma_start3A_82 : memref<128x128xf32, #tpu.memory_space<vmem>>) target(%dma_start3A_88 : memref<10240x128xf32, #tpu.memory_space<vmem_shared>>) offsets(%dma_start3A_85 : memref<128xi32, #tpu.memory_space<vmem>>) semaphore(%run_scoped3A : memref<!tpu.dma_semaphore, #tpu.memory_space<semaphore_mem>>) {add = true}
        %dma_wait3A_89 = arith.constant 0 : i32
        %dma_wait3A_90 = arith.constant 0 : i32
        %dma_wait3A_91 = tpu.memref_slice %arg8[%dma_wait3A_89, %dma_wait3A_90] : memref<256x128xf32, #tpu.memory_space<vmem>> -> memref<128x128xf32, #tpu.memory_space<vmem>>
        %dma_wait3A_92 = arith.constant 0 : i32
        %dma_wait3A_93 = tpu.memref_slice %arg7[%add3A_75, %dma_wait3A_92] : memref<40x128xi32, #tpu.memory_space<vmem>> -> memref<1x128xi32, #tpu.memory_space<vmem>>
        %dma_wait3A_94 = tpu.memref_squeeze %dma_wait3A_93 : memref<1x128xi32, #tpu.memory_space<vmem>> -> memref<128xi32, #tpu.memory_space<vmem>>
        %dma_wait3A_95 = arith.constant 0 : i32
        %dma_wait3A_96 = arith.constant 0 : i32
        %dma_wait3A_97 = tpu.memref_slice %arg9[%dma_wait3A_95, %dma_wait3A_96] : memref<10240x128xf32, #tpu.memory_space<vmem_shared>> -> memref<10240x128xf32, #tpu.memory_space<vmem_shared>>
        tpu.wait_indirect_dma semaphore(%run_scoped3A : memref<!tpu.dma_semaphore, #tpu.memory_space<semaphore_mem>>) src(%dma_wait3A_91 : memref<128x128xf32, #tpu.memory_space<vmem>>) dst(%dma_wait3A_97 : memref<10240x128xf32, #tpu.memory_space<vmem_shared>>)
        tpu.yield
      }) : () -> ()
      %mul3A_76 = arith.constant 2 : i32
      %mul3A_77 = arith.muli %scan3A_25, %mul3A_76 : i32
      %add3A_78 = arith.constant 1 : i32
      %add3A_79 = arith.addi %mul3A_77, %add3A_78 : i32
      "tpu.region"() ({
        %run_scoped3A = tpu.sem_alloc : memref<!tpu.dma_semaphore, #tpu.memory_space<semaphore_mem>>
        %dma_start3A_80 = arith.constant 128 : i32
        %dma_start3A_81 = arith.constant 0 : i32
        %dma_start3A_82 = tpu.memref_slice %arg8[%dma_start3A_80, %dma_start3A_81] : memref<256x128xf32, #tpu.memory_space<vmem>> -> memref<128x128xf32, #tpu.memory_space<vmem>>
        %dma_start3A_83 = arith.constant 0 : i32
        %dma_start3A_84 = tpu.memref_slice %arg7[%add3A_79, %dma_start3A_83] : memref<40x128xi32, #tpu.memory_space<vmem>> -> memref<1x128xi32, #tpu.memory_space<vmem>>
        %dma_start3A_85 = tpu.memref_squeeze %dma_start3A_84 : memref<1x128xi32, #tpu.memory_space<vmem>> -> memref<128xi32, #tpu.memory_space<vmem>>
        %dma_start3A_86 = arith.constant 0 : i32
        %dma_start3A_87 = arith.constant 0 : i32
        %dma_start3A_88 = tpu.memref_slice %arg9[%dma_start3A_86, %dma_start3A_87] : memref<10240x128xf32, #tpu.memory_space<vmem_shared>> -> memref<10240x128xf32, #tpu.memory_space<vmem_shared>>
        tpu.enqueue_indirect_dma source(%dma_start3A_82 : memref<128x128xf32, #tpu.memory_space<vmem>>) target(%dma_start3A_88 : memref<10240x128xf32, #tpu.memory_space<vmem_shared>>) offsets(%dma_start3A_85 : memref<128xi32, #tpu.memory_space<vmem>>) semaphore(%run_scoped3A : memref<!tpu.dma_semaphore, #tpu.memory_space<semaphore_mem>>) {add = true}
        %dma_wait3A_89 = arith.constant 128 : i32
        %dma_wait3A_90 = arith.constant 0 : i32
        %dma_wait3A_91 = tpu.memref_slice %arg8[%dma_wait3A_89, %dma_wait3A_90] : memref<256x128xf32, #tpu.memory_space<vmem>> -> memref<128x128xf32, #tpu.memory_space<vmem>>
        %dma_wait3A_92 = arith.constant 0 : i32
        %dma_wait3A_93 = tpu.memref_slice %arg7[%add3A_79, %dma_wait3A_92] : memref<40x128xi32, #tpu.memory_space<vmem>> -> memref<1x128xi32, #tpu.memory_space<vmem>>
        %dma_wait3A_94 = tpu.memref_squeeze %dma_wait3A_93 : memref<1x128xi32, #tpu.memory_space<vmem>> -> memref<128xi32, #tpu.memory_space<vmem>>
        %dma_wait3A_95 = arith.constant 0 : i32
        %dma_wait3A_96 = arith.constant 0 : i32
        %dma_wait3A_97 = tpu.memref_slice %arg9[%dma_wait3A_95, %dma_wait3A_96] : memref<10240x128xf32, #tpu.memory_space<vmem_shared>> -> memref<10240x128xf32, #tpu.memory_space<vmem_shared>>
        tpu.wait_indirect_dma semaphore(%run_scoped3A : memref<!tpu.dma_semaphore, #tpu.memory_space<semaphore_mem>>) src(%dma_wait3A_91 : memref<128x128xf32, #tpu.memory_space<vmem>>) dst(%dma_wait3A_97 : memref<10240x128xf32, #tpu.memory_space<vmem_shared>>)
        tpu.yield
      }) : () -> ()
    }
    %scan3A_16 = arith.constant 20 : i32
    %barrier3A_17 = arith.constant 0 : index
    tpu.barrier barrier_id(%barrier3A_17)
    %eq3A = arith.constant 0 : i32
    %eq3A_18 = arith.cmpi eq, %arg0, %eq3A : i32
    %convert_element_type3A = arith.extui %eq3A_18 : i1 to i32
    %cond3A = arith.constant 0 : i32
    %cond3A_19 = arith.cmpi ne, %convert_element_type3A, %cond3A : i32
    scf.if %cond3A_19 {
      %mul3A_25 = arith.constant 624 : i32
      %mul3A_26 = arith.muli %arg1, %mul3A_25 : i32
      %mul3A_27 = arith.constant 624 : i32
      %mul3A_28 = arith.muli %arg1, %mul3A_27 : i32
      "tpu.region"() ({
        %run_scoped3A = tpu.sem_alloc : memref<!tpu.dma_semaphore, #tpu.memory_space<semaphore_mem>>
        %dma_start3A = arith.constant 0 : i32
        %dma_start3A_34 = tpu.memref_slice %arg5[%mul3A_28, %dma_start3A] : memref<10000x128xf32, #tpu.memory_space<hbm>> -> memref<624x128xf32, #tpu.memory_space<hbm>>
        %dma_start3A_35 = arith.constant 0 : i32
        %dma_start3A_36 = tpu.memref_slice %arg9[%mul3A_26, %dma_start3A_35] : memref<10240x128xf32, #tpu.memory_space<vmem_shared>> -> memref<624x128xf32, #tpu.memory_space<vmem_shared>>
        tpu.enqueue_dma source(%dma_start3A_36 : memref<624x128xf32, #tpu.memory_space<vmem_shared>>) target(%dma_start3A_34 : memref<624x128xf32, #tpu.memory_space<hbm>>) target_semaphore(%run_scoped3A : memref<!tpu.dma_semaphore, #tpu.memory_space<semaphore_mem>>)
        %dma_wait3A = arith.constant 0 : i32
        %dma_wait3A_37 = tpu.memref_slice %arg5[%mul3A_28, %dma_wait3A] : memref<10000x128xf32, #tpu.memory_space<hbm>> -> memref<624x128xf32, #tpu.memory_space<hbm>>
        %dma_wait3A_38 = arith.constant 0 : i32
        %dma_wait3A_39 = tpu.memref_slice %arg9[%mul3A_26, %dma_wait3A_38] : memref<10240x128xf32, #tpu.memory_space<vmem_shared>> -> memref<624x128xf32, #tpu.memory_space<vmem_shared>>
        tpu.wait_dma2 semaphore(%run_scoped3A : memref<!tpu.dma_semaphore, #tpu.memory_space<semaphore_mem>>) src(%dma_wait3A_39 : memref<624x128xf32, #tpu.memory_space<vmem_shared>>) dst(%dma_wait3A_37 : memref<624x128xf32, #tpu.memory_space<hbm>>)
        tpu.yield
      }) : () -> ()
      %eq3A_29 = arith.constant 0 : i32
      %eq3A_30 = arith.cmpi eq, %arg1, %eq3A_29 : i32
      %convert_element_type3A_31 = arith.extui %eq3A_30 : i1 to i32
      %cond3A_32 = arith.constant 0 : i32
      %cond3A_33 = arith.cmpi ne, %convert_element_type3A_31, %cond3A_32 : i32
      scf.if %cond3A_33 {
        "tpu.region"() ({
          %run_scoped3A = tpu.sem_alloc : memref<!tpu.dma_semaphore, #tpu.memory_space<semaphore_mem>>
          %dma_start3A = arith.constant 9984 : i32
          %dma_start3A_34 = arith.constant 0 : i32
          %dma_start3A_35 = tpu.memref_slice %arg5[%dma_start3A, %dma_start3A_34] : memref<10000x128xf32, #tpu.memory_space<hbm>> -> memref<16x128xf32, #tpu.memory_space<hbm>>
          %dma_start3A_36 = arith.constant 9984 : i32
          %dma_start3A_37 = arith.constant 0 : i32
          %dma_start3A_38 = tpu.memref_slice %arg9[%dma_start3A_36, %dma_start3A_37] : memref<10240x128xf32, #tpu.memory_space<vmem_shared>> -> memref<16x128xf32, #tpu.memory_space<vmem_shared>>
          tpu.enqueue_dma source(%dma_start3A_38 : memref<16x128xf32, #tpu.memory_space<vmem_shared>>) target(%dma_start3A_35 : memref<16x128xf32, #tpu.memory_space<hbm>>) target_semaphore(%run_scoped3A : memref<!tpu.dma_semaphore, #tpu.memory_space<semaphore_mem>>)
          %dma_wait3A = arith.constant 9984 : i32
          %dma_wait3A_39 = arith.constant 0 : i32
          %dma_wait3A_40 = tpu.memref_slice %arg5[%dma_wait3A, %dma_wait3A_39] : memref<10000x128xf32, #tpu.memory_space<hbm>> -> memref<16x128xf32, #tpu.memory_space<hbm>>
          %dma_wait3A_41 = arith.constant 9984 : i32
          %dma_wait3A_42 = arith.constant 0 : i32
          %dma_wait3A_43 = tpu.memref_slice %arg9[%dma_wait3A_41, %dma_wait3A_42] : memref<10240x128xf32, #tpu.memory_space<vmem_shared>> -> memref<16x128xf32, #tpu.memory_space<vmem_shared>>
          tpu.wait_dma2 semaphore(%run_scoped3A : memref<!tpu.dma_semaphore, #tpu.memory_space<semaphore_mem>>) src(%dma_wait3A_43 : memref<16x128xf32, #tpu.memory_space<vmem_shared>>) dst(%dma_wait3A_40 : memref<16x128xf32, #tpu.memory_space<hbm>>)
          tpu.yield
        }) : () -> ()
      } else {
      }
    } else {
    }
    %eq3A_20 = arith.constant 1 : i32
    %eq3A_21 = arith.cmpi eq, %arg0, %eq3A_20 : i32
    %convert_element_type3A_22 = arith.extui %eq3A_21 : i1 to i32
    %cond3A_23 = arith.constant 0 : i32
    %cond3A_24 = arith.cmpi ne, %convert_element_type3A_22, %cond3A_23 : i32
    scf.if %cond3A_24 {
      %mul3A_25 = arith.constant 624 : i32
      %mul3A_26 = arith.muli %arg1, %mul3A_25 : i32
      %mul3A_27 = arith.constant 624 : i32
      %mul3A_28 = arith.muli %arg1, %mul3A_27 : i32
      "tpu.region"() ({
        %run_scoped3A = tpu.sem_alloc : memref<!tpu.dma_semaphore, #tpu.memory_space<semaphore_mem>>
        %dma_start3A = arith.constant 0 : i32
        %dma_start3A_34 = tpu.memref_slice %arg6[%mul3A_28, %dma_start3A] : memref<10000x128xf32, #tpu.memory_space<hbm>> -> memref<624x128xf32, #tpu.memory_space<hbm>>
        %dma_start3A_35 = arith.constant 0 : i32
        %dma_start3A_36 = tpu.memref_slice %arg9[%mul3A_26, %dma_start3A_35] : memref<10240x128xf32, #tpu.memory_space<vmem_shared>> -> memref<624x128xf32, #tpu.memory_space<vmem_shared>>
        tpu.enqueue_dma source(%dma_start3A_36 : memref<624x128xf32, #tpu.memory_space<vmem_shared>>) target(%dma_start3A_34 : memref<624x128xf32, #tpu.memory_space<hbm>>) target_semaphore(%run_scoped3A : memref<!tpu.dma_semaphore, #tpu.memory_space<semaphore_mem>>)
        %dma_wait3A = arith.constant 0 : i32
        %dma_wait3A_37 = tpu.memref_slice %arg6[%mul3A_28, %dma_wait3A] : memref<10000x128xf32, #tpu.memory_space<hbm>> -> memref<624x128xf32, #tpu.memory_space<hbm>>
        %dma_wait3A_38 = arith.constant 0 : i32
        %dma_wait3A_39 = tpu.memref_slice %arg9[%mul3A_26, %dma_wait3A_38] : memref<10240x128xf32, #tpu.memory_space<vmem_shared>> -> memref<624x128xf32, #tpu.memory_space<vmem_shared>>
        tpu.wait_dma2 semaphore(%run_scoped3A : memref<!tpu.dma_semaphore, #tpu.memory_space<semaphore_mem>>) src(%dma_wait3A_39 : memref<624x128xf32, #tpu.memory_space<vmem_shared>>) dst(%dma_wait3A_37 : memref<624x128xf32, #tpu.memory_space<hbm>>)
        tpu.yield
      }) : () -> ()
      %eq3A_29 = arith.constant 0 : i32
      %eq3A_30 = arith.cmpi eq, %arg1, %eq3A_29 : i32
      %convert_element_type3A_31 = arith.extui %eq3A_30 : i1 to i32
      %cond3A_32 = arith.constant 0 : i32
      %cond3A_33 = arith.cmpi ne, %convert_element_type3A_31, %cond3A_32 : i32
      scf.if %cond3A_33 {
        "tpu.region"() ({
          %run_scoped3A = tpu.sem_alloc : memref<!tpu.dma_semaphore, #tpu.memory_space<semaphore_mem>>
          %dma_start3A = arith.constant 9984 : i32
          %dma_start3A_34 = arith.constant 0 : i32
          %dma_start3A_35 = tpu.memref_slice %arg6[%dma_start3A, %dma_start3A_34] : memref<10000x128xf32, #tpu.memory_space<hbm>> -> memref<16x128xf32, #tpu.memory_space<hbm>>
          %dma_start3A_36 = arith.constant 9984 : i32
          %dma_start3A_37 = arith.constant 0 : i32
          %dma_start3A_38 = tpu.memref_slice %arg9[%dma_start3A_36, %dma_start3A_37] : memref<10240x128xf32, #tpu.memory_space<vmem_shared>> -> memref<16x128xf32, #tpu.memory_space<vmem_shared>>
          tpu.enqueue_dma source(%dma_start3A_38 : memref<16x128xf32, #tpu.memory_space<vmem_shared>>) target(%dma_start3A_35 : memref<16x128xf32, #tpu.memory_space<hbm>>) target_semaphore(%run_scoped3A : memref<!tpu.dma_semaphore, #tpu.memory_space<semaphore_mem>>)
          %dma_wait3A = arith.constant 9984 : i32
          %dma_wait3A_39 = arith.constant 0 : i32
          %dma_wait3A_40 = tpu.memref_slice %arg6[%dma_wait3A, %dma_wait3A_39] : memref<10000x128xf32, #tpu.memory_space<hbm>> -> memref<16x128xf32, #tpu.memory_space<hbm>>
          %dma_wait3A_41 = arith.constant 9984 : i32
          %dma_wait3A_42 = arith.constant 0 : i32
          %dma_wait3A_43 = tpu.memref_slice %arg9[%dma_wait3A_41, %dma_wait3A_42] : memref<10240x128xf32, #tpu.memory_space<vmem_shared>> -> memref<16x128xf32, #tpu.memory_space<vmem_shared>>
          tpu.wait_dma2 semaphore(%run_scoped3A : memref<!tpu.dma_semaphore, #tpu.memory_space<semaphore_mem>>) src(%dma_wait3A_43 : memref<16x128xf32, #tpu.memory_space<vmem_shared>>) dst(%dma_wait3A_40 : memref<16x128xf32, #tpu.memory_space<hbm>>)
          tpu.yield
        }) : () -> ()
      } else {
      }
    } else {
    }
    return
  }
}

module attributes {stable_mosaic.version = 14 : i64} {
  func.func @_enc_body(%arg0: i32, %arg1: memref<1000x8xf32, #tpu.memory_space<vmem>>, %arg2: memref<4x64xf32, #tpu.memory_space<vmem>>, %arg3: memref<1x64xf32, #tpu.memory_space<vmem>>, %arg4: memref<64x64xf32, #tpu.memory_space<vmem>>, %arg5: memref<1x64xf32, #tpu.memory_space<vmem>>, %arg6: memref<64x64xf32, #tpu.memory_space<vmem>>, %arg7: memref<1x64xf32, #tpu.memory_space<vmem>>, %arg8: memref<1000x128xf32, #tpu.memory_space<vmem>>, %arg9: memref<1000x128xf32, #tpu.memory_space<vmem>>) attributes {dimension_semantics = [#tpu.dimension_semantics<arbitrary>], iteration_bounds = array<i64: 10>, scalar_prefetch = 0 : i64, scratch_operands = 0 : i64, tpu.core_type = #tpu.core_type<tc>, window_params = [{transform_indices = @transform_0, window_bounds = array<i64: 1000, 8>}, {pipeline_mode = #tpu.pipeline_mode<synchronous>, transform_indices = @transform_1, window_bounds = array<i64: 4, 64>}, {pipeline_mode = #tpu.pipeline_mode<synchronous>, transform_indices = @transform_2, window_bounds = array<i64: 1, 64>}, {pipeline_mode = #tpu.pipeline_mode<synchronous>, transform_indices = @transform_3, window_bounds = array<i64: 64, 64>}, {pipeline_mode = #tpu.pipeline_mode<synchronous>, transform_indices = @transform_4, window_bounds = array<i64: 1, 64>}, {pipeline_mode = #tpu.pipeline_mode<synchronous>, transform_indices = @transform_5, window_bounds = array<i64: 64, 64>}, {pipeline_mode = #tpu.pipeline_mode<synchronous>, transform_indices = @transform_6, window_bounds = array<i64: 1, 64>}, {transform_indices = @transform_7, window_bounds = array<i64: 1000, 128>}, {transform_indices = @transform_8, window_bounds = array<i64: 1000, 128>}]} {
    %get3A = arith.constant 0 : index
    %get3A_0 = arith.constant 0 : index
    %get3A_1 = vector.load %arg1[%get3A, %get3A_0] : memref<1000x8xf32, #tpu.memory_space<vmem>>, vector<1000x8xf32>
    %slice3A = vector.extract_strided_slice %get3A_1 {offsets = [0, 0], sizes = [1000, 4], strides = [1, 1]} : vector<1000x8xf32> to vector<1000x4xf32>
    %get3A_2 = arith.constant 0 : index
    %get3A_3 = arith.constant 0 : index
    %get3A_4 = vector.load %arg2[%get3A_2, %get3A_3] : memref<4x64xf32, #tpu.memory_space<vmem>>, vector<4x64xf32>
    %dot_general3A = arith.constant dense<0.000000e+00> : vector<1000x64xf32>
    %dot_general3A_5 = tpu.matmul %slice3A, %get3A_4, %dot_general3A {dimension_numbers = #tpu.dot_dimension_numbers<[1], [0], [0], [1], [0, 0, 1, 1], [], []>, precision = #tpu.contract_precision<fp32>, transpose_lhs_hint = false} : vector<1000x4xf32>, vector<4x64xf32>, vector<1000x64xf32> -> vector<1000x64xf32>
    %get3A_6 = arith.constant 0 : index
    %get3A_7 = arith.constant 0 : index
    %get3A_8 = vector.load %arg3[%get3A_6, %get3A_7] : memref<1x64xf32, #tpu.memory_space<vmem>>, vector<1x64xf32>
    %add3A = vector.broadcast %get3A_8 : vector<1x64xf32> to vector<1000x64xf32>
    %add3A_9 = arith.addf %dot_general3A_5, %add3A : vector<1000x64xf32>
    %max3A = arith.constant 0.000000e+00 : f32
    %max3A_10 = vector.broadcast %max3A : f32 to vector<1000x64xf32>
    %max3A_11 = arith.maximumf %add3A_9, %max3A_10 : vector<1000x64xf32>
    %get3A_12 = arith.constant 0 : index
    %get3A_13 = arith.constant 0 : index
    %get3A_14 = vector.load %arg4[%get3A_12, %get3A_13] : memref<64x64xf32, #tpu.memory_space<vmem>>, vector<64x64xf32>
    %dot_general3A_15 = arith.constant dense<0.000000e+00> : vector<1000x64xf32>
    %dot_general3A_16 = tpu.matmul %max3A_11, %get3A_14, %dot_general3A_15 {dimension_numbers = #tpu.dot_dimension_numbers<[1], [0], [0], [1], [0, 0, 1, 1], [], []>, precision = #tpu.contract_precision<fp32>, transpose_lhs_hint = false} : vector<1000x64xf32>, vector<64x64xf32>, vector<1000x64xf32> -> vector<1000x64xf32>
    %get3A_17 = arith.constant 0 : index
    %get3A_18 = arith.constant 0 : index
    %get3A_19 = vector.load %arg5[%get3A_17, %get3A_18] : memref<1x64xf32, #tpu.memory_space<vmem>>, vector<1x64xf32>
    %add3A_20 = vector.broadcast %get3A_19 : vector<1x64xf32> to vector<1000x64xf32>
    %add3A_21 = arith.addf %dot_general3A_16, %add3A_20 : vector<1000x64xf32>
    %get3A_22 = arith.constant 0 : index
    %get3A_23 = arith.constant 0 : index
    %get3A_24 = vector.load %arg6[%get3A_22, %get3A_23] : memref<64x64xf32, #tpu.memory_space<vmem>>, vector<64x64xf32>
    %dot_general3A_25 = arith.constant dense<0.000000e+00> : vector<1000x64xf32>
    %dot_general3A_26 = tpu.matmul %add3A_21, %get3A_24, %dot_general3A_25 {dimension_numbers = #tpu.dot_dimension_numbers<[1], [0], [0], [1], [0, 0, 1, 1], [], []>, precision = #tpu.contract_precision<fp32>, transpose_lhs_hint = false} : vector<1000x64xf32>, vector<64x64xf32>, vector<1000x64xf32> -> vector<1000x64xf32>
    %get3A_27 = arith.constant 0 : index
    %get3A_28 = arith.constant 0 : index
    %get3A_29 = vector.load %arg7[%get3A_27, %get3A_28] : memref<1x64xf32, #tpu.memory_space<vmem>>, vector<1x64xf32>
    %add3A_30 = vector.broadcast %get3A_29 : vector<1x64xf32> to vector<1000x64xf32>
    %add3A_31 = arith.addf %dot_general3A_26, %add3A_30 : vector<1000x64xf32>
    %get3A_32 = arith.constant 0 : index
    %get3A_33 = arith.constant 0 : index
    %get3A_34 = vector.load %arg1[%get3A_32, %get3A_33] : memref<1000x8xf32, #tpu.memory_space<vmem>>, vector<1000x8xf32>
    %slice3A_35 = vector.extract_strided_slice %get3A_34 {offsets = [0, 4], sizes = [1000, 4], strides = [1, 1]} : vector<1000x8xf32> to vector<1000x4xf32>
    %get3A_36 = arith.constant 0 : index
    %get3A_37 = arith.constant 0 : index
    %get3A_38 = vector.load %arg2[%get3A_36, %get3A_37] : memref<4x64xf32, #tpu.memory_space<vmem>>, vector<4x64xf32>
    %dot_general3A_39 = arith.constant dense<0.000000e+00> : vector<1000x64xf32>
    %dot_general3A_40 = tpu.matmul %slice3A_35, %get3A_38, %dot_general3A_39 {dimension_numbers = #tpu.dot_dimension_numbers<[1], [0], [0], [1], [0, 0, 1, 1], [], []>, precision = #tpu.contract_precision<fp32>, transpose_lhs_hint = false} : vector<1000x4xf32>, vector<4x64xf32>, vector<1000x64xf32> -> vector<1000x64xf32>
    %get3A_41 = arith.constant 0 : index
    %get3A_42 = arith.constant 0 : index
    %get3A_43 = vector.load %arg3[%get3A_41, %get3A_42] : memref<1x64xf32, #tpu.memory_space<vmem>>, vector<1x64xf32>
    %add3A_44 = vector.broadcast %get3A_43 : vector<1x64xf32> to vector<1000x64xf32>
    %add3A_45 = arith.addf %dot_general3A_40, %add3A_44 : vector<1000x64xf32>
    %max3A_46 = arith.constant 0.000000e+00 : f32
    %max3A_47 = vector.broadcast %max3A_46 : f32 to vector<1000x64xf32>
    %max3A_48 = arith.maximumf %add3A_45, %max3A_47 : vector<1000x64xf32>
    %get3A_49 = arith.constant 0 : index
    %get3A_50 = arith.constant 0 : index
    %get3A_51 = vector.load %arg4[%get3A_49, %get3A_50] : memref<64x64xf32, #tpu.memory_space<vmem>>, vector<64x64xf32>
    %dot_general3A_52 = arith.constant dense<0.000000e+00> : vector<1000x64xf32>
    %dot_general3A_53 = tpu.matmul %max3A_48, %get3A_51, %dot_general3A_52 {dimension_numbers = #tpu.dot_dimension_numbers<[1], [0], [0], [1], [0, 0, 1, 1], [], []>, precision = #tpu.contract_precision<fp32>, transpose_lhs_hint = false} : vector<1000x64xf32>, vector<64x64xf32>, vector<1000x64xf32> -> vector<1000x64xf32>
    %get3A_54 = arith.constant 0 : index
    %get3A_55 = arith.constant 0 : index
    %get3A_56 = vector.load %arg5[%get3A_54, %get3A_55] : memref<1x64xf32, #tpu.memory_space<vmem>>, vector<1x64xf32>
    %add3A_57 = vector.broadcast %get3A_56 : vector<1x64xf32> to vector<1000x64xf32>
    %add3A_58 = arith.addf %dot_general3A_53, %add3A_57 : vector<1000x64xf32>
    %get3A_59 = arith.constant 0 : index
    %get3A_60 = arith.constant 0 : index
    %get3A_61 = vector.load %arg6[%get3A_59, %get3A_60] : memref<64x64xf32, #tpu.memory_space<vmem>>, vector<64x64xf32>
    %dot_general3A_62 = arith.constant dense<0.000000e+00> : vector<1000x64xf32>
    %dot_general3A_63 = tpu.matmul %add3A_58, %get3A_61, %dot_general3A_62 {dimension_numbers = #tpu.dot_dimension_numbers<[1], [0], [0], [1], [0, 0, 1, 1], [], []>, precision = #tpu.contract_precision<fp32>, transpose_lhs_hint = false} : vector<1000x64xf32>, vector<64x64xf32>, vector<1000x64xf32> -> vector<1000x64xf32>
    %get3A_64 = arith.constant 0 : index
    %get3A_65 = arith.constant 0 : index
    %get3A_66 = vector.load %arg7[%get3A_64, %get3A_65] : memref<1x64xf32, #tpu.memory_space<vmem>>, vector<1x64xf32>
    %add3A_67 = vector.broadcast %get3A_66 : vector<1x64xf32> to vector<1000x64xf32>
    %add3A_68 = arith.addf %dot_general3A_63, %add3A_67 : vector<1000x64xf32>
    %concatenate3A = tpu.concatenate %add3A_21, %add3A_58 in 1 : vector<1000x64xf32>, vector<1000x64xf32> -> vector<1000x128xf32>
    %swap3A = arith.constant 0 : index
    %swap3A_69 = arith.constant 0 : index
    %swap3A_70 = vector.load %arg8[%swap3A, %swap3A_69] : memref<1000x128xf32, #tpu.memory_space<vmem>>, vector<1000x128xf32>
    tpu.vector_store %arg8[%swap3A, %swap3A_69], %concatenate3A {strides = array<i32>} : memref<1000x128xf32, #tpu.memory_space<vmem>>, vector<1000x128xf32>,
    %concatenate3A_71 = tpu.concatenate %add3A_31, %add3A_68 in 1 : vector<1000x64xf32>, vector<1000x64xf32> -> vector<1000x128xf32>
    %swap3A_72 = arith.constant 0 : index
    %swap3A_73 = arith.constant 0 : index
    %swap3A_74 = vector.load %arg9[%swap3A_72, %swap3A_73] : memref<1000x128xf32, #tpu.memory_space<vmem>>, vector<1000x128xf32>
    tpu.vector_store %arg9[%swap3A_72, %swap3A_73], %concatenate3A_71 {strides = array<i32>} : memref<1000x128xf32, #tpu.memory_space<vmem>>, vector<1000x128xf32>,
    return
  }
  func.func @transform_0(%arg0: i32) -> (i32, i32) {
    %c0_i32 = arith.constant 0 : i32
    %c0_i32_0 = arith.constant 0 : i32
    return %arg0, %c0_i32 : i32, i32
  }
  func.func @transform_1(%arg0: i32) -> (i32, i32) {
    %c0_i32 = arith.constant 0 : i32
    %c0_i32_0 = arith.constant 0 : i32
    %c0_i32_1 = arith.constant 0 : i32
    return %c0_i32, %c0_i32_0 : i32, i32
  }
  func.func @transform_2(%arg0: i32) -> (i32, i32) {
    %c0_i32 = arith.constant 0 : i32
    %c0_i32_0 = arith.constant 0 : i32
    %c0_i32_1 = arith.constant 0 : i32
    return %c0_i32, %c0_i32_0 : i32, i32
  }
  func.func @transform_3(%arg0: i32) -> (i32, i32) {
    %c0_i32 = arith.constant 0 : i32
    %c0_i32_0 = arith.constant 0 : i32
    %c0_i32_1 = arith.constant 0 : i32
    return %c0_i32, %c0_i32_0 : i32, i32
  }
  func.func @transform_4(%arg0: i32) -> (i32, i32) {
    %c0_i32 = arith.constant 0 : i32
    %c0_i32_0 = arith.constant 0 : i32
    %c0_i32_1 = arith.constant 0 : i32
    return %c0_i32, %c0_i32_0 : i32, i32
  }
  func.func @transform_5(%arg0: i32) -> (i32, i32) {
    %c0_i32 = arith.constant 0 : i32
    %c0_i32_0 = arith.constant 0 : i32
    %c0_i32_1 = arith.constant 0 : i32
    return %c0_i32, %c0_i32_0 : i32, i32
  }
  func.func @transform_6(%arg0: i32) -> (i32, i32) {
    %c0_i32 = arith.constant 0 : i32
    %c0_i32_0 = arith.constant 0 : i32
    %c0_i32_1 = arith.constant 0 : i32
    return %c0_i32, %c0_i32_0 : i32, i32
  }
  func.func @transform_7(%arg0: i32) -> (i32, i32) {
    %c0_i32 = arith.constant 0 : i32
    %c0_i32_0 = arith.constant 0 : i32
    return %arg0, %c0_i32 : i32, i32
  }
  func.func @transform_8(%arg0: i32) -> (i32, i32) {
    %c0_i32 = arith.constant 0 : i32
    %c0_i32_0 = arith.constant 0 : i32
    return %arg0, %c0_i32 : i32, i32
  }
}

module attributes {stable_mosaic.version = 14 : i64} {
  func.func @_edge_body(%arg0: i32, %arg1: memref<4096x128xf32, #tpu.memory_space<vmem>>, %arg2: memref<4x4096xf32, #tpu.memory_space<vmem>>, %arg3: memref<4x64xf32, #tpu.memory_space<vmem>>, %arg4: memref<64x64xf32, #tpu.memory_space<vmem>>, %arg5: memref<1x64xf32, #tpu.memory_space<vmem>>, %arg6: memref<4096x128xf32, #tpu.memory_space<vmem>>) attributes {dimension_semantics = [#tpu.dimension_semantics<arbitrary>], iteration_bounds = array<i64: 40>, scalar_prefetch = 0 : i64, scratch_operands = 0 : i64, tpu.core_type = #tpu.core_type<tc>, window_params = [{transform_indices = @transform_0, window_bounds = array<i64: 4096, 128>}, {transform_indices = @transform_1, window_bounds = array<i64: 4, 4096>}, {pipeline_mode = #tpu.pipeline_mode<synchronous>, transform_indices = @transform_2, window_bounds = array<i64: 4, 64>}, {pipeline_mode = #tpu.pipeline_mode<synchronous>, transform_indices = @transform_3, window_bounds = array<i64: 64, 64>}, {pipeline_mode = #tpu.pipeline_mode<synchronous>, transform_indices = @transform_4, window_bounds = array<i64: 1, 64>}, {transform_indices = @transform_5, window_bounds = array<i64: 4096, 128>}]} {
    %get3A = arith.constant 0 : index
    %get3A_0 = arith.constant 0 : index
    %get3A_1 = vector.load %arg1[%get3A, %get3A_0] : memref<4096x128xf32, #tpu.memory_space<vmem>>, vector<4096x128xf32>
    %get3A_2 = arith.constant 0 : index
    %get3A_3 = arith.constant 0 : index
    %get3A_4 = vector.load %arg2[%get3A_2, %get3A_3] : memref<4x4096xf32, #tpu.memory_space<vmem>>, vector<4x4096xf32>
    %get3A_5 = arith.constant 0 : index
    %get3A_6 = arith.constant 0 : index
    %get3A_7 = vector.load %arg3[%get3A_5, %get3A_6] : memref<4x64xf32, #tpu.memory_space<vmem>>, vector<4x64xf32>
    %dot_general3A = arith.constant dense<0.000000e+00> : vector<4096x64xf32>
    %dot_general3A_8 = tpu.matmul %get3A_4, %get3A_7, %dot_general3A {dimension_numbers = #tpu.dot_dimension_numbers<[0], [0], [1], [1], [0, 1, 1, 1], [], []>, precision = #tpu.contract_precision<fp32>, transpose_lhs_hint = false} : vector<4x4096xf32>, vector<4x64xf32>, vector<4096x64xf32> -> vector<4096x64xf32>
    %slice3A = vector.extract_strided_slice %get3A_1 {offsets = [0, 0], sizes = [4096, 64], strides = [1, 1]} : vector<4096x128xf32> to vector<4096x64xf32>
    %add3A = arith.addf %slice3A, %dot_general3A_8 : vector<4096x64xf32>
    %max3A = arith.constant 0.000000e+00 : f32
    %max3A_9 = vector.broadcast %max3A : f32 to vector<4096x64xf32>
    %max3A_10 = arith.maximumf %add3A, %max3A_9 : vector<4096x64xf32>
    %get3A_11 = arith.constant 0 : index
    %get3A_12 = arith.constant 0 : index
    %get3A_13 = vector.load %arg4[%get3A_11, %get3A_12] : memref<64x64xf32, #tpu.memory_space<vmem>>, vector<64x64xf32>
    %dot_general3A_14 = arith.constant dense<0.000000e+00> : vector<4096x64xf32>
    %dot_general3A_15 = tpu.matmul %max3A_10, %get3A_13, %dot_general3A_14 {dimension_numbers = #tpu.dot_dimension_numbers<[1], [0], [0], [1], [0, 0, 1, 1], [], []>, precision = #tpu.contract_precision<fp32>, transpose_lhs_hint = false} : vector<4096x64xf32>, vector<64x64xf32>, vector<4096x64xf32> -> vector<4096x64xf32>
    %get3A_16 = arith.constant 0 : index
    %get3A_17 = arith.constant 0 : index
    %get3A_18 = vector.load %arg5[%get3A_16, %get3A_17] : memref<1x64xf32, #tpu.memory_space<vmem>>, vector<1x64xf32>
    %add3A_19 = vector.broadcast %get3A_18 : vector<1x64xf32> to vector<4096x64xf32>
    %add3A_20 = arith.addf %dot_general3A_15, %add3A_19 : vector<4096x64xf32>
    %max3A_21 = arith.constant 0.000000e+00 : f32
    %max3A_22 = vector.broadcast %max3A_21 : f32 to vector<4096x64xf32>
    %max3A_23 = arith.maximumf %add3A_20, %max3A_22 : vector<4096x64xf32>
    %slice3A_24 = vector.extract_strided_slice %get3A_1 {offsets = [0, 64], sizes = [4096, 64], strides = [1, 1]} : vector<4096x128xf32> to vector<4096x64xf32>
    %add3A_25 = arith.addf %slice3A_24, %dot_general3A_8 : vector<4096x64xf32>
    %max3A_26 = arith.constant 0.000000e+00 : f32
    %max3A_27 = vector.broadcast %max3A_26 : f32 to vector<4096x64xf32>
    %max3A_28 = arith.maximumf %add3A_25, %max3A_27 : vector<4096x64xf32>
    %get3A_29 = arith.constant 0 : index
    %get3A_30 = arith.constant 0 : index
    %get3A_31 = vector.load %arg4[%get3A_29, %get3A_30] : memref<64x64xf32, #tpu.memory_space<vmem>>, vector<64x64xf32>
    %dot_general3A_32 = arith.constant dense<0.000000e+00> : vector<4096x64xf32>
    %dot_general3A_33 = tpu.matmul %max3A_28, %get3A_31, %dot_general3A_32 {dimension_numbers = #tpu.dot_dimension_numbers<[1], [0], [0], [1], [0, 0, 1, 1], [], []>, precision = #tpu.contract_precision<fp32>, transpose_lhs_hint = false} : vector<4096x64xf32>, vector<64x64xf32>, vector<4096x64xf32> -> vector<4096x64xf32>
    %get3A_34 = arith.constant 0 : index
    %get3A_35 = arith.constant 0 : index
    %get3A_36 = vector.load %arg5[%get3A_34, %get3A_35] : memref<1x64xf32, #tpu.memory_space<vmem>>, vector<1x64xf32>
    %add3A_37 = vector.broadcast %get3A_36 : vector<1x64xf32> to vector<4096x64xf32>
    %add3A_38 = arith.addf %dot_general3A_33, %add3A_37 : vector<4096x64xf32>
    %max3A_39 = arith.constant 0.000000e+00 : f32
    %max3A_40 = vector.broadcast %max3A_39 : f32 to vector<4096x64xf32>
    %max3A_41 = arith.maximumf %add3A_38, %max3A_40 : vector<4096x64xf32>
    %concatenate3A = tpu.concatenate %max3A_23, %max3A_41 in 1 : vector<4096x64xf32>, vector<4096x64xf32> -> vector<4096x128xf32>
    %swap3A = arith.constant 0 : index
    %swap3A_42 = arith.constant 0 : index
    %swap3A_43 = vector.load %arg6[%swap3A, %swap3A_42] : memref<4096x128xf32, #tpu.memory_space<vmem>>, vector<4096x128xf32>
    tpu.vector_store %arg6[%swap3A, %swap3A_42], %concatenate3A {strides = array<i32>} : memref<4096x128xf32, #tpu.memory_space<vmem>>, vector<4096x128xf32>,
    return
  }
  func.func @transform_0(%arg0: i32) -> (i32, i32) {
    %c0_i32 = arith.constant 0 : i32
    %c0_i32_0 = arith.constant 0 : i32
    return %arg0, %c0_i32 : i32, i32
  }
  func.func @transform_1(%arg0: i32) -> (i32, i32) {
    %c0_i32 = arith.constant 0 : i32
    %c0_i32_0 = arith.constant 0 : i32
    return %c0_i32, %arg0 : i32, i32
  }
  func.func @transform_2(%arg0: i32) -> (i32, i32) {
    %c0_i32 = arith.constant 0 : i32
    %c0_i32_0 = arith.constant 0 : i32
    %c0_i32_1 = arith.constant 0 : i32
    return %c0_i32, %c0_i32_0 : i32, i32
  }
  func.func @transform_3(%arg0: i32) -> (i32, i32) {
    %c0_i32 = arith.constant 0 : i32
    %c0_i32_0 = arith.constant 0 : i32
    %c0_i32_1 = arith.constant 0 : i32
    return %c0_i32, %c0_i32_0 : i32, i32
  }
  func.func @transform_4(%arg0: i32) -> (i32, i32) {
    %c0_i32 = arith.constant 0 : i32
    %c0_i32_0 = arith.constant 0 : i32
    %c0_i32_1 = arith.constant 0 : i32
    return %c0_i32, %c0_i32_0 : i32, i32
  }
  func.func @transform_5(%arg0: i32) -> (i32, i32) {
    %c0_i32 = arith.constant 0 : i32
    %c0_i32_0 = arith.constant 0 : i32
    return %arg0, %c0_i32 : i32, i32
  }
}

module attributes {stable_mosaic.version = 14 : i64} {
  func.func @_node_body(%arg0: i32, %arg1: memref<2000x128xf32, #tpu.memory_space<vmem>>, %arg2: memref<2000x128xf32, #tpu.memory_space<vmem>>, %arg3: memref<2000x128xf32, #tpu.memory_space<vmem>>, %arg4: memref<2000x1xf32, #tpu.memory_space<vmem>>, %arg5: memref<64x64xf32, #tpu.memory_space<vmem>>, %arg6: memref<64x64xf32, #tpu.memory_space<vmem>>, %arg7: memref<1x64xf32, #tpu.memory_space<vmem>>, %arg8: memref<1x64xf32, #tpu.memory_space<vmem>>, %arg9: memref<64x64xf32, #tpu.memory_space<vmem>>, %arg10: memref<1x64xf32, #tpu.memory_space<vmem>>, %arg11: memref<64x64xf32, #tpu.memory_space<vmem>>, %arg12: memref<1x64xf32, #tpu.memory_space<vmem>>, %arg13: memref<64x64xf32, #tpu.memory_space<vmem>>, %arg14: memref<1x64xf32, #tpu.memory_space<vmem>>, %arg15: memref<2000x128xf32, #tpu.memory_space<vmem>>, %arg16: memref<2000x128xf32, #tpu.memory_space<vmem>>) attributes {dimension_semantics = [#tpu.dimension_semantics<arbitrary>], iteration_bounds = array<i64: 5>, scalar_prefetch = 0 : i64, scratch_operands = 0 : i64, tpu.core_type = #tpu.core_type<tc>, window_params = [{transform_indices = @transform_0, window_bounds = array<i64: 2000, 128>}, {transform_indices = @transform_1, window_bounds = array<i64: 2000, 128>}, {transform_indices = @transform_2, window_bounds = array<i64: 2000, 128>}, {transform_indices = @transform_3, window_bounds = array<i64: 2000, 1>}, {pipeline_mode = #tpu.pipeline_mode<synchronous>, transform_indices = @transform_4, window_bounds = array<i64: 64, 64>}, {pipeline_mode = #tpu.pipeline_mode<synchronous>, transform_indices = @transform_5, window_bounds = array<i64: 64, 64>}, {pipeline_mode = #tpu.pipeline_mode<synchronous>, transform_indices = @transform_6, window_bounds = array<i64: 1, 64>}, {pipeline_mode = #tpu.pipeline_mode<synchronous>, transform_indices = @transform_7, window_bounds = array<i64: 1, 64>}, {pipeline_mode = #tpu.pipeline_mode<synchronous>, transform_indices = @transform_8, window_bounds = array<i64: 64, 64>}, {pipeline_mode = #tpu.pipeline_mode<synchronous>, transform_indices = @transform_9, window_bounds = array<i64: 1, 64>}, {pipeline_mode = #tpu.pipeline_mode<synchronous>, transform_indices = @transform_10, window_bounds = array<i64: 64, 64>}, {pipeline_mode = #tpu.pipeline_mode<synchronous>, transform_indices = @transform_11, window_bounds = array<i64: 1, 64>}, {pipeline_mode = #tpu.pipeline_mode<synchronous>, transform_indices = @transform_12, window_bounds = array<i64: 64, 64>}, {pipeline_mode = #tpu.pipeline_mode<synchronous>, transform_indices = @transform_13, window_bounds = array<i64: 1, 64>}, {transform_indices = @transform_14, window_bounds = array<i64: 2000, 128>}, {transform_indices = @transform_15, window_bounds = array<i64: 2000, 128>}]} {
    %get3A = arith.constant 0 : index
    %get3A_0 = arith.constant 0 : index
    %get3A_1 = vector.load %arg2[%get3A, %get3A_0] : memref<2000x128xf32, #tpu.memory_space<vmem>>, vector<2000x128xf32>
    %get3A_2 = arith.constant 0 : index
    %get3A_3 = arith.constant 0 : index
    %get3A_4 = vector.load %arg3[%get3A_2, %get3A_3] : memref<2000x128xf32, #tpu.memory_space<vmem>>, vector<2000x128xf32>
    %add3A = arith.addf %get3A_1, %get3A_4 : vector<2000x128xf32>
    %get3A_5 = arith.constant 0 : index
    %get3A_6 = arith.constant 0 : index
    %get3A_7 = vector.load %arg1[%get3A_5, %get3A_6] : memref<2000x128xf32, #tpu.memory_space<vmem>>, vector<2000x128xf32>
    %get3A_8 = arith.constant 0 : index
    %get3A_9 = arith.constant 0 : index
    %get3A_10 = vector.load %arg4[%get3A_8, %get3A_9] : memref<2000x1xf32, #tpu.memory_space<vmem>>, vector<2000x1xf32>
    %get3A_11 = arith.constant 0 : index
    %get3A_12 = arith.constant 0 : index
    %get3A_13 = vector.load %arg7[%get3A_11, %get3A_12] : memref<1x64xf32, #tpu.memory_space<vmem>>, vector<1x64xf32>
    %mul3A = vector.broadcast %get3A_10 : vector<2000x1xf32> to vector<2000x64xf32>
    %mul3A_14 = vector.broadcast %get3A_13 : vector<1x64xf32> to vector<2000x64xf32>
    %mul3A_15 = arith.mulf %mul3A, %mul3A_14 : vector<2000x64xf32>
    %get3A_16 = arith.constant 0 : index
    %get3A_17 = arith.constant 0 : index
    %get3A_18 = vector.load %arg8[%get3A_16, %get3A_17] : memref<1x64xf32, #tpu.memory_space<vmem>>, vector<1x64xf32>
    %add3A_19 = vector.broadcast %get3A_18 : vector<1x64xf32> to vector<2000x64xf32>
    %add3A_20 = arith.addf %mul3A_15, %add3A_19 : vector<2000x64xf32>
    %slice3A = vector.extract_strided_slice %get3A_7 {offsets = [0, 0], sizes = [2000, 64], strides = [1, 1]} : vector<2000x128xf32> to vector<2000x64xf32>
    %get3A_21 = arith.constant 0 : index
    %get3A_22 = arith.constant 0 : index
    %get3A_23 = vector.load %arg5[%get3A_21, %get3A_22] : memref<64x64xf32, #tpu.memory_space<vmem>>, vector<64x64xf32>
    %dot_general3A = arith.constant dense<0.000000e+00> : vector<2000x64xf32>
    %dot_general3A_24 = tpu.matmul %slice3A, %get3A_23, %dot_general3A {dimension_numbers = #tpu.dot_dimension_numbers<[1], [0], [0], [1], [0, 0, 1, 1], [], []>, precision = #tpu.contract_precision<fp32>, transpose_lhs_hint = false} : vector<2000x64xf32>, vector<64x64xf32>, vector<2000x64xf32> -> vector<2000x64xf32>
    %slice3A_25 = vector.extract_strided_slice %add3A {offsets = [0, 0], sizes = [2000, 64], strides = [1, 1]} : vector<2000x128xf32> to vector<2000x64xf32>
    %get3A_26 = arith.constant 0 : index
    %get3A_27 = arith.constant 0 : index
    %get3A_28 = vector.load %arg6[%get3A_26, %get3A_27] : memref<64x64xf32, #tpu.memory_space<vmem>>, vector<64x64xf32>
    %dot_general3A_29 = arith.constant dense<0.000000e+00> : vector<2000x64xf32>
    %dot_general3A_30 = tpu.matmul %slice3A_25, %get3A_28, %dot_general3A_29 {dimension_numbers = #tpu.dot_dimension_numbers<[1], [0], [0], [1], [0, 0, 1, 1], [], []>, precision = #tpu.contract_precision<fp32>, transpose_lhs_hint = false} : vector<2000x64xf32>, vector<64x64xf32>, vector<2000x64xf32> -> vector<2000x64xf32>
    %add3A_31 = arith.addf %dot_general3A_24, %dot_general3A_30 : vector<2000x64xf32>
    %add3A_32 = arith.addf %add3A_31, %add3A_20 : vector<2000x64xf32>
    %max3A = arith.constant 0.000000e+00 : f32
    %max3A_33 = vector.broadcast %max3A : f32 to vector<2000x64xf32>
    %max3A_34 = arith.maximumf %add3A_32, %max3A_33 : vector<2000x64xf32>
    %get3A_35 = arith.constant 0 : index
    %get3A_36 = arith.constant 0 : index
    %get3A_37 = vector.load %arg9[%get3A_35, %get3A_36] : memref<64x64xf32, #tpu.memory_space<vmem>>, vector<64x64xf32>
    %dot_general3A_38 = arith.constant dense<0.000000e+00> : vector<2000x64xf32>
    %dot_general3A_39 = tpu.matmul %max3A_34, %get3A_37, %dot_general3A_38 {dimension_numbers = #tpu.dot_dimension_numbers<[1], [0], [0], [1], [0, 0, 1, 1], [], []>, precision = #tpu.contract_precision<fp32>, transpose_lhs_hint = false} : vector<2000x64xf32>, vector<64x64xf32>, vector<2000x64xf32> -> vector<2000x64xf32>
    %get3A_40 = arith.constant 0 : index
    %get3A_41 = arith.constant 0 : index
    %get3A_42 = vector.load %arg10[%get3A_40, %get3A_41] : memref<1x64xf32, #tpu.memory_space<vmem>>, vector<1x64xf32>
    %add3A_43 = vector.broadcast %get3A_42 : vector<1x64xf32> to vector<2000x64xf32>
    %add3A_44 = arith.addf %dot_general3A_39, %add3A_43 : vector<2000x64xf32>
    %max3A_45 = arith.constant 0.000000e+00 : f32
    %max3A_46 = vector.broadcast %max3A_45 : f32 to vector<2000x64xf32>
    %max3A_47 = arith.maximumf %add3A_44, %max3A_46 : vector<2000x64xf32>
    %get3A_48 = arith.constant 0 : index
    %get3A_49 = arith.constant 0 : index
    %get3A_50 = vector.load %arg11[%get3A_48, %get3A_49] : memref<64x64xf32, #tpu.memory_space<vmem>>, vector<64x64xf32>
    %dot_general3A_51 = arith.constant dense<0.000000e+00> : vector<2000x64xf32>
    %dot_general3A_52 = tpu.matmul %max3A_47, %get3A_50, %dot_general3A_51 {dimension_numbers = #tpu.dot_dimension_numbers<[1], [0], [0], [1], [0, 0, 1, 1], [], []>, precision = #tpu.contract_precision<fp32>, transpose_lhs_hint = false} : vector<2000x64xf32>, vector<64x64xf32>, vector<2000x64xf32> -> vector<2000x64xf32>
    %get3A_53 = arith.constant 0 : index
    %get3A_54 = arith.constant 0 : index
    %get3A_55 = vector.load %arg12[%get3A_53, %get3A_54] : memref<1x64xf32, #tpu.memory_space<vmem>>, vector<1x64xf32>
    %add3A_56 = vector.broadcast %get3A_55 : vector<1x64xf32> to vector<2000x64xf32>
    %add3A_57 = arith.addf %dot_general3A_52, %add3A_56 : vector<2000x64xf32>
    %get3A_58 = arith.constant 0 : index
    %get3A_59 = arith.constant 0 : index
    %get3A_60 = vector.load %arg13[%get3A_58, %get3A_59] : memref<64x64xf32, #tpu.memory_space<vmem>>, vector<64x64xf32>
    %dot_general3A_61 = arith.constant dense<0.000000e+00> : vector<2000x64xf32>
    %dot_general3A_62 = tpu.matmul %add3A_57, %get3A_60, %dot_general3A_61 {dimension_numbers = #tpu.dot_dimension_numbers<[1], [0], [0], [1], [0, 0, 1, 1], [], []>, precision = #tpu.contract_precision<fp32>, transpose_lhs_hint = false} : vector<2000x64xf32>, vector<64x64xf32>, vector<2000x64xf32> -> vector<2000x64xf32>
    %get3A_63 = arith.constant 0 : index
    %get3A_64 = arith.constant 0 : index
    %get3A_65 = vector.load %arg14[%get3A_63, %get3A_64] : memref<1x64xf32, #tpu.memory_space<vmem>>, vector<1x64xf32>
    %add3A_66 = vector.broadcast %get3A_65 : vector<1x64xf32> to vector<2000x64xf32>
    %add3A_67 = arith.addf %dot_general3A_62, %add3A_66 : vector<2000x64xf32>
    %slice3A_68 = vector.extract_strided_slice %get3A_7 {offsets = [0, 64], sizes = [2000, 64], strides = [1, 1]} : vector<2000x128xf32> to vector<2000x64xf32>
    %get3A_69 = arith.constant 0 : index
    %get3A_70 = arith.constant 0 : index
    %get3A_71 = vector.load %arg5[%get3A_69, %get3A_70] : memref<64x64xf32, #tpu.memory_space<vmem>>, vector<64x64xf32>
    %dot_general3A_72 = arith.constant dense<0.000000e+00> : vector<2000x64xf32>
    %dot_general3A_73 = tpu.matmul %slice3A_68, %get3A_71, %dot_general3A_72 {dimension_numbers = #tpu.dot_dimension_numbers<[1], [0], [0], [1], [0, 0, 1, 1], [], []>, precision = #tpu.contract_precision<fp32>, transpose_lhs_hint = false} : vector<2000x64xf32>, vector<64x64xf32>, vector<2000x64xf32> -> vector<2000x64xf32>
    %slice3A_74 = vector.extract_strided_slice %add3A {offsets = [0, 64], sizes = [2000, 64], strides = [1, 1]} : vector<2000x128xf32> to vector<2000x64xf32>
    %get3A_75 = arith.constant 0 : index
    %get3A_76 = arith.constant 0 : index
    %get3A_77 = vector.load %arg6[%get3A_75, %get3A_76] : memref<64x64xf32, #tpu.memory_space<vmem>>, vector<64x64xf32>
    %dot_general3A_78 = arith.constant dense<0.000000e+00> : vector<2000x64xf32>
    %dot_general3A_79 = tpu.matmul %slice3A_74, %get3A_77, %dot_general3A_78 {dimension_numbers = #tpu.dot_dimension_numbers<[1], [0], [0], [1], [0, 0, 1, 1], [], []>, precision = #tpu.contract_precision<fp32>, transpose_lhs_hint = false} : vector<2000x64xf32>, vector<64x64xf32>, vector<2000x64xf32> -> vector<2000x64xf32>
    %add3A_80 = arith.addf %dot_general3A_73, %dot_general3A_79 : vector<2000x64xf32>
    %add3A_81 = arith.addf %add3A_80, %add3A_20 : vector<2000x64xf32>
    %max3A_82 = arith.constant 0.000000e+00 : f32
    %max3A_83 = vector.broadcast %max3A_82 : f32 to vector<2000x64xf32>
    %max3A_84 = arith.maximumf %add3A_81, %max3A_83 : vector<2000x64xf32>
    %get3A_85 = arith.constant 0 : index
    %get3A_86 = arith.constant 0 : index
    %get3A_87 = vector.load %arg9[%get3A_85, %get3A_86] : memref<64x64xf32, #tpu.memory_space<vmem>>, vector<64x64xf32>
    %dot_general3A_88 = arith.constant dense<0.000000e+00> : vector<2000x64xf32>
    %dot_general3A_89 = tpu.matmul %max3A_84, %get3A_87, %dot_general3A_88 {dimension_numbers = #tpu.dot_dimension_numbers<[1], [0], [0], [1], [0, 0, 1, 1], [], []>, precision = #tpu.contract_precision<fp32>, transpose_lhs_hint = false} : vector<2000x64xf32>, vector<64x64xf32>, vector<2000x64xf32> -> vector<2000x64xf32>
    %get3A_90 = arith.constant 0 : index
    %get3A_91 = arith.constant 0 : index
    %get3A_92 = vector.load %arg10[%get3A_90, %get3A_91] : memref<1x64xf32, #tpu.memory_space<vmem>>, vector<1x64xf32>
    %add3A_93 = vector.broadcast %get3A_92 : vector<1x64xf32> to vector<2000x64xf32>
    %add3A_94 = arith.addf %dot_general3A_89, %add3A_93 : vector<2000x64xf32>
    %max3A_95 = arith.constant 0.000000e+00 : f32
    %max3A_96 = vector.broadcast %max3A_95 : f32 to vector<2000x64xf32>
    %max3A_97 = arith.maximumf %add3A_94, %max3A_96 : vector<2000x64xf32>
    %get3A_98 = arith.constant 0 : index
    %get3A_99 = arith.constant 0 : index
    %get3A_100 = vector.load %arg11[%get3A_98, %get3A_99] : memref<64x64xf32, #tpu.memory_space<vmem>>, vector<64x64xf32>
    %dot_general3A_101 = arith.constant dense<0.000000e+00> : vector<2000x64xf32>
    %dot_general3A_102 = tpu.matmul %max3A_97, %get3A_100, %dot_general3A_101 {dimension_numbers = #tpu.dot_dimension_numbers<[1], [0], [0], [1], [0, 0, 1, 1], [], []>, precision = #tpu.contract_precision<fp32>, transpose_lhs_hint = false} : vector<2000x64xf32>, vector<64x64xf32>, vector<2000x64xf32> -> vector<2000x64xf32>
    %get3A_103 = arith.constant 0 : index
    %get3A_104 = arith.constant 0 : index
    %get3A_105 = vector.load %arg12[%get3A_103, %get3A_104] : memref<1x64xf32, #tpu.memory_space<vmem>>, vector<1x64xf32>
    %add3A_106 = vector.broadcast %get3A_105 : vector<1x64xf32> to vector<2000x64xf32>
    %add3A_107 = arith.addf %dot_general3A_102, %add3A_106 : vector<2000x64xf32>
    %get3A_108 = arith.constant 0 : index
    %get3A_109 = arith.constant 0 : index
    %get3A_110 = vector.load %arg13[%get3A_108, %get3A_109] : memref<64x64xf32, #tpu.memory_space<vmem>>, vector<64x64xf32>
    %dot_general3A_111 = arith.constant dense<0.000000e+00> : vector<2000x64xf32>
    %dot_general3A_112 = tpu.matmul %add3A_107, %get3A_110, %dot_general3A_111 {dimension_numbers = #tpu.dot_dimension_numbers<[1], [0], [0], [1], [0, 0, 1, 1], [], []>, precision = #tpu.contract_precision<fp32>, transpose_lhs_hint = false} : vector<2000x64xf32>, vector<64x64xf32>, vector<2000x64xf32> -> vector<2000x64xf32>
    %get3A_113 = arith.constant 0 : index
    %get3A_114 = arith.constant 0 : index
    %get3A_115 = vector.load %arg14[%get3A_113, %get3A_114] : memref<1x64xf32, #tpu.memory_space<vmem>>, vector<1x64xf32>
    %add3A_116 = vector.broadcast %get3A_115 : vector<1x64xf32> to vector<2000x64xf32>
    %add3A_117 = arith.addf %dot_general3A_112, %add3A_116 : vector<2000x64xf32>
    %concatenate3A = tpu.concatenate %add3A_57, %add3A_107 in 1 : vector<2000x64xf32>, vector<2000x64xf32> -> vector<2000x128xf32>
    %swap3A = arith.constant 0 : index
    %swap3A_118 = arith.constant 0 : index
    %swap3A_119 = vector.load %arg15[%swap3A, %swap3A_118] : memref<2000x128xf32, #tpu.memory_space<vmem>>, vector<2000x128xf32>
    tpu.vector_store %arg15[%swap3A, %swap3A_118], %concatenate3A {strides = array<i32>} : memref<2000x128xf32, #tpu.memory_space<vmem>>, vector<2000x128xf32>,
    %concatenate3A_120 = tpu.concatenate %add3A_67, %add3A_117 in 1 : vector<2000x64xf32>, vector<2000x64xf32> -> vector<2000x128xf32>
    %swap3A_121 = arith.constant 0 : index
    %swap3A_122 = arith.constant 0 : index
    %swap3A_123 = vector.load %arg16[%swap3A_121, %swap3A_122] : memref<2000x128xf32, #tpu.memory_space<vmem>>, vector<2000x128xf32>
    tpu.vector_store %arg16[%swap3A_121, %swap3A_122], %concatenate3A_120 {strides = array<i32>} : memref<2000x128xf32, #tpu.memory_space<vmem>>, vector<2000x128xf32>,
    return
  }
  func.func @transform_0(%arg0: i32) -> (i32, i32) {
    %c0_i32 = arith.constant 0 : i32
    %c0_i32_0 = arith.constant 0 : i32
    return %arg0, %c0_i32 : i32, i32
  }
  func.func @transform_1(%arg0: i32) -> (i32, i32) {
    %c0_i32 = arith.constant 0 : i32
    %c0_i32_0 = arith.constant 0 : i32
    return %arg0, %c0_i32 : i32, i32
  }
  func.func @transform_2(%arg0: i32) -> (i32, i32) {
    %c0_i32 = arith.constant 0 : i32
    %c0_i32_0 = arith.constant 0 : i32
    return %arg0, %c0_i32 : i32, i32
  }
  func.func @transform_3(%arg0: i32) -> (i32, i32) {
    %c0_i32 = arith.constant 0 : i32
    %c0_i32_0 = arith.constant 0 : i32
    return %arg0, %c0_i32 : i32, i32
  }
  func.func @transform_4(%arg0: i32) -> (i32, i32) {
    %c0_i32 = arith.constant 0 : i32
    %c0_i32_0 = arith.constant 0 : i32
    %c0_i32_1 = arith.constant 0 : i32
    return %c0_i32, %c0_i32_0 : i32, i32
  }
  func.func @transform_5(%arg0: i32) -> (i32, i32) {
    %c0_i32 = arith.constant 0 : i32
    %c0_i32_0 = arith.constant 0 : i32
    %c0_i32_1 = arith.constant 0 : i32
    return %c0_i32, %c0_i32_0 : i32, i32
  }
  func.func @transform_6(%arg0: i32) -> (i32, i32) {
    %c0_i32 = arith.constant 0 : i32
    %c0_i32_0 = arith.constant 0 : i32
    %c0_i32_1 = arith.constant 0 : i32
    return %c0_i32, %c0_i32_0 : i32, i32
  }
  func.func @transform_7(%arg0: i32) -> (i32, i32) {
    %c0_i32 = arith.constant 0 : i32
    %c0_i32_0 = arith.constant 0 : i32
    %c0_i32_1 = arith.constant 0 : i32
    return %c0_i32, %c0_i32_0 : i32, i32
  }
  func.func @transform_8(%arg0: i32) -> (i32, i32) {
    %c0_i32 = arith.constant 0 : i32
    %c0_i32_0 = arith.constant 0 : i32
    %c0_i32_1 = arith.constant 0 : i32
    return %c0_i32, %c0_i32_0 : i32, i32
  }
  func.func @transform_9(%arg0: i32) -> (i32, i32) {
    %c0_i32 = arith.constant 0 : i32
    %c0_i32_0 = arith.constant 0 : i32
    %c0_i32_1 = arith.constant 0 : i32
    return %c0_i32, %c0_i32_0 : i32, i32
  }
  func.func @transform_10(%arg0: i32) -> (i32, i32) {
    %c0_i32 = arith.constant 0 : i32
    %c0_i32_0 = arith.constant 0 : i32
    %c0_i32_1 = arith.constant 0 : i32
    return %c0_i32, %c0_i32_0 : i32, i32
  }
  func.func @transform_11(%arg0: i32) -> (i32, i32) {
    %c0_i32 = arith.constant 0 : i32
    %c0_i32_0 = arith.constant 0 : i32
    %c0_i32_1 = arith.constant 0 : i32
    return %c0_i32, %c0_i32_0 : i32, i32
  }
  func.func @transform_12(%arg0: i32) -> (i32, i32) {
    %c0_i32 = arith.constant 0 : i32
    %c0_i32_0 = arith.constant 0 : i32
    %c0_i32_1 = arith.constant 0 : i32
    return %c0_i32, %c0_i32_0 : i32, i32
  }
  func.func @transform_13(%arg0: i32) -> (i32, i32) {
    %c0_i32 = arith.constant 0 : i32
    %c0_i32_0 = arith.constant 0 : i32
    %c0_i32_1 = arith.constant 0 : i32
    return %c0_i32, %c0_i32_0 : i32, i32
  }
  func.func @transform_14(%arg0: i32) -> (i32, i32) {
    %c0_i32 = arith.constant 0 : i32
    %c0_i32_0 = arith.constant 0 : i32
    return %arg0, %c0_i32 : i32, i32
  }
  func.func @transform_15(%arg0: i32) -> (i32, i32) {
    %c0_i32 = arith.constant 0 : i32
    %c0_i32_0 = arith.constant 0 : i32
    return %arg0, %c0_i32 : i32, i32
  }
}

module attributes {stable_mosaic.version = 14 : i64} {
  func.func @_node_body(%arg0: i32, %arg1: memref<2000x128xf32, #tpu.memory_space<vmem>>, %arg2: memref<2000x128xf32, #tpu.memory_space<vmem>>, %arg3: memref<2000x128xf32, #tpu.memory_space<vmem>>, %arg4: memref<2000x1xf32, #tpu.memory_space<vmem>>, %arg5: memref<64x64xf32, #tpu.memory_space<vmem>>, %arg6: memref<64x64xf32, #tpu.memory_space<vmem>>, %arg7: memref<1x64xf32, #tpu.memory_space<vmem>>, %arg8: memref<1x64xf32, #tpu.memory_space<vmem>>, %arg9: memref<64x64xf32, #tpu.memory_space<vmem>>, %arg10: memref<1x64xf32, #tpu.memory_space<vmem>>, %arg11: memref<64x64xf32, #tpu.memory_space<vmem>>, %arg12: memref<1x64xf32, #tpu.memory_space<vmem>>, %arg13: memref<64x64xf32, #tpu.memory_space<vmem>>, %arg14: memref<1x64xf32, #tpu.memory_space<vmem>>, %arg15: memref<2000x128xf32, #tpu.memory_space<vmem>>, %arg16: memref<2000x128xf32, #tpu.memory_space<vmem>>) attributes {dimension_semantics = [#tpu.dimension_semantics<arbitrary>], iteration_bounds = array<i64: 5>, scalar_prefetch = 0 : i64, scratch_operands = 0 : i64, tpu.core_type = #tpu.core_type<tc>, window_params = [{transform_indices = @transform_0, window_bounds = array<i64: 2000, 128>}, {transform_indices = @transform_1, window_bounds = array<i64: 2000, 128>}, {transform_indices = @transform_2, window_bounds = array<i64: 2000, 128>}, {transform_indices = @transform_3, window_bounds = array<i64: 2000, 1>}, {pipeline_mode = #tpu.pipeline_mode<synchronous>, transform_indices = @transform_4, window_bounds = array<i64: 64, 64>}, {pipeline_mode = #tpu.pipeline_mode<synchronous>, transform_indices = @transform_5, window_bounds = array<i64: 64, 64>}, {pipeline_mode = #tpu.pipeline_mode<synchronous>, transform_indices = @transform_6, window_bounds = array<i64: 1, 64>}, {pipeline_mode = #tpu.pipeline_mode<synchronous>, transform_indices = @transform_7, window_bounds = array<i64: 1, 64>}, {pipeline_mode = #tpu.pipeline_mode<synchronous>, transform_indices = @transform_8, window_bounds = array<i64: 64, 64>}, {pipeline_mode = #tpu.pipeline_mode<synchronous>, transform_indices = @transform_9, window_bounds = array<i64: 1, 64>}, {pipeline_mode = #tpu.pipeline_mode<synchronous>, transform_indices = @transform_10, window_bounds = array<i64: 64, 64>}, {pipeline_mode = #tpu.pipeline_mode<synchronous>, transform_indices = @transform_11, window_bounds = array<i64: 1, 64>}, {pipeline_mode = #tpu.pipeline_mode<synchronous>, transform_indices = @transform_12, window_bounds = array<i64: 64, 64>}, {pipeline_mode = #tpu.pipeline_mode<synchronous>, transform_indices = @transform_13, window_bounds = array<i64: 1, 64>}, {transform_indices = @transform_14, window_bounds = array<i64: 2000, 128>}, {transform_indices = @transform_15, window_bounds = array<i64: 2000, 128>}]} {
    %get3A = arith.constant 0 : index
    %get3A_0 = arith.constant 0 : index
    %get3A_1 = vector.load %arg2[%get3A, %get3A_0] : memref<2000x128xf32, #tpu.memory_space<vmem>>, vector<2000x128xf32>
    %get3A_2 = arith.constant 0 : index
    %get3A_3 = arith.constant 0 : index
    %get3A_4 = vector.load %arg3[%get3A_2, %get3A_3] : memref<2000x128xf32, #tpu.memory_space<vmem>>, vector<2000x128xf32>
    %add3A = arith.addf %get3A_1, %get3A_4 : vector<2000x128xf32>
    %get3A_5 = arith.constant 0 : index
    %get3A_6 = arith.constant 0 : index
    %get3A_7 = vector.load %arg1[%get3A_5, %get3A_6] : memref<2000x128xf32, #tpu.memory_space<vmem>>, vector<2000x128xf32>
    %get3A_8 = arith.constant 0 : index
    %get3A_9 = arith.constant 0 : index
    %get3A_10 = vector.load %arg4[%get3A_8, %get3A_9] : memref<2000x1xf32, #tpu.memory_space<vmem>>, vector<2000x1xf32>
    %get3A_11 = arith.constant 0 : index
    %get3A_12 = arith.constant 0 : index
    %get3A_13 = vector.load %arg7[%get3A_11, %get3A_12] : memref<1x64xf32, #tpu.memory_space<vmem>>, vector<1x64xf32>
    %mul3A = vector.broadcast %get3A_10 : vector<2000x1xf32> to vector<2000x64xf32>
    %mul3A_14 = vector.broadcast %get3A_13 : vector<1x64xf32> to vector<2000x64xf32>
    %mul3A_15 = arith.mulf %mul3A, %mul3A_14 : vector<2000x64xf32>
    %get3A_16 = arith.constant 0 : index
    %get3A_17 = arith.constant 0 : index
    %get3A_18 = vector.load %arg8[%get3A_16, %get3A_17] : memref<1x64xf32, #tpu.memory_space<vmem>>, vector<1x64xf32>
    %add3A_19 = vector.broadcast %get3A_18 : vector<1x64xf32> to vector<2000x64xf32>
    %add3A_20 = arith.addf %mul3A_15, %add3A_19 : vector<2000x64xf32>
    %slice3A = vector.extract_strided_slice %get3A_7 {offsets = [0, 0], sizes = [2000, 64], strides = [1, 1]} : vector<2000x128xf32> to vector<2000x64xf32>
    %get3A_21 = arith.constant 0 : index
    %get3A_22 = arith.constant 0 : index
    %get3A_23 = vector.load %arg5[%get3A_21, %get3A_22] : memref<64x64xf32, #tpu.memory_space<vmem>>, vector<64x64xf32>
    %dot_general3A = arith.constant dense<0.000000e+00> : vector<2000x64xf32>
    %dot_general3A_24 = tpu.matmul %slice3A, %get3A_23, %dot_general3A {dimension_numbers = #tpu.dot_dimension_numbers<[1], [0], [0], [1], [0, 0, 1, 1], [], []>, precision = #tpu.contract_precision<fp32>, transpose_lhs_hint = false} : vector<2000x64xf32>, vector<64x64xf32>, vector<2000x64xf32> -> vector<2000x64xf32>
    %slice3A_25 = vector.extract_strided_slice %add3A {offsets = [0, 0], sizes = [2000, 64], strides = [1, 1]} : vector<2000x128xf32> to vector<2000x64xf32>
    %get3A_26 = arith.constant 0 : index
    %get3A_27 = arith.constant 0 : index
    %get3A_28 = vector.load %arg6[%get3A_26, %get3A_27] : memref<64x64xf32, #tpu.memory_space<vmem>>, vector<64x64xf32>
    %dot_general3A_29 = arith.constant dense<0.000000e+00> : vector<2000x64xf32>
    %dot_general3A_30 = tpu.matmul %slice3A_25, %get3A_28, %dot_general3A_29 {dimension_numbers = #tpu.dot_dimension_numbers<[1], [0], [0], [1], [0, 0, 1, 1], [], []>, precision = #tpu.contract_precision<fp32>, transpose_lhs_hint = false} : vector<2000x64xf32>, vector<64x64xf32>, vector<2000x64xf32> -> vector<2000x64xf32>
    %add3A_31 = arith.addf %dot_general3A_24, %dot_general3A_30 : vector<2000x64xf32>
    %add3A_32 = arith.addf %add3A_31, %add3A_20 : vector<2000x64xf32>
    %max3A = arith.constant 0.000000e+00 : f32
    %max3A_33 = vector.broadcast %max3A : f32 to vector<2000x64xf32>
    %max3A_34 = arith.maximumf %add3A_32, %max3A_33 : vector<2000x64xf32>
    %get3A_35 = arith.constant 0 : index
    %get3A_36 = arith.constant 0 : index
    %get3A_37 = vector.load %arg9[%get3A_35, %get3A_36] : memref<64x64xf32, #tpu.memory_space<vmem>>, vector<64x64xf32>
    %dot_general3A_38 = arith.constant dense<0.000000e+00> : vector<2000x64xf32>
    %dot_general3A_39 = tpu.matmul %max3A_34, %get3A_37, %dot_general3A_38 {dimension_numbers = #tpu.dot_dimension_numbers<[1], [0], [0], [1], [0, 0, 1, 1], [], []>, precision = #tpu.contract_precision<fp32>, transpose_lhs_hint = false} : vector<2000x64xf32>, vector<64x64xf32>, vector<2000x64xf32> -> vector<2000x64xf32>
    %get3A_40 = arith.constant 0 : index
    %get3A_41 = arith.constant 0 : index
    %get3A_42 = vector.load %arg10[%get3A_40, %get3A_41] : memref<1x64xf32, #tpu.memory_space<vmem>>, vector<1x64xf32>
    %add3A_43 = vector.broadcast %get3A_42 : vector<1x64xf32> to vector<2000x64xf32>
    %add3A_44 = arith.addf %dot_general3A_39, %add3A_43 : vector<2000x64xf32>
    %max3A_45 = arith.constant 0.000000e+00 : f32
    %max3A_46 = vector.broadcast %max3A_45 : f32 to vector<2000x64xf32>
    %max3A_47 = arith.maximumf %add3A_44, %max3A_46 : vector<2000x64xf32>
    %get3A_48 = arith.constant 0 : index
    %get3A_49 = arith.constant 0 : index
    %get3A_50 = vector.load %arg11[%get3A_48, %get3A_49] : memref<64x64xf32, #tpu.memory_space<vmem>>, vector<64x64xf32>
    %dot_general3A_51 = arith.constant dense<0.000000e+00> : vector<2000x64xf32>
    %dot_general3A_52 = tpu.matmul %max3A_47, %get3A_50, %dot_general3A_51 {dimension_numbers = #tpu.dot_dimension_numbers<[1], [0], [0], [1], [0, 0, 1, 1], [], []>, precision = #tpu.contract_precision<fp32>, transpose_lhs_hint = false} : vector<2000x64xf32>, vector<64x64xf32>, vector<2000x64xf32> -> vector<2000x64xf32>
    %get3A_53 = arith.constant 0 : index
    %get3A_54 = arith.constant 0 : index
    %get3A_55 = vector.load %arg12[%get3A_53, %get3A_54] : memref<1x64xf32, #tpu.memory_space<vmem>>, vector<1x64xf32>
    %add3A_56 = vector.broadcast %get3A_55 : vector<1x64xf32> to vector<2000x64xf32>
    %add3A_57 = arith.addf %dot_general3A_52, %add3A_56 : vector<2000x64xf32>
    %get3A_58 = arith.constant 0 : index
    %get3A_59 = arith.constant 0 : index
    %get3A_60 = vector.load %arg13[%get3A_58, %get3A_59] : memref<64x64xf32, #tpu.memory_space<vmem>>, vector<64x64xf32>
    %dot_general3A_61 = arith.constant dense<0.000000e+00> : vector<2000x64xf32>
    %dot_general3A_62 = tpu.matmul %add3A_57, %get3A_60, %dot_general3A_61 {dimension_numbers = #tpu.dot_dimension_numbers<[1], [0], [0], [1], [0, 0, 1, 1], [], []>, precision = #tpu.contract_precision<fp32>, transpose_lhs_hint = false} : vector<2000x64xf32>, vector<64x64xf32>, vector<2000x64xf32> -> vector<2000x64xf32>
    %get3A_63 = arith.constant 0 : index
    %get3A_64 = arith.constant 0 : index
    %get3A_65 = vector.load %arg14[%get3A_63, %get3A_64] : memref<1x64xf32, #tpu.memory_space<vmem>>, vector<1x64xf32>
    %add3A_66 = vector.broadcast %get3A_65 : vector<1x64xf32> to vector<2000x64xf32>
    %add3A_67 = arith.addf %dot_general3A_62, %add3A_66 : vector<2000x64xf32>
    %slice3A_68 = vector.extract_strided_slice %get3A_7 {offsets = [0, 64], sizes = [2000, 64], strides = [1, 1]} : vector<2000x128xf32> to vector<2000x64xf32>
    %get3A_69 = arith.constant 0 : index
    %get3A_70 = arith.constant 0 : index
    %get3A_71 = vector.load %arg5[%get3A_69, %get3A_70] : memref<64x64xf32, #tpu.memory_space<vmem>>, vector<64x64xf32>
    %dot_general3A_72 = arith.constant dense<0.000000e+00> : vector<2000x64xf32>
    %dot_general3A_73 = tpu.matmul %slice3A_68, %get3A_71, %dot_general3A_72 {dimension_numbers = #tpu.dot_dimension_numbers<[1], [0], [0], [1], [0, 0, 1, 1], [], []>, precision = #tpu.contract_precision<fp32>, transpose_lhs_hint = false} : vector<2000x64xf32>, vector<64x64xf32>, vector<2000x64xf32> -> vector<2000x64xf32>
    %slice3A_74 = vector.extract_strided_slice %add3A {offsets = [0, 64], sizes = [2000, 64], strides = [1, 1]} : vector<2000x128xf32> to vector<2000x64xf32>
    %get3A_75 = arith.constant 0 : index
    %get3A_76 = arith.constant 0 : index
    %get3A_77 = vector.load %arg6[%get3A_75, %get3A_76] : memref<64x64xf32, #tpu.memory_space<vmem>>, vector<64x64xf32>
    %dot_general3A_78 = arith.constant dense<0.000000e+00> : vector<2000x64xf32>
    %dot_general3A_79 = tpu.matmul %slice3A_74, %get3A_77, %dot_general3A_78 {dimension_numbers = #tpu.dot_dimension_numbers<[1], [0], [0], [1], [0, 0, 1, 1], [], []>, precision = #tpu.contract_precision<fp32>, transpose_lhs_hint = false} : vector<2000x64xf32>, vector<64x64xf32>, vector<2000x64xf32> -> vector<2000x64xf32>
    %add3A_80 = arith.addf %dot_general3A_73, %dot_general3A_79 : vector<2000x64xf32>
    %add3A_81 = arith.addf %add3A_80, %add3A_20 : vector<2000x64xf32>
    %max3A_82 = arith.constant 0.000000e+00 : f32
    %max3A_83 = vector.broadcast %max3A_82 : f32 to vector<2000x64xf32>
    %max3A_84 = arith.maximumf %add3A_81, %max3A_83 : vector<2000x64xf32>
    %get3A_85 = arith.constant 0 : index
    %get3A_86 = arith.constant 0 : index
    %get3A_87 = vector.load %arg9[%get3A_85, %get3A_86] : memref<64x64xf32, #tpu.memory_space<vmem>>, vector<64x64xf32>
    %dot_general3A_88 = arith.constant dense<0.000000e+00> : vector<2000x64xf32>
    %dot_general3A_89 = tpu.matmul %max3A_84, %get3A_87, %dot_general3A_88 {dimension_numbers = #tpu.dot_dimension_numbers<[1], [0], [0], [1], [0, 0, 1, 1], [], []>, precision = #tpu.contract_precision<fp32>, transpose_lhs_hint = false} : vector<2000x64xf32>, vector<64x64xf32>, vector<2000x64xf32> -> vector<2000x64xf32>
    %get3A_90 = arith.constant 0 : index
    %get3A_91 = arith.constant 0 : index
    %get3A_92 = vector.load %arg10[%get3A_90, %get3A_91] : memref<1x64xf32, #tpu.memory_space<vmem>>, vector<1x64xf32>
    %add3A_93 = vector.broadcast %get3A_92 : vector<1x64xf32> to vector<2000x64xf32>
    %add3A_94 = arith.addf %dot_general3A_89, %add3A_93 : vector<2000x64xf32>
    %max3A_95 = arith.constant 0.000000e+00 : f32
    %max3A_96 = vector.broadcast %max3A_95 : f32 to vector<2000x64xf32>
    %max3A_97 = arith.maximumf %add3A_94, %max3A_96 : vector<2000x64xf32>
    %get3A_98 = arith.constant 0 : index
    %get3A_99 = arith.constant 0 : index
    %get3A_100 = vector.load %arg11[%get3A_98, %get3A_99] : memref<64x64xf32, #tpu.memory_space<vmem>>, vector<64x64xf32>
    %dot_general3A_101 = arith.constant dense<0.000000e+00> : vector<2000x64xf32>
    %dot_general3A_102 = tpu.matmul %max3A_97, %get3A_100, %dot_general3A_101 {dimension_numbers = #tpu.dot_dimension_numbers<[1], [0], [0], [1], [0, 0, 1, 1], [], []>, precision = #tpu.contract_precision<fp32>, transpose_lhs_hint = false} : vector<2000x64xf32>, vector<64x64xf32>, vector<2000x64xf32> -> vector<2000x64xf32>
    %get3A_103 = arith.constant 0 : index
    %get3A_104 = arith.constant 0 : index
    %get3A_105 = vector.load %arg12[%get3A_103, %get3A_104] : memref<1x64xf32, #tpu.memory_space<vmem>>, vector<1x64xf32>
    %add3A_106 = vector.broadcast %get3A_105 : vector<1x64xf32> to vector<2000x64xf32>
    %add3A_107 = arith.addf %dot_general3A_102, %add3A_106 : vector<2000x64xf32>
    %get3A_108 = arith.constant 0 : index
    %get3A_109 = arith.constant 0 : index
    %get3A_110 = vector.load %arg13[%get3A_108, %get3A_109] : memref<64x64xf32, #tpu.memory_space<vmem>>, vector<64x64xf32>
    %dot_general3A_111 = arith.constant dense<0.000000e+00> : vector<2000x64xf32>
    %dot_general3A_112 = tpu.matmul %add3A_107, %get3A_110, %dot_general3A_111 {dimension_numbers = #tpu.dot_dimension_numbers<[1], [0], [0], [1], [0, 0, 1, 1], [], []>, precision = #tpu.contract_precision<fp32>, transpose_lhs_hint = false} : vector<2000x64xf32>, vector<64x64xf32>, vector<2000x64xf32> -> vector<2000x64xf32>
    %get3A_113 = arith.constant 0 : index
    %get3A_114 = arith.constant 0 : index
    %get3A_115 = vector.load %arg14[%get3A_113, %get3A_114] : memref<1x64xf32, #tpu.memory_space<vmem>>, vector<1x64xf32>
    %add3A_116 = vector.broadcast %get3A_115 : vector<1x64xf32> to vector<2000x64xf32>
    %add3A_117 = arith.addf %dot_general3A_112, %add3A_116 : vector<2000x64xf32>
    %concatenate3A = tpu.concatenate %add3A_57, %add3A_107 in 1 : vector<2000x64xf32>, vector<2000x64xf32> -> vector<2000x128xf32>
    %swap3A = arith.constant 0 : index
    %swap3A_118 = arith.constant 0 : index
    %swap3A_119 = vector.load %arg15[%swap3A, %swap3A_118] : memref<2000x128xf32, #tpu.memory_space<vmem>>, vector<2000x128xf32>
    tpu.vector_store %arg15[%swap3A, %swap3A_118], %concatenate3A {strides = array<i32>} : memref<2000x128xf32, #tpu.memory_space<vmem>>, vector<2000x128xf32>,
    %concatenate3A_120 = tpu.concatenate %add3A_67, %add3A_117 in 1 : vector<2000x64xf32>, vector<2000x64xf32> -> vector<2000x128xf32>
    %swap3A_121 = arith.constant 0 : index
    %swap3A_122 = arith.constant 0 : index
    %swap3A_123 = vector.load %arg16[%swap3A_121, %swap3A_122] : memref<2000x128xf32, #tpu.memory_space<vmem>>, vector<2000x128xf32>
    tpu.vector_store %arg16[%swap3A_121, %swap3A_122], %concatenate3A_120 {strides = array<i32>} : memref<2000x128xf32, #tpu.memory_space<vmem>>, vector<2000x128xf32>,
    return
  }
  func.func @transform_0(%arg0: i32) -> (i32, i32) {
    %c0_i32 = arith.constant 0 : i32
    %c0_i32_0 = arith.constant 0 : i32
    return %arg0, %c0_i32 : i32, i32
  }
  func.func @transform_1(%arg0: i32) -> (i32, i32) {
    %c0_i32 = arith.constant 0 : i32
    %c0_i32_0 = arith.constant 0 : i32
    return %arg0, %c0_i32 : i32, i32
  }
  func.func @transform_2(%arg0: i32) -> (i32, i32) {
    %c0_i32 = arith.constant 0 : i32
    %c0_i32_0 = arith.constant 0 : i32
    return %arg0, %c0_i32 : i32, i32
  }
  func.func @transform_3(%arg0: i32) -> (i32, i32) {
    %c0_i32 = arith.constant 0 : i32
    %c0_i32_0 = arith.constant 0 : i32
    return %arg0, %c0_i32 : i32, i32
  }
  func.func @transform_4(%arg0: i32) -> (i32, i32) {
    %c0_i32 = arith.constant 0 : i32
    %c0_i32_0 = arith.constant 0 : i32
    %c0_i32_1 = arith.constant 0 : i32
    return %c0_i32, %c0_i32_0 : i32, i32
  }
  func.func @transform_5(%arg0: i32) -> (i32, i32) {
    %c0_i32 = arith.constant 0 : i32
    %c0_i32_0 = arith.constant 0 : i32
    %c0_i32_1 = arith.constant 0 : i32
    return %c0_i32, %c0_i32_0 : i32, i32
  }
  func.func @transform_6(%arg0: i32) -> (i32, i32) {
    %c0_i32 = arith.constant 0 : i32
    %c0_i32_0 = arith.constant 0 : i32
    %c0_i32_1 = arith.constant 0 : i32
    return %c0_i32, %c0_i32_0 : i32, i32
  }
  func.func @transform_7(%arg0: i32) -> (i32, i32) {
    %c0_i32 = arith.constant 0 : i32
    %c0_i32_0 = arith.constant 0 : i32
    %c0_i32_1 = arith.constant 0 : i32
    return %c0_i32, %c0_i32_0 : i32, i32
  }
  func.func @transform_8(%arg0: i32) -> (i32, i32) {
    %c0_i32 = arith.constant 0 : i32
    %c0_i32_0 = arith.constant 0 : i32
    %c0_i32_1 = arith.constant 0 : i32
    return %c0_i32, %c0_i32_0 : i32, i32
  }
  func.func @transform_9(%arg0: i32) -> (i32, i32) {
    %c0_i32 = arith.constant 0 : i32
    %c0_i32_0 = arith.constant 0 : i32
    %c0_i32_1 = arith.constant 0 : i32
    return %c0_i32, %c0_i32_0 : i32, i32
  }
  func.func @transform_10(%arg0: i32) -> (i32, i32) {
    %c0_i32 = arith.constant 0 : i32
    %c0_i32_0 = arith.constant 0 : i32
    %c0_i32_1 = arith.constant 0 : i32
    return %c0_i32, %c0_i32_0 : i32, i32
  }
  func.func @transform_11(%arg0: i32) -> (i32, i32) {
    %c0_i32 = arith.constant 0 : i32
    %c0_i32_0 = arith.constant 0 : i32
    %c0_i32_1 = arith.constant 0 : i32
    return %c0_i32, %c0_i32_0 : i32, i32
  }
  func.func @transform_12(%arg0: i32) -> (i32, i32) {
    %c0_i32 = arith.constant 0 : i32
    %c0_i32_0 = arith.constant 0 : i32
    %c0_i32_1 = arith.constant 0 : i32
    return %c0_i32, %c0_i32_0 : i32, i32
  }
  func.func @transform_13(%arg0: i32) -> (i32, i32) {
    %c0_i32 = arith.constant 0 : i32
    %c0_i32_0 = arith.constant 0 : i32
    %c0_i32_1 = arith.constant 0 : i32
    return %c0_i32, %c0_i32_0 : i32, i32
  }
  func.func @transform_14(%arg0: i32) -> (i32, i32) {
    %c0_i32 = arith.constant 0 : i32
    %c0_i32_0 = arith.constant 0 : i32
    return %arg0, %c0_i32 : i32, i32
  }
  func.func @transform_15(%arg0: i32) -> (i32, i32) {
    %c0_i32 = arith.constant 0 : i32
    %c0_i32_0 = arith.constant 0 : i32
    return %arg0, %c0_i32 : i32, i32
  }
}

module attributes {stable_mosaic.version = 14 : i64} {
  func.func @_dec_body(%arg0: i32, %arg1: memref<2000x64xf32, #tpu.memory_space<vmem>>, %arg2: memref<2000x1xf32, #tpu.memory_space<vmem>>, %arg3: memref<64x256xf32, #tpu.memory_space<vmem>>, %arg4: memref<1x256xf32, #tpu.memory_space<vmem>>, %arg5: memref<1x256xf32, #tpu.memory_space<vmem>>, %arg6: memref<256x64xf32, #tpu.memory_space<vmem>>, %arg7: memref<1x64xf32, #tpu.memory_space<vmem>>, %arg8: memref<64x1xf32, #tpu.memory_space<vmem>>, %arg9: memref<1x1xf32, #tpu.memory_space<vmem>>, %arg10: memref<2000x1xf32, #tpu.memory_space<vmem>>) attributes {dimension_semantics = [#tpu.dimension_semantics<arbitrary>], iteration_bounds = array<i64: 1>, scalar_prefetch = 0 : i64, scratch_operands = 0 : i64, tpu.core_type = #tpu.core_type<tc>, window_params = [{transform_indices = @transform_0, window_bounds = array<i64: 2000, 64>}, {transform_indices = @transform_1, window_bounds = array<i64: 2000, 1>}, {pipeline_mode = #tpu.pipeline_mode<synchronous>, transform_indices = @transform_2, window_bounds = array<i64: 64, 256>}, {pipeline_mode = #tpu.pipeline_mode<synchronous>, transform_indices = @transform_3, window_bounds = array<i64: 1, 256>}, {pipeline_mode = #tpu.pipeline_mode<synchronous>, transform_indices = @transform_4, window_bounds = array<i64: 1, 256>}, {pipeline_mode = #tpu.pipeline_mode<synchronous>, transform_indices = @transform_5, window_bounds = array<i64: 256, 64>}, {pipeline_mode = #tpu.pipeline_mode<synchronous>, transform_indices = @transform_6, window_bounds = array<i64: 1, 64>}, {pipeline_mode = #tpu.pipeline_mode<synchronous>, transform_indices = @transform_7, window_bounds = array<i64: 64, 1>}, {pipeline_mode = #tpu.pipeline_mode<synchronous>, transform_indices = @transform_8, window_bounds = array<i64: 1, 1>}, {transform_indices = @transform_9, window_bounds = array<i64: 2000, 1>}]} {
    %get3A = arith.constant 0 : index
    %get3A_0 = arith.constant 0 : index
    %get3A_1 = vector.load %arg2[%get3A, %get3A_0] : memref<2000x1xf32, #tpu.memory_space<vmem>>, vector<2000x1xf32>
    %get3A_2 = arith.constant 0 : index
    %get3A_3 = arith.constant 0 : index
    %get3A_4 = vector.load %arg4[%get3A_2, %get3A_3] : memref<1x256xf32, #tpu.memory_space<vmem>>, vector<1x256xf32>
    %mul3A = vector.broadcast %get3A_1 : vector<2000x1xf32> to vector<2000x256xf32>
    %mul3A_5 = vector.broadcast %get3A_4 : vector<1x256xf32> to vector<2000x256xf32>
    %mul3A_6 = arith.mulf %mul3A, %mul3A_5 : vector<2000x256xf32>
    %get3A_7 = arith.constant 0 : index
    %get3A_8 = arith.constant 0 : index
    %get3A_9 = vector.load %arg1[%get3A_7, %get3A_8] : memref<2000x64xf32, #tpu.memory_space<vmem>>, vector<2000x64xf32>
    %get3A_10 = arith.constant 0 : index
    %get3A_11 = arith.constant 0 : index
    %get3A_12 = vector.load %arg3[%get3A_10, %get3A_11] : memref<64x256xf32, #tpu.memory_space<vmem>>, vector<64x256xf32>
    %dot_general3A = arith.constant dense<0.000000e+00> : vector<2000x256xf32>
    %dot_general3A_13 = tpu.matmul %get3A_9, %get3A_12, %dot_general3A {dimension_numbers = #tpu.dot_dimension_numbers<[1], [0], [0], [1], [0, 0, 1, 1], [], []>, precision = #tpu.contract_precision<fp32>, transpose_lhs_hint = false} : vector<2000x64xf32>, vector<64x256xf32>, vector<2000x256xf32> -> vector<2000x256xf32>
    %add3A = arith.addf %mul3A_6, %dot_general3A_13 : vector<2000x256xf32>
    %get3A_14 = arith.constant 0 : index
    %get3A_15 = arith.constant 0 : index
    %get3A_16 = vector.load %arg5[%get3A_14, %get3A_15] : memref<1x256xf32, #tpu.memory_space<vmem>>, vector<1x256xf32>
    %add3A_17 = vector.broadcast %get3A_16 : vector<1x256xf32> to vector<2000x256xf32>
    %add3A_18 = arith.addf %add3A, %add3A_17 : vector<2000x256xf32>
    %max3A = arith.constant 0.000000e+00 : f32
    %max3A_19 = vector.broadcast %max3A : f32 to vector<2000x256xf32>
    %max3A_20 = arith.maximumf %add3A_18, %max3A_19 : vector<2000x256xf32>
    %get3A_21 = arith.constant 0 : index
    %get3A_22 = arith.constant 0 : index
    %get3A_23 = vector.load %arg6[%get3A_21, %get3A_22] : memref<256x64xf32, #tpu.memory_space<vmem>>, vector<256x64xf32>
    %dot_general3A_24 = arith.constant dense<0.000000e+00> : vector<2000x64xf32>
    %dot_general3A_25 = tpu.matmul %max3A_20, %get3A_23, %dot_general3A_24 {dimension_numbers = #tpu.dot_dimension_numbers<[1], [0], [0], [1], [0, 0, 1, 1], [], []>, precision = #tpu.contract_precision<fp32>, transpose_lhs_hint = false} : vector<2000x256xf32>, vector<256x64xf32>, vector<2000x64xf32> -> vector<2000x64xf32>
    %get3A_26 = arith.constant 0 : index
    %get3A_27 = arith.constant 0 : index
    %get3A_28 = vector.load %arg7[%get3A_26, %get3A_27] : memref<1x64xf32, #tpu.memory_space<vmem>>, vector<1x64xf32>
    %add3A_29 = vector.broadcast %get3A_28 : vector<1x64xf32> to vector<2000x64xf32>
    %add3A_30 = arith.addf %dot_general3A_25, %add3A_29 : vector<2000x64xf32>
    %max3A_31 = arith.constant 0.000000e+00 : f32
    %max3A_32 = vector.broadcast %max3A_31 : f32 to vector<2000x64xf32>
    %max3A_33 = arith.maximumf %add3A_30, %max3A_32 : vector<2000x64xf32>
    %get3A_34 = arith.constant 0 : index
    %get3A_35 = arith.constant 0 : index
    %get3A_36 = vector.load %arg8[%get3A_34, %get3A_35] : memref<64x1xf32, #tpu.memory_space<vmem>>, vector<64x1xf32>
    %dot_general3A_37 = arith.constant dense<0.000000e+00> : vector<2000x1xf32>
    %dot_general3A_38 = tpu.matmul %max3A_33, %get3A_36, %dot_general3A_37 {dimension_numbers = #tpu.dot_dimension_numbers<[1], [0], [0], [1], [0, 0, 1, 1], [], []>, precision = #tpu.contract_precision<fp32>, transpose_lhs_hint = false} : vector<2000x64xf32>, vector<64x1xf32>, vector<2000x1xf32> -> vector<2000x1xf32>
    %get3A_39 = arith.constant 0 : index
    %get3A_40 = arith.constant 0 : index
    %get3A_41 = vector.load %arg9[%get3A_39, %get3A_40] : memref<1x1xf32, #tpu.memory_space<vmem>>, vector<1x1xf32>
    %add3A_42 = vector.broadcast %get3A_41 : vector<1x1xf32> to vector<2000x1xf32>
    %add3A_43 = arith.addf %dot_general3A_38, %add3A_42 : vector<2000x1xf32>
    %swap3A = arith.constant 0 : index
    %swap3A_44 = arith.constant 0 : index
    %swap3A_45 = vector.load %arg10[%swap3A, %swap3A_44] : memref<2000x1xf32, #tpu.memory_space<vmem>>, vector<2000x1xf32>
    tpu.vector_store %arg10[%swap3A, %swap3A_44], %add3A_43 {strides = array<i32>} : memref<2000x1xf32, #tpu.memory_space<vmem>>, vector<2000x1xf32>,
    return
  }
  func.func @transform_0(%arg0: i32) -> (i32, i32) {
    %c0_i32 = arith.constant 0 : i32
    %c0_i32_0 = arith.constant 0 : i32
    return %arg0, %c0_i32 : i32, i32
  }
  func.func @transform_1(%arg0: i32) -> (i32, i32) {
    %c0_i32 = arith.constant 0 : i32
    %c0_i32_0 = arith.constant 0 : i32
    return %arg0, %c0_i32 : i32, i32
  }
  func.func @transform_2(%arg0: i32) -> (i32, i32) {
    %c0_i32 = arith.constant 0 : i32
    %c0_i32_0 = arith.constant 0 : i32
    %c0_i32_1 = arith.constant 0 : i32
    return %c0_i32, %c0_i32_0 : i32, i32
  }
  func.func @transform_3(%arg0: i32) -> (i32, i32) {
    %c0_i32 = arith.constant 0 : i32
    %c0_i32_0 = arith.constant 0 : i32
    %c0_i32_1 = arith.constant 0 : i32
    return %c0_i32, %c0_i32_0 : i32, i32
  }
  func.func @transform_4(%arg0: i32) -> (i32, i32) {
    %c0_i32 = arith.constant 0 : i32
    %c0_i32_0 = arith.constant 0 : i32
    %c0_i32_1 = arith.constant 0 : i32
    return %c0_i32, %c0_i32_0 : i32, i32
  }
  func.func @transform_5(%arg0: i32) -> (i32, i32) {
    %c0_i32 = arith.constant 0 : i32
    %c0_i32_0 = arith.constant 0 : i32
    %c0_i32_1 = arith.constant 0 : i32
    return %c0_i32, %c0_i32_0 : i32, i32
  }
  func.func @transform_6(%arg0: i32) -> (i32, i32) {
    %c0_i32 = arith.constant 0 : i32
    %c0_i32_0 = arith.constant 0 : i32
    %c0_i32_1 = arith.constant 0 : i32
    return %c0_i32, %c0_i32_0 : i32, i32
  }
  func.func @transform_7(%arg0: i32) -> (i32, i32) {
    %c0_i32 = arith.constant 0 : i32
    %c0_i32_0 = arith.constant 0 : i32
    %c0_i32_1 = arith.constant 0 : i32
    return %c0_i32, %c0_i32_0 : i32, i32
  }
  func.func @transform_8(%arg0: i32) -> (i32, i32) {
    %c0_i32 = arith.constant 0 : i32
    %c0_i32_0 = arith.constant 0 : i32
    %c0_i32_1 = arith.constant 0 : i32
    return %c0_i32, %c0_i32_0 : i32, i32
  }
  func.func @transform_9(%arg0: i32) -> (i32, i32) {
    %c0_i32 = arith.constant 0 : i32
    %c0_i32_0 = arith.constant 0 : i32
    return %arg0, %c0_i32 : i32, i32
  }
}

</mosaic_0001>

<sc_bundles>
// kernel: kernel.25.cloned.1.call-start
scs
__scs_entry_jumppad:
0x0: {  	(pc) =	sbr.rel $0x88, $3  }
0x1: {  	(tag) =	ssettag $0x0;
	lr =	simm.s32 $0x1  }
0x2: {  	[smem:$0x3F58] =	sst lr;
	_ =	strace $0xD0000000  }
0x3: {  	_ = 	snop  }
0x4: {  	_ = 	snop  }
0x5: {  	_ = 	snop  }
0x6: {  	_ = 	snop  }
0x7: {  	_ = 	snop  }
__scs_overlays_trampoline_lowered:
0x8: {  	[smem:$0x3F67] =	sst s0  }
0x9: {  	[smem:$0x3F68] =	sst s1  }
0xa: {  	[smem:$0x3F69] =	sst s2  }
0xb: {  	[smem:$0x3F6A] =	sst s3  }
0xc: {  	[smem:$0x3F6B] =	sst s4  }
0xd: {  	[smem:$0x3F6C] =	sst s5  }
0xe: {  	[smem:$0x3F6D] =	sst s6  }
0xf: {  	[smem:$0x3F6E] =	sst s7  }
0x10: {  	[smem:$0x3F6F] =	sst s8  }
0x11: {  	[smem:$0x3F70] =	sst s9;
	s0 =	simm.s32 @!p0 $0x0  }
0x12: {  	s1 =	sld [smem:$0x3F56];
	s0 =	simm.s32 @p0 $0x1  }
0x13: {  	[smem:$0x3F71] =	sst s0;
	s0 =	simm.s32 @!p1 $0x0  }
0x14: {  	s2 =	sld [smem:$0x3F55];
	s0 =	simm.s32 @p1 $0x1  }
0x15: {  	[smem:$0x3F72] =	sst s0;
	s0 =	simm.s32 @!p2 $0x0  }
0x16: {  	s3 =	sld [smem:$0x3FDB];
	s0 =	simm.s32 @p2 $0x1  }
0x17: {  	s4 =	simm.s32 $0x1BF5;
	[smem:$0x3F74] =	sst s0  }
0x18: {  	s0 =	sld [smem:$0x3F57];
	_ =	swait.ge [sflag:s4], $0x0  }
0x19: {  	s7 =	sld [smem:$0x3F58]  }
0x1a: {  	s8 =	sadd.s32 $0xFFFFE003, lr  }
0x1b: {  	s9 =	sadd.s32 $0xFFFFFEF7, lr;
	s5 =	simm.s32 $0xFFFFFFFF;
	p2 =	slt.u32 s8, $0xFFFFF086  }
0x1c: {  	p1 =	slt.u32 s9, $0xF7A;
	s5 =	simm.s32 @!p2 $0x0  }
0x1d: {  	s5 =	simm.s32 @p1 $0x1;
	p0 =	seq.s32 s7, s2  }
0x1e: {  	s7 =	smul.u32 @!p0 $0xF7A, s2;
	p2 =	seq.s32 @!p0 s5, $0x0  }
0x1f: {  	s9 =	smul.u32 $0xF7A, s1;
	s8 =	simm.s32 @!p0 $0x1BF5;
	p2 =	por !p2, p0  }
0x20: {  	[sflag:s8] =	ssyncset.s32 @!p0 $0xFFFFF086;
	s6 =	sadd.s32 @!p0 s3, s7;
	s7 =	simm.s32 @!p0 $0x108  }
0x21: {  	s3 =	sadd.s32 s3, s9;
	s6 =	sadd.s32 @!p0 $0x88, s6;
	s7 =	simm.s32 @p2 $0x1082  }
0x22: {  	[simem:s7], [sflag:s8] =	dma.local @!p0 [hbm:s6], $0xF7A  }
0x23: {  	s9 =	sor.u32 $0xD0000000, s2;
	s6 =	simm.s32 $0x108;
	_ =	swait.ge @!p0 [sflag:s8], $0x0  }
0x24: {  	s3 =	sadd.s32 $0x88, s3;
	s6 =	simm.s32 @!p1 $0x1082;
	[sflag:s4] =	ssyncset.s32 $0xFFFFF086  }
0x25: {  	[simem:s6], [sflag:s4] =	dma.local [hbm:s3], $0xF7A  }
0x26: {  	[smem:$0x3F58] =	sst s1;
	(tag) =	ssettag s2;
	_ =	strace s9  }
0x27: {  	s1 =	sld [smem:$0x3F68]  }
0x28: {  	s2 =	sld [smem:$0x3F69]  }
0x29: {  	s4 =	sld [smem:$0x3F6B]  }
0x2a: {  	p0 =	seq.s32 s5, $0x0;
	s5 =	sld [smem:$0x3F6C]  }
0x2b: {  	s6 =	sld [smem:$0x3F6D]  }
0x2c: {  	s7 =	sld [smem:$0x3F6E]  }
0x2d: {  	s3 =	simm.s32 $0x108;
	s8 =	sld [smem:$0x3F6F]  }
0x2e: {  	s3 =	simm.s32 @!p0 $0x1082;
	s9 =	sld [smem:$0x3F70]  }
0x2f: {  	lr =	sadd.s32 s0, s3;
	s0 =	sld [smem:$0x3F67]  }
0x30: {  	s3 =	sld [smem:$0x3F6A]  }
0x31: {  	[smem:$0x3F73] =	sst s10  }
0x32: {  	s10 =	sld [smem:$0x3F71];
	_ =	sdelay $0x3  }
0x33: {  	p0 =	seq.s32 s10, $0x1;
	s10 =	sld [smem:$0x3F73];
	_ =	sdelay $0x3  }
0x34: {  	[smem:$0x3F73] =	sst s10  }
0x35: {  	s10 =	sld [smem:$0x3F72];
	_ =	sdelay $0x3  }
0x36: {  	p1 =	seq.s32 s10, $0x1;
	s10 =	sld [smem:$0x3F73];
	_ =	sdelay $0x3  }
0x37: {  	[smem:$0x3F73] =	sst s10  }
0x38: {  	s10 =	sld [smem:$0x3F74]  }
0x39: {  	_ = 	snop;
	(pc) =	sbr.ind lr, $3  }
0x3a: {  	_ = 	snop  }
0x3b: {  	_ = 	snop  }
0x3c: {  	p2 =	seq.s32 s10, $0x1;
	s10 =	sld [smem:$0x3F73]  }
0x3d: {  	_ =	shalt  }
0x3e: {  	_ =	shalt  }
0x3f: {  	_ =	shalt  }
0x40: {  	_ =	shalt  }
0x41: {  	_ =	shalt  }
0x42: {  	_ =	shalt  }
0x43: {  	_ =	shalt  }
0x44: {  	_ =	shalt  }
0x45: {  	_ =	shalt  }
0x46: {  	_ =	shalt  }
0x47: {  	_ =	shalt  }
0x48: {  	_ =	shalt  }
0x49: {  	_ =	shalt  }
0x4a: {  	_ =	shalt  }
0x4b: {  	_ =	shalt  }
0x4c: {  	_ =	shalt  }
0x4d: {  	_ =	shalt  }
0x4e: {  	_ =	shalt  }
0x4f: {  	_ =	shalt  }
0x50: {  	_ =	shalt  }
0x51: {  	_ =	shalt  }
0x52: {  	_ =	shalt  }
0x53: {  	_ =	shalt  }
0x54: {  	_ =	shalt  }
0x55: {  	_ =	shalt  }
0x56: {  	_ =	shalt  }
0x57: {  	_ =	shalt  }
0x58: {  	_ =	shalt  }
0x59: {  	_ =	shalt  }
0x5a: {  	_ =	shalt  }
0x5b: {  	_ =	shalt  }
0x5c: {  	_ =	shalt  }
0x5d: {  	_ =	shalt  }
0x5e: {  	_ =	shalt  }
0x5f: {  	_ =	shalt  }
0x60: {  	_ =	shalt  }
0x61: {  	_ =	shalt  }
0x62: {  	_ =	shalt  }
0x63: {  	_ =	shalt  }
0x64: {  	_ =	shalt  }
0x65: {  	_ =	shalt  }
0x66: {  	_ =	shalt  }
0x67: {  	_ =	shalt  }
0x68: {  	_ =	shalt  }
0x69: {  	_ =	shalt  }
0x6a: {  	_ =	shalt  }
0x6b: {  	_ =	shalt  }
0x6c: {  	_ =	shalt  }
0x6d: {  	_ =	shalt  }
0x6e: {  	_ =	shalt  }
0x6f: {  	_ =	shalt  }
0x70: {  	_ =	shalt  }
0x71: {  	_ =	shalt  }
0x72: {  	_ =	shalt  }
0x73: {  	_ =	shalt  }
0x74: {  	_ =	shalt  }
0x75: {  	_ =	shalt  }
0x76: {  	_ =	shalt  }
0x77: {  	_ =	shalt  }
0x78: {  	_ =	shalt  }
0x79: {  	_ =	shalt  }
0x7a: {  	_ =	shalt  }
0x7b: {  	_ =	shalt  }
0x7c: {  	_ =	shalt  }
0x7d: {  	_ =	shalt  }
0x7e: {  	_ =	shalt  }
0x7f: {  	_ =	shalt  }
0x80: {  	_ =	shalt  }
0x81: {  	_ =	shalt  }
0x82: {  	_ =	shalt  }
0x83: {  	_ =	shalt  }
0x84: {  	_ =	shalt  }
0x85: {  	_ =	shalt  }
0x86: {  	_ =	shalt  }
0x87: {  	_ =	shalt  }
.Lfunc_end0:
.L_simem_size_0:
called_computation_lowered:
.L_overlay_start_0:
0x88: {  	s2 =	sld [smem:$0x3FD9]  }
0x89: {  	s3 =	sld [smem:$0x3FFE];
	_ =	sdelay $0x1  }
0x8a: {  	s1 =	srdreg.scid  }
0x8b: {  	s0 =	sand.u32 $0x1, s1  }
0x8c: {  	s17 =	sshll.u32 s0, $0xA;
	s2 =	sadd.s32 s3, s2  }
0x8d: {  	s2 =	sadd.s32 s2, s17  }
0x8e: {  	[smem:$0x3F7F] =	sst s2  }
0x8f: {  	_ = 	snop  }
0x90: {  	(tm) =	ssettm $0x1  }
0x91: {  	s18 =	sld [smem:$0x3FFB];
	_ =	sdelay $0x3  }
0x92: {  	_ =	strace s18  }
0x93: {  	s2 =	sld [smem:$0x3FFC];
	_ =	sdelay $0x3  }
0x94: {  	_ =	strace s2  }
0x95: {  	s2 =	sld [smem:$0x3FFD];
	_ =	sdelay $0x3  }
0x96: {  	_ =	strace s2  }
0x97: {  	_ =	strace $0x8FFFFFFF  }
0x98: {  	s19 =	sld [smem:$0x3FDB];
	_ =	sdelay $0x1  }
0x99: {  	s20 =	simm.s32 $_scs_section_size  }
0x9a: {  	s4 =	simm.s32 $_size__tile_overlayer_lowered;
	s5 =	simm.s32 $_tile_overlayer_lowered  }
0x9b: {  	s6 =	simm.s32 $0x1BFF;
	s21 =	sshll.u32 s5, $0x1;
	s3 =	sadd.s32 s20, s19  }
0x9c: {  	s22 =	simm.s32 $0x0;
	s4 =	sshll.u32 s4, $0x1;
	s5 =	sadd.s32 s21, s3  }
0x9d: {  	[timem:s22], [sflag:s6] =	dma.local [hbm:s5], s4  }
0x9e: {  	_ =	swait.ge [sflag:s6], s4  }
0x9f: {  	s4 =	ssub.s32 $0x0, s4;
	[sflag:s6] =	ssyncset.done $0x0  }
0xa0: {  	[sflag:s6] =	ssyncadd.s32 s4;
	_ =	sdelay $0x1  }
0xa1: {  	s23 =	simm.s32 $0x1B8B  }
0xa2: {  	_ =	swait.ge [sflag:s23], $0x1  }
0xa3: {  	[sflag:s23] =	ssyncset.done $0x0  }
0xa4: {  	[sflag:s23] =	ssyncadd.s32 $0xFFFFFFFF  }
0xa5: {  	s4 =	sld [smem:$0x0]  }
0xa6: {  	s5 =	sand.u32 $0xFFFFFFFE, s1  }
0xa7: {  	p0 =	sne.s32 s1, s5  }
0xa8: {  	s5 =	sshll.u32 @p0 s5, $0xE  }
0xa9: {  	s5 =	sadd.s32 @p0 $0x11B8D, s5;
	s6 =	sshll.u32 @p0 s4, $0x11  }
0xaa: {  	s5 =	sor.u32 @p0 s6, s5  }
0xab: {  	[sflag:s5] =	ssyncadd.remote.s32 @p0 $0x1;
	_ =	sdelay $0x1  }
0xac: {  	s5 =	simm.s32 @p0 $0x1B8D  }
0xad: {  	_ =	swait.eq @p0 [sflag:s5], $0x1  }
0xae: {  	[sflag:s5] =	ssyncadd.s32 @p0 $0xFFFFFFFF  }
0xaf: {  	s6 =	sshll.u32 @!p0 s1, $0xE  }
0xb0: {  	s6 =	sor.u32 @!p0 $0x4000, s6;
	s5 =	simm.s32 @!p0 $0x1B8D  }
0xb1: {  	s4 =	sshll.u32 @!p0 s4, $0x11;
	s6 =	sadd.s32 @!p0 $0x11B8D, s6;
	_ =	swait.eq @!p0 [sflag:s5], $0x1  }
0xb2: {  	s4 =	sor.u32 @!p0 s4, s6;
	[sflag:s5] =	ssyncadd.s32 @!p0 $0xFFFFFFFF  }
0xb3: {  	s25 =	simm.s32 $0x1B8E;
	s24 =	sld [smem:$0x3FFE];
	[sflag:s4] =	ssyncadd.remote.s32 @!p0 $0x1  }
0xb4: {  	s26 =	simm.s32 $execute0_lowered;
	[smem:$0x3FD2] =	sst s25  }
0xb5: {  	s5 =	sshll.u32 s26, $0x1;
	_ =	strace $0x80000049;
	[dreg:$0x1] =	wrdreg $0xFFFFFFFF  }
0xb6: {  	s28 =	simm.s32 $_size_execute0_lowered;
	s3 =	sadd.s32 s3, s5;
	[dreg:$0x0] =	wrdreg $0x0  }
0xb7: {  	s5 =	sshll.u32 s28, $0x1;
	[dreg:$0x2] =	wrdreg s3  }
0xb8: {  	[dreg:$0x3] =	wrdreg s5  }
0xb9: {  	[dreg:$0x4] =	wrdreg $0xC0  }
0xba: {  	_ =	task [dreg:s22], $0x5FFFF  }
0xbb: {  	[dreg:$0x1] =	wrdreg $0xFFFFFFFF  }
0xbc: {  	[dreg:$0x0] =	wrdreg $0x60  }
0xbd: {  	[dreg:$0x2] =	wrdreg s24  }
0xbe: {  	[dreg:$0x3] =	wrdreg $0x54000  }
0xbf: {  	[dreg:$0x4] =	wrdreg $0x9  }
0xc0: {  	_ =	task.clear_ibuf [dreg:s22], $0x5FFFF;
	_ =	strace $0x90000049  }
0xc1: {  	s29 =	simm.s32 $0x9;
	_ =	strace $0x8000004B  }
0xc2: {  	_ =	swait.ge [sflag:s29], $0x1  }
0xc3: {  	[sflag:s29] =	ssyncadd.s32 $0xFFFFFFFF  }
0xc4: {  	_ =	strace $0x9000004B  }
0xc5: {  	_ =	sfence  }
0xc6: {  	s30 =	sld [smem:$0x0];
	_ =	sdelay $0x2  }
0xc7: {  	s31 =	sshll.u32 s1, $0xD;
	s1 =	sshrl.u32 s1, $0x2  }
0xc8: {  	s4 =	sand.u32 $0x4000, s31;
	s1 =	sadd.s32 s1, s30  }
0xc9: {  	s0 =	sor.u32 s4, s0;
	s1 =	sshll.u32 s1, $0x11  }
0xca: {  	s0 =	sor.u32 s1, s0  }
0xcb: {  	s0 =	sadd.s32 $0x8F2B, s0  }
0xcc: {  	[sflag:s0] =	ssyncadd.remote.s32 $0x1  }
0xcd: {  	_ =	sfence.sel $0xFFFF  }
0xce: {  	[dreg:$0x0] =	wrdreg $0xFFFFFFFF;
	(pc) =	sbr.abs _section_cstart, $3  }
0xcf: {  	[dreg:$0x1] =	wrdreg $0xFFFFFFFF  }
0xd0: {  	_ =	task.clear_ibuf [dreg:s22], $0x2FFFF;
	_ =	strace $0x9FFFFFFF  }
0xd1: {  	(tm) =	ssettm $0x7FFFFFFF  }
tec
execute0_lowered:
.L_overlay_start_1:
0x0: {  	(tag) =	ssettag $0x1  }
0x1: {  	s0 =	srdreg.scid  }
0x2: {  	s4 =	rddreg [dreg:$0x0];
	s5 =	stileid.u32  }
0x3: {  	s1 =	rddreg [dreg:$0x1];
	s2 =	simm.s32 $0x0;
	s14 =	simm.s32 $0x2  }
0x4: {  	s15 =	simm.s32 $0x1400;
	s16 =	simm.s32 $0x80;
	s28 =	simm.s32 $0xF00  }
0x5: {  	s29 =	simm.s32 $0xF80;
	s30 =	simm.s32 $0x1000;
	s6 =	smul.u32 $0x280, s5  }
0x6: {  	s31 =	simm.s32 $0x1080;
	s17 =	simm.s32 $0x1;
	s7 =	smul.u32 $0x2800, s5  }
0x7: {  	s18 =	simm.s32 $0x0;
	s0 =	sand.u32 $0x1, s0;
	s9 =	smul.u32 $0x50000, s5  }
0x8: {  	[smem:$0x7FF] =	sst s2;
	s12 =	sadd.s32 $0x311E00, s4;
	s23 =	smul.u32 $0x4E000, s5  }
0x9: {  	s13 =	sadd.s32 $0x339000, s4;
	s24 =	sshll.u32 s5, $0x6;
	s11 =	smul.u32 $0x2700, s5  }
0xa: {  	s26 =	sadd.s32 $0x138000, s1;
	p1 =	sne.s32 s5, $0x0;
	p2 =	seq.s32 s5, $0x0  }
0xb: {  	s5 =	simm.s32 $0x1280;
	s3 =	smul.u32 $0x2800, s0;
	_ =	strace $0x8000004A  }
0xc: {  	s20 =	ssub.s32 $0x2, s0;
	p0 =	seq.s32 s0, $0x1;
	[dreg:$0x3] =	wrdreg s12  }
0xd: {  	[dreg:$0x4] =	wrdreg s13;
	s0 =	sshrl.u32 s26, $0x3;
	s26 =	simm.s32 $0xE80  }
0xe: {  	s19 =	sadd.s32 s7, s4;
	s21 =	sshrl.u32 s20, $0x1;
	s22 =	sshrl.u32 s9, $0x2  }
0xf: {  	s7 =	sor.u32 $0x1C02, s24;
	s9 =	sshrl.u32 s23, $0x2;
	s25 =	sadd.s32 s12, s11  }
0x10: {  	s11 =	sadd.s32 s13, s11;
	[dreg:$0x7] =	wrdreg s0;
	s23 =	simm.s32 $0xD80  }
0x11: {  	s24 =	simm.s32 $0xE00;
	s0 =	simm.s32 $0x1100;
	s3 =	sadd.s32 s6, s3  }
0x12: {  	s10 =	sadd.s32 s22, s1;
	s6 =	sadd.s32 $0x2E9600, s19;
	[dreg:$0x5] =	wrdreg s25  }
.Ltmp0:
0x13: {  	s9 =	sadd.s32 s9, s1;
	[dreg:$0x6] =	wrdreg s11;
	(pc) =	sbr.rel .LBB2_1-.Ltmp0, $4  }
0x14: {  	s22 =	simm.s32 $0xD00;
	s25 =	simm.s32 $0x1180;
	s11 =	simm.s32 $0x1380  }
0x15: {  	s8 =	sadd.s32 s3, s4;
	s3 =	sadd.s32 $0x311600, s4;
	s4 =	ssub.s32 s20, s21  }
0x16: {  	s13 =	sshrl.u32 s10, $0x3;
	s21 =	simm.s32 $0xC80;
	s10 =	simm.s32 $0x1300  }
0x17: {  	s8 =	sadd.s32 $0x2E4600, s8;
	s12 =	smax.u32 s4, $0x1;
	s4 =	simm.s32 $0x1200  }
.LBB2_6:
0x18: {  	s19 =	sadd.s32 $0x27000, s19;
	s20 =	rddreg [dreg:$0x7]  }
0x19: {  	[hbm:s19], [sflag:s7] =	dma.local [spmem:s20], $0x100  }
0x1a: {  	_ =	swait.ge [sflag:s14], $0x100  }
0x1b: {  	[sflag:s14] =	ssyncset.done $0x0  }
0x1c: {  	[sflag:s14] =	ssyncadd.s32 $0xFFFFFF00  }
.LBB2_7:
0x1d: {  	s18 =	sadd.s32 $0x1, s18  }
0x1e: {  	p3 =	sne.s32 s18, s12  }
.Ltmp1:
0x1f: {  	_ = 	snop;
	(pc) =	sbr.rel @!p3 .LBB2_8-.Ltmp1, $1  }
0x20: {  	_ =	sdelay $0x3  }
.LBB2_1:
0x21: {  	[spmem:s13], [sflag:s7] =	dma.local [hbm:s6], $0x2800  }
0x22: {  	_ =	swait.ge [sflag:s14], $0x2800  }
0x23: {  	[sflag:s14] =	ssyncset.done $0x0  }
0x24: {  	[sflag:s14] =	ssyncadd.s32 $0xFFFFD800  }
0x25: {  	[tilespmem:s15], [sflag:$0x2] =	stream.linear.gather [hbm4b:s3+s2], $0x4000, $0x38;
	[tilespmem:$0x7C00] =	vst v63  }
0x26: {  	_ =	swait.ge [sflag:s14], $0x4000  }
0x27: {  	[sflag:s14] =	ssyncset.done $0x0  }
0x28: {  	[sflag:s14] =	ssyncadd.s32 $0xFFFFC000  }
0x29: {  	[tilespmem:s2], [sflag:$0x2] =	stream.linear.gather [hbm4b:s8+s2], $0x1400, $0x38;
	[tilespmem:$0x7C00] =	vst v63  }
0x2a: {  	_ =	swait.ge [sflag:s14], $0x1400  }
0x2b: {  	[sflag:s14] =	ssyncset.done $0x0  }
0x2c: {  	[sflag:s14] =	ssyncadd.s32 $0xFFFFEC00  }
0x2d: {  	[bflag:$0x0] =	sbarrier.arrive $0xFFFF  }
0x2e: {  	[spmem:s1] =	stream.indirect.scatter.add.f32 [tilespmem:s15], [sflag:$0x1], $0x10, s2, s16, $0xb8;
	[tilespmem:$0x7C00] =	vst v63  }
0x2f: {  	_ = 	snop  }
0x30: {  	[spmem:s1] =	stream.indirect.scatter.add.f32 [tilespmem:s15], [sflag:$0x1], $0x10, s16, s16, $0xb8;
	[tilespmem:$0x7C00] =	vst v63  }
0x31: {  	s19 =	simm.s32 $0x100  }
0x32: {  	[spmem:s1] =	stream.indirect.scatter.add.f32 [tilespmem:s15], [sflag:$0x1], $0x10, s19, s16, $0xb8;
	[tilespmem:$0x7C00] =	vst v63  }
0x33: {  	s20 =	simm.s32 $0x180  }
0x34: {  	[spmem:s1] =	stream.indirect.scatter.add.f32 [tilespmem:s15], [sflag:$0x1], $0x10, s20, s16, $0xb8;
	[tilespmem:$0x7C00] =	vst v63  }
0x35: {  	s20 =	simm.s32 $0x200  }
0x36: {  	[spmem:s1] =	stream.indirect.scatter.add.f32 [tilespmem:s15], [sflag:$0x1], $0x10, s20, s16, $0xb8;
	[tilespmem:$0x7C00] =	vst v63  }
0x37: {  	s20 =	simm.s32 $0x280  }
0x38: {  	[spmem:s1] =	stream.indirect.scatter.add.f32 [tilespmem:s15], [sflag:$0x1], $0x10, s20, s16, $0xb8;
	[tilespmem:$0x7C00] =	vst v63  }
0x39: {  	s20 =	simm.s32 $0x300  }
0x3a: {  	[spmem:s1] =	stream.indirect.scatter.add.f32 [tilespmem:s15], [sflag:$0x1], $0x10, s20, s16, $0xb8;
	[tilespmem:$0x7C00] =	vst v63  }
0x3b: {  	s20 =	simm.s32 $0x380  }
0x3c: {  	[spmem:s1] =	stream.indirect.scatter.add.f32 [tilespmem:s15], [sflag:$0x1], $0x10, s20, s16, $0xb8;
	[tilespmem:$0x7C00] =	vst v63  }
0x3d: {  	s20 =	simm.s32 $0x400  }
0x3e: {  	[spmem:s1] =	stream.indirect.scatter.add.f32 [tilespmem:s15], [sflag:$0x1], $0x10, s20, s16, $0xb8;
	[tilespmem:$0x7C00] =	vst v63  }
0x3f: {  	s20 =	simm.s32 $0x480  }
0x40: {  	[spmem:s1] =	stream.indirect.scatter.add.f32 [tilespmem:s15], [sflag:$0x1], $0x10, s20, s16, $0xb8;
	[tilespmem:$0x7C00] =	vst v63  }
0x41: {  	s20 =	simm.s32 $0x500  }
0x42: {  	[spmem:s1] =	stream.indirect.scatter.add.f32 [tilespmem:s15], [sflag:$0x1], $0x10, s20, s16, $0xb8;
	[tilespmem:$0x7C00] =	vst v63  }
0x43: {  	s20 =	simm.s32 $0x580  }
0x44: {  	[spmem:s1] =	stream.indirect.scatter.add.f32 [tilespmem:s15], [sflag:$0x1], $0x10, s20, s16, $0xb8;
	[tilespmem:$0x7C00] =	vst v63  }
0x45: {  	s20 =	simm.s32 $0x600  }
0x46: {  	[spmem:s1] =	stream.indirect.scatter.add.f32 [tilespmem:s15], [sflag:$0x1], $0x10, s20, s16, $0xb8;
	[tilespmem:$0x7C00] =	vst v63  }
0x47: {  	s20 =	simm.s32 $0x680  }
0x48: {  	[spmem:s1] =	stream.indirect.scatter.add.f32 [tilespmem:s15], [sflag:$0x1], $0x10, s20, s16, $0xb8;
	[tilespmem:$0x7C00] =	vst v63  }
0x49: {  	s20 =	simm.s32 $0x700  }
0x4a: {  	[spmem:s1] =	stream.indirect.scatter.add.f32 [tilespmem:s15], [sflag:$0x1], $0x10, s20, s16, $0xb8;
	[tilespmem:$0x7C00] =	vst v63  }
0x4b: {  	s20 =	simm.s32 $0x780  }
0x4c: {  	[spmem:s1] =	stream.indirect.scatter.add.f32 [tilespmem:s15], [sflag:$0x1], $0x10, s20, s16, $0xb8;
	[tilespmem:$0x7C00] =	vst v63  }
0x4d: {  	s20 =	simm.s32 $0x800  }
0x4e: {  	[spmem:s1] =	stream.indirect.scatter.add.f32 [tilespmem:s15], [sflag:$0x1], $0x10, s20, s16, $0xb8;
	[tilespmem:$0x7C00] =	vst v63  }
0x4f: {  	s20 =	simm.s32 $0x880  }
0x50: {  	[spmem:s1] =	stream.indirect.scatter.add.f32 [tilespmem:s15], [sflag:$0x1], $0x10, s20, s16, $0xb8;
	[tilespmem:$0x7C00] =	vst v63  }
0x51: {  	s20 =	simm.s32 $0x900  }
0x52: {  	[spmem:s1] =	stream.indirect.scatter.add.f32 [tilespmem:s15], [sflag:$0x1], $0x10, s20, s16, $0xb8;
	[tilespmem:$0x7C00] =	vst v63  }
0x53: {  	s20 =	simm.s32 $0x980  }
0x54: {  	[spmem:s1] =	stream.indirect.scatter.add.f32 [tilespmem:s15], [sflag:$0x1], $0x10, s20, s16, $0xb8;
	[tilespmem:$0x7C00] =	vst v63  }
0x55: {  	s20 =	simm.s32 $0xA00  }
0x56: {  	[spmem:s1] =	stream.indirect.scatter.add.f32 [tilespmem:s15], [sflag:$0x1], $0x10, s20, s16, $0xb8;
	[tilespmem:$0x7C00] =	vst v63  }
0x57: {  	s20 =	simm.s32 $0xA80  }
0x58: {  	[spmem:s1] =	stream.indirect.scatter.add.f32 [tilespmem:s15], [sflag:$0x1], $0x10, s20, s16, $0xb8;
	[tilespmem:$0x7C00] =	vst v63  }
0x59: {  	s20 =	simm.s32 $0xB00  }
0x5a: {  	[spmem:s1] =	stream.indirect.scatter.add.f32 [tilespmem:s15], [sflag:$0x1], $0x10, s20, s16, $0xb8;
	[tilespmem:$0x7C00] =	vst v63  }
0x5b: {  	s20 =	simm.s32 $0xB80  }
0x5c: {  	[spmem:s1] =	stream.indirect.scatter.add.f32 [tilespmem:s15], [sflag:$0x1], $0x10, s20, s16, $0xb8;
	[tilespmem:$0x7C00] =	vst v63  }
0x5d: {  	s20 =	simm.s32 $0xC00  }
0x5e: {  	[spmem:s1] =	stream.indirect.scatter.add.f32 [tilespmem:s15], [sflag:$0x1], $0x10, s20, s16, $0xb8;
	[tilespmem:$0x7C00] =	vst v63  }
0x5f: {  	_ = 	snop  }
0x60: {  	[spmem:s1] =	stream.indirect.scatter.add.f32 [tilespmem:s15], [sflag:$0x1], $0x10, s21, s16, $0xb8;
	[tilespmem:$0x7C00] =	vst v63  }
0x61: {  	_ = 	snop  }
0x62: {  	[spmem:s1] =	stream.indirect.scatter.add.f32 [tilespmem:s15], [sflag:$0x1], $0x10, s22, s16, $0xb8;
	[tilespmem:$0x7C00] =	vst v63  }
0x63: {  	_ = 	snop  }
0x64: {  	[spmem:s1] =	stream.indirect.scatter.add.f32 [tilespmem:s15], [sflag:$0x1], $0x10, s23, s16, $0xb8;
	[tilespmem:$0x7C00] =	vst v63  }
0x65: {  	_ = 	snop  }
0x66: {  	[spmem:s1] =	stream.indirect.scatter.add.f32 [tilespmem:s15], [sflag:$0x1], $0x10, s24, s16, $0xb8;
	[tilespmem:$0x7C00] =	vst v63  }
0x67: {  	_ = 	snop  }
0x68: {  	[spmem:s1] =	stream.indirect.scatter.add.f32 [tilespmem:s15], [sflag:$0x1], $0x10, s26, s16, $0xb8;
	[tilespmem:$0x7C00] =	vst v63  }
0x69: {  	_ = 	snop  }
0x6a: {  	[spmem:s1] =	stream.indirect.scatter.add.f32 [tilespmem:s15], [sflag:$0x1], $0x10, s28, s16, $0xb8;
	[tilespmem:$0x7C00] =	vst v63  }
0x6b: {  	_ = 	snop  }
0x6c: {  	[spmem:s1] =	stream.indirect.scatter.add.f32 [tilespmem:s15], [sflag:$0x1], $0x10, s29, s16, $0xb8;
	[tilespmem:$0x7C00] =	vst v63  }
0x6d: {  	_ = 	snop  }
0x6e: {  	[spmem:s1] =	stream.indirect.scatter.add.f32 [tilespmem:s15], [sflag:$0x1], $0x10, s30, s16, $0xb8;
	[tilespmem:$0x7C00] =	vst v63  }
0x6f: {  	_ = 	snop  }
0x70: {  	[spmem:s1] =	stream.indirect.scatter.add.f32 [tilespmem:s15], [sflag:$0x1], $0x10, s31, s16, $0xb8;
	[tilespmem:$0x7C00] =	vst v63  }
0x71: {  	_ = 	snop  }
0x72: {  	[spmem:s1] =	stream.indirect.scatter.add.f32 [tilespmem:s15], [sflag:$0x1], $0x10, s0, s16, $0xb8;
	[tilespmem:$0x7C00] =	vst v63  }
0x73: {  	_ = 	snop  }
0x74: {  	[spmem:s1] =	stream.indirect.scatter.add.f32 [tilespmem:s15], [sflag:$0x1], $0x10, s25, s16, $0xb8;
	[tilespmem:$0x7C00] =	vst v63  }
0x75: {  	_ = 	snop  }
0x76: {  	[spmem:s1] =	stream.indirect.scatter.add.f32 [tilespmem:s15], [sflag:$0x1], $0x10, s4, s16, $0xb8;
	[tilespmem:$0x7C00] =	vst v63  }
0x77: {  	_ = 	snop  }
0x78: {  	[spmem:s1] =	stream.indirect.scatter.add.f32 [tilespmem:s15], [sflag:$0x1], $0x10, s5, s16, $0xb8;
	[tilespmem:$0x7C00] =	vst v63  }
0x79: {  	_ = 	snop  }
0x7a: {  	[spmem:s1] =	stream.indirect.scatter.add.f32 [tilespmem:s15], [sflag:$0x1], $0x10, s10, s16, $0xb8;
	[tilespmem:$0x7C00] =	vst v63  }
0x7b: {  	_ = 	snop  }
0x7c: {  	[spmem:s1] =	stream.indirect.scatter.add.f32 [tilespmem:s15], [sflag:$0x1], $0x10, s11, s16, $0xb8;
	[tilespmem:$0x7C00] =	vst v63  }
0x7d: {  	_ =	swait.ge [sflag:s17], $0x800  }
0x7e: {  	s19 =	simm.s32 $0x27;
	[sflag:s17] =	ssyncset.done $0x0  }
.LBB2_2:
0x7f: {  	p3 =	sne.s32 s19, $0x1;
	s19 =	sadd.s32 $0xFFFFFFFF, s19;
	[sflag:s17] =	ssyncadd.s32 $0xFFFFF800  }
.Ltmp2:
0x80: {  	(pc) =	sbr.rel @p3 .LBB2_2-.Ltmp2, $3  }
0x81: {  	_ =	sdelay $0x1  }
0x82: {  	_ =	swait.ge [sflag:s17], $0x800  }
0x83: {  	[sflag:s17] =	ssyncset.done $0x0  }
.Ltmp3:
0x84: {  	(pc) =	sbr.rel @!p0 .LBB2_4-.Ltmp3, $4  }
0x85: {  	_ = 	snop  }
0x86: {  	[sflag:s17] =	ssyncadd.s32 $0xFFFFF800  }
0x87: {  	[bflag:$0x0] =	sbarrier.arrive $0xFFFF  }
0x88: {  	s19 =	sshrl.u32 s9, $0x3  }
0x89: {  	s20 =	rddreg [dreg:$0x6]  }
0x8a: {  	[hbm:s20], [sflag:s7] =	dma.local [spmem:s19], $0x2700  }
.Ltmp4:
0x8b: {  	_ = 	snop;
	(pc) =	sbr.rel @p1 .LBB2_7-.Ltmp4, $4  }
.Ltmp5:
0x8c: {  	_ = 	snop;
	(pc) =	sbr.rel @!p1 .LBB2_6-.Ltmp5, $4  }
0x8d: {  	_ =	swait.ge [sflag:s14], $0x2700  }
0x8e: {  	[sflag:s14] =	ssyncset.done $0x0  }
0x8f: {  	s19 =	rddreg [dreg:$0x4];
	[sflag:s14] =	ssyncadd.s32 $0xFFFFD900  }
0x90: {  	_ = 	snop  }
.LBB2_4:
0x91: {  	s20 =	rddreg [dreg:$0x5]  }
0x92: {  	[hbm:s20], [sflag:s7] =	dma.local [spmem:s19], $0x2700  }
.Ltmp6:
0x93: {  	_ = 	snop;
	(pc) =	sbr.rel @!p2 .LBB2_7-.Ltmp6, $4  }
.Ltmp7:
0x94: {  	_ = 	snop;
	(pc) =	sbr.rel @p2 .LBB2_6-.Ltmp7, $4  }
0x95: {  	_ =	swait.ge [sflag:s14], $0x2700  }
0x96: {  	[sflag:s14] =	ssyncset.done $0x0  }
0x97: {  	s19 =	rddreg [dreg:$0x3];
	[sflag:s14] =	ssyncadd.s32 $0xFFFFD900  }
0x98: {  	_ = 	snop  }
.LBB2_8:
0x99: {  	_ =	sfence.sel $0x180000  }
0x9a: {  	[bflag:$0x0] =	sbarrier.arrive $0xFFFF  }
0x9b: {  	_ =	strace $0x9000004A  }
0x9c: {  	[bflag:$0x2] =	sbarrier.arrive $0xFFFF  }
0x9d: {  	s0 =	rddreg [dreg:$0x2]  }
0x9e: {  	s0 =	sadd.s32 @!p1 $0x100000, s0  }
0x9f: {  	[sflag:s0] =	ssyncadd.tile.s32 @!p1 $0x1;
	_ =	shalt  }
.Lfunc_end2:
_tile_overlayer_lowered:
.L_overlay_start_2:
0xa0: {  	(tag) =	ssettag $0x2  }
0xa1: {  	s0 =	rddreg [dreg:$0x0];
	s2 =	stileid.u32  }
0xa2: {  	s1 =	rddreg [dreg:$0x1];
	p0 =	sne.s32 s2, $0x0  }
0xa3: {  	s3 =	rddreg [dreg:$0x2];
	[bflag:$0x3] =	sbarrier.arrive $0xFFFF;
	s2 =	simm.s32 @!p0 $0x1C02  }
0xa4: {  	[timem:s3], [sflag:s2] =	dma.local @!p0 [hbm:s0], s1  }
0xa5: {  	s0 =	simm.s32 @!p0 $0x2  }
0xa6: {  	_ =	swait.ge @!p0 [sflag:s0], s1  }
0xa7: {  	s1 =	ssub.s32 @!p0 $0x0, s1;
	[sflag:s0] =	ssyncset.done @!p0 $0x0  }
0xa8: {  	[sflag:s0] =	ssyncadd.s32 @!p0 s1  }
0xa9: {  	[bflag:$0x3] =	sbarrier.arrive $0xFFFF  }
0xaa: {  	_ =	shalt  }

// kernel: kernel.28.cloned.1.call-start
scs
__scs_entry_jumppad:
0x0: {  	(pc) =	sbr.rel $0x88, $3  }
0x1: {  	(tag) =	ssettag $0x0;
	lr =	simm.s32 $0x1  }
0x2: {  	[smem:$0x3F58] =	sst lr;
	_ =	strace $0xD0000000  }
0x3: {  	_ = 	snop  }
0x4: {  	_ = 	snop  }
0x5: {  	_ = 	snop  }
0x6: {  	_ = 	snop  }
0x7: {  	_ = 	snop  }
__scs_overlays_trampoline_lowered:
0x8: {  	[smem:$0x3F67] =	sst s0  }
0x9: {  	[smem:$0x3F68] =	sst s1  }
0xa: {  	[smem:$0x3F69] =	sst s2  }
0xb: {  	[smem:$0x3F6A] =	sst s3  }
0xc: {  	[smem:$0x3F6B] =	sst s4  }
0xd: {  	[smem:$0x3F6C] =	sst s5  }
0xe: {  	[smem:$0x3F6D] =	sst s6  }
0xf: {  	[smem:$0x3F6E] =	sst s7  }
0x10: {  	[smem:$0x3F6F] =	sst s8  }
0x11: {  	[smem:$0x3F70] =	sst s9;
	s0 =	simm.s32 @!p0 $0x0  }
0x12: {  	s1 =	sld [smem:$0x3F56];
	s0 =	simm.s32 @p0 $0x1  }
0x13: {  	[smem:$0x3F71] =	sst s0;
	s0 =	simm.s32 @!p1 $0x0  }
0x14: {  	s2 =	sld [smem:$0x3F55];
	s0 =	simm.s32 @p1 $0x1  }
0x15: {  	[smem:$0x3F72] =	sst s0;
	s0 =	simm.s32 @!p2 $0x0  }
0x16: {  	s3 =	sld [smem:$0x3FDB];
	s0 =	simm.s32 @p2 $0x1  }
0x17: {  	s4 =	simm.s32 $0x1BF5;
	[smem:$0x3F74] =	sst s0  }
0x18: {  	s0 =	sld [smem:$0x3F57];
	_ =	swait.ge [sflag:s4], $0x0  }
0x19: {  	s7 =	sld [smem:$0x3F58]  }
0x1a: {  	s8 =	sadd.s32 $0xFFFFE003, lr  }
0x1b: {  	s9 =	sadd.s32 $0xFFFFFEF7, lr;
	s5 =	simm.s32 $0xFFFFFFFF;
	p2 =	slt.u32 s8, $0xFFFFF086  }
0x1c: {  	p1 =	slt.u32 s9, $0xF7A;
	s5 =	simm.s32 @!p2 $0x0  }
0x1d: {  	s5 =	simm.s32 @p1 $0x1;
	p0 =	seq.s32 s7, s2  }
0x1e: {  	s7 =	smul.u32 @!p0 $0xF7A, s2;
	p2 =	seq.s32 @!p0 s5, $0x0  }
0x1f: {  	s9 =	smul.u32 $0xF7A, s1;
	s8 =	simm.s32 @!p0 $0x1BF5;
	p2 =	por !p2, p0  }
0x20: {  	[sflag:s8] =	ssyncset.s32 @!p0 $0xFFFFF086;
	s6 =	sadd.s32 @!p0 s3, s7;
	s7 =	simm.s32 @!p0 $0x108  }
0x21: {  	s3 =	sadd.s32 s3, s9;
	s6 =	sadd.s32 @!p0 $0x88, s6;
	s7 =	simm.s32 @p2 $0x1082  }
0x22: {  	[simem:s7], [sflag:s8] =	dma.local @!p0 [hbm:s6], $0xF7A  }
0x23: {  	s9 =	sor.u32 $0xD0000000, s2;
	s6 =	simm.s32 $0x108;
	_ =	swait.ge @!p0 [sflag:s8], $0x0  }
0x24: {  	s3 =	sadd.s32 $0x88, s3;
	s6 =	simm.s32 @!p1 $0x1082;
	[sflag:s4] =	ssyncset.s32 $0xFFFFF086  }
0x25: {  	[simem:s6], [sflag:s4] =	dma.local [hbm:s3], $0xF7A  }
0x26: {  	[smem:$0x3F58] =	sst s1;
	(tag) =	ssettag s2;
	_ =	strace s9  }
0x27: {  	s1 =	sld [smem:$0x3F68]  }
0x28: {  	s2 =	sld [smem:$0x3F69]  }
0x29: {  	s4 =	sld [smem:$0x3F6B]  }
0x2a: {  	p0 =	seq.s32 s5, $0x0;
	s5 =	sld [smem:$0x3F6C]  }
0x2b: {  	s6 =	sld [smem:$0x3F6D]  }
0x2c: {  	s7 =	sld [smem:$0x3F6E]  }
0x2d: {  	s3 =	simm.s32 $0x108;
	s8 =	sld [smem:$0x3F6F]  }
0x2e: {  	s3 =	simm.s32 @!p0 $0x1082;
	s9 =	sld [smem:$0x3F70]  }
0x2f: {  	lr =	sadd.s32 s0, s3;
	s0 =	sld [smem:$0x3F67]  }
0x30: {  	s3 =	sld [smem:$0x3F6A]  }
0x31: {  	[smem:$0x3F73] =	sst s10  }
0x32: {  	s10 =	sld [smem:$0x3F71];
	_ =	sdelay $0x3  }
0x33: {  	p0 =	seq.s32 s10, $0x1;
	s10 =	sld [smem:$0x3F73];
	_ =	sdelay $0x3  }
0x34: {  	[smem:$0x3F73] =	sst s10  }
0x35: {  	s10 =	sld [smem:$0x3F72];
	_ =	sdelay $0x3  }
0x36: {  	p1 =	seq.s32 s10, $0x1;
	s10 =	sld [smem:$0x3F73];
	_ =	sdelay $0x3  }
0x37: {  	[smem:$0x3F73] =	sst s10  }
0x38: {  	s10 =	sld [smem:$0x3F74]  }
0x39: {  	_ = 	snop;
	(pc) =	sbr.ind lr, $3  }
0x3a: {  	_ = 	snop  }
0x3b: {  	_ = 	snop  }
0x3c: {  	p2 =	seq.s32 s10, $0x1;
	s10 =	sld [smem:$0x3F73]  }
0x3d: {  	_ =	shalt  }
0x3e: {  	_ =	shalt  }
0x3f: {  	_ =	shalt  }
0x40: {  	_ =	shalt  }
0x41: {  	_ =	shalt  }
0x42: {  	_ =	shalt  }
0x43: {  	_ =	shalt  }
0x44: {  	_ =	shalt  }
0x45: {  	_ =	shalt  }
0x46: {  	_ =	shalt  }
0x47: {  	_ =	shalt  }
0x48: {  	_ =	shalt  }
0x49: {  	_ =	shalt  }
0x4a: {  	_ =	shalt  }
0x4b: {  	_ =	shalt  }
0x4c: {  	_ =	shalt  }
0x4d: {  	_ =	shalt  }
0x4e: {  	_ =	shalt  }
0x4f: {  	_ =	shalt  }
0x50: {  	_ =	shalt  }
0x51: {  	_ =	shalt  }
0x52: {  	_ =	shalt  }
0x53: {  	_ =	shalt  }
0x54: {  	_ =	shalt  }
0x55: {  	_ =	shalt  }
0x56: {  	_ =	shalt  }
0x57: {  	_ =	shalt  }
0x58: {  	_ =	shalt  }
0x59: {  	_ =	shalt  }
0x5a: {  	_ =	shalt  }
0x5b: {  	_ =	shalt  }
0x5c: {  	_ =	shalt  }
0x5d: {  	_ =	shalt  }
0x5e: {  	_ =	shalt  }
0x5f: {  	_ =	shalt  }
0x60: {  	_ =	shalt  }
0x61: {  	_ =	shalt  }
0x62: {  	_ =	shalt  }
0x63: {  	_ =	shalt  }
0x64: {  	_ =	shalt  }
0x65: {  	_ =	shalt  }
0x66: {  	_ =	shalt  }
0x67: {  	_ =	shalt  }
0x68: {  	_ =	shalt  }
0x69: {  	_ =	shalt  }
0x6a: {  	_ =	shalt  }
0x6b: {  	_ =	shalt  }
0x6c: {  	_ =	shalt  }
0x6d: {  	_ =	shalt  }
0x6e: {  	_ =	shalt  }
0x6f: {  	_ =	shalt  }
0x70: {  	_ =	shalt  }
0x71: {  	_ =	shalt  }
0x72: {  	_ =	shalt  }
0x73: {  	_ =	shalt  }
0x74: {  	_ =	shalt  }
0x75: {  	_ =	shalt  }
0x76: {  	_ =	shalt  }
0x77: {  	_ =	shalt  }
0x78: {  	_ =	shalt  }
0x79: {  	_ =	shalt  }
0x7a: {  	_ =	shalt  }
0x7b: {  	_ =	shalt  }
0x7c: {  	_ =	shalt  }
0x7d: {  	_ =	shalt  }
0x7e: {  	_ =	shalt  }
0x7f: {  	_ =	shalt  }
0x80: {  	_ =	shalt  }
0x81: {  	_ =	shalt  }
0x82: {  	_ =	shalt  }
0x83: {  	_ =	shalt  }
0x84: {  	_ =	shalt  }
0x85: {  	_ =	shalt  }
0x86: {  	_ =	shalt  }
0x87: {  	_ =	shalt  }
.Lfunc_end0:
.L_simem_size_0:
called_computation.1_lowered:
.L_overlay_start_0:
0x88: {  	s2 =	sld [smem:$0x3FD9]  }
0x89: {  	s3 =	sld [smem:$0x3FFE];
	_ =	sdelay $0x1  }
0x8a: {  	s1 =	srdreg.scid  }
0x8b: {  	s0 =	sand.u32 $0x1, s1  }
0x8c: {  	s16 =	sshll.u32 s0, $0xA;
	s2 =	sadd.s32 s3, s2  }
0x8d: {  	s2 =	sadd.s32 s2, s16  }
0x8e: {  	[smem:$0x3F7F] =	sst s2  }
0x8f: {  	_ = 	snop  }
0x90: {  	(tm) =	ssettm $0x1  }
0x91: {  	s17 =	sld [smem:$0x3FFB];
	_ =	sdelay $0x3  }
0x92: {  	_ =	strace s17  }
0x93: {  	s2 =	sld [smem:$0x3FFC];
	_ =	sdelay $0x3  }
0x94: {  	_ =	strace s2  }
0x95: {  	s2 =	sld [smem:$0x3FFD];
	_ =	sdelay $0x3  }
0x96: {  	_ =	strace s2  }
0x97: {  	_ =	strace $0x8FFFFFFF  }
0x98: {  	s18 =	sld [smem:$0x3FDB];
	_ =	sdelay $0x1  }
0x99: {  	s19 =	simm.s32 $_scs_section_size  }
0x9a: {  	s4 =	simm.s32 $_size__tile_overlayer_lowered;
	s5 =	simm.s32 $_tile_overlayer_lowered  }
0x9b: {  	s22 =	simm.s32 $0x1BFF;
	s21 =	sshll.u32 s5, $0x1;
	s2 =	sadd.s32 s19, s18  }
0x9c: {  	s6 =	simm.s32 $0x0;
	s20 =	sshll.u32 s4, $0x1;
	s4 =	sadd.s32 s21, s2  }
0x9d: {  	[timem:s6], [sflag:s22] =	dma.local [hbm:s4], s20  }
0x9e: {  	_ =	swait.ge [sflag:s22], s20  }
0x9f: {  	s3 =	ssub.s32 $0x0, s20;
	[sflag:s22] =	ssyncset.done $0x0  }
0xa0: {  	[sflag:s22] =	ssyncadd.s32 s3;
	_ =	sdelay $0x1  }
0xa1: {  	s23 =	simm.s32 $0x1B8B  }
0xa2: {  	_ =	swait.ge [sflag:s23], $0x1  }
0xa3: {  	[sflag:s23] =	ssyncset.done $0x0  }
0xa4: {  	s25 =	simm.s32 $0x1B8E;
	s24 =	sld [smem:$0x3FFE];
	[sflag:s23] =	ssyncadd.s32 $0xFFFFFFFF  }
0xa5: {  	s26 =	simm.s32 $execute0_lowered;
	[smem:$0x3FD2] =	sst s25  }
0xa6: {  	s4 =	sshll.u32 s26, $0x1;
	_ =	strace $0x80000046;
	[dreg:$0x1] =	wrdreg $0xFFFFFFFF  }
0xa7: {  	s28 =	simm.s32 $_size_execute0_lowered;
	s2 =	sadd.s32 s2, s4;
	[dreg:$0x0] =	wrdreg $0x0  }
0xa8: {  	s4 =	sshll.u32 s28, $0x1;
	[dreg:$0x2] =	wrdreg s2  }
0xa9: {  	[dreg:$0x3] =	wrdreg s4  }
0xaa: {  	[dreg:$0x4] =	wrdreg $0xC0  }
0xab: {  	_ =	task [dreg:s6], $0x5FFFF  }
0xac: {  	[dreg:$0x1] =	wrdreg $0xFFFFFFFF  }
0xad: {  	[dreg:$0x0] =	wrdreg $0x60  }
0xae: {  	[dreg:$0x2] =	wrdreg s24  }
0xaf: {  	[dreg:$0x3] =	wrdreg $0x94000  }
0xb0: {  	[dreg:$0x4] =	wrdreg $0xA  }
0xb1: {  	_ =	task.clear_ibuf [dreg:s6], $0x5FFFF;
	_ =	strace $0x90000046  }
0xb2: {  	s29 =	simm.s32 $0xA;
	_ =	strace $0x80000048  }
0xb3: {  	_ =	swait.ge [sflag:s29], $0x1  }
0xb4: {  	[sflag:s29] =	ssyncadd.s32 $0xFFFFFFFF  }
0xb5: {  	_ =	strace $0x90000048  }
0xb6: {  	_ =	sfence  }
0xb7: {  	s30 =	sld [smem:$0x0];
	_ =	sdelay $0x2  }
0xb8: {  	s31 =	sshll.u32 s1, $0xD;
	s1 =	sshrl.u32 s1, $0x2  }
0xb9: {  	s3 =	sand.u32 $0x4000, s31;
	s1 =	sadd.s32 s1, s30  }
0xba: {  	s0 =	sor.u32 s3, s0;
	s1 =	sshll.u32 s1, $0x11  }
0xbb: {  	s0 =	sor.u32 s1, s0  }
0xbc: {  	s0 =	sadd.s32 $0x8F2B, s0  }
0xbd: {  	[sflag:s0] =	ssyncadd.remote.s32 $0x1  }
0xbe: {  	_ =	sfence.sel $0xFFFF  }
0xbf: {  	[dreg:$0x0] =	wrdreg $0xFFFFFFFF;
	(pc) =	sbr.abs _section_cstart, $3  }
0xc0: {  	[dreg:$0x1] =	wrdreg $0xFFFFFFFF  }
0xc1: {  	_ =	task.clear_ibuf [dreg:s6], $0x2FFFF;
	_ =	strace $0x9FFFFFFF  }
0xc2: {  	(tm) =	ssettm $0x7FFFFFFF  }
0xc3: {  	_ =	shalt  }
tec
execute0_lowered:
.L_overlay_start_1:
0x0: {  	(tag) =	ssettag $0x1  }
0x1: {  	s4 =	rddreg [dreg:$0x0]  }
0x2: {  	s0 =	srdreg.scid;
	s9 =	stileid.u32  }
0x3: {  	s1 =	rddreg [dreg:$0x1];
	s2 =	simm.s32 $0x0;
	s13 =	simm.s32 $0x5400  }
0x4: {  	s14 =	simm.s32 $0x1;
	s15 =	simm.s32 $0x2;
	s16 =	simm.s32 $0x3  }
0x5: {  	s17 =	simm.s32 $0x0;
	s5 =	sand.u32 $0x1, s0;
	s0 =	rddreg [dreg:$0x2]  }
0x6: {  	s3 =	sshll.u32 s9, $0x1;
	[smem:$0x7FF] =	sst s2;
	s10 =	smul.u32 $0x28000, s9  }
0x7: {  	s11 =	sadd.s32 $0x64600, s4;
	p0 =	sne.s32 s9, $0x0;
	s6 =	sor.u32 s5, s3  }
0x8: {  	_ =	strace $0x80000047;
	s3 =	sadd.s32 $0x16200, s4;
	s12 =	smul.u32 $0x14000, s5  }
0x9: {  	s8 =	ssub.s32 $0x2, s5;
	s9 =	sshrl.u32 @!p0 s1, $0x3;
	s7 =	smul.u32 $0x1400, s6  }
0xa: {  	s6 =	smul.u32 $0x14000, s6;
	s28 =	sshrl.u32 s8, $0x1;
	s30 =	sadd.s32 s10, s11  }
0xb: {  	s10 =	simm.s32 $0x4;
	s29 =	ssub.s32 s8, s28;
	s31 =	sadd.s32 s12, s30  }
0xc: {  	s12 =	simm.s32 $0x1400;
	s7 =	sshrl.u32 s7, $0x3;
	s5 =	smax.u32 s29, $0x1  }
0xd: {  	s6 =	sadd.s32 s11, s6;
	s8 =	sadd.s32 $0x1800, s31;
	s7 =	sadd.s32 s7, s4  }
0xe: {  	s11 =	simm.s32 $0x80;
	s4 =	sadd.s32 $0x11200, s7;
	s7 =	sadd.s32 $0x800, s6  }
.LBB2_1:
0xf: {  	s18 =	simm.s32 @!p0 $0x1C04  }
0x10: {  	[spmem:s9], [sflag:s18] =	dma.local @!p0 [hbm:s3], $0x27100  }
0x11: {  	s18 =	simm.s32 @!p0 $0x4  }
0x12: {  	_ =	swait.ge @!p0 [sflag:s18], $0x27100  }
0x13: {  	[sflag:s18] =	ssyncset.done @!p0 $0x0  }
0x14: {  	[sflag:s18] =	ssyncadd.s32 @!p0 $0xFFFD8F00  }
0x15: {  	[tilespmem:s2], [sflag:$0x4] =	stream.linear.gather [hbm4b:s4+s2], $0x1400, $0x38;
	[tilespmem:$0x1CC80] =	vst v63  }
0x16: {  	_ =	swait.ge [sflag:s10], $0x1400  }
0x17: {  	[sflag:s10] =	ssyncset.done $0x0  }
0x18: {  	[sflag:s10] =	ssyncadd.s32 $0xFFFFEC00  }
0x19: {  	[bflag:$0x0] =	sbarrier.arrive $0xFFFF  }
0x1a: {  	[tilespmem:s12], [sflag:$0x1] =	stream.indirect.gather [spmem:s1], $0x80, s2, s11, $0xb8;
	[tilespmem:$0x1CC80] =	vst v63  }
0x1b: {  	_ = 	snop  }
0x1c: {  	[tilespmem:s13], [sflag:$0x1] =	stream.indirect.gather [spmem:s1], $0x80, s11, s11, $0xb8;
	[tilespmem:$0x1CC80] =	vst v63  }
0x1d: {  	_ =	swait.ge [sflag:s14], $0x4000  }
0x1e: {  	[sflag:s14] =	ssyncset.done $0x0  }
0x1f: {  	[sflag:s14] =	ssyncadd.s32 $0xFFFFC000  }
0x20: {  	_ =	swait.ge [sflag:s14], $0x4000  }
0x21: {  	[sflag:s14] =	ssyncset.done $0x0  }
0x22: {  	[sflag:s14] =	ssyncadd.s32 $0xFFFFC000  }
0x23: {  	[hbm4b:s6+s2] =	stream.linear.scatter [tilespmem:s12], [sflag:$0x2], $0x4000, $0x38;
	[tilespmem:$0x1CC80] =	vst v63  }
0x24: {  	_ = 	snop  }
0x25: {  	[hbm4b:s7+s2] =	stream.linear.scatter [tilespmem:s13], [sflag:$0x3], $0x4000, $0x38;
	[tilespmem:$0x1CC80] =	vst v63  }
0x26: {  	_ =	swait.ge [sflag:s15], $0x4000  }
0x27: {  	[sflag:s15] =	ssyncset.done $0x0  }
0x28: {  	[sflag:s15] =	ssyncadd.s32 $0xFFFFC000  }
0x29: {  	_ =	swait.ge [sflag:s16], $0x4000  }
0x2a: {  	[sflag:s16] =	ssyncset.done $0x0  }
0x2b: {  	s29 =	simm.s32 $0x100;
	[sflag:s16] =	ssyncadd.s32 $0xFFFFC000  }
0x2c: {  	[tilespmem:s12], [sflag:$0x1] =	stream.indirect.gather [spmem:s1], $0x80, s29, s11, $0xb8;
	[tilespmem:$0x1CC80] =	vst v63  }
0x2d: {  	s30 =	simm.s32 $0x180  }
0x2e: {  	[tilespmem:s13], [sflag:$0x1] =	stream.indirect.gather [spmem:s1], $0x80, s30, s11, $0xb8;
	[tilespmem:$0x1CC80] =	vst v63  }
0x2f: {  	_ =	swait.ge [sflag:s14], $0x4000  }
0x30: {  	[sflag:s14] =	ssyncset.done $0x0  }
0x31: {  	[sflag:s14] =	ssyncadd.s32 $0xFFFFC000  }
0x32: {  	_ =	swait.ge [sflag:s14], $0x4000  }
0x33: {  	s31 =	sadd.s32 $0xFFFFF800, s8;
	s19 =	sadd.s32 $0x1000, s8;
	[sflag:s14] =	ssyncset.done $0x0  }
0x34: {  	s20 =	smov.u32 s8;
	s18 =	simm.s32 $0x400;
	[sflag:s14] =	ssyncadd.s32 $0xFFFFC000  }
0x35: {  	[hbm4b:s31+s2] =	stream.linear.scatter [tilespmem:s12], [sflag:$0x2], $0x4000, $0x38;
	[tilespmem:$0x1CC80] =	vst v63  }
.LBB2_2:
0x36: {  	[hbm4b:s20+s2] =	stream.linear.scatter [tilespmem:s13], [sflag:$0x3], $0x4000, $0x38;
	[tilespmem:$0x1CC80] =	vst v63  }
0x37: {  	s21 =	smov.u32 s18;
	s20 =	smov.u32 s19  }
0x38: {  	p1 =	sne.s32 s18, $0x4800;
	s18 =	sadd.s32 $0x400, s18;
	_ =	swait.ge [sflag:s15], $0x4000  }
0x39: {  	[sflag:s15] =	ssyncset.done $0x0  }
0x3a: {  	[sflag:s15] =	ssyncadd.s32 $0xFFFFC000  }
0x3b: {  	_ =	swait.ge [sflag:s16], $0x4000  }
0x3c: {  	s21 =	sshra.s32 s21, $0x2;
	[sflag:s16] =	ssyncset.done $0x0  }
0x3d: {  	s22 =	sadd.s32 $0x100, s21;
	[sflag:s16] =	ssyncadd.s32 $0xFFFFC000  }
0x3e: {  	[tilespmem:s12], [sflag:$0x1] =	stream.indirect.gather [spmem:s1], $0x80, s22, s11, $0xb8;
	[tilespmem:$0x1CC80] =	vst v63  }
0x3f: {  	s21 =	sadd.s32 $0x180, s21  }
0x40: {  	[tilespmem:s13], [sflag:$0x1] =	stream.indirect.gather [spmem:s1], $0x80, s21, s11, $0xb8;
	[tilespmem:$0x1CC80] =	vst v63  }
0x41: {  	_ =	swait.ge [sflag:s14], $0x4000  }
0x42: {  	[sflag:s14] =	ssyncset.done $0x0  }
0x43: {  	[sflag:s14] =	ssyncadd.s32 $0xFFFFC000  }
.Ltmp0:
0x44: {  	_ =	swait.ge [sflag:s14], $0x4000;
	(pc) =	sbr.rel @p1 .LBB2_2-.Ltmp0, $4  }
0x45: {  	[sflag:s14] =	ssyncset.done $0x0  }
0x46: {  	s21 =	sadd.s32 $0xFFFFF800, s19;
	[sflag:s14] =	ssyncadd.s32 $0xFFFFC000  }
0x47: {  	[hbm4b:s21+s2] =	stream.linear.scatter [tilespmem:s12], [sflag:$0x2], $0x4000, $0x38;
	[tilespmem:$0x1CC80] =	vst v63  }
0x48: {  	s19 =	sadd.s32 $0x1000, s19  }
0x49: {  	[hbm4b:s20+s2] =	stream.linear.scatter [tilespmem:s13], [sflag:$0x3], $0x4000, $0x38;
	[tilespmem:$0x1CC80] =	vst v63  }
0x4a: {  	s17 =	sadd.s32 $0x1, s17  }
0x4b: {  	_ =	swait.ge [sflag:s15], $0x4000;
	p1 =	sne.s32 s17, s5  }
.Ltmp1:
0x4c: {  	[sflag:s15] =	ssyncset.done $0x0;
	(pc) =	sbr.rel @p1 .LBB2_1-.Ltmp1, $4  }
0x4d: {  	[sflag:s15] =	ssyncadd.s32 $0xFFFFC000  }
0x4e: {  	_ =	swait.ge [sflag:s16], $0x4000  }
0x4f: {  	[sflag:s16] =	ssyncset.done $0x0  }
0x50: {  	[sflag:s16] =	ssyncadd.s32 $0xFFFFC000  }
0x51: {  	_ =	sfence.sel $0x180000  }
0x52: {  	[bflag:$0x0] =	sbarrier.arrive $0xFFFF  }
0x53: {  	_ =	strace $0x90000047  }
0x54: {  	s0 =	sadd.s32 @!p0 $0x100000, s0;
	[bflag:$0x2] =	sbarrier.arrive $0xFFFF  }
0x55: {  	[sflag:s0] =	ssyncadd.tile.s32 @!p0 $0x1;
	_ =	shalt  }
.Lfunc_end2:
_tile_overlayer_lowered:
.L_overlay_start_2:
0x56: {  	(tag) =	ssettag $0x2  }
0x57: {  	s0 =	rddreg [dreg:$0x0];
	s2 =	stileid.u32  }
0x58: {  	s1 =	rddreg [dreg:$0x1];
	p0 =	sne.s32 s2, $0x0  }
0x59: {  	s3 =	rddreg [dreg:$0x2];
	[bflag:$0x3] =	sbarrier.arrive $0xFFFF;
	s2 =	simm.s32 @!p0 $0x1C04  }
0x5a: {  	[timem:s3], [sflag:s2] =	dma.local @!p0 [hbm:s0], s1  }
0x5b: {  	s0 =	simm.s32 @!p0 $0x4  }
0x5c: {  	_ =	swait.ge @!p0 [sflag:s0], s1  }
0x5d: {  	s1 =	ssub.s32 @!p0 $0x0, s1;
	[sflag:s0] =	ssyncset.done @!p0 $0x0  }
0x5e: {  	[sflag:s0] =	ssyncadd.s32 @!p0 s1  }
0x5f: {  	[bflag:$0x3] =	sbarrier.arrive $0xFFFF  }
0x60: {  	_ =	shalt  }

// kernel: kernel.31.cloned.1.call-start
scs
__scs_entry_jumppad:
0x0: {  	(pc) =	sbr.rel $0x88, $3  }
0x1: {  	(tag) =	ssettag $0x0;
	lr =	simm.s32 $0x1  }
0x2: {  	[smem:$0x3F58] =	sst lr;
	_ =	strace $0xD0000000  }
0x3: {  	_ = 	snop  }
0x4: {  	_ = 	snop  }
0x5: {  	_ = 	snop  }
0x6: {  	_ = 	snop  }
0x7: {  	_ = 	snop  }
__scs_overlays_trampoline_lowered:
0x8: {  	[smem:$0x3F67] =	sst s0  }
0x9: {  	[smem:$0x3F68] =	sst s1  }
0xa: {  	[smem:$0x3F69] =	sst s2  }
0xb: {  	[smem:$0x3F6A] =	sst s3  }
0xc: {  	[smem:$0x3F6B] =	sst s4  }
0xd: {  	[smem:$0x3F6C] =	sst s5  }
0xe: {  	[smem:$0x3F6D] =	sst s6  }
0xf: {  	[smem:$0x3F6E] =	sst s7  }
0x10: {  	[smem:$0x3F6F] =	sst s8  }
0x11: {  	[smem:$0x3F70] =	sst s9;
	s0 =	simm.s32 @!p0 $0x0  }
0x12: {  	s1 =	sld [smem:$0x3F56];
	s0 =	simm.s32 @p0 $0x1  }
0x13: {  	[smem:$0x3F71] =	sst s0;
	s0 =	simm.s32 @!p1 $0x0  }
0x14: {  	s2 =	sld [smem:$0x3F55];
	s0 =	simm.s32 @p1 $0x1  }
0x15: {  	[smem:$0x3F72] =	sst s0;
	s0 =	simm.s32 @!p2 $0x0  }
0x16: {  	s3 =	sld [smem:$0x3FDB];
	s0 =	simm.s32 @p2 $0x1  }
0x17: {  	s4 =	simm.s32 $0x1BF5;
	[smem:$0x3F74] =	sst s0  }
0x18: {  	s0 =	sld [smem:$0x3F57];
	_ =	swait.ge [sflag:s4], $0x0  }
0x19: {  	s7 =	sld [smem:$0x3F58]  }
0x1a: {  	s8 =	sadd.s32 $0xFFFFE003, lr  }
0x1b: {  	s9 =	sadd.s32 $0xFFFFFEF7, lr;
	s5 =	simm.s32 $0xFFFFFFFF;
	p2 =	slt.u32 s8, $0xFFFFF086  }
0x1c: {  	p1 =	slt.u32 s9, $0xF7A;
	s5 =	simm.s32 @!p2 $0x0  }
0x1d: {  	s5 =	simm.s32 @p1 $0x1;
	p0 =	seq.s32 s7, s2  }
0x1e: {  	s7 =	smul.u32 @!p0 $0xF7A, s2;
	p2 =	seq.s32 @!p0 s5, $0x0  }
0x1f: {  	s9 =	smul.u32 $0xF7A, s1;
	s8 =	simm.s32 @!p0 $0x1BF5;
	p2 =	por !p2, p0  }
0x20: {  	[sflag:s8] =	ssyncset.s32 @!p0 $0xFFFFF086;
	s6 =	sadd.s32 @!p0 s3, s7;
	s7 =	simm.s32 @!p0 $0x108  }
0x21: {  	s3 =	sadd.s32 s3, s9;
	s6 =	sadd.s32 @!p0 $0x88, s6;
	s7 =	simm.s32 @p2 $0x1082  }
0x22: {  	[simem:s7], [sflag:s8] =	dma.local @!p0 [hbm:s6], $0xF7A  }
0x23: {  	s9 =	sor.u32 $0xD0000000, s2;
	s6 =	simm.s32 $0x108;
	_ =	swait.ge @!p0 [sflag:s8], $0x0  }
0x24: {  	s3 =	sadd.s32 $0x88, s3;
	s6 =	simm.s32 @!p1 $0x1082;
	[sflag:s4] =	ssyncset.s32 $0xFFFFF086  }
0x25: {  	[simem:s6], [sflag:s4] =	dma.local [hbm:s3], $0xF7A  }
0x26: {  	[smem:$0x3F58] =	sst s1;
	(tag) =	ssettag s2;
	_ =	strace s9  }
0x27: {  	s1 =	sld [smem:$0x3F68]  }
0x28: {  	s2 =	sld [smem:$0x3F69]  }
0x29: {  	s4 =	sld [smem:$0x3F6B]  }
0x2a: {  	p0 =	seq.s32 s5, $0x0;
	s5 =	sld [smem:$0x3F6C]  }
0x2b: {  	s6 =	sld [smem:$0x3F6D]  }
0x2c: {  	s7 =	sld [smem:$0x3F6E]  }
0x2d: {  	s3 =	simm.s32 $0x108;
	s8 =	sld [smem:$0x3F6F]  }
0x2e: {  	s3 =	simm.s32 @!p0 $0x1082;
	s9 =	sld [smem:$0x3F70]  }
0x2f: {  	lr =	sadd.s32 s0, s3;
	s0 =	sld [smem:$0x3F67]  }
0x30: {  	s3 =	sld [smem:$0x3F6A]  }
0x31: {  	[smem:$0x3F73] =	sst s10  }
0x32: {  	s10 =	sld [smem:$0x3F71];
	_ =	sdelay $0x3  }
0x33: {  	p0 =	seq.s32 s10, $0x1;
	s10 =	sld [smem:$0x3F73];
	_ =	sdelay $0x3  }
0x34: {  	[smem:$0x3F73] =	sst s10  }
0x35: {  	s10 =	sld [smem:$0x3F72];
	_ =	sdelay $0x3  }
0x36: {  	p1 =	seq.s32 s10, $0x1;
	s10 =	sld [smem:$0x3F73];
	_ =	sdelay $0x3  }
0x37: {  	[smem:$0x3F73] =	sst s10  }
0x38: {  	s10 =	sld [smem:$0x3F74]  }
0x39: {  	_ = 	snop;
	(pc) =	sbr.ind lr, $3  }
0x3a: {  	_ = 	snop  }
0x3b: {  	_ = 	snop  }
0x3c: {  	p2 =	seq.s32 s10, $0x1;
	s10 =	sld [smem:$0x3F73]  }
0x3d: {  	_ =	shalt  }
0x3e: {  	_ =	shalt  }
0x3f: {  	_ =	shalt  }
0x40: {  	_ =	shalt  }
0x41: {  	_ =	shalt  }
0x42: {  	_ =	shalt  }
0x43: {  	_ =	shalt  }
0x44: {  	_ =	shalt  }
0x45: {  	_ =	shalt  }
0x46: {  	_ =	shalt  }
0x47: {  	_ =	shalt  }
0x48: {  	_ =	shalt  }
0x49: {  	_ =	shalt  }
0x4a: {  	_ =	shalt  }
0x4b: {  	_ =	shalt  }
0x4c: {  	_ =	shalt  }
0x4d: {  	_ =	shalt  }
0x4e: {  	_ =	shalt  }
0x4f: {  	_ =	shalt  }
0x50: {  	_ =	shalt  }
0x51: {  	_ =	shalt  }
0x52: {  	_ =	shalt  }
0x53: {  	_ =	shalt  }
0x54: {  	_ =	shalt  }
0x55: {  	_ =	shalt  }
0x56: {  	_ =	shalt  }
0x57: {  	_ =	shalt  }
0x58: {  	_ =	shalt  }
0x59: {  	_ =	shalt  }
0x5a: {  	_ =	shalt  }
0x5b: {  	_ =	shalt  }
0x5c: {  	_ =	shalt  }
0x5d: {  	_ =	shalt  }
0x5e: {  	_ =	shalt  }
0x5f: {  	_ =	shalt  }
0x60: {  	_ =	shalt  }
0x61: {  	_ =	shalt  }
0x62: {  	_ =	shalt  }
0x63: {  	_ =	shalt  }
0x64: {  	_ =	shalt  }
0x65: {  	_ =	shalt  }
0x66: {  	_ =	shalt  }
0x67: {  	_ =	shalt  }
0x68: {  	_ =	shalt  }
0x69: {  	_ =	shalt  }
0x6a: {  	_ =	shalt  }
0x6b: {  	_ =	shalt  }
0x6c: {  	_ =	shalt  }
0x6d: {  	_ =	shalt  }
0x6e: {  	_ =	shalt  }
0x6f: {  	_ =	shalt  }
0x70: {  	_ =	shalt  }
0x71: {  	_ =	shalt  }
0x72: {  	_ =	shalt  }
0x73: {  	_ =	shalt  }
0x74: {  	_ =	shalt  }
0x75: {  	_ =	shalt  }
0x76: {  	_ =	shalt  }
0x77: {  	_ =	shalt  }
0x78: {  	_ =	shalt  }
0x79: {  	_ =	shalt  }
0x7a: {  	_ =	shalt  }
0x7b: {  	_ =	shalt  }
0x7c: {  	_ =	shalt  }
0x7d: {  	_ =	shalt  }
0x7e: {  	_ =	shalt  }
0x7f: {  	_ =	shalt  }
0x80: {  	_ =	shalt  }
0x81: {  	_ =	shalt  }
0x82: {  	_ =	shalt  }
0x83: {  	_ =	shalt  }
0x84: {  	_ =	shalt  }
0x85: {  	_ =	shalt  }
0x86: {  	_ =	shalt  }
0x87: {  	_ =	shalt  }
.Lfunc_end0:
.L_simem_size_0:
called_computation.2_lowered:
.L_overlay_start_0:
0x88: {  	s2 =	sld [smem:$0x3FD9]  }
0x89: {  	s3 =	sld [smem:$0x3FFE];
	_ =	sdelay $0x1  }
0x8a: {  	s1 =	srdreg.scid  }
0x8b: {  	s0 =	sand.u32 $0x1, s1  }
0x8c: {  	s17 =	sshll.u32 s0, $0xA;
	s2 =	sadd.s32 s3, s2  }
0x8d: {  	s2 =	sadd.s32 s2, s17  }
0x8e: {  	[smem:$0x3F7F] =	sst s2  }
0x8f: {  	_ = 	snop  }
0x90: {  	(tm) =	ssettm $0x1  }
0x91: {  	s18 =	sld [smem:$0x3FFB];
	_ =	sdelay $0x3  }
0x92: {  	_ =	strace s18  }
0x93: {  	s2 =	sld [smem:$0x3FFC];
	_ =	sdelay $0x3  }
0x94: {  	_ =	strace s2  }
0x95: {  	s2 =	sld [smem:$0x3FFD];
	_ =	sdelay $0x3  }
0x96: {  	_ =	strace s2  }
0x97: {  	_ =	strace $0x8FFFFFFF  }
0x98: {  	s19 =	sld [smem:$0x3FDB];
	_ =	sdelay $0x1  }
0x99: {  	s20 =	simm.s32 $_scs_section_size  }
0x9a: {  	s4 =	simm.s32 $_size__tile_overlayer_lowered;
	s5 =	simm.s32 $_tile_overlayer_lowered  }
0x9b: {  	s6 =	simm.s32 $0x1BFF;
	s21 =	sshll.u32 s5, $0x1;
	s3 =	sadd.s32 s20, s19  }
0x9c: {  	s22 =	simm.s32 $0x0;
	s4 =	sshll.u32 s4, $0x1;
	s5 =	sadd.s32 s21, s3  }
0x9d: {  	[timem:s22], [sflag:s6] =	dma.local [hbm:s5], s4  }
0x9e: {  	_ =	swait.ge [sflag:s6], s4  }
0x9f: {  	s4 =	ssub.s32 $0x0, s4;
	[sflag:s6] =	ssyncset.done $0x0  }
0xa0: {  	[sflag:s6] =	ssyncadd.s32 s4;
	_ =	sdelay $0x1  }
0xa1: {  	s23 =	simm.s32 $0x1B8B  }
0xa2: {  	_ =	swait.ge [sflag:s23], $0x1  }
0xa3: {  	[sflag:s23] =	ssyncset.done $0x0  }
0xa4: {  	[sflag:s23] =	ssyncadd.s32 $0xFFFFFFFF  }
0xa5: {  	s4 =	sld [smem:$0x0]  }
0xa6: {  	s5 =	sand.u32 $0xFFFFFFFE, s1  }
0xa7: {  	p0 =	sne.s32 s1, s5  }
0xa8: {  	s5 =	sshll.u32 @p0 s5, $0xE  }
0xa9: {  	s5 =	sadd.s32 @p0 $0x11B8D, s5;
	s6 =	sshll.u32 @p0 s4, $0x11  }
0xaa: {  	s5 =	sor.u32 @p0 s6, s5  }
0xab: {  	[sflag:s5] =	ssyncadd.remote.s32 @p0 $0x1;
	_ =	sdelay $0x1  }
0xac: {  	s5 =	simm.s32 @p0 $0x1B8D  }
0xad: {  	_ =	swait.eq @p0 [sflag:s5], $0x1  }
0xae: {  	[sflag:s5] =	ssyncadd.s32 @p0 $0xFFFFFFFF  }
0xaf: {  	s6 =	sshll.u32 @!p0 s1, $0xE  }
0xb0: {  	s6 =	sor.u32 @!p0 $0x4000, s6;
	s5 =	simm.s32 @!p0 $0x1B8D  }
0xb1: {  	s4 =	sshll.u32 @!p0 s4, $0x11;
	s6 =	sadd.s32 @!p0 $0x11B8D, s6;
	_ =	swait.eq @!p0 [sflag:s5], $0x1  }
0xb2: {  	s4 =	sor.u32 @!p0 s4, s6;
	[sflag:s5] =	ssyncadd.s32 @!p0 $0xFFFFFFFF  }
0xb3: {  	s25 =	simm.s32 $0x1B8E;
	s24 =	sld [smem:$0x3FFE];
	[sflag:s4] =	ssyncadd.remote.s32 @!p0 $0x1  }
0xb4: {  	s26 =	simm.s32 $execute0_lowered;
	[smem:$0x3FD2] =	sst s25  }
0xb5: {  	s5 =	sshll.u32 s26, $0x1;
	_ =	strace $0x8000004C;
	[dreg:$0x1] =	wrdreg $0xFFFFFFFF  }
0xb6: {  	s28 =	simm.s32 $_size_execute0_lowered;
	s3 =	sadd.s32 s3, s5;
	[dreg:$0x0] =	wrdreg $0x0  }
0xb7: {  	s5 =	sshll.u32 s28, $0x1;
	[dreg:$0x2] =	wrdreg s3  }
0xb8: {  	[dreg:$0x3] =	wrdreg s5  }
0xb9: {  	[dreg:$0x4] =	wrdreg $0xC0  }
0xba: {  	_ =	task [dreg:s22], $0x5FFFF  }
0xbb: {  	[dreg:$0x1] =	wrdreg $0xFFFFFFFF  }
0xbc: {  	[dreg:$0x0] =	wrdreg $0x60  }
0xbd: {  	[dreg:$0x2] =	wrdreg s24  }
0xbe: {  	[dreg:$0x3] =	wrdreg $0x94000  }
0xbf: {  	[dreg:$0x4] =	wrdreg $0xA  }
0xc0: {  	_ =	task.clear_ibuf [dreg:s22], $0x5FFFF;
	_ =	strace $0x9000004C  }
0xc1: {  	s29 =	simm.s32 $0xA;
	_ =	strace $0x8000004E  }
0xc2: {  	_ =	swait.ge [sflag:s29], $0x1  }
0xc3: {  	[sflag:s29] =	ssyncadd.s32 $0xFFFFFFFF  }
0xc4: {  	_ =	strace $0x9000004E  }
0xc5: {  	_ =	sfence  }
0xc6: {  	s30 =	sld [smem:$0x0];
	_ =	sdelay $0x2  }
0xc7: {  	s31 =	sshll.u32 s1, $0xD;
	s1 =	sshrl.u32 s1, $0x2  }
0xc8: {  	s4 =	sand.u32 $0x4000, s31;
	s1 =	sadd.s32 s1, s30  }
0xc9: {  	s0 =	sor.u32 s4, s0;
	s1 =	sshll.u32 s1, $0x11  }
0xca: {  	s0 =	sor.u32 s1, s0  }
0xcb: {  	s0 =	sadd.s32 $0x8F2B, s0  }
0xcc: {  	[sflag:s0] =	ssyncadd.remote.s32 $0x1  }
0xcd: {  	_ =	sfence.sel $0xFFFF  }
0xce: {  	[dreg:$0x0] =	wrdreg $0xFFFFFFFF;
	(pc) =	sbr.abs _section_cstart, $3  }
0xcf: {  	[dreg:$0x1] =	wrdreg $0xFFFFFFFF  }
0xd0: {  	_ =	task.clear_ibuf [dreg:s22], $0x2FFFF;
	_ =	strace $0x9FFFFFFF  }
0xd1: {  	(tm) =	ssettm $0x7FFFFFFF  }
tec
execute0_lowered:
.L_overlay_start_1:
0x0: {  	(tag) =	ssettag $0x1  }
0x1: {  	s4 =	rddreg [dreg:$0x0]  }
0x2: {  	s0 =	srdreg.scid;
	s20 =	stileid.u32  }
0x3: {  	s1 =	rddreg [dreg:$0x1];
	s6 =	smul.u32 $0x280, s20  }
0x4: {  	s2 =	simm.s32 $0x0;
	s14 =	simm.s32 $0x1400;
	s7 =	smul.u32 $0x2800, s20  }
0x5: {  	s15 =	simm.s32 $0x5400;
	s16 =	simm.s32 $0x1;
	s24 =	smul.u32 $0x50000, s20  }
0x6: {  	s8 =	sand.u32 $0x1, s0;
	s0 =	rddreg [dreg:$0x2];
	s13 =	smul.u32 $0x4E000, s20  }
0x7: {  	s17 =	simm.s32 $0x80;
	[smem:$0x7FF] =	sst s2;
	s29 =	smul.u32 $0x2700, s20  }
0x8: {  	s28 =	sshll.u32 s20, $0x6;
	s31 =	smul.u32 $0x14000, s20;
	s19 =	sadd.s32 $0x138000, s1  }
0x9: {  	p1 =	sne.s32 s20, $0x0;
	p2 =	seq.s32 s20, $0x0;
	s3 =	smul.u32 $0x140000, s8  }
0xa: {  	s20 =	simm.s32 $0x0;
	s5 =	smul.u32 $0x2800, s8;
	_ =	strace $0x8000004D  }
0xb: {  	s26 =	ssub.s32 $0x2, s8;
	p0 =	seq.s32 s8, $0x1;
	s19 =	sshrl.u32 s19, $0x3  }
0xc: {  	s25 =	sadd.s32 s7, s4;
	s10 =	sshrl.u32 s26, $0x1;
	s30 =	sshrl.u32 s13, $0x2  }
0xd: {  	s13 =	simm.s32 $0x2;
	s11 =	sadd.s32 s3, s4;
	s23 =	sadd.s32 s6, s5  }
0xe: {  	s3 =	sadd.s32 $0x16200, s4;
	s5 =	sshrl.u32 s24, $0x2;
	s10 =	ssub.s32 s26, s10  }
.Ltmp0:
0xf: {  	s6 =	sor.u32 $0x1C02, s28;
	s18 =	sadd.s32 s30, s1;
	(pc) =	sbr.rel .LBB2_1-.Ltmp0, $4  }
0x10: {  	s9 =	sadd.s32 s23, s4;
	s4 =	sadd.s32 $0x8C600, s4;
	s12 =	sadd.s32 s5, s1  }
0x11: {  	s5 =	sadd.s32 $0x64600, s25;
	s8 =	sadd.s32 s3, s29;
	s10 =	smax.u32 s10, $0x1  }
0x12: {  	s11 =	sadd.s32 s31, s11;
	s18 =	sshrl.u32 s18, $0x3;
	s7 =	sadd.s32 $0x2E4600, s9  }
0x13: {  	s9 =	sadd.s32 s4, s29;
	s11 =	sadd.s32 $0x374A00, s11;
	s12 =	sshrl.u32 s12, $0x3  }
.LBB2_6:
0x14: {  	s21 =	sadd.s32 $0x27000, s21  }
0x15: {  	[hbm:s21], [sflag:s6] =	dma.local [spmem:s19], $0x100  }
0x16: {  	_ =	swait.ge [sflag:s13], $0x100  }
0x17: {  	[sflag:s13] =	ssyncset.done $0x0  }
0x18: {  	[sflag:s13] =	ssyncadd.s32 $0xFFFFFF00  }
.LBB2_7:
0x19: {  	s20 =	sadd.s32 $0x1, s20  }
0x1a: {  	p3 =	sne.s32 s20, s10  }
.Ltmp1:
0x1b: {  	_ = 	snop;
	(pc) =	sbr.rel @!p3 .LBB2_8-.Ltmp1, $1  }
0x1c: {  	_ =	sdelay $0x3  }
.LBB2_1:
0x1d: {  	[spmem:s12], [sflag:s6] =	dma.local [hbm:s5], $0x2800  }
0x1e: {  	_ =	swait.ge [sflag:s13], $0x2800  }
0x1f: {  	[sflag:s13] =	ssyncset.done $0x0  }
0x20: {  	[sflag:s13] =	ssyncadd.s32 $0xFFFFD800  }
0x21: {  	[tilespmem:s2], [sflag:$0x2] =	stream.linear.gather [hbm4b:s7+s2], $0x1400, $0x38;
	[tilespmem:$0x1D400] =	vst v63  }
0x22: {  	_ =	swait.ge [sflag:s13], $0x1400  }
0x23: {  	[sflag:s13] =	ssyncset.done $0x0  }
0x24: {  	[sflag:s13] =	ssyncadd.s32 $0xFFFFEC00  }
0x25: {  	s21 =	sadd.s32 $0xFFFFF800, s11;
	[bflag:$0x0] =	sbarrier.arrive $0xFFFF  }
0x26: {  	[tilespmem:s14], [sflag:$0x1] =	stream.linear.gather [hbm4b:s21+s2], $0x4000, $0x38;
	[tilespmem:$0x1D400] =	vst v63  }
0x27: {  	_ = 	snop  }
0x28: {  	[tilespmem:s15], [sflag:$0x1] =	stream.linear.gather [hbm4b:s11+s2], $0x4000, $0x38;
	[tilespmem:$0x1D400] =	vst v63  }
0x29: {  	_ =	swait.ge [sflag:s16], $0x4000  }
0x2a: {  	[sflag:s16] =	ssyncset.done $0x0  }
0x2b: {  	[sflag:s16] =	ssyncadd.s32 $0xFFFFC000  }
0x2c: {  	_ =	swait.ge [sflag:s16], $0x4000  }
0x2d: {  	[sflag:s16] =	ssyncset.done $0x0  }
0x2e: {  	s30 =	simm.s32 $0x0;
	[sflag:s16] =	ssyncadd.s32 $0xFFFFC000  }
0x2f: {  	[spmem:s1] =	stream.indirect.scatter.add.f32 [tilespmem:s14], [sflag:$0x2], $0x80, s30, s17, $0xb8;
	[tilespmem:$0x1D400] =	vst v63  }
0x30: {  	_ =	swait.ge [sflag:s13], $0x4000  }
0x31: {  	[sflag:s13] =	ssyncset.done $0x0  }
0x32: {  	s31 =	simm.s32 $0x80;
	[sflag:s13] =	ssyncadd.s32 $0xFFFFC000  }
0x33: {  	[spmem:s1] =	stream.indirect.scatter.add.f32 [tilespmem:s15], [sflag:$0x2], $0x80, s31, s17, $0xb8;
	[tilespmem:$0x1D400] =	vst v63  }
0x34: {  	s23 =	simm.s32 $0x800;
	_ =	swait.ge [sflag:s13], $0x4000  }
0x35: {  	s22 =	sadd.s32 $0x1000, s11;
	s21 =	simm.s32 $0x400;
	[sflag:s13] =	ssyncset.done $0x0  }
.LBB2_2:
0x36: {  	p3 =	sne.s32 s23, $0x4C00;
	s24 =	sadd.s32 $0xFFFFF800, s22;
	[sflag:s13] =	ssyncadd.s32 $0xFFFFC000  }
0x37: {  	[tilespmem:s14], [sflag:$0x1] =	stream.linear.gather [hbm4b:s24+s2], $0x4000, $0x38;
	[tilespmem:$0x1D400] =	vst v63  }
0x38: {  	s24 =	smov.u32 s23;
	s23 =	sadd.s32 $0x400, s23  }
0x39: {  	[tilespmem:s15], [sflag:$0x1] =	stream.linear.gather [hbm4b:s22+s2], $0x4000, $0x38;
	[tilespmem:$0x1D400] =	vst v63  }
0x3a: {  	_ =	swait.ge [sflag:s16], $0x4000  }
0x3b: {  	[sflag:s16] =	ssyncset.done $0x0  }
0x3c: {  	[sflag:s16] =	ssyncadd.s32 $0xFFFFC000  }
0x3d: {  	_ =	swait.ge [sflag:s16], $0x4000  }
0x3e: {  	[sflag:s16] =	ssyncset.done $0x0  }
0x3f: {  	s25 =	sshra.s32 s21, $0x2;
	s21 =	smov.u32 s24;
	[sflag:s16] =	ssyncadd.s32 $0xFFFFC000  }
0x40: {  	[spmem:s1] =	stream.indirect.scatter.add.f32 [tilespmem:s14], [sflag:$0x2], $0x80, s25, s17, $0xb8;
	[tilespmem:$0x1D400] =	vst v63  }
0x41: {  	_ =	swait.ge [sflag:s13], $0x4000  }
.Ltmp2:
0x42: {  	[sflag:s13] =	ssyncset.done $0x0;
	(pc) =	sbr.rel @p3 .LBB2_2-.Ltmp2, $4  }
0x43: {  	s24 =	sadd.s32 $0x80, s25;
	[sflag:s13] =	ssyncadd.s32 $0xFFFFC000  }
0x44: {  	[spmem:s1] =	stream.indirect.scatter.add.f32 [tilespmem:s15], [sflag:$0x2], $0x80, s24, s17, $0xb8;
	[tilespmem:$0x1D400] =	vst v63  }
0x45: {  	_ =	swait.ge [sflag:s13], $0x4000  }
0x46: {  	s22 =	sadd.s32 $0x1000, s22;
	[sflag:s13] =	ssyncset.done $0x0  }
0x47: {  	s23 =	sadd.s32 $0xFFFFF800, s22;
	[sflag:s13] =	ssyncadd.s32 $0xFFFFC000  }
0x48: {  	[tilespmem:s14], [sflag:$0x1] =	stream.linear.gather [hbm4b:s23+s2], $0x4000, $0x38;
	[tilespmem:$0x1D400] =	vst v63  }
0x49: {  	_ = 	snop  }
0x4a: {  	[tilespmem:s15], [sflag:$0x1] =	stream.linear.gather [hbm4b:s22+s2], $0x4000, $0x38;
	[tilespmem:$0x1D400] =	vst v63  }
0x4b: {  	_ =	swait.ge [sflag:s16], $0x4000  }
0x4c: {  	[sflag:s16] =	ssyncset.done $0x0  }
0x4d: {  	[sflag:s16] =	ssyncadd.s32 $0xFFFFC000  }
0x4e: {  	_ =	swait.ge [sflag:s16], $0x4000  }
0x4f: {  	[sflag:s16] =	ssyncset.done $0x0  }
0x50: {  	s21 =	sshra.s32 s21, $0x2;
	[sflag:s16] =	ssyncadd.s32 $0xFFFFC000  }
0x51: {  	[spmem:s1] =	stream.indirect.scatter.add.f32 [tilespmem:s14], [sflag:$0x2], $0x80, s21, s17, $0xb8;
	[tilespmem:$0x1D400] =	vst v63  }
0x52: {  	_ =	swait.ge [sflag:s13], $0x4000  }
0x53: {  	[sflag:s13] =	ssyncset.done $0x0  }
0x54: {  	s21 =	sadd.s32 $0x80, s21;
	[sflag:s13] =	ssyncadd.s32 $0xFFFFC000  }
0x55: {  	[spmem:s1] =	stream.indirect.scatter.add.f32 [tilespmem:s15], [sflag:$0x2], $0x80, s21, s17, $0xb8;
	[tilespmem:$0x1D400] =	vst v63  }
.Ltmp3:
0x56: {  	_ =	swait.ge [sflag:s13], $0x4000;
	(pc) =	sbr.rel @!p0 .LBB2_4-.Ltmp3, $3  }
0x57: {  	[sflag:s13] =	ssyncset.done $0x0  }
0x58: {  	[sflag:s13] =	ssyncadd.s32 $0xFFFFC000  }
0x59: {  	[bflag:$0x0] =	sbarrier.arrive $0xFFFF;
	_ =	sdelay $0x1  }
0x5a: {  	[hbm:s9], [sflag:s6] =	dma.local [spmem:s18], $0x2700  }
.Ltmp4:
0x5b: {  	_ = 	snop;
	(pc) =	sbr.rel @p1 .LBB2_7-.Ltmp4, $4  }
.Ltmp5:
0x5c: {  	_ = 	snop;
	(pc) =	sbr.rel @!p1 .LBB2_6-.Ltmp5, $4  }
0x5d: {  	_ =	swait.ge [sflag:s13], $0x2700  }
0x5e: {  	[sflag:s13] =	ssyncset.done $0x0  }
0x5f: {  	s21 =	smov.u32 s4;
	[sflag:s13] =	ssyncadd.s32 $0xFFFFD900  }
0x60: {  	_ = 	snop  }
.LBB2_4:
0x61: {  	[hbm:s8], [sflag:s6] =	dma.local [spmem:s18], $0x2700  }
.Ltmp6:
0x62: {  	_ = 	snop;
	(pc) =	sbr.rel @!p2 .LBB2_7-.Ltmp6, $4  }
.Ltmp7:
0x63: {  	_ = 	snop;
	(pc) =	sbr.rel @p2 .LBB2_6-.Ltmp7, $4  }
0x64: {  	_ =	swait.ge [sflag:s13], $0x2700  }
0x65: {  	[sflag:s13] =	ssyncset.done $0x0  }
0x66: {  	s21 =	smov.u32 s3;
	[sflag:s13] =	ssyncadd.s32 $0xFFFFD900  }
0x67: {  	_ = 	snop  }
.LBB2_8:
0x68: {  	_ =	sfence.sel $0x180000  }
0x69: {  	[bflag:$0x0] =	sbarrier.arrive $0xFFFF  }
0x6a: {  	_ =	strace $0x9000004D  }
0x6b: {  	s0 =	sadd.s32 @!p1 $0x100000, s0;
	[bflag:$0x2] =	sbarrier.arrive $0xFFFF  }
0x6c: {  	[sflag:s0] =	ssyncadd.tile.s32 @!p1 $0x1;
	_ =	shalt  }
.Lfunc_end2:
_tile_overlayer_lowered:
.L_overlay_start_2:
0x6d: {  	(tag) =	ssettag $0x2  }
0x6e: {  	s0 =	rddreg [dreg:$0x0];
	s2 =	stileid.u32  }
0x6f: {  	s1 =	rddreg [dreg:$0x1];
	p0 =	sne.s32 s2, $0x0  }
0x70: {  	s3 =	rddreg [dreg:$0x2];
	[bflag:$0x3] =	sbarrier.arrive $0xFFFF;
	s2 =	simm.s32 @!p0 $0x1C02  }
0x71: {  	[timem:s3], [sflag:s2] =	dma.local @!p0 [hbm:s0], s1  }
0x72: {  	s0 =	simm.s32 @!p0 $0x2  }
0x73: {  	_ =	swait.ge @!p0 [sflag:s0], s1  }
0x74: {  	s1 =	ssub.s32 @!p0 $0x0, s1;
	[sflag:s0] =	ssyncset.done @!p0 $0x0  }
0x75: {  	[sflag:s0] =	ssyncadd.s32 @!p0 s1  }
0x76: {  	[bflag:$0x3] =	sbarrier.arrive $0xFFFF  }
0x77: {  	_ =	shalt  }

// kernel: kernel.34.cloned.1.call-start
scs
__scs_entry_jumppad:
0x0: {  	(pc) =	sbr.rel $0x88, $3  }
0x1: {  	(tag) =	ssettag $0x0;
	lr =	simm.s32 $0x1  }
0x2: {  	[smem:$0x3F58] =	sst lr;
	_ =	strace $0xD0000000  }
0x3: {  	_ = 	snop  }
0x4: {  	_ = 	snop  }
0x5: {  	_ = 	snop  }
0x6: {  	_ = 	snop  }
0x7: {  	_ = 	snop  }
__scs_overlays_trampoline_lowered:
0x8: {  	[smem:$0x3F67] =	sst s0  }
0x9: {  	[smem:$0x3F68] =	sst s1  }
0xa: {  	[smem:$0x3F69] =	sst s2  }
0xb: {  	[smem:$0x3F6A] =	sst s3  }
0xc: {  	[smem:$0x3F6B] =	sst s4  }
0xd: {  	[smem:$0x3F6C] =	sst s5  }
0xe: {  	[smem:$0x3F6D] =	sst s6  }
0xf: {  	[smem:$0x3F6E] =	sst s7  }
0x10: {  	[smem:$0x3F6F] =	sst s8  }
0x11: {  	[smem:$0x3F70] =	sst s9;
	s0 =	simm.s32 @!p0 $0x0  }
0x12: {  	s1 =	sld [smem:$0x3F56];
	s0 =	simm.s32 @p0 $0x1  }
0x13: {  	[smem:$0x3F71] =	sst s0;
	s0 =	simm.s32 @!p1 $0x0  }
0x14: {  	s2 =	sld [smem:$0x3F55];
	s0 =	simm.s32 @p1 $0x1  }
0x15: {  	[smem:$0x3F72] =	sst s0;
	s0 =	simm.s32 @!p2 $0x0  }
0x16: {  	s3 =	sld [smem:$0x3FDB];
	s0 =	simm.s32 @p2 $0x1  }
0x17: {  	s4 =	simm.s32 $0x1BF5;
	[smem:$0x3F74] =	sst s0  }
0x18: {  	s0 =	sld [smem:$0x3F57];
	_ =	swait.ge [sflag:s4], $0x0  }
0x19: {  	s7 =	sld [smem:$0x3F58]  }
0x1a: {  	s8 =	sadd.s32 $0xFFFFE003, lr  }
0x1b: {  	s9 =	sadd.s32 $0xFFFFFEF7, lr;
	s5 =	simm.s32 $0xFFFFFFFF;
	p2 =	slt.u32 s8, $0xFFFFF086  }
0x1c: {  	p1 =	slt.u32 s9, $0xF7A;
	s5 =	simm.s32 @!p2 $0x0  }
0x1d: {  	s5 =	simm.s32 @p1 $0x1;
	p0 =	seq.s32 s7, s2  }
0x1e: {  	s7 =	smul.u32 @!p0 $0xF7A, s2;
	p2 =	seq.s32 @!p0 s5, $0x0  }
0x1f: {  	s9 =	smul.u32 $0xF7A, s1;
	s8 =	simm.s32 @!p0 $0x1BF5;
	p2 =	por !p2, p0  }
0x20: {  	[sflag:s8] =	ssyncset.s32 @!p0 $0xFFFFF086;
	s6 =	sadd.s32 @!p0 s3, s7;
	s7 =	simm.s32 @!p0 $0x108  }
0x21: {  	s3 =	sadd.s32 s3, s9;
	s6 =	sadd.s32 @!p0 $0x88, s6;
	s7 =	simm.s32 @p2 $0x1082  }
0x22: {  	[simem:s7], [sflag:s8] =	dma.local @!p0 [hbm:s6], $0xF7A  }
0x23: {  	s9 =	sor.u32 $0xD0000000, s2;
	s6 =	simm.s32 $0x108;
	_ =	swait.ge @!p0 [sflag:s8], $0x0  }
0x24: {  	s3 =	sadd.s32 $0x88, s3;
	s6 =	simm.s32 @!p1 $0x1082;
	[sflag:s4] =	ssyncset.s32 $0xFFFFF086  }
0x25: {  	[simem:s6], [sflag:s4] =	dma.local [hbm:s3], $0xF7A  }
0x26: {  	[smem:$0x3F58] =	sst s1;
	(tag) =	ssettag s2;
	_ =	strace s9  }
0x27: {  	s1 =	sld [smem:$0x3F68]  }
0x28: {  	s2 =	sld [smem:$0x3F69]  }
0x29: {  	s4 =	sld [smem:$0x3F6B]  }
0x2a: {  	p0 =	seq.s32 s5, $0x0;
	s5 =	sld [smem:$0x3F6C]  }
0x2b: {  	s6 =	sld [smem:$0x3F6D]  }
0x2c: {  	s7 =	sld [smem:$0x3F6E]  }
0x2d: {  	s3 =	simm.s32 $0x108;
	s8 =	sld [smem:$0x3F6F]  }
0x2e: {  	s3 =	simm.s32 @!p0 $0x1082;
	s9 =	sld [smem:$0x3F70]  }
0x2f: {  	lr =	sadd.s32 s0, s3;
	s0 =	sld [smem:$0x3F67]  }
0x30: {  	s3 =	sld [smem:$0x3F6A]  }
0x31: {  	[smem:$0x3F73] =	sst s10  }
0x32: {  	s10 =	sld [smem:$0x3F71];
	_ =	sdelay $0x3  }
0x33: {  	p0 =	seq.s32 s10, $0x1;
	s10 =	sld [smem:$0x3F73];
	_ =	sdelay $0x3  }
0x34: {  	[smem:$0x3F73] =	sst s10  }
0x35: {  	s10 =	sld [smem:$0x3F72];
	_ =	sdelay $0x3  }
0x36: {  	p1 =	seq.s32 s10, $0x1;
	s10 =	sld [smem:$0x3F73];
	_ =	sdelay $0x3  }
0x37: {  	[smem:$0x3F73] =	sst s10  }
0x38: {  	s10 =	sld [smem:$0x3F74]  }
0x39: {  	_ = 	snop;
	(pc) =	sbr.ind lr, $3  }
0x3a: {  	_ = 	snop  }
0x3b: {  	_ = 	snop  }
0x3c: {  	p2 =	seq.s32 s10, $0x1;
	s10 =	sld [smem:$0x3F73]  }
0x3d: {  	_ =	shalt  }
0x3e: {  	_ =	shalt  }
0x3f: {  	_ =	shalt  }
0x40: {  	_ =	shalt  }
0x41: {  	_ =	shalt  }
0x42: {  	_ =	shalt  }
0x43: {  	_ =	shalt  }
0x44: {  	_ =	shalt  }
0x45: {  	_ =	shalt  }
0x46: {  	_ =	shalt  }
0x47: {  	_ =	shalt  }
0x48: {  	_ =	shalt  }
0x49: {  	_ =	shalt  }
0x4a: {  	_ =	shalt  }
0x4b: {  	_ =	shalt  }
0x4c: {  	_ =	shalt  }
0x4d: {  	_ =	shalt  }
0x4e: {  	_ =	shalt  }
0x4f: {  	_ =	shalt  }
0x50: {  	_ =	shalt  }
0x51: {  	_ =	shalt  }
0x52: {  	_ =	shalt  }
0x53: {  	_ =	shalt  }
0x54: {  	_ =	shalt  }
0x55: {  	_ =	shalt  }
0x56: {  	_ =	shalt  }
0x57: {  	_ =	shalt  }
0x58: {  	_ =	shalt  }
0x59: {  	_ =	shalt  }
0x5a: {  	_ =	shalt  }
0x5b: {  	_ =	shalt  }
0x5c: {  	_ =	shalt  }
0x5d: {  	_ =	shalt  }
0x5e: {  	_ =	shalt  }
0x5f: {  	_ =	shalt  }
0x60: {  	_ =	shalt  }
0x61: {  	_ =	shalt  }
0x62: {  	_ =	shalt  }
0x63: {  	_ =	shalt  }
0x64: {  	_ =	shalt  }
0x65: {  	_ =	shalt  }
0x66: {  	_ =	shalt  }
0x67: {  	_ =	shalt  }
0x68: {  	_ =	shalt  }
0x69: {  	_ =	shalt  }
0x6a: {  	_ =	shalt  }
0x6b: {  	_ =	shalt  }
0x6c: {  	_ =	shalt  }
0x6d: {  	_ =	shalt  }
0x6e: {  	_ =	shalt  }
0x6f: {  	_ =	shalt  }
0x70: {  	_ =	shalt  }
0x71: {  	_ =	shalt  }
0x72: {  	_ =	shalt  }
0x73: {  	_ =	shalt  }
0x74: {  	_ =	shalt  }
0x75: {  	_ =	shalt  }
0x76: {  	_ =	shalt  }
0x77: {  	_ =	shalt  }
0x78: {  	_ =	shalt  }
0x79: {  	_ =	shalt  }
0x7a: {  	_ =	shalt  }
0x7b: {  	_ =	shalt  }
0x7c: {  	_ =	shalt  }
0x7d: {  	_ =	shalt  }
0x7e: {  	_ =	shalt  }
0x7f: {  	_ =	shalt  }
0x80: {  	_ =	shalt  }
0x81: {  	_ =	shalt  }
0x82: {  	_ =	shalt  }
0x83: {  	_ =	shalt  }
0x84: {  	_ =	shalt  }
0x85: {  	_ =	shalt  }
0x86: {  	_ =	shalt  }
0x87: {  	_ =	shalt  }
.Lfunc_end0:
.L_simem_size_0:
called_computation.3_lowered:
.L_overlay_start_0:
0x88: {  	s2 =	sld [smem:$0x3FD9]  }
0x89: {  	s3 =	sld [smem:$0x3FFE];
	_ =	sdelay $0x1  }
0x8a: {  	s1 =	srdreg.scid  }
0x8b: {  	s0 =	sand.u32 $0x1, s1  }
0x8c: {  	s16 =	sshll.u32 s0, $0xA;
	s2 =	sadd.s32 s3, s2  }
0x8d: {  	s2 =	sadd.s32 s2, s16  }
0x8e: {  	[smem:$0x3F7F] =	sst s2  }
0x8f: {  	_ = 	snop  }
0x90: {  	(tm) =	ssettm $0x1  }
0x91: {  	s17 =	sld [smem:$0x3FFB];
	_ =	sdelay $0x3  }
0x92: {  	_ =	strace s17  }
0x93: {  	s2 =	sld [smem:$0x3FFC];
	_ =	sdelay $0x3  }
0x94: {  	_ =	strace s2  }
0x95: {  	s2 =	sld [smem:$0x3FFD];
	_ =	sdelay $0x3  }
0x96: {  	_ =	strace s2  }
0x97: {  	_ =	strace $0x8FFFFFFF  }
0x98: {  	s18 =	sld [smem:$0x3FDB];
	_ =	sdelay $0x1  }
0x99: {  	s19 =	simm.s32 $_scs_section_size  }
0x9a: {  	s4 =	simm.s32 $_size__tile_overlayer_lowered;
	s5 =	simm.s32 $_tile_overlayer_lowered  }
0x9b: {  	s22 =	simm.s32 $0x1BFF;
	s21 =	sshll.u32 s5, $0x1;
	s2 =	sadd.s32 s19, s18  }
0x9c: {  	s6 =	simm.s32 $0x0;
	s20 =	sshll.u32 s4, $0x1;
	s4 =	sadd.s32 s21, s2  }
0x9d: {  	[timem:s6], [sflag:s22] =	dma.local [hbm:s4], s20  }
0x9e: {  	_ =	swait.ge [sflag:s22], s20  }
0x9f: {  	s3 =	ssub.s32 $0x0, s20;
	[sflag:s22] =	ssyncset.done $0x0  }
0xa0: {  	[sflag:s22] =	ssyncadd.s32 s3;
	_ =	sdelay $0x1  }
0xa1: {  	s23 =	simm.s32 $0x1B8B  }
0xa2: {  	_ =	swait.ge [sflag:s23], $0x1  }
0xa3: {  	[sflag:s23] =	ssyncset.done $0x0  }
0xa4: {  	s25 =	simm.s32 $0x1B8E;
	s24 =	sld [smem:$0x3FFE];
	[sflag:s23] =	ssyncadd.s32 $0xFFFFFFFF  }
0xa5: {  	s26 =	simm.s32 $execute0_lowered;
	[smem:$0x3FD2] =	sst s25  }
0xa6: {  	s4 =	sshll.u32 s26, $0x1;
	_ =	strace $0x8000004F;
	[dreg:$0x1] =	wrdreg $0xFFFFFFFF  }
0xa7: {  	s28 =	simm.s32 $_size_execute0_lowered;
	s2 =	sadd.s32 s2, s4;
	[dreg:$0x0] =	wrdreg $0x0  }
0xa8: {  	s4 =	sshll.u32 s28, $0x1;
	[dreg:$0x2] =	wrdreg s2  }
0xa9: {  	[dreg:$0x3] =	wrdreg s4  }
0xaa: {  	[dreg:$0x4] =	wrdreg $0xC0  }
0xab: {  	_ =	task [dreg:s6], $0x5FFFF  }
0xac: {  	[dreg:$0x1] =	wrdreg $0xFFFFFFFF  }
0xad: {  	[dreg:$0x0] =	wrdreg $0x60  }
0xae: {  	[dreg:$0x2] =	wrdreg s24  }
0xaf: {  	[dreg:$0x3] =	wrdreg $0x94000  }
0xb0: {  	[dreg:$0x4] =	wrdreg $0x9  }
0xb1: {  	_ =	task.clear_ibuf [dreg:s6], $0x5FFFF;
	_ =	strace $0x9000004F  }
0xb2: {  	s29 =	simm.s32 $0x9;
	_ =	strace $0x80000051  }
0xb3: {  	_ =	swait.ge [sflag:s29], $0x1  }
0xb4: {  	[sflag:s29] =	ssyncadd.s32 $0xFFFFFFFF  }
0xb5: {  	_ =	strace $0x90000051  }
0xb6: {  	_ =	sfence  }
0xb7: {  	s30 =	sld [smem:$0x0];
	_ =	sdelay $0x2  }
0xb8: {  	s31 =	sshll.u32 s1, $0xD;
	s1 =	sshrl.u32 s1, $0x2  }
0xb9: {  	s3 =	sand.u32 $0x4000, s31;
	s1 =	sadd.s32 s1, s30  }
0xba: {  	s0 =	sor.u32 s3, s0;
	s1 =	sshll.u32 s1, $0x11  }
0xbb: {  	s0 =	sor.u32 s1, s0  }
0xbc: {  	s0 =	sadd.s32 $0x8F2B, s0  }
0xbd: {  	[sflag:s0] =	ssyncadd.remote.s32 $0x1  }
0xbe: {  	_ =	sfence.sel $0xFFFF  }
0xbf: {  	[dreg:$0x0] =	wrdreg $0xFFFFFFFF;
	(pc) =	sbr.abs _section_cstart, $3  }
0xc0: {  	[dreg:$0x1] =	wrdreg $0xFFFFFFFF  }
0xc1: {  	_ =	task.clear_ibuf [dreg:s6], $0x2FFFF;
	_ =	strace $0x9FFFFFFF  }
0xc2: {  	(tm) =	ssettm $0x7FFFFFFF  }
0xc3: {  	_ =	shalt  }
tec
execute0_lowered:
.L_overlay_start_1:
0x0: {  	(tag) =	ssettag $0x1  }
0x1: {  	s4 =	rddreg [dreg:$0x0]  }
0x2: {  	s0 =	srdreg.scid;
	s9 =	stileid.u32  }
0x3: {  	s1 =	rddreg [dreg:$0x1];
	s2 =	simm.s32 $0x0;
	s13 =	simm.s32 $0x5400  }
0x4: {  	s14 =	simm.s32 $0x1;
	s15 =	simm.s32 $0x2;
	s16 =	simm.s32 $0x3  }
0x5: {  	s17 =	simm.s32 $0x0;
	s5 =	sand.u32 $0x1, s0;
	s0 =	rddreg [dreg:$0x2]  }
0x6: {  	s3 =	sshll.u32 s9, $0x1;
	[smem:$0x7FF] =	sst s2;
	s10 =	smul.u32 $0x28000, s9  }
0x7: {  	s11 =	sadd.s32 $0x374200, s4;
	p0 =	sne.s32 s9, $0x0;
	s6 =	sor.u32 s5, s3  }
0x8: {  	_ =	strace $0x80000050;
	s3 =	sadd.s32 $0x16200, s4;
	s12 =	smul.u32 $0x14000, s5  }
0x9: {  	s8 =	ssub.s32 $0x2, s5;
	s9 =	sshrl.u32 @!p0 s1, $0x3;
	s7 =	smul.u32 $0x1400, s6  }
0xa: {  	s6 =	smul.u32 $0x14000, s6;
	s28 =	sshrl.u32 s8, $0x1;
	s30 =	sadd.s32 s10, s11  }
0xb: {  	s10 =	simm.s32 $0x4;
	s29 =	ssub.s32 s8, s28;
	s31 =	sadd.s32 s12, s30  }
0xc: {  	s12 =	simm.s32 $0x1400;
	s7 =	sshrl.u32 s7, $0x3;
	s5 =	smax.u32 s29, $0x1  }
0xd: {  	s6 =	sadd.s32 s11, s6;
	s8 =	sadd.s32 $0x1800, s31;
	s7 =	sadd.s32 s7, s4  }
0xe: {  	s11 =	simm.s32 $0x80;
	s4 =	sadd.s32 $0x11200, s7;
	s7 =	sadd.s32 $0x800, s6  }
.LBB2_1:
0xf: {  	s18 =	simm.s32 @!p0 $0x1C04  }
0x10: {  	[spmem:s9], [sflag:s18] =	dma.local @!p0 [hbm:s3], $0x27100  }
0x11: {  	s18 =	simm.s32 @!p0 $0x4  }
0x12: {  	_ =	swait.ge @!p0 [sflag:s18], $0x27100  }
0x13: {  	[sflag:s18] =	ssyncset.done @!p0 $0x0  }
0x14: {  	[sflag:s18] =	ssyncadd.s32 @!p0 $0xFFFD8F00  }
0x15: {  	[tilespmem:s2], [sflag:$0x4] =	stream.linear.gather [hbm4b:s4+s2], $0x1400, $0x38;
	[tilespmem:$0x1CC80] =	vst v63  }
0x16: {  	_ =	swait.ge [sflag:s10], $0x1400  }
0x17: {  	[sflag:s10] =	ssyncset.done $0x0  }
0x18: {  	[sflag:s10] =	ssyncadd.s32 $0xFFFFEC00  }
0x19: {  	[bflag:$0x0] =	sbarrier.arrive $0xFFFF  }
0x1a: {  	[tilespmem:s12], [sflag:$0x1] =	stream.indirect.gather [spmem:s1], $0x80, s2, s11, $0xb8;
	[tilespmem:$0x1CC80] =	vst v63  }
0x1b: {  	_ = 	snop  }
0x1c: {  	[tilespmem:s13], [sflag:$0x1] =	stream.indirect.gather [spmem:s1], $0x80, s11, s11, $0xb8;
	[tilespmem:$0x1CC80] =	vst v63  }
0x1d: {  	_ =	swait.ge [sflag:s14], $0x4000  }
0x1e: {  	[sflag:s14] =	ssyncset.done $0x0  }
0x1f: {  	[sflag:s14] =	ssyncadd.s32 $0xFFFFC000  }
0x20: {  	_ =	swait.ge [sflag:s14], $0x4000  }
0x21: {  	[sflag:s14] =	ssyncset.done $0x0  }
0x22: {  	[sflag:s14] =	ssyncadd.s32 $0xFFFFC000  }
0x23: {  	[hbm4b:s6+s2] =	stream.linear.scatter [tilespmem:s12], [sflag:$0x2], $0x4000, $0x38;
	[tilespmem:$0x1CC80] =	vst v63  }
0x24: {  	_ = 	snop  }
0x25: {  	[hbm4b:s7+s2] =	stream.linear.scatter [tilespmem:s13], [sflag:$0x3], $0x4000, $0x38;
	[tilespmem:$0x1CC80] =	vst v63  }
0x26: {  	_ =	swait.ge [sflag:s15], $0x4000  }
0x27: {  	[sflag:s15] =	ssyncset.done $0x0  }
0x28: {  	[sflag:s15] =	ssyncadd.s32 $0xFFFFC000  }
0x29: {  	_ =	swait.ge [sflag:s16], $0x4000  }
0x2a: {  	[sflag:s16] =	ssyncset.done $0x0  }
0x2b: {  	s29 =	simm.s32 $0x100;
	[sflag:s16] =	ssyncadd.s32 $0xFFFFC000  }
0x2c: {  	[tilespmem:s12], [sflag:$0x1] =	stream.indirect.gather [spmem:s1], $0x80, s29, s11, $0xb8;
	[tilespmem:$0x1CC80] =	vst v63  }
0x2d: {  	s30 =	simm.s32 $0x180  }
0x2e: {  	[tilespmem:s13], [sflag:$0x1] =	stream.indirect.gather [spmem:s1], $0x80, s30, s11, $0xb8;
	[tilespmem:$0x1CC80] =	vst v63  }
0x2f: {  	_ =	swait.ge [sflag:s14], $0x4000  }
0x30: {  	[sflag:s14] =	ssyncset.done $0x0  }
0x31: {  	[sflag:s14] =	ssyncadd.s32 $0xFFFFC000  }
0x32: {  	_ =	swait.ge [sflag:s14], $0x4000  }
0x33: {  	s31 =	sadd.s32 $0xFFFFF800, s8;
	s19 =	sadd.s32 $0x1000, s8;
	[sflag:s14] =	ssyncset.done $0x0  }
0x34: {  	s20 =	smov.u32 s8;
	s18 =	simm.s32 $0x400;
	[sflag:s14] =	ssyncadd.s32 $0xFFFFC000  }
0x35: {  	[hbm4b:s31+s2] =	stream.linear.scatter [tilespmem:s12], [sflag:$0x2], $0x4000, $0x38;
	[tilespmem:$0x1CC80] =	vst v63  }
.LBB2_2:
0x36: {  	[hbm4b:s20+s2] =	stream.linear.scatter [tilespmem:s13], [sflag:$0x3], $0x4000, $0x38;
	[tilespmem:$0x1CC80] =	vst v63  }
0x37: {  	s21 =	smov.u32 s18;
	s20 =	smov.u32 s19  }
0x38: {  	p1 =	sne.s32 s18, $0x4800;
	s18 =	sadd.s32 $0x400, s18;
	_ =	swait.ge [sflag:s15], $0x4000  }
0x39: {  	[sflag:s15] =	ssyncset.done $0x0  }
0x3a: {  	[sflag:s15] =	ssyncadd.s32 $0xFFFFC000  }
0x3b: {  	_ =	swait.ge [sflag:s16], $0x4000  }
0x3c: {  	s21 =	sshra.s32 s21, $0x2;
	[sflag:s16] =	ssyncset.done $0x0  }
0x3d: {  	s22 =	sadd.s32 $0x100, s21;
	[sflag:s16] =	ssyncadd.s32 $0xFFFFC000  }
0x3e: {  	[tilespmem:s12], [sflag:$0x1] =	stream.indirect.gather [spmem:s1], $0x80, s22, s11, $0xb8;
	[tilespmem:$0x1CC80] =	vst v63  }
0x3f: {  	s21 =	sadd.s32 $0x180, s21  }
0x40: {  	[tilespmem:s13], [sflag:$0x1] =	stream.indirect.gather [spmem:s1], $0x80, s21, s11, $0xb8;
	[tilespmem:$0x1CC80] =	vst v63  }
0x41: {  	_ =	swait.ge [sflag:s14], $0x4000  }
0x42: {  	[sflag:s14] =	ssyncset.done $0x0  }
0x43: {  	[sflag:s14] =	ssyncadd.s32 $0xFFFFC000  }
.Ltmp0:
0x44: {  	_ =	swait.ge [sflag:s14], $0x4000;
	(pc) =	sbr.rel @p1 .LBB2_2-.Ltmp0, $4  }
0x45: {  	[sflag:s14] =	ssyncset.done $0x0  }
0x46: {  	s21 =	sadd.s32 $0xFFFFF800, s19;
	[sflag:s14] =	ssyncadd.s32 $0xFFFFC000  }
0x47: {  	[hbm4b:s21+s2] =	stream.linear.scatter [tilespmem:s12], [sflag:$0x2], $0x4000, $0x38;
	[tilespmem:$0x1CC80] =	vst v63  }
0x48: {  	s19 =	sadd.s32 $0x1000, s19  }
0x49: {  	[hbm4b:s20+s2] =	stream.linear.scatter [tilespmem:s13], [sflag:$0x3], $0x4000, $0x38;
	[tilespmem:$0x1CC80] =	vst v63  }
0x4a: {  	s17 =	sadd.s32 $0x1, s17  }
0x4b: {  	_ =	swait.ge [sflag:s15], $0x4000;
	p1 =	sne.s32 s17, s5  }
.Ltmp1:
0x4c: {  	[sflag:s15] =	ssyncset.done $0x0;
	(pc) =	sbr.rel @p1 .LBB2_1-.Ltmp1, $4  }
0x4d: {  	[sflag:s15] =	ssyncadd.s32 $0xFFFFC000  }
0x4e: {  	_ =	swait.ge [sflag:s16], $0x4000  }
0x4f: {  	[sflag:s16] =	ssyncset.done $0x0  }
0x50: {  	[sflag:s16] =	ssyncadd.s32 $0xFFFFC000  }
0x51: {  	_ =	sfence.sel $0x180000  }
0x52: {  	[bflag:$0x0] =	sbarrier.arrive $0xFFFF  }
0x53: {  	_ =	strace $0x90000050  }
0x54: {  	s0 =	sadd.s32 @!p0 $0x100000, s0;
	[bflag:$0x2] =	sbarrier.arrive $0xFFFF  }
0x55: {  	[sflag:s0] =	ssyncadd.tile.s32 @!p0 $0x1;
	_ =	shalt  }
.Lfunc_end2:
_tile_overlayer_lowered:
.L_overlay_start_2:
0x56: {  	(tag) =	ssettag $0x2  }
0x57: {  	s0 =	rddreg [dreg:$0x0];
	s2 =	stileid.u32  }
0x58: {  	s1 =	rddreg [dreg:$0x1];
	p0 =	sne.s32 s2, $0x0  }
0x59: {  	s3 =	rddreg [dreg:$0x2];
	[bflag:$0x3] =	sbarrier.arrive $0xFFFF;
	s2 =	simm.s32 @!p0 $0x1C04  }
0x5a: {  	[timem:s3], [sflag:s2] =	dma.local @!p0 [hbm:s0], s1  }
0x5b: {  	s0 =	simm.s32 @!p0 $0x4  }
0x5c: {  	_ =	swait.ge @!p0 [sflag:s0], s1  }
0x5d: {  	s1 =	ssub.s32 @!p0 $0x0, s1;
	[sflag:s0] =	ssyncset.done @!p0 $0x0  }
0x5e: {  	[sflag:s0] =	ssyncadd.s32 @!p0 s1  }
0x5f: {  	[bflag:$0x3] =	sbarrier.arrive $0xFFFF  }
0x60: {  	_ =	shalt  }

// kernel: kernel.37.cloned.1.call-start
scs
__scs_entry_jumppad:
0x0: {  	(pc) =	sbr.rel $0x88, $3  }
0x1: {  	(tag) =	ssettag $0x0;
	lr =	simm.s32 $0x1  }
0x2: {  	[smem:$0x3F58] =	sst lr;
	_ =	strace $0xD0000000  }
0x3: {  	_ = 	snop  }
0x4: {  	_ = 	snop  }
0x5: {  	_ = 	snop  }
0x6: {  	_ = 	snop  }
0x7: {  	_ = 	snop  }
__scs_overlays_trampoline_lowered:
0x8: {  	[smem:$0x3F67] =	sst s0  }
0x9: {  	[smem:$0x3F68] =	sst s1  }
0xa: {  	[smem:$0x3F69] =	sst s2  }
0xb: {  	[smem:$0x3F6A] =	sst s3  }
0xc: {  	[smem:$0x3F6B] =	sst s4  }
0xd: {  	[smem:$0x3F6C] =	sst s5  }
0xe: {  	[smem:$0x3F6D] =	sst s6  }
0xf: {  	[smem:$0x3F6E] =	sst s7  }
0x10: {  	[smem:$0x3F6F] =	sst s8  }
0x11: {  	[smem:$0x3F70] =	sst s9;
	s0 =	simm.s32 @!p0 $0x0  }
0x12: {  	s1 =	sld [smem:$0x3F56];
	s0 =	simm.s32 @p0 $0x1  }
0x13: {  	[smem:$0x3F71] =	sst s0;
	s0 =	simm.s32 @!p1 $0x0  }
0x14: {  	s2 =	sld [smem:$0x3F55];
	s0 =	simm.s32 @p1 $0x1  }
0x15: {  	[smem:$0x3F72] =	sst s0;
	s0 =	simm.s32 @!p2 $0x0  }
0x16: {  	s3 =	sld [smem:$0x3FDB];
	s0 =	simm.s32 @p2 $0x1  }
0x17: {  	s4 =	simm.s32 $0x1BF5;
	[smem:$0x3F74] =	sst s0  }
0x18: {  	s0 =	sld [smem:$0x3F57];
	_ =	swait.ge [sflag:s4], $0x0  }
0x19: {  	s7 =	sld [smem:$0x3F58]  }
0x1a: {  	s8 =	sadd.s32 $0xFFFFE003, lr  }
0x1b: {  	s9 =	sadd.s32 $0xFFFFFEF7, lr;
	s5 =	simm.s32 $0xFFFFFFFF;
	p2 =	slt.u32 s8, $0xFFFFF086  }
0x1c: {  	p1 =	slt.u32 s9, $0xF7A;
	s5 =	simm.s32 @!p2 $0x0  }
0x1d: {  	s5 =	simm.s32 @p1 $0x1;
	p0 =	seq.s32 s7, s2  }
0x1e: {  	s7 =	smul.u32 @!p0 $0xF7A, s2;
	p2 =	seq.s32 @!p0 s5, $0x0  }
0x1f: {  	s9 =	smul.u32 $0xF7A, s1;
	s8 =	simm.s32 @!p0 $0x1BF5;
	p2 =	por !p2, p0  }
0x20: {  	[sflag:s8] =	ssyncset.s32 @!p0 $0xFFFFF086;
	s6 =	sadd.s32 @!p0 s3, s7;
	s7 =	simm.s32 @!p0 $0x108  }
0x21: {  	s3 =	sadd.s32 s3, s9;
	s6 =	sadd.s32 @!p0 $0x88, s6;
	s7 =	simm.s32 @p2 $0x1082  }
0x22: {  	[simem:s7], [sflag:s8] =	dma.local @!p0 [hbm:s6], $0xF7A  }
0x23: {  	s9 =	sor.u32 $0xD0000000, s2;
	s6 =	simm.s32 $0x108;
	_ =	swait.ge @!p0 [sflag:s8], $0x0  }
0x24: {  	s3 =	sadd.s32 $0x88, s3;
	s6 =	simm.s32 @!p1 $0x1082;
	[sflag:s4] =	ssyncset.s32 $0xFFFFF086  }
0x25: {  	[simem:s6], [sflag:s4] =	dma.local [hbm:s3], $0xF7A  }
0x26: {  	[smem:$0x3F58] =	sst s1;
	(tag) =	ssettag s2;
	_ =	strace s9  }
0x27: {  	s1 =	sld [smem:$0x3F68]  }
0x28: {  	s2 =	sld [smem:$0x3F69]  }
0x29: {  	s4 =	sld [smem:$0x3F6B]  }
0x2a: {  	p0 =	seq.s32 s5, $0x0;
	s5 =	sld [smem:$0x3F6C]  }
0x2b: {  	s6 =	sld [smem:$0x3F6D]  }
0x2c: {  	s7 =	sld [smem:$0x3F6E]  }
0x2d: {  	s3 =	simm.s32 $0x108;
	s8 =	sld [smem:$0x3F6F]  }
0x2e: {  	s3 =	simm.s32 @!p0 $0x1082;
	s9 =	sld [smem:$0x3F70]  }
0x2f: {  	lr =	sadd.s32 s0, s3;
	s0 =	sld [smem:$0x3F67]  }
0x30: {  	s3 =	sld [smem:$0x3F6A]  }
0x31: {  	[smem:$0x3F73] =	sst s10  }
0x32: {  	s10 =	sld [smem:$0x3F71];
	_ =	sdelay $0x3  }
0x33: {  	p0 =	seq.s32 s10, $0x1;
	s10 =	sld [smem:$0x3F73];
	_ =	sdelay $0x3  }
0x34: {  	[smem:$0x3F73] =	sst s10  }
0x35: {  	s10 =	sld [smem:$0x3F72];
	_ =	sdelay $0x3  }
0x36: {  	p1 =	seq.s32 s10, $0x1;
	s10 =	sld [smem:$0x3F73];
	_ =	sdelay $0x3  }
0x37: {  	[smem:$0x3F73] =	sst s10  }
0x38: {  	s10 =	sld [smem:$0x3F74]  }
0x39: {  	_ = 	snop;
	(pc) =	sbr.ind lr, $3  }
0x3a: {  	_ = 	snop  }
0x3b: {  	_ = 	snop  }
0x3c: {  	p2 =	seq.s32 s10, $0x1;
	s10 =	sld [smem:$0x3F73]  }
0x3d: {  	_ =	shalt  }
0x3e: {  	_ =	shalt  }
0x3f: {  	_ =	shalt  }
0x40: {  	_ =	shalt  }
0x41: {  	_ =	shalt  }
0x42: {  	_ =	shalt  }
0x43: {  	_ =	shalt  }
0x44: {  	_ =	shalt  }
0x45: {  	_ =	shalt  }
0x46: {  	_ =	shalt  }
0x47: {  	_ =	shalt  }
0x48: {  	_ =	shalt  }
0x49: {  	_ =	shalt  }
0x4a: {  	_ =	shalt  }
0x4b: {  	_ =	shalt  }
0x4c: {  	_ =	shalt  }
0x4d: {  	_ =	shalt  }
0x4e: {  	_ =	shalt  }
0x4f: {  	_ =	shalt  }
0x50: {  	_ =	shalt  }
0x51: {  	_ =	shalt  }
0x52: {  	_ =	shalt  }
0x53: {  	_ =	shalt  }
0x54: {  	_ =	shalt  }
0x55: {  	_ =	shalt  }
0x56: {  	_ =	shalt  }
0x57: {  	_ =	shalt  }
0x58: {  	_ =	shalt  }
0x59: {  	_ =	shalt  }
0x5a: {  	_ =	shalt  }
0x5b: {  	_ =	shalt  }
0x5c: {  	_ =	shalt  }
0x5d: {  	_ =	shalt  }
0x5e: {  	_ =	shalt  }
0x5f: {  	_ =	shalt  }
0x60: {  	_ =	shalt  }
0x61: {  	_ =	shalt  }
0x62: {  	_ =	shalt  }
0x63: {  	_ =	shalt  }
0x64: {  	_ =	shalt  }
0x65: {  	_ =	shalt  }
0x66: {  	_ =	shalt  }
0x67: {  	_ =	shalt  }
0x68: {  	_ =	shalt  }
0x69: {  	_ =	shalt  }
0x6a: {  	_ =	shalt  }
0x6b: {  	_ =	shalt  }
0x6c: {  	_ =	shalt  }
0x6d: {  	_ =	shalt  }
0x6e: {  	_ =	shalt  }
0x6f: {  	_ =	shalt  }
0x70: {  	_ =	shalt  }
0x71: {  	_ =	shalt  }
0x72: {  	_ =	shalt  }
0x73: {  	_ =	shalt  }
0x74: {  	_ =	shalt  }
0x75: {  	_ =	shalt  }
0x76: {  	_ =	shalt  }
0x77: {  	_ =	shalt  }
0x78: {  	_ =	shalt  }
0x79: {  	_ =	shalt  }
0x7a: {  	_ =	shalt  }
0x7b: {  	_ =	shalt  }
0x7c: {  	_ =	shalt  }
0x7d: {  	_ =	shalt  }
0x7e: {  	_ =	shalt  }
0x7f: {  	_ =	shalt  }
0x80: {  	_ =	shalt  }
0x81: {  	_ =	shalt  }
0x82: {  	_ =	shalt  }
0x83: {  	_ =	shalt  }
0x84: {  	_ =	shalt  }
0x85: {  	_ =	shalt  }
0x86: {  	_ =	shalt  }
0x87: {  	_ =	shalt  }
.Lfunc_end0:
.L_simem_size_0:
called_computation.4_lowered:
.L_overlay_start_0:
0x88: {  	s2 =	sld [smem:$0x3FD9]  }
0x89: {  	s3 =	sld [smem:$0x3FFE];
	_ =	sdelay $0x1  }
0x8a: {  	s1 =	srdreg.scid  }
0x8b: {  	s0 =	sand.u32 $0x1, s1  }
0x8c: {  	s16 =	sshll.u32 s0, $0xA;
	s2 =	sadd.s32 s3, s2  }
0x8d: {  	s2 =	sadd.s32 s2, s16  }
0x8e: {  	[smem:$0x3F7F] =	sst s2  }
0x8f: {  	_ = 	snop  }
0x90: {  	(tm) =	ssettm $0x1  }
0x91: {  	s17 =	sld [smem:$0x3FFB];
	_ =	sdelay $0x3  }
0x92: {  	_ =	strace s17  }
0x93: {  	s2 =	sld [smem:$0x3FFC];
	_ =	sdelay $0x3  }
0x94: {  	_ =	strace s2  }
0x95: {  	s2 =	sld [smem:$0x3FFD];
	_ =	sdelay $0x3  }
0x96: {  	_ =	strace s2  }
0x97: {  	_ =	strace $0x8FFFFFFF  }
0x98: {  	s18 =	sld [smem:$0x3FDB];
	_ =	sdelay $0x1  }
0x99: {  	s19 =	simm.s32 $_scs_section_size  }
0x9a: {  	s4 =	simm.s32 $_size__tile_overlayer_lowered;
	s5 =	simm.s32 $_tile_overlayer_lowered  }
0x9b: {  	s22 =	simm.s32 $0x1BFF;
	s21 =	sshll.u32 s5, $0x1;
	s2 =	sadd.s32 s19, s18  }
0x9c: {  	s6 =	simm.s32 $0x0;
	s20 =	sshll.u32 s4, $0x1;
	s4 =	sadd.s32 s21, s2  }
0x9d: {  	[timem:s6], [sflag:s22] =	dma.local [hbm:s4], s20  }
0x9e: {  	_ =	swait.ge [sflag:s22], s20  }
0x9f: {  	s3 =	ssub.s32 $0x0, s20;
	[sflag:s22] =	ssyncset.done $0x0  }
0xa0: {  	[sflag:s22] =	ssyncadd.s32 s3;
	_ =	sdelay $0x1  }
0xa1: {  	s23 =	simm.s32 $0x1B8B  }
0xa2: {  	_ =	swait.ge [sflag:s23], $0x1  }
0xa3: {  	[sflag:s23] =	ssyncset.done $0x0  }
0xa4: {  	s25 =	simm.s32 $0x1B8E;
	s24 =	sld [smem:$0x3FFE];
	[sflag:s23] =	ssyncadd.s32 $0xFFFFFFFF  }
0xa5: {  	s26 =	simm.s32 $execute0_lowered;
	[smem:$0x3FD2] =	sst s25  }
0xa6: {  	s4 =	sshll.u32 s26, $0x1;
	_ =	strace $0x80000052;
	[dreg:$0x1] =	wrdreg $0xFFFFFFFF  }
0xa7: {  	s28 =	simm.s32 $_size_execute0_lowered;
	s2 =	sadd.s32 s2, s4;
	[dreg:$0x0] =	wrdreg $0x0  }
0xa8: {  	s4 =	sshll.u32 s28, $0x1;
	[dreg:$0x2] =	wrdreg s2  }
0xa9: {  	[dreg:$0x3] =	wrdreg s4  }
0xaa: {  	[dreg:$0x4] =	wrdreg $0xC0  }
0xab: {  	_ =	task [dreg:s6], $0x5FFFF  }
0xac: {  	[dreg:$0x1] =	wrdreg $0xFFFFFFFF  }
0xad: {  	[dreg:$0x0] =	wrdreg $0x60  }
0xae: {  	[dreg:$0x2] =	wrdreg s24  }
0xaf: {  	[dreg:$0x3] =	wrdreg $0x94000  }
0xb0: {  	[dreg:$0x4] =	wrdreg $0x9  }
0xb1: {  	_ =	task.clear_ibuf [dreg:s6], $0x5FFFF;
	_ =	strace $0x90000052  }
0xb2: {  	s29 =	simm.s32 $0x9;
	_ =	strace $0x80000054  }
0xb3: {  	_ =	swait.ge [sflag:s29], $0x1  }
0xb4: {  	[sflag:s29] =	ssyncadd.s32 $0xFFFFFFFF  }
0xb5: {  	_ =	strace $0x90000054  }
0xb6: {  	_ =	sfence  }
0xb7: {  	s30 =	sld [smem:$0x0];
	_ =	sdelay $0x2  }
0xb8: {  	s31 =	sshll.u32 s1, $0xD;
	s1 =	sshrl.u32 s1, $0x2  }
0xb9: {  	s3 =	sand.u32 $0x4000, s31;
	s1 =	sadd.s32 s1, s30  }
0xba: {  	s0 =	sor.u32 s3, s0;
	s1 =	sshll.u32 s1, $0x11  }
0xbb: {  	s0 =	sor.u32 s1, s0  }
0xbc: {  	s0 =	sadd.s32 $0x8F2B, s0  }
0xbd: {  	[sflag:s0] =	ssyncadd.remote.s32 $0x1  }
0xbe: {  	_ =	sfence.sel $0xFFFF  }
0xbf: {  	[dreg:$0x0] =	wrdreg $0xFFFFFFFF;
	(pc) =	sbr.abs _section_cstart, $3  }
0xc0: {  	[dreg:$0x1] =	wrdreg $0xFFFFFFFF  }
0xc1: {  	_ =	task.clear_ibuf [dreg:s6], $0x2FFFF;
	_ =	strace $0x9FFFFFFF  }
0xc2: {  	(tm) =	ssettm $0x7FFFFFFF  }
0xc3: {  	_ =	shalt  }
tec
execute0_lowered:
.L_overlay_start_1:
0x0: {  	(tag) =	ssettag $0x1  }
0x1: {  	s4 =	rddreg [dreg:$0x0]  }
0x2: {  	s0 =	srdreg.scid;
	s20 =	stileid.u32  }
0x3: {  	s1 =	rddreg [dreg:$0x1];
	s6 =	smul.u32 $0x280, s20  }
0x4: {  	s2 =	simm.s32 $0x0;
	s14 =	simm.s32 $0x1400;
	s7 =	smul.u32 $0x2800, s20  }
0x5: {  	s15 =	simm.s32 $0x5400;
	s16 =	simm.s32 $0x1;
	s24 =	smul.u32 $0x50000, s20  }
0x6: {  	s8 =	sand.u32 $0x1, s0;
	s0 =	rddreg [dreg:$0x2];
	s13 =	smul.u32 $0x4E000, s20  }
0x7: {  	s17 =	simm.s32 $0x80;
	[smem:$0x7FF] =	sst s2;
	s29 =	smul.u32 $0x2700, s20  }
0x8: {  	s28 =	sshll.u32 s20, $0x6;
	s31 =	smul.u32 $0x14000, s20;
	s19 =	sadd.s32 $0x138000, s1  }
0x9: {  	p1 =	sne.s32 s20, $0x0;
	p2 =	seq.s32 s20, $0x0;
	s3 =	smul.u32 $0x140000, s8  }
0xa: {  	s20 =	simm.s32 $0x0;
	s5 =	smul.u32 $0x2800, s8;
	_ =	strace $0x80000053  }
0xb: {  	s26 =	ssub.s32 $0x2, s8;
	p0 =	seq.s32 s8, $0x1;
	s19 =	sshrl.u32 s19, $0x3  }
0xc: {  	s25 =	sadd.s32 s7, s4;
	s10 =	sshrl.u32 s26, $0x1;
	s30 =	sshrl.u32 s13, $0x2  }
0xd: {  	s13 =	simm.s32 $0x2;
	s11 =	sadd.s32 s3, s4;
	s23 =	sadd.s32 s6, s5  }
0xe: {  	s3 =	sadd.s32 $0x16200, s4;
	s5 =	sshrl.u32 s24, $0x2;
	s10 =	ssub.s32 s26, s10  }
.Ltmp0:
0xf: {  	s6 =	sor.u32 $0x1C02, s28;
	s18 =	sadd.s32 s30, s1;
	(pc) =	sbr.rel .LBB2_1-.Ltmp0, $4  }
0x10: {  	s9 =	sadd.s32 s23, s4;
	s4 =	sadd.s32 $0x310800, s4;
	s12 =	sadd.s32 s5, s1  }
0x11: {  	s5 =	sadd.s32 $0x64600, s25;
	s8 =	sadd.s32 s3, s29;
	s10 =	smax.u32 s10, $0x1  }
0x12: {  	s11 =	sadd.s32 s31, s11;
	s18 =	sshrl.u32 s18, $0x3;
	s7 =	sadd.s32 $0x2E4600, s9  }
0x13: {  	s9 =	sadd.s32 s4, s29;
	s11 =	sadd.s32 $0x5F4A00, s11;
	s12 =	sshrl.u32 s12, $0x3  }
.LBB2_6:
0x14: {  	s21 =	sadd.s32 $0x27000, s21  }
0x15: {  	[hbm:s21], [sflag:s6] =	dma.local [spmem:s19], $0x100  }
0x16: {  	_ =	swait.ge [sflag:s13], $0x100  }
0x17: {  	[sflag:s13] =	ssyncset.done $0x0  }
0x18: {  	[sflag:s13] =	ssyncadd.s32 $0xFFFFFF00  }
.LBB2_7:
0x19: {  	s20 =	sadd.s32 $0x1, s20  }
0x1a: {  	p3 =	sne.s32 s20, s10  }
.Ltmp1:
0x1b: {  	_ = 	snop;
	(pc) =	sbr.rel @!p3 .LBB2_8-.Ltmp1, $1  }
0x1c: {  	_ =	sdelay $0x3  }
.LBB2_1:
0x1d: {  	[spmem:s12], [sflag:s6] =	dma.local [hbm:s5], $0x2800  }
0x1e: {  	_ =	swait.ge [sflag:s13], $0x2800  }
0x1f: {  	[sflag:s13] =	ssyncset.done $0x0  }
0x20: {  	[sflag:s13] =	ssyncadd.s32 $0xFFFFD800  }
0x21: {  	[tilespmem:s2], [sflag:$0x2] =	stream.linear.gather [hbm4b:s7+s2], $0x1400, $0x38;
	[tilespmem:$0x1D400] =	vst v63  }
0x22: {  	_ =	swait.ge [sflag:s13], $0x1400  }
0x23: {  	[sflag:s13] =	ssyncset.done $0x0  }
0x24: {  	[sflag:s13] =	ssyncadd.s32 $0xFFFFEC00  }
0x25: {  	s21 =	sadd.s32 $0xFFFFF800, s11;
	[bflag:$0x0] =	sbarrier.arrive $0xFFFF  }
0x26: {  	[tilespmem:s14], [sflag:$0x1] =	stream.linear.gather [hbm4b:s21+s2], $0x4000, $0x38;
	[tilespmem:$0x1D400] =	vst v63  }
0x27: {  	_ = 	snop  }
0x28: {  	[tilespmem:s15], [sflag:$0x1] =	stream.linear.gather [hbm4b:s11+s2], $0x4000, $0x38;
	[tilespmem:$0x1D400] =	vst v63  }
0x29: {  	_ =	swait.ge [sflag:s16], $0x4000  }
0x2a: {  	[sflag:s16] =	ssyncset.done $0x0  }
0x2b: {  	[sflag:s16] =	ssyncadd.s32 $0xFFFFC000  }
0x2c: {  	_ =	swait.ge [sflag:s16], $0x4000  }
0x2d: {  	[sflag:s16] =	ssyncset.done $0x0  }
0x2e: {  	s30 =	simm.s32 $0x0;
	[sflag:s16] =	ssyncadd.s32 $0xFFFFC000  }
0x2f: {  	[spmem:s1] =	stream.indirect.scatter.add.f32 [tilespmem:s14], [sflag:$0x2], $0x80, s30, s17, $0xb8;
	[tilespmem:$0x1D400] =	vst v63  }
0x30: {  	_ =	swait.ge [sflag:s13], $0x4000  }
0x31: {  	[sflag:s13] =	ssyncset.done $0x0  }
0x32: {  	s31 =	simm.s32 $0x80;
	[sflag:s13] =	ssyncadd.s32 $0xFFFFC000  }
0x33: {  	[spmem:s1] =	stream.indirect.scatter.add.f32 [tilespmem:s15], [sflag:$0x2], $0x80, s31, s17, $0xb8;
	[tilespmem:$0x1D400] =	vst v63  }
0x34: {  	s23 =	simm.s32 $0x800;
	_ =	swait.ge [sflag:s13], $0x4000  }
0x35: {  	s22 =	sadd.s32 $0x1000, s11;
	s21 =	simm.s32 $0x400;
	[sflag:s13] =	ssyncset.done $0x0  }
.LBB2_2:
0x36: {  	p3 =	sne.s32 s23, $0x4C00;
	s24 =	sadd.s32 $0xFFFFF800, s22;
	[sflag:s13] =	ssyncadd.s32 $0xFFFFC000  }
0x37: {  	[tilespmem:s14], [sflag:$0x1] =	stream.linear.gather [hbm4b:s24+s2], $0x4000, $0x38;
	[tilespmem:$0x1D400] =	vst v63  }
0x38: {  	s24 =	smov.u32 s23;
	s23 =	sadd.s32 $0x400, s23  }
0x39: {  	[tilespmem:s15], [sflag:$0x1] =	stream.linear.gather [hbm4b:s22+s2], $0x4000, $0x38;
	[tilespmem:$0x1D400] =	vst v63  }
0x3a: {  	_ =	swait.ge [sflag:s16], $0x4000  }
0x3b: {  	[sflag:s16] =	ssyncset.done $0x0  }
0x3c: {  	[sflag:s16] =	ssyncadd.s32 $0xFFFFC000  }
0x3d: {  	_ =	swait.ge [sflag:s16], $0x4000  }
0x3e: {  	[sflag:s16] =	ssyncset.done $0x0  }
0x3f: {  	s25 =	sshra.s32 s21, $0x2;
	s21 =	smov.u32 s24;
	[sflag:s16] =	ssyncadd.s32 $0xFFFFC000  }
0x40: {  	[spmem:s1] =	stream.indirect.scatter.add.f32 [tilespmem:s14], [sflag:$0x2], $0x80, s25, s17, $0xb8;
	[tilespmem:$0x1D400] =	vst v63  }
0x41: {  	_ =	swait.ge [sflag:s13], $0x4000  }
.Ltmp2:
0x42: {  	[sflag:s13] =	ssyncset.done $0x0;
	(pc) =	sbr.rel @p3 .LBB2_2-.Ltmp2, $4  }
0x43: {  	s24 =	sadd.s32 $0x80, s25;
	[sflag:s13] =	ssyncadd.s32 $0xFFFFC000  }
0x44: {  	[spmem:s1] =	stream.indirect.scatter.add.f32 [tilespmem:s15], [sflag:$0x2], $0x80, s24, s17, $0xb8;
	[tilespmem:$0x1D400] =	vst v63  }
0x45: {  	_ =	swait.ge [sflag:s13], $0x4000  }
0x46: {  	s22 =	sadd.s32 $0x1000, s22;
	[sflag:s13] =	ssyncset.done $0x0  }
0x47: {  	s23 =	sadd.s32 $0xFFFFF800, s22;
	[sflag:s13] =	ssyncadd.s32 $0xFFFFC000  }
0x48: {  	[tilespmem:s14], [sflag:$0x1] =	stream.linear.gather [hbm4b:s23+s2], $0x4000, $0x38;
	[tilespmem:$0x1D400] =	vst v63  }
0x49: {  	_ = 	snop  }
0x4a: {  	[tilespmem:s15], [sflag:$0x1] =	stream.linear.gather [hbm4b:s22+s2], $0x4000, $0x38;
	[tilespmem:$0x1D400] =	vst v63  }
0x4b: {  	_ =	swait.ge [sflag:s16], $0x4000  }
0x4c: {  	[sflag:s16] =	ssyncset.done $0x0  }
0x4d: {  	[sflag:s16] =	ssyncadd.s32 $0xFFFFC000  }
0x4e: {  	_ =	swait.ge [sflag:s16], $0x4000  }
0x4f: {  	[sflag:s16] =	ssyncset.done $0x0  }
0x50: {  	s21 =	sshra.s32 s21, $0x2;
	[sflag:s16] =	ssyncadd.s32 $0xFFFFC000  }
0x51: {  	[spmem:s1] =	stream.indirect.scatter.add.f32 [tilespmem:s14], [sflag:$0x2], $0x80, s21, s17, $0xb8;
	[tilespmem:$0x1D400] =	vst v63  }
0x52: {  	_ =	swait.ge [sflag:s13], $0x4000  }
0x53: {  	[sflag:s13] =	ssyncset.done $0x0  }
0x54: {  	s21 =	sadd.s32 $0x80, s21;
	[sflag:s13] =	ssyncadd.s32 $0xFFFFC000  }
0x55: {  	[spmem:s1] =	stream.indirect.scatter.add.f32 [tilespmem:s15], [sflag:$0x2], $0x80, s21, s17, $0xb8;
	[tilespmem:$0x1D400] =	vst v63  }
.Ltmp3:
0x56: {  	_ =	swait.ge [sflag:s13], $0x4000;
	(pc) =	sbr.rel @!p0 .LBB2_4-.Ltmp3, $3  }
0x57: {  	[sflag:s13] =	ssyncset.done $0x0  }
0x58: {  	[sflag:s13] =	ssyncadd.s32 $0xFFFFC000  }
0x59: {  	[bflag:$0x0] =	sbarrier.arrive $0xFFFF;
	_ =	sdelay $0x1  }
0x5a: {  	[hbm:s9], [sflag:s6] =	dma.local [spmem:s18], $0x2700  }
.Ltmp4:
0x5b: {  	_ = 	snop;
	(pc) =	sbr.rel @p1 .LBB2_7-.Ltmp4, $4  }
.Ltmp5:
0x5c: {  	_ = 	snop;
	(pc) =	sbr.rel @!p1 .LBB2_6-.Ltmp5, $4  }
0x5d: {  	_ =	swait.ge [sflag:s13], $0x2700  }
0x5e: {  	[sflag:s13] =	ssyncset.done $0x0  }
0x5f: {  	s21 =	smov.u32 s4;
	[sflag:s13] =	ssyncadd.s32 $0xFFFFD900  }
0x60: {  	_ = 	snop  }
.LBB2_4:
0x61: {  	[hbm:s8], [sflag:s6] =	dma.local [spmem:s18], $0x2700  }
.Ltmp6:
0x62: {  	_ = 	snop;
	(pc) =	sbr.rel @!p2 .LBB2_7-.Ltmp6, $4  }
.Ltmp7:
0x63: {  	_ = 	snop;
	(pc) =	sbr.rel @p2 .LBB2_6-.Ltmp7, $4  }
0x64: {  	_ =	swait.ge [sflag:s13], $0x2700  }
0x65: {  	[sflag:s13] =	ssyncset.done $0x0  }
0x66: {  	s21 =	smov.u32 s3;
	[sflag:s13] =	ssyncadd.s32 $0xFFFFD900  }
0x67: {  	_ = 	snop  }
.LBB2_8:
0x68: {  	_ =	sfence.sel $0x180000  }
0x69: {  	[bflag:$0x0] =	sbarrier.arrive $0xFFFF  }
0x6a: {  	_ =	strace $0x90000053  }
0x6b: {  	s0 =	sadd.s32 @!p1 $0x100000, s0;
	[bflag:$0x2] =	sbarrier.arrive $0xFFFF  }
0x6c: {  	[sflag:s0] =	ssyncadd.tile.s32 @!p1 $0x1;
	_ =	shalt  }
.Lfunc_end2:
_tile_overlayer_lowered:
.L_overlay_start_2:
0x6d: {  	(tag) =	ssettag $0x2  }
0x6e: {  	s0 =	rddreg [dreg:$0x0];
	s2 =	stileid.u32  }
0x6f: {  	s1 =	rddreg [dreg:$0x1];
	p0 =	sne.s32 s2, $0x0  }
0x70: {  	s3 =	rddreg [dreg:$0x2];
	[bflag:$0x3] =	sbarrier.arrive $0xFFFF;
	s2 =	simm.s32 @!p0 $0x1C02  }
0x71: {  	[timem:s3], [sflag:s2] =	dma.local @!p0 [hbm:s0], s1  }
0x72: {  	s0 =	simm.s32 @!p0 $0x2  }
0x73: {  	_ =	swait.ge @!p0 [sflag:s0], s1  }
0x74: {  	s1 =	ssub.s32 @!p0 $0x0, s1;
	[sflag:s0] =	ssyncset.done @!p0 $0x0  }
0x75: {  	[sflag:s0] =	ssyncadd.s32 @!p0 s1  }
0x76: {  	[bflag:$0x3] =	sbarrier.arrive $0xFFFF  }
0x77: {  	_ =	shalt  }

// kernel: kernel.40.cloned.1.call-start
scs
__scs_entry_jumppad:
0x0: {  	(pc) =	sbr.rel $0x88, $3  }
0x1: {  	(tag) =	ssettag $0x0;
	lr =	simm.s32 $0x1  }
0x2: {  	[smem:$0x3F58] =	sst lr;
	_ =	strace $0xD0000000  }
0x3: {  	_ = 	snop  }
0x4: {  	_ = 	snop  }
0x5: {  	_ = 	snop  }
0x6: {  	_ = 	snop  }
0x7: {  	_ = 	snop  }
__scs_overlays_trampoline_lowered:
0x8: {  	[smem:$0x3F67] =	sst s0  }
0x9: {  	[smem:$0x3F68] =	sst s1  }
0xa: {  	[smem:$0x3F69] =	sst s2  }
0xb: {  	[smem:$0x3F6A] =	sst s3  }
0xc: {  	[smem:$0x3F6B] =	sst s4  }
0xd: {  	[smem:$0x3F6C] =	sst s5  }
0xe: {  	[smem:$0x3F6D] =	sst s6  }
0xf: {  	[smem:$0x3F6E] =	sst s7  }
0x10: {  	[smem:$0x3F6F] =	sst s8  }
0x11: {  	[smem:$0x3F70] =	sst s9;
	s0 =	simm.s32 @!p0 $0x0  }
0x12: {  	s1 =	sld [smem:$0x3F56];
	s0 =	simm.s32 @p0 $0x1  }
0x13: {  	[smem:$0x3F71] =	sst s0;
	s0 =	simm.s32 @!p1 $0x0  }
0x14: {  	s2 =	sld [smem:$0x3F55];
	s0 =	simm.s32 @p1 $0x1  }
0x15: {  	[smem:$0x3F72] =	sst s0;
	s0 =	simm.s32 @!p2 $0x0  }
0x16: {  	s3 =	sld [smem:$0x3FDB];
	s0 =	simm.s32 @p2 $0x1  }
0x17: {  	s4 =	simm.s32 $0x1BF5;
	[smem:$0x3F74] =	sst s0  }
0x18: {  	s0 =	sld [smem:$0x3F57];
	_ =	swait.ge [sflag:s4], $0x0  }
0x19: {  	s7 =	sld [smem:$0x3F58]  }
0x1a: {  	s8 =	sadd.s32 $0xFFFFE003, lr  }
0x1b: {  	s9 =	sadd.s32 $0xFFFFFEF7, lr;
	s5 =	simm.s32 $0xFFFFFFFF;
	p2 =	slt.u32 s8, $0xFFFFF086  }
0x1c: {  	p1 =	slt.u32 s9, $0xF7A;
	s5 =	simm.s32 @!p2 $0x0  }
0x1d: {  	s5 =	simm.s32 @p1 $0x1;
	p0 =	seq.s32 s7, s2  }
0x1e: {  	s7 =	smul.u32 @!p0 $0xF7A, s2;
	p2 =	seq.s32 @!p0 s5, $0x0  }
0x1f: {  	s9 =	smul.u32 $0xF7A, s1;
	s8 =	simm.s32 @!p0 $0x1BF5;
	p2 =	por !p2, p0  }
0x20: {  	[sflag:s8] =	ssyncset.s32 @!p0 $0xFFFFF086;
	s6 =	sadd.s32 @!p0 s3, s7;
	s7 =	simm.s32 @!p0 $0x108  }
0x21: {  	s3 =	sadd.s32 s3, s9;
	s6 =	sadd.s32 @!p0 $0x88, s6;
	s7 =	simm.s32 @p2 $0x1082  }
0x22: {  	[simem:s7], [sflag:s8] =	dma.local @!p0 [hbm:s6], $0xF7A  }
0x23: {  	s9 =	sor.u32 $0xD0000000, s2;
	s6 =	simm.s32 $0x108;
	_ =	swait.ge @!p0 [sflag:s8], $0x0  }
0x24: {  	s3 =	sadd.s32 $0x88, s3;
	s6 =	simm.s32 @!p1 $0x1082;
	[sflag:s4] =	ssyncset.s32 $0xFFFFF086  }
0x25: {  	[simem:s6], [sflag:s4] =	dma.local [hbm:s3], $0xF7A  }
0x26: {  	[smem:$0x3F58] =	sst s1;
	(tag) =	ssettag s2;
	_ =	strace s9  }
0x27: {  	s1 =	sld [smem:$0x3F68]  }
0x28: {  	s2 =	sld [smem:$0x3F69]  }
0x29: {  	s4 =	sld [smem:$0x3F6B]  }
0x2a: {  	p0 =	seq.s32 s5, $0x0;
	s5 =	sld [smem:$0x3F6C]  }
0x2b: {  	s6 =	sld [smem:$0x3F6D]  }
0x2c: {  	s7 =	sld [smem:$0x3F6E]  }
0x2d: {  	s3 =	simm.s32 $0x108;
	s8 =	sld [smem:$0x3F6F]  }
0x2e: {  	s3 =	simm.s32 @!p0 $0x1082;
	s9 =	sld [smem:$0x3F70]  }
0x2f: {  	lr =	sadd.s32 s0, s3;
	s0 =	sld [smem:$0x3F67]  }
0x30: {  	s3 =	sld [smem:$0x3F6A]  }
0x31: {  	[smem:$0x3F73] =	sst s10  }
0x32: {  	s10 =	sld [smem:$0x3F71];
	_ =	sdelay $0x3  }
0x33: {  	p0 =	seq.s32 s10, $0x1;
	s10 =	sld [smem:$0x3F73];
	_ =	sdelay $0x3  }
0x34: {  	[smem:$0x3F73] =	sst s10  }
0x35: {  	s10 =	sld [smem:$0x3F72];
	_ =	sdelay $0x3  }
0x36: {  	p1 =	seq.s32 s10, $0x1;
	s10 =	sld [smem:$0x3F73];
	_ =	sdelay $0x3  }
0x37: {  	[smem:$0x3F73] =	sst s10  }
0x38: {  	s10 =	sld [smem:$0x3F74]  }
0x39: {  	_ = 	snop;
	(pc) =	sbr.ind lr, $3  }
0x3a: {  	_ = 	snop  }
0x3b: {  	_ = 	snop  }
0x3c: {  	p2 =	seq.s32 s10, $0x1;
	s10 =	sld [smem:$0x3F73]  }
0x3d: {  	_ =	shalt  }
0x3e: {  	_ =	shalt  }
0x3f: {  	_ =	shalt  }
0x40: {  	_ =	shalt  }
0x41: {  	_ =	shalt  }
0x42: {  	_ =	shalt  }
0x43: {  	_ =	shalt  }
0x44: {  	_ =	shalt  }
0x45: {  	_ =	shalt  }
0x46: {  	_ =	shalt  }
0x47: {  	_ =	shalt  }
0x48: {  	_ =	shalt  }
0x49: {  	_ =	shalt  }
0x4a: {  	_ =	shalt  }
0x4b: {  	_ =	shalt  }
0x4c: {  	_ =	shalt  }
0x4d: {  	_ =	shalt  }
0x4e: {  	_ =	shalt  }
0x4f: {  	_ =	shalt  }
0x50: {  	_ =	shalt  }
0x51: {  	_ =	shalt  }
0x52: {  	_ =	shalt  }
0x53: {  	_ =	shalt  }
0x54: {  	_ =	shalt  }
0x55: {  	_ =	shalt  }
0x56: {  	_ =	shalt  }
0x57: {  	_ =	shalt  }
0x58: {  	_ =	shalt  }
0x59: {  	_ =	shalt  }
0x5a: {  	_ =	shalt  }
0x5b: {  	_ =	shalt  }
0x5c: {  	_ =	shalt  }
0x5d: {  	_ =	shalt  }
0x5e: {  	_ =	shalt  }
0x5f: {  	_ =	shalt  }
0x60: {  	_ =	shalt  }
0x61: {  	_ =	shalt  }
0x62: {  	_ =	shalt  }
0x63: {  	_ =	shalt  }
0x64: {  	_ =	shalt  }
0x65: {  	_ =	shalt  }
0x66: {  	_ =	shalt  }
0x67: {  	_ =	shalt  }
0x68: {  	_ =	shalt  }
0x69: {  	_ =	shalt  }
0x6a: {  	_ =	shalt  }
0x6b: {  	_ =	shalt  }
0x6c: {  	_ =	shalt  }
0x6d: {  	_ =	shalt  }
0x6e: {  	_ =	shalt  }
0x6f: {  	_ =	shalt  }
0x70: {  	_ =	shalt  }
0x71: {  	_ =	shalt  }
0x72: {  	_ =	shalt  }
0x73: {  	_ =	shalt  }
0x74: {  	_ =	shalt  }
0x75: {  	_ =	shalt  }
0x76: {  	_ =	shalt  }
0x77: {  	_ =	shalt  }
0x78: {  	_ =	shalt  }
0x79: {  	_ =	shalt  }
0x7a: {  	_ =	shalt  }
0x7b: {  	_ =	shalt  }
0x7c: {  	_ =	shalt  }
0x7d: {  	_ =	shalt  }
0x7e: {  	_ =	shalt  }
0x7f: {  	_ =	shalt  }
0x80: {  	_ =	shalt  }
0x81: {  	_ =	shalt  }
0x82: {  	_ =	shalt  }
0x83: {  	_ =	shalt  }
0x84: {  	_ =	shalt  }
0x85: {  	_ =	shalt  }
0x86: {  	_ =	shalt  }
0x87: {  	_ =	shalt  }
.Lfunc_end0:
.L_simem_size_0:
called_computation.5_lowered:
.L_overlay_start_0:
0x88: {  	s2 =	sld [smem:$0x3FD9]  }
0x89: {  	s3 =	sld [smem:$0x3FFE];
	_ =	sdelay $0x1  }
0x8a: {  	s1 =	srdreg.scid  }
0x8b: {  	s0 =	sand.u32 $0x1, s1  }
0x8c: {  	s16 =	sshll.u32 s0, $0xA;
	s2 =	sadd.s32 s3, s2  }
0x8d: {  	s2 =	sadd.s32 s2, s16  }
0x8e: {  	[smem:$0x3F7F] =	sst s2  }
0x8f: {  	_ = 	snop  }
0x90: {  	(tm) =	ssettm $0x1  }
0x91: {  	s17 =	sld [smem:$0x3FFB];
	_ =	sdelay $0x3  }
0x92: {  	_ =	strace s17  }
0x93: {  	s2 =	sld [smem:$0x3FFC];
	_ =	sdelay $0x3  }
0x94: {  	_ =	strace s2  }
0x95: {  	s2 =	sld [smem:$0x3FFD];
	_ =	sdelay $0x3  }
0x96: {  	_ =	strace s2  }
0x97: {  	_ =	strace $0x8FFFFFFF  }
0x98: {  	s18 =	sld [smem:$0x3FDB];
	_ =	sdelay $0x1  }
0x99: {  	s19 =	simm.s32 $_scs_section_size  }
0x9a: {  	s4 =	simm.s32 $_size__tile_overlayer_lowered;
	s5 =	simm.s32 $_tile_overlayer_lowered  }
0x9b: {  	s22 =	simm.s32 $0x1BFF;
	s21 =	sshll.u32 s5, $0x1;
	s2 =	sadd.s32 s19, s18  }
0x9c: {  	s6 =	simm.s32 $0x0;
	s20 =	sshll.u32 s4, $0x1;
	s4 =	sadd.s32 s21, s2  }
0x9d: {  	[timem:s6], [sflag:s22] =	dma.local [hbm:s4], s20  }
0x9e: {  	_ =	swait.ge [sflag:s22], s20  }
0x9f: {  	s3 =	ssub.s32 $0x0, s20;
	[sflag:s22] =	ssyncset.done $0x0  }
0xa0: {  	[sflag:s22] =	ssyncadd.s32 s3;
	_ =	sdelay $0x1  }
0xa1: {  	s23 =	simm.s32 $0x1B8B  }
0xa2: {  	_ =	swait.ge [sflag:s23], $0x1  }
0xa3: {  	[sflag:s23] =	ssyncset.done $0x0  }
0xa4: {  	s25 =	simm.s32 $0x1B8E;
	s24 =	sld [smem:$0x3FFE];
	[sflag:s23] =	ssyncadd.s32 $0xFFFFFFFF  }
0xa5: {  	s26 =	simm.s32 $execute0_lowered;
	[smem:$0x3FD2] =	sst s25  }
0xa6: {  	s4 =	sshll.u32 s26, $0x1;
	_ =	strace $0x80000055;
	[dreg:$0x1] =	wrdreg $0xFFFFFFFF  }
0xa7: {  	s28 =	simm.s32 $_size_execute0_lowered;
	s2 =	sadd.s32 s2, s4;
	[dreg:$0x0] =	wrdreg $0x0  }
0xa8: {  	s4 =	sshll.u32 s28, $0x1;
	[dreg:$0x2] =	wrdreg s2  }
0xa9: {  	[dreg:$0x3] =	wrdreg s4  }
0xaa: {  	[dreg:$0x4] =	wrdreg $0xC0  }
0xab: {  	_ =	task [dreg:s6], $0x5FFFF  }
0xac: {  	[dreg:$0x1] =	wrdreg $0xFFFFFFFF  }
0xad: {  	[dreg:$0x0] =	wrdreg $0x60  }
0xae: {  	[dreg:$0x2] =	wrdreg s24  }
0xaf: {  	[dreg:$0x3] =	wrdreg $0x94000  }
0xb0: {  	[dreg:$0x4] =	wrdreg $0x9  }
0xb1: {  	_ =	task.clear_ibuf [dreg:s6], $0x5FFFF;
	_ =	strace $0x90000055  }
0xb2: {  	s29 =	simm.s32 $0x9;
	_ =	strace $0x80000057  }
0xb3: {  	_ =	swait.ge [sflag:s29], $0x1  }
0xb4: {  	[sflag:s29] =	ssyncadd.s32 $0xFFFFFFFF  }
0xb5: {  	_ =	strace $0x90000057  }
0xb6: {  	_ =	sfence  }
0xb7: {  	s30 =	sld [smem:$0x0];
	_ =	sdelay $0x2  }
0xb8: {  	s31 =	sshll.u32 s1, $0xD;
	s1 =	sshrl.u32 s1, $0x2  }
0xb9: {  	s3 =	sand.u32 $0x4000, s31;
	s1 =	sadd.s32 s1, s30  }
0xba: {  	s0 =	sor.u32 s3, s0;
	s1 =	sshll.u32 s1, $0x11  }
0xbb: {  	s0 =	sor.u32 s1, s0  }
0xbc: {  	s0 =	sadd.s32 $0x8F2B, s0  }
0xbd: {  	[sflag:s0] =	ssyncadd.remote.s32 $0x1  }
0xbe: {  	_ =	sfence.sel $0xFFFF  }
0xbf: {  	[dreg:$0x0] =	wrdreg $0xFFFFFFFF;
	(pc) =	sbr.abs _section_cstart, $3  }
0xc0: {  	[dreg:$0x1] =	wrdreg $0xFFFFFFFF  }
0xc1: {  	_ =	task.clear_ibuf [dreg:s6], $0x2FFFF;
	_ =	strace $0x9FFFFFFF  }
0xc2: {  	(tm) =	ssettm $0x7FFFFFFF  }
0xc3: {  	_ =	shalt  }
tec
execute0_lowered:
.L_overlay_start_1:
0x0: {  	(tag) =	ssettag $0x1  }
0x1: {  	s4 =	rddreg [dreg:$0x0]  }
0x2: {  	s0 =	srdreg.scid;
	s9 =	stileid.u32  }
0x3: {  	s1 =	rddreg [dreg:$0x1];
	s2 =	simm.s32 $0x0;
	s13 =	simm.s32 $0x5400  }
0x4: {  	s14 =	simm.s32 $0x1;
	s15 =	simm.s32 $0x2;
	s16 =	simm.s32 $0x3  }
0x5: {  	s17 =	simm.s32 $0x0;
	s5 =	sand.u32 $0x1, s0;
	s0 =	rddreg [dreg:$0x2]  }
0x6: {  	s3 =	sshll.u32 s9, $0x1;
	[smem:$0x7FF] =	sst s2;
	s10 =	smul.u32 $0x28000, s9  }
0x7: {  	s11 =	sadd.s32 $0x374200, s4;
	p0 =	sne.s32 s9, $0x0;
	s6 =	sor.u32 s5, s3  }
0x8: {  	_ =	strace $0x80000056;
	s3 =	sadd.s32 $0x16200, s4;
	s12 =	smul.u32 $0x14000, s5  }
0x9: {  	s8 =	ssub.s32 $0x2, s5;
	s9 =	sshrl.u32 @!p0 s1, $0x3;
	s7 =	smul.u32 $0x1400, s6  }
0xa: {  	s6 =	smul.u32 $0x14000, s6;
	s28 =	sshrl.u32 s8, $0x1;
	s30 =	sadd.s32 s10, s11  }
0xb: {  	s10 =	simm.s32 $0x4;
	s29 =	ssub.s32 s8, s28;
	s31 =	sadd.s32 s12, s30  }
0xc: {  	s12 =	simm.s32 $0x1400;
	s7 =	sshrl.u32 s7, $0x3;
	s5 =	smax.u32 s29, $0x1  }
0xd: {  	s6 =	sadd.s32 s11, s6;
	s8 =	sadd.s32 $0x1800, s31;
	s7 =	sadd.s32 s7, s4  }
0xe: {  	s11 =	simm.s32 $0x80;
	s4 =	sadd.s32 $0x11200, s7;
	s7 =	sadd.s32 $0x800, s6  }
.LBB2_1:
0xf: {  	s18 =	simm.s32 @!p0 $0x1C04  }
0x10: {  	[spmem:s9], [sflag:s18] =	dma.local @!p0 [hbm:s3], $0x27100  }
0x11: {  	s18 =	simm.s32 @!p0 $0x4  }
0x12: {  	_ =	swait.ge @!p0 [sflag:s18], $0x27100  }
0x13: {  	[sflag:s18] =	ssyncset.done @!p0 $0x0  }
0x14: {  	[sflag:s18] =	ssyncadd.s32 @!p0 $0xFFFD8F00  }
0x15: {  	[tilespmem:s2], [sflag:$0x4] =	stream.linear.gather [hbm4b:s4+s2], $0x1400, $0x38;
	[tilespmem:$0x1CC80] =	vst v63  }
0x16: {  	_ =	swait.ge [sflag:s10], $0x1400  }
0x17: {  	[sflag:s10] =	ssyncset.done $0x0  }
0x18: {  	[sflag:s10] =	ssyncadd.s32 $0xFFFFEC00  }
0x19: {  	[bflag:$0x0] =	sbarrier.arrive $0xFFFF  }
0x1a: {  	[tilespmem:s12], [sflag:$0x1] =	stream.indirect.gather [spmem:s1], $0x80, s2, s11, $0xb8;
	[tilespmem:$0x1CC80] =	vst v63  }
0x1b: {  	_ = 	snop  }
0x1c: {  	[tilespmem:s13], [sflag:$0x1] =	stream.indirect.gather [spmem:s1], $0x80, s11, s11, $0xb8;
	[tilespmem:$0x1CC80] =	vst v63  }
0x1d: {  	_ =	swait.ge [sflag:s14], $0x4000  }
0x1e: {  	[sflag:s14] =	ssyncset.done $0x0  }
0x1f: {  	[sflag:s14] =	ssyncadd.s32 $0xFFFFC000  }
0x20: {  	_ =	swait.ge [sflag:s14], $0x4000  }
0x21: {  	[sflag:s14] =	ssyncset.done $0x0  }
0x22: {  	[sflag:s14] =	ssyncadd.s32 $0xFFFFC000  }
0x23: {  	[hbm4b:s6+s2] =	stream.linear.scatter [tilespmem:s12], [sflag:$0x2], $0x4000, $0x38;
	[tilespmem:$0x1CC80] =	vst v63  }
0x24: {  	_ = 	snop  }
0x25: {  	[hbm4b:s7+s2] =	stream.linear.scatter [tilespmem:s13], [sflag:$0x3], $0x4000, $0x38;
	[tilespmem:$0x1CC80] =	vst v63  }
0x26: {  	_ =	swait.ge [sflag:s15], $0x4000  }
0x27: {  	[sflag:s15] =	ssyncset.done $0x0  }
0x28: {  	[sflag:s15] =	ssyncadd.s32 $0xFFFFC000  }
0x29: {  	_ =	swait.ge [sflag:s16], $0x4000  }
0x2a: {  	[sflag:s16] =	ssyncset.done $0x0  }
0x2b: {  	s29 =	simm.s32 $0x100;
	[sflag:s16] =	ssyncadd.s32 $0xFFFFC000  }
0x2c: {  	[tilespmem:s12], [sflag:$0x1] =	stream.indirect.gather [spmem:s1], $0x80, s29, s11, $0xb8;
	[tilespmem:$0x1CC80] =	vst v63  }
0x2d: {  	s30 =	simm.s32 $0x180  }
0x2e: {  	[tilespmem:s13], [sflag:$0x1] =	stream.indirect.gather [spmem:s1], $0x80, s30, s11, $0xb8;
	[tilespmem:$0x1CC80] =	vst v63  }
0x2f: {  	_ =	swait.ge [sflag:s14], $0x4000  }
0x30: {  	[sflag:s14] =	ssyncset.done $0x0  }
0x31: {  	[sflag:s14] =	ssyncadd.s32 $0xFFFFC000  }
0x32: {  	_ =	swait.ge [sflag:s14], $0x4000  }
0x33: {  	s31 =	sadd.s32 $0xFFFFF800, s8;
	s19 =	sadd.s32 $0x1000, s8;
	[sflag:s14] =	ssyncset.done $0x0  }
0x34: {  	s20 =	smov.u32 s8;
	s18 =	simm.s32 $0x400;
	[sflag:s14] =	ssyncadd.s32 $0xFFFFC000  }
0x35: {  	[hbm4b:s31+s2] =	stream.linear.scatter [tilespmem:s12], [sflag:$0x2], $0x4000, $0x38;
	[tilespmem:$0x1CC80] =	vst v63  }
.LBB2_2:
0x36: {  	[hbm4b:s20+s2] =	stream.linear.scatter [tilespmem:s13], [sflag:$0x3], $0x4000, $0x38;
	[tilespmem:$0x1CC80] =	vst v63  }
0x37: {  	s21 =	smov.u32 s18;
	s20 =	smov.u32 s19  }
0x38: {  	p1 =	sne.s32 s18, $0x4800;
	s18 =	sadd.s32 $0x400, s18;
	_ =	swait.ge [sflag:s15], $0x4000  }
0x39: {  	[sflag:s15] =	ssyncset.done $0x0  }
0x3a: {  	[sflag:s15] =	ssyncadd.s32 $0xFFFFC000  }
0x3b: {  	_ =	swait.ge [sflag:s16], $0x4000  }
0x3c: {  	s21 =	sshra.s32 s21, $0x2;
	[sflag:s16] =	ssyncset.done $0x0  }
0x3d: {  	s22 =	sadd.s32 $0x100, s21;
	[sflag:s16] =	ssyncadd.s32 $0xFFFFC000  }
0x3e: {  	[tilespmem:s12], [sflag:$0x1] =	stream.indirect.gather [spmem:s1], $0x80, s22, s11, $0xb8;
	[tilespmem:$0x1CC80] =	vst v63  }
0x3f: {  	s21 =	sadd.s32 $0x180, s21  }
0x40: {  	[tilespmem:s13], [sflag:$0x1] =	stream.indirect.gather [spmem:s1], $0x80, s21, s11, $0xb8;
	[tilespmem:$0x1CC80] =	vst v63  }
0x41: {  	_ =	swait.ge [sflag:s14], $0x4000  }
0x42: {  	[sflag:s14] =	ssyncset.done $0x0  }
0x43: {  	[sflag:s14] =	ssyncadd.s32 $0xFFFFC000  }
.Ltmp0:
0x44: {  	_ =	swait.ge [sflag:s14], $0x4000;
	(pc) =	sbr.rel @p1 .LBB2_2-.Ltmp0, $4  }
0x45: {  	[sflag:s14] =	ssyncset.done $0x0  }
0x46: {  	s21 =	sadd.s32 $0xFFFFF800, s19;
	[sflag:s14] =	ssyncadd.s32 $0xFFFFC000  }
0x47: {  	[hbm4b:s21+s2] =	stream.linear.scatter [tilespmem:s12], [sflag:$0x2], $0x4000, $0x38;
	[tilespmem:$0x1CC80] =	vst v63  }
0x48: {  	s19 =	sadd.s32 $0x1000, s19  }
0x49: {  	[hbm4b:s20+s2] =	stream.linear.scatter [tilespmem:s13], [sflag:$0x3], $0x4000, $0x38;
	[tilespmem:$0x1CC80] =	vst v63  }
0x4a: {  	s17 =	sadd.s32 $0x1, s17  }
0x4b: {  	_ =	swait.ge [sflag:s15], $0x4000;
	p1 =	sne.s32 s17, s5  }
.Ltmp1:
0x4c: {  	[sflag:s15] =	ssyncset.done $0x0;
	(pc) =	sbr.rel @p1 .LBB2_1-.Ltmp1, $4  }
0x4d: {  	[sflag:s15] =	ssyncadd.s32 $0xFFFFC000  }
0x4e: {  	_ =	swait.ge [sflag:s16], $0x4000  }
0x4f: {  	[sflag:s16] =	ssyncset.done $0x0  }
0x50: {  	[sflag:s16] =	ssyncadd.s32 $0xFFFFC000  }
0x51: {  	_ =	sfence.sel $0x180000  }
0x52: {  	[bflag:$0x0] =	sbarrier.arrive $0xFFFF  }
0x53: {  	_ =	strace $0x90000056  }
0x54: {  	s0 =	sadd.s32 @!p0 $0x100000, s0;
	[bflag:$0x2] =	sbarrier.arrive $0xFFFF  }
0x55: {  	[sflag:s0] =	ssyncadd.tile.s32 @!p0 $0x1;
	_ =	shalt  }
.Lfunc_end2:
_tile_overlayer_lowered:
.L_overlay_start_2:
0x56: {  	(tag) =	ssettag $0x2  }
0x57: {  	s0 =	rddreg [dreg:$0x0];
	s2 =	stileid.u32  }
0x58: {  	s1 =	rddreg [dreg:$0x1];
	p0 =	sne.s32 s2, $0x0  }
0x59: {  	s3 =	rddreg [dreg:$0x2];
	[bflag:$0x3] =	sbarrier.arrive $0xFFFF;
	s2 =	simm.s32 @!p0 $0x1C04  }
0x5a: {  	[timem:s3], [sflag:s2] =	dma.local @!p0 [hbm:s0], s1  }
0x5b: {  	s0 =	simm.s32 @!p0 $0x4  }
0x5c: {  	_ =	swait.ge @!p0 [sflag:s0], s1  }
0x5d: {  	s1 =	ssub.s32 @!p0 $0x0, s1;
	[sflag:s0] =	ssyncset.done @!p0 $0x0  }
0x5e: {  	[sflag:s0] =	ssyncadd.s32 @!p0 s1  }
0x5f: {  	[bflag:$0x3] =	sbarrier.arrive $0xFFFF  }
0x60: {  	_ =	shalt  }

// kernel: kernel.43.cloned.1.call-start
scs
__scs_entry_jumppad:
0x0: {  	(pc) =	sbr.rel $0x88, $3  }
0x1: {  	(tag) =	ssettag $0x0;
	lr =	simm.s32 $0x1  }
0x2: {  	[smem:$0x3F58] =	sst lr;
	_ =	strace $0xD0000000  }
0x3: {  	_ = 	snop  }
0x4: {  	_ = 	snop  }
0x5: {  	_ = 	snop  }
0x6: {  	_ = 	snop  }
0x7: {  	_ = 	snop  }
__scs_overlays_trampoline_lowered:
0x8: {  	[smem:$0x3F67] =	sst s0  }
0x9: {  	[smem:$0x3F68] =	sst s1  }
0xa: {  	[smem:$0x3F69] =	sst s2  }
0xb: {  	[smem:$0x3F6A] =	sst s3  }
0xc: {  	[smem:$0x3F6B] =	sst s4  }
0xd: {  	[smem:$0x3F6C] =	sst s5  }
0xe: {  	[smem:$0x3F6D] =	sst s6  }
0xf: {  	[smem:$0x3F6E] =	sst s7  }
0x10: {  	[smem:$0x3F6F] =	sst s8  }
0x11: {  	[smem:$0x3F70] =	sst s9;
	s0 =	simm.s32 @!p0 $0x0  }
0x12: {  	s1 =	sld [smem:$0x3F56];
	s0 =	simm.s32 @p0 $0x1  }
0x13: {  	[smem:$0x3F71] =	sst s0;
	s0 =	simm.s32 @!p1 $0x0  }
0x14: {  	s2 =	sld [smem:$0x3F55];
	s0 =	simm.s32 @p1 $0x1  }
0x15: {  	[smem:$0x3F72] =	sst s0;
	s0 =	simm.s32 @!p2 $0x0  }
0x16: {  	s3 =	sld [smem:$0x3FDB];
	s0 =	simm.s32 @p2 $0x1  }
0x17: {  	s4 =	simm.s32 $0x1BF5;
	[smem:$0x3F74] =	sst s0  }
0x18: {  	s0 =	sld [smem:$0x3F57];
	_ =	swait.ge [sflag:s4], $0x0  }
0x19: {  	s7 =	sld [smem:$0x3F58]  }
0x1a: {  	s8 =	sadd.s32 $0xFFFFE003, lr  }
0x1b: {  	s9 =	sadd.s32 $0xFFFFFEF7, lr;
	s5 =	simm.s32 $0xFFFFFFFF;
	p2 =	slt.u32 s8, $0xFFFFF086  }
0x1c: {  	p1 =	slt.u32 s9, $0xF7A;
	s5 =	simm.s32 @!p2 $0x0  }
0x1d: {  	s5 =	simm.s32 @p1 $0x1;
	p0 =	seq.s32 s7, s2  }
0x1e: {  	s7 =	smul.u32 @!p0 $0xF7A, s2;
	p2 =	seq.s32 @!p0 s5, $0x0  }
0x1f: {  	s9 =	smul.u32 $0xF7A, s1;
	s8 =	simm.s32 @!p0 $0x1BF5;
	p2 =	por !p2, p0  }
0x20: {  	[sflag:s8] =	ssyncset.s32 @!p0 $0xFFFFF086;
	s6 =	sadd.s32 @!p0 s3, s7;
	s7 =	simm.s32 @!p0 $0x108  }
0x21: {  	s3 =	sadd.s32 s3, s9;
	s6 =	sadd.s32 @!p0 $0x88, s6;
	s7 =	simm.s32 @p2 $0x1082  }
0x22: {  	[simem:s7], [sflag:s8] =	dma.local @!p0 [hbm:s6], $0xF7A  }
0x23: {  	s9 =	sor.u32 $0xD0000000, s2;
	s6 =	simm.s32 $0x108;
	_ =	swait.ge @!p0 [sflag:s8], $0x0  }
0x24: {  	s3 =	sadd.s32 $0x88, s3;
	s6 =	simm.s32 @!p1 $0x1082;
	[sflag:s4] =	ssyncset.s32 $0xFFFFF086  }
0x25: {  	[simem:s6], [sflag:s4] =	dma.local [hbm:s3], $0xF7A  }
0x26: {  	[smem:$0x3F58] =	sst s1;
	(tag) =	ssettag s2;
	_ =	strace s9  }
0x27: {  	s1 =	sld [smem:$0x3F68]  }
0x28: {  	s2 =	sld [smem:$0x3F69]  }
0x29: {  	s4 =	sld [smem:$0x3F6B]  }
0x2a: {  	p0 =	seq.s32 s5, $0x0;
	s5 =	sld [smem:$0x3F6C]  }
0x2b: {  	s6 =	sld [smem:$0x3F6D]  }
0x2c: {  	s7 =	sld [smem:$0x3F6E]  }
0x2d: {  	s3 =	simm.s32 $0x108;
	s8 =	sld [smem:$0x3F6F]  }
0x2e: {  	s3 =	simm.s32 @!p0 $0x1082;
	s9 =	sld [smem:$0x3F70]  }
0x2f: {  	lr =	sadd.s32 s0, s3;
	s0 =	sld [smem:$0x3F67]  }
0x30: {  	s3 =	sld [smem:$0x3F6A]  }
0x31: {  	[smem:$0x3F73] =	sst s10  }
0x32: {  	s10 =	sld [smem:$0x3F71];
	_ =	sdelay $0x3  }
0x33: {  	p0 =	seq.s32 s10, $0x1;
	s10 =	sld [smem:$0x3F73];
	_ =	sdelay $0x3  }
0x34: {  	[smem:$0x3F73] =	sst s10  }
0x35: {  	s10 =	sld [smem:$0x3F72];
	_ =	sdelay $0x3  }
0x36: {  	p1 =	seq.s32 s10, $0x1;
	s10 =	sld [smem:$0x3F73];
	_ =	sdelay $0x3  }
0x37: {  	[smem:$0x3F73] =	sst s10  }
0x38: {  	s10 =	sld [smem:$0x3F74]  }
0x39: {  	_ = 	snop;
	(pc) =	sbr.ind lr, $3  }
0x3a: {  	_ = 	snop  }
0x3b: {  	_ = 	snop  }
0x3c: {  	p2 =	seq.s32 s10, $0x1;
	s10 =	sld [smem:$0x3F73]  }
0x3d: {  	_ =	shalt  }
0x3e: {  	_ =	shalt  }
0x3f: {  	_ =	shalt  }
0x40: {  	_ =	shalt  }
0x41: {  	_ =	shalt  }
0x42: {  	_ =	shalt  }
0x43: {  	_ =	shalt  }
0x44: {  	_ =	shalt  }
0x45: {  	_ =	shalt  }
0x46: {  	_ =	shalt  }
0x47: {  	_ =	shalt  }
0x48: {  	_ =	shalt  }
0x49: {  	_ =	shalt  }
0x4a: {  	_ =	shalt  }
0x4b: {  	_ =	shalt  }
0x4c: {  	_ =	shalt  }
0x4d: {  	_ =	shalt  }
0x4e: {  	_ =	shalt  }
0x4f: {  	_ =	shalt  }
0x50: {  	_ =	shalt  }
0x51: {  	_ =	shalt  }
0x52: {  	_ =	shalt  }
0x53: {  	_ =	shalt  }
0x54: {  	_ =	shalt  }
0x55: {  	_ =	shalt  }
0x56: {  	_ =	shalt  }
0x57: {  	_ =	shalt  }
0x58: {  	_ =	shalt  }
0x59: {  	_ =	shalt  }
0x5a: {  	_ =	shalt  }
0x5b: {  	_ =	shalt  }
0x5c: {  	_ =	shalt  }
0x5d: {  	_ =	shalt  }
0x5e: {  	_ =	shalt  }
0x5f: {  	_ =	shalt  }
0x60: {  	_ =	shalt  }
0x61: {  	_ =	shalt  }
0x62: {  	_ =	shalt  }
0x63: {  	_ =	shalt  }
0x64: {  	_ =	shalt  }
0x65: {  	_ =	shalt  }
0x66: {  	_ =	shalt  }
0x67: {  	_ =	shalt  }
0x68: {  	_ =	shalt  }
0x69: {  	_ =	shalt  }
0x6a: {  	_ =	shalt  }
0x6b: {  	_ =	shalt  }
0x6c: {  	_ =	shalt  }
0x6d: {  	_ =	shalt  }
0x6e: {  	_ =	shalt  }
0x6f: {  	_ =	shalt  }
0x70: {  	_ =	shalt  }
0x71: {  	_ =	shalt  }
0x72: {  	_ =	shalt  }
0x73: {  	_ =	shalt  }
0x74: {  	_ =	shalt  }
0x75: {  	_ =	shalt  }
0x76: {  	_ =	shalt  }
0x77: {  	_ =	shalt  }
0x78: {  	_ =	shalt  }
0x79: {  	_ =	shalt  }
0x7a: {  	_ =	shalt  }
0x7b: {  	_ =	shalt  }
0x7c: {  	_ =	shalt  }
0x7d: {  	_ =	shalt  }
0x7e: {  	_ =	shalt  }
0x7f: {  	_ =	shalt  }
0x80: {  	_ =	shalt  }
0x81: {  	_ =	shalt  }
0x82: {  	_ =	shalt  }
0x83: {  	_ =	shalt  }
0x84: {  	_ =	shalt  }
0x85: {  	_ =	shalt  }
0x86: {  	_ =	shalt  }
0x87: {  	_ =	shalt  }
.Lfunc_end0:
.L_simem_size_0:
called_computation.6_lowered:
.L_overlay_start_0:
0x88: {  	s2 =	sld [smem:$0x3FD9]  }
0x89: {  	s3 =	sld [smem:$0x3FFE];
	_ =	sdelay $0x1  }
0x8a: {  	s1 =	srdreg.scid  }
0x8b: {  	s0 =	sand.u32 $0x1, s1  }
0x8c: {  	s16 =	sshll.u32 s0, $0xA;
	s2 =	sadd.s32 s3, s2  }
0x8d: {  	s2 =	sadd.s32 s2, s16  }
0x8e: {  	[smem:$0x3F7F] =	sst s2  }
0x8f: {  	_ = 	snop  }
0x90: {  	(tm) =	ssettm $0x1  }
0x91: {  	s17 =	sld [smem:$0x3FFB];
	_ =	sdelay $0x3  }
0x92: {  	_ =	strace s17  }
0x93: {  	s2 =	sld [smem:$0x3FFC];
	_ =	sdelay $0x3  }
0x94: {  	_ =	strace s2  }
0x95: {  	s2 =	sld [smem:$0x3FFD];
	_ =	sdelay $0x3  }
0x96: {  	_ =	strace s2  }
0x97: {  	_ =	strace $0x8FFFFFFF  }
0x98: {  	s18 =	sld [smem:$0x3FDB];
	_ =	sdelay $0x1  }
0x99: {  	s19 =	simm.s32 $_scs_section_size  }
0x9a: {  	s4 =	simm.s32 $_size__tile_overlayer_lowered;
	s5 =	simm.s32 $_tile_overlayer_lowered  }
0x9b: {  	s22 =	simm.s32 $0x1BFF;
	s21 =	sshll.u32 s5, $0x1;
	s2 =	sadd.s32 s19, s18  }
0x9c: {  	s6 =	simm.s32 $0x0;
	s20 =	sshll.u32 s4, $0x1;
	s4 =	sadd.s32 s21, s2  }
0x9d: {  	[timem:s6], [sflag:s22] =	dma.local [hbm:s4], s20  }
0x9e: {  	_ =	swait.ge [sflag:s22], s20  }
0x9f: {  	s3 =	ssub.s32 $0x0, s20;
	[sflag:s22] =	ssyncset.done $0x0  }
0xa0: {  	[sflag:s22] =	ssyncadd.s32 s3;
	_ =	sdelay $0x1  }
0xa1: {  	s23 =	simm.s32 $0x1B8B  }
0xa2: {  	_ =	swait.ge [sflag:s23], $0x1  }
0xa3: {  	[sflag:s23] =	ssyncset.done $0x0  }
0xa4: {  	s25 =	simm.s32 $0x1B8E;
	s24 =	sld [smem:$0x3FFE];
	[sflag:s23] =	ssyncadd.s32 $0xFFFFFFFF  }
0xa5: {  	s26 =	simm.s32 $execute0_lowered;
	[smem:$0x3FD2] =	sst s25  }
0xa6: {  	s4 =	sshll.u32 s26, $0x1;
	_ =	strace $0x80000058;
	[dreg:$0x1] =	wrdreg $0xFFFFFFFF  }
0xa7: {  	s28 =	simm.s32 $_size_execute0_lowered;
	s2 =	sadd.s32 s2, s4;
	[dreg:$0x0] =	wrdreg $0x0  }
0xa8: {  	s4 =	sshll.u32 s28, $0x1;
	[dreg:$0x2] =	wrdreg s2  }
0xa9: {  	[dreg:$0x3] =	wrdreg s4  }
0xaa: {  	[dreg:$0x4] =	wrdreg $0xC0  }
0xab: {  	_ =	task [dreg:s6], $0x5FFFF  }
0xac: {  	[dreg:$0x1] =	wrdreg $0xFFFFFFFF  }
0xad: {  	[dreg:$0x0] =	wrdreg $0x60  }
0xae: {  	[dreg:$0x2] =	wrdreg s24  }
0xaf: {  	[dreg:$0x3] =	wrdreg $0x94000  }
0xb0: {  	[dreg:$0x4] =	wrdreg $0x9  }
0xb1: {  	_ =	task.clear_ibuf [dreg:s6], $0x5FFFF;
	_ =	strace $0x90000058  }
0xb2: {  	s29 =	simm.s32 $0x9;
	_ =	strace $0x8000005A  }
0xb3: {  	_ =	swait.ge [sflag:s29], $0x1  }
0xb4: {  	[sflag:s29] =	ssyncadd.s32 $0xFFFFFFFF  }
0xb5: {  	_ =	strace $0x9000005A  }
0xb6: {  	_ =	sfence  }
0xb7: {  	s30 =	sld [smem:$0x0];
	_ =	sdelay $0x2  }
0xb8: {  	s31 =	sshll.u32 s1, $0xD;
	s1 =	sshrl.u32 s1, $0x2  }
0xb9: {  	s3 =	sand.u32 $0x4000, s31;
	s1 =	sadd.s32 s1, s30  }
0xba: {  	s0 =	sor.u32 s3, s0;
	s1 =	sshll.u32 s1, $0x11  }
0xbb: {  	s0 =	sor.u32 s1, s0  }
0xbc: {  	s0 =	sadd.s32 $0x8F2B, s0  }
0xbd: {  	[sflag:s0] =	ssyncadd.remote.s32 $0x1  }
0xbe: {  	_ =	sfence.sel $0xFFFF  }
0xbf: {  	[dreg:$0x0] =	wrdreg $0xFFFFFFFF;
	(pc) =	sbr.abs _section_cstart, $3  }
0xc0: {  	[dreg:$0x1] =	wrdreg $0xFFFFFFFF  }
0xc1: {  	_ =	task.clear_ibuf [dreg:s6], $0x2FFFF;
	_ =	strace $0x9FFFFFFF  }
0xc2: {  	(tm) =	ssettm $0x7FFFFFFF  }
0xc3: {  	_ =	shalt  }
tec
execute0_lowered:
.L_overlay_start_1:
0x0: {  	(tag) =	ssettag $0x1  }
0x1: {  	s4 =	rddreg [dreg:$0x0]  }
0x2: {  	s0 =	srdreg.scid;
	s20 =	stileid.u32  }
0x3: {  	s1 =	rddreg [dreg:$0x1];
	s6 =	smul.u32 $0x280, s20  }
0x4: {  	s2 =	simm.s32 $0x0;
	s14 =	simm.s32 $0x1400;
	s7 =	smul.u32 $0x2800, s20  }
0x5: {  	s15 =	simm.s32 $0x5400;
	s16 =	simm.s32 $0x1;
	s24 =	smul.u32 $0x50000, s20  }
0x6: {  	s8 =	sand.u32 $0x1, s0;
	s0 =	rddreg [dreg:$0x2];
	s13 =	smul.u32 $0x4E000, s20  }
0x7: {  	s17 =	simm.s32 $0x80;
	[smem:$0x7FF] =	sst s2;
	s29 =	smul.u32 $0x2700, s20  }
0x8: {  	s28 =	sshll.u32 s20, $0x6;
	s31 =	smul.u32 $0x14000, s20;
	s19 =	sadd.s32 $0x138000, s1  }
0x9: {  	p1 =	sne.s32 s20, $0x0;
	p2 =	seq.s32 s20, $0x0;
	s3 =	smul.u32 $0x140000, s8  }
0xa: {  	s20 =	simm.s32 $0x0;
	s5 =	smul.u32 $0x2800, s8;
	_ =	strace $0x80000059  }
0xb: {  	s26 =	ssub.s32 $0x2, s8;
	p0 =	seq.s32 s8, $0x1;
	s19 =	sshrl.u32 s19, $0x3  }
0xc: {  	s25 =	sadd.s32 s7, s4;
	s10 =	sshrl.u32 s26, $0x1;
	s30 =	sshrl.u32 s13, $0x2  }
0xd: {  	s13 =	simm.s32 $0x2;
	s11 =	sadd.s32 s3, s4;
	s23 =	sadd.s32 s6, s5  }
0xe: {  	s3 =	sadd.s32 $0x16200, s4;
	s5 =	sshrl.u32 s24, $0x2;
	s10 =	ssub.s32 s26, s10  }
.Ltmp0:
0xf: {  	s6 =	sor.u32 $0x1C02, s28;
	s18 =	sadd.s32 s30, s1;
	(pc) =	sbr.rel .LBB2_1-.Ltmp0, $4  }
0x10: {  	s9 =	sadd.s32 s23, s4;
	s4 =	sadd.s32 $0x310800, s4;
	s12 =	sadd.s32 s5, s1  }
0x11: {  	s5 =	sadd.s32 $0x64600, s25;
	s8 =	sadd.s32 s3, s29;
	s10 =	smax.u32 s10, $0x1  }
0x12: {  	s11 =	sadd.s32 s31, s11;
	s18 =	sshrl.u32 s18, $0x3;
	s7 =	sadd.s32 $0x2E4600, s9  }
0x13: {  	s9 =	sadd.s32 s4, s29;
	s11 =	sadd.s32 $0x5F4A00, s11;
	s12 =	sshrl.u32 s12, $0x3  }
.LBB2_6:
0x14: {  	s21 =	sadd.s32 $0x27000, s21  }
0x15: {  	[hbm:s21], [sflag:s6] =	dma.local [spmem:s19], $0x100  }
0x16: {  	_ =	swait.ge [sflag:s13], $0x100  }
0x17: {  	[sflag:s13] =	ssyncset.done $0x0  }
0x18: {  	[sflag:s13] =	ssyncadd.s32 $0xFFFFFF00  }
.LBB2_7:
0x19: {  	s20 =	sadd.s32 $0x1, s20  }
0x1a: {  	p3 =	sne.s32 s20, s10  }
.Ltmp1:
0x1b: {  	_ = 	snop;
	(pc) =	sbr.rel @!p3 .LBB2_8-.Ltmp1, $1  }
0x1c: {  	_ =	sdelay $0x3  }
.LBB2_1:
0x1d: {  	[spmem:s12], [sflag:s6] =	dma.local [hbm:s5], $0x2800  }
0x1e: {  	_ =	swait.ge [sflag:s13], $0x2800  }
0x1f: {  	[sflag:s13] =	ssyncset.done $0x0  }
0x20: {  	[sflag:s13] =	ssyncadd.s32 $0xFFFFD800  }
0x21: {  	[tilespmem:s2], [sflag:$0x2] =	stream.linear.gather [hbm4b:s7+s2], $0x1400, $0x38;
	[tilespmem:$0x1D400] =	vst v63  }
0x22: {  	_ =	swait.ge [sflag:s13], $0x1400  }
0x23: {  	[sflag:s13] =	ssyncset.done $0x0  }
0x24: {  	[sflag:s13] =	ssyncadd.s32 $0xFFFFEC00  }
0x25: {  	s21 =	sadd.s32 $0xFFFFF800, s11;
	[bflag:$0x0] =	sbarrier.arrive $0xFFFF  }
0x26: {  	[tilespmem:s14], [sflag:$0x1] =	stream.linear.gather [hbm4b:s21+s2], $0x4000, $0x38;
	[tilespmem:$0x1D400] =	vst v63  }
0x27: {  	_ = 	snop  }
0x28: {  	[tilespmem:s15], [sflag:$0x1] =	stream.linear.gather [hbm4b:s11+s2], $0x4000, $0x38;
	[tilespmem:$0x1D400] =	vst v63  }
0x29: {  	_ =	swait.ge [sflag:s16], $0x4000  }
0x2a: {  	[sflag:s16] =	ssyncset.done $0x0  }
0x2b: {  	[sflag:s16] =	ssyncadd.s32 $0xFFFFC000  }
0x2c: {  	_ =	swait.ge [sflag:s16], $0x4000  }
0x2d: {  	[sflag:s16] =	ssyncset.done $0x0  }
0x2e: {  	s30 =	simm.s32 $0x0;
	[sflag:s16] =	ssyncadd.s32 $0xFFFFC000  }
0x2f: {  	[spmem:s1] =	stream.indirect.scatter.add.f32 [tilespmem:s14], [sflag:$0x2], $0x80, s30, s17, $0xb8;
	[tilespmem:$0x1D400] =	vst v63  }
0x30: {  	_ =	swait.ge [sflag:s13], $0x4000  }
0x31: {  	[sflag:s13] =	ssyncset.done $0x0  }
0x32: {  	s31 =	simm.s32 $0x80;
	[sflag:s13] =	ssyncadd.s32 $0xFFFFC000  }
0x33: {  	[spmem:s1] =	stream.indirect.scatter.add.f32 [tilespmem:s15], [sflag:$0x2], $0x80, s31, s17, $0xb8;
	[tilespmem:$0x1D400] =	vst v63  }
0x34: {  	s23 =	simm.s32 $0x800;
	_ =	swait.ge [sflag:s13], $0x4000  }
0x35: {  	s22 =	sadd.s32 $0x1000, s11;
	s21 =	simm.s32 $0x400;
	[sflag:s13] =	ssyncset.done $0x0  }
.LBB2_2:
0x36: {  	p3 =	sne.s32 s23, $0x4C00;
	s24 =	sadd.s32 $0xFFFFF800, s22;
	[sflag:s13] =	ssyncadd.s32 $0xFFFFC000  }
0x37: {  	[tilespmem:s14], [sflag:$0x1] =	stream.linear.gather [hbm4b:s24+s2], $0x4000, $0x38;
	[tilespmem:$0x1D400] =	vst v63  }
0x38: {  	s24 =	smov.u32 s23;
	s23 =	sadd.s32 $0x400, s23  }
0x39: {  	[tilespmem:s15], [sflag:$0x1] =	stream.linear.gather [hbm4b:s22+s2], $0x4000, $0x38;
	[tilespmem:$0x1D400] =	vst v63  }
0x3a: {  	_ =	swait.ge [sflag:s16], $0x4000  }
0x3b: {  	[sflag:s16] =	ssyncset.done $0x0  }
0x3c: {  	[sflag:s16] =	ssyncadd.s32 $0xFFFFC000  }
0x3d: {  	_ =	swait.ge [sflag:s16], $0x4000  }
0x3e: {  	[sflag:s16] =	ssyncset.done $0x0  }
0x3f: {  	s25 =	sshra.s32 s21, $0x2;
	s21 =	smov.u32 s24;
	[sflag:s16] =	ssyncadd.s32 $0xFFFFC000  }
0x40: {  	[spmem:s1] =	stream.indirect.scatter.add.f32 [tilespmem:s14], [sflag:$0x2], $0x80, s25, s17, $0xb8;
	[tilespmem:$0x1D400] =	vst v63  }
0x41: {  	_ =	swait.ge [sflag:s13], $0x4000  }
.Ltmp2:
0x42: {  	[sflag:s13] =	ssyncset.done $0x0;
	(pc) =	sbr.rel @p3 .LBB2_2-.Ltmp2, $4  }
0x43: {  	s24 =	sadd.s32 $0x80, s25;
	[sflag:s13] =	ssyncadd.s32 $0xFFFFC000  }
0x44: {  	[spmem:s1] =	stream.indirect.scatter.add.f32 [tilespmem:s15], [sflag:$0x2], $0x80, s24, s17, $0xb8;
	[tilespmem:$0x1D400] =	vst v63  }
0x45: {  	_ =	swait.ge [sflag:s13], $0x4000  }
0x46: {  	s22 =	sadd.s32 $0x1000, s22;
	[sflag:s13] =	ssyncset.done $0x0  }
0x47: {  	s23 =	sadd.s32 $0xFFFFF800, s22;
	[sflag:s13] =	ssyncadd.s32 $0xFFFFC000  }
0x48: {  	[tilespmem:s14], [sflag:$0x1] =	stream.linear.gather [hbm4b:s23+s2], $0x4000, $0x38;
	[tilespmem:$0x1D400] =	vst v63  }
0x49: {  	_ = 	snop  }
0x4a: {  	[tilespmem:s15], [sflag:$0x1] =	stream.linear.gather [hbm4b:s22+s2], $0x4000, $0x38;
	[tilespmem:$0x1D400] =	vst v63  }
0x4b: {  	_ =	swait.ge [sflag:s16], $0x4000  }
0x4c: {  	[sflag:s16] =	ssyncset.done $0x0  }
0x4d: {  	[sflag:s16] =	ssyncadd.s32 $0xFFFFC000  }
0x4e: {  	_ =	swait.ge [sflag:s16], $0x4000  }
0x4f: {  	[sflag:s16] =	ssyncset.done $0x0  }
0x50: {  	s21 =	sshra.s32 s21, $0x2;
	[sflag:s16] =	ssyncadd.s32 $0xFFFFC000  }
0x51: {  	[spmem:s1] =	stream.indirect.scatter.add.f32 [tilespmem:s14], [sflag:$0x2], $0x80, s21, s17, $0xb8;
	[tilespmem:$0x1D400] =	vst v63  }
0x52: {  	_ =	swait.ge [sflag:s13], $0x4000  }
0x53: {  	[sflag:s13] =	ssyncset.done $0x0  }
0x54: {  	s21 =	sadd.s32 $0x80, s21;
	[sflag:s13] =	ssyncadd.s32 $0xFFFFC000  }
0x55: {  	[spmem:s1] =	stream.indirect.scatter.add.f32 [tilespmem:s15], [sflag:$0x2], $0x80, s21, s17, $0xb8;
	[tilespmem:$0x1D400] =	vst v63  }
.Ltmp3:
0x56: {  	_ =	swait.ge [sflag:s13], $0x4000;
	(pc) =	sbr.rel @!p0 .LBB2_4-.Ltmp3, $3  }
0x57: {  	[sflag:s13] =	ssyncset.done $0x0  }
0x58: {  	[sflag:s13] =	ssyncadd.s32 $0xFFFFC000  }
0x59: {  	[bflag:$0x0] =	sbarrier.arrive $0xFFFF;
	_ =	sdelay $0x1  }
0x5a: {  	[hbm:s9], [sflag:s6] =	dma.local [spmem:s18], $0x2700  }
.Ltmp4:
0x5b: {  	_ = 	snop;
	(pc) =	sbr.rel @p1 .LBB2_7-.Ltmp4, $4  }
.Ltmp5:
0x5c: {  	_ = 	snop;
	(pc) =	sbr.rel @!p1 .LBB2_6-.Ltmp5, $4  }
0x5d: {  	_ =	swait.ge [sflag:s13], $0x2700  }
0x5e: {  	[sflag:s13] =	ssyncset.done $0x0  }
0x5f: {  	s21 =	smov.u32 s4;
	[sflag:s13] =	ssyncadd.s32 $0xFFFFD900  }
0x60: {  	_ = 	snop  }
.LBB2_4:
0x61: {  	[hbm:s8], [sflag:s6] =	dma.local [spmem:s18], $0x2700  }
.Ltmp6:
0x62: {  	_ = 	snop;
	(pc) =	sbr.rel @!p2 .LBB2_7-.Ltmp6, $4  }
.Ltmp7:
0x63: {  	_ = 	snop;
	(pc) =	sbr.rel @p2 .LBB2_6-.Ltmp7, $4  }
0x64: {  	_ =	swait.ge [sflag:s13], $0x2700  }
0x65: {  	[sflag:s13] =	ssyncset.done $0x0  }
0x66: {  	s21 =	smov.u32 s3;
	[sflag:s13] =	ssyncadd.s32 $0xFFFFD900  }
0x67: {  	_ = 	snop  }
.LBB2_8:
0x68: {  	_ =	sfence.sel $0x180000  }
0x69: {  	[bflag:$0x0] =	sbarrier.arrive $0xFFFF  }
0x6a: {  	_ =	strace $0x90000059  }
0x6b: {  	s0 =	sadd.s32 @!p1 $0x100000, s0;
	[bflag:$0x2] =	sbarrier.arrive $0xFFFF  }
0x6c: {  	[sflag:s0] =	ssyncadd.tile.s32 @!p1 $0x1;
	_ =	shalt  }
.Lfunc_end2:
_tile_overlayer_lowered:
.L_overlay_start_2:
0x6d: {  	(tag) =	ssettag $0x2  }
0x6e: {  	s0 =	rddreg [dreg:$0x0];
	s2 =	stileid.u32  }
0x6f: {  	s1 =	rddreg [dreg:$0x1];
	p0 =	sne.s32 s2, $0x0  }
0x70: {  	s3 =	rddreg [dreg:$0x2];
	[bflag:$0x3] =	sbarrier.arrive $0xFFFF;
	s2 =	simm.s32 @!p0 $0x1C02  }
0x71: {  	[timem:s3], [sflag:s2] =	dma.local @!p0 [hbm:s0], s1  }
0x72: {  	s0 =	simm.s32 @!p0 $0x2  }
0x73: {  	_ =	swait.ge @!p0 [sflag:s0], s1  }
0x74: {  	s1 =	ssub.s32 @!p0 $0x0, s1;
	[sflag:s0] =	ssyncset.done @!p0 $0x0  }
0x75: {  	[sflag:s0] =	ssyncadd.s32 @!p0 s1  }
0x76: {  	[bflag:$0x3] =	sbarrier.arrive $0xFFFF  }
0x77: {  	_ =	shalt  }

// kernel: kernel.46.cloned.1.call-start
scs
__scs_entry_jumppad:
0x0: {  	(pc) =	sbr.rel $0x88, $3  }
0x1: {  	(tag) =	ssettag $0x0;
	lr =	simm.s32 $0x1  }
0x2: {  	[smem:$0x3F58] =	sst lr;
	_ =	strace $0xD0000000  }
0x3: {  	_ = 	snop  }
0x4: {  	_ = 	snop  }
0x5: {  	_ = 	snop  }
0x6: {  	_ = 	snop  }
0x7: {  	_ = 	snop  }
__scs_overlays_trampoline_lowered:
0x8: {  	[smem:$0x3F67] =	sst s0  }
0x9: {  	[smem:$0x3F68] =	sst s1  }
0xa: {  	[smem:$0x3F69] =	sst s2  }
0xb: {  	[smem:$0x3F6A] =	sst s3  }
0xc: {  	[smem:$0x3F6B] =	sst s4  }
0xd: {  	[smem:$0x3F6C] =	sst s5  }
0xe: {  	[smem:$0x3F6D] =	sst s6  }
0xf: {  	[smem:$0x3F6E] =	sst s7  }
0x10: {  	[smem:$0x3F6F] =	sst s8  }
0x11: {  	[smem:$0x3F70] =	sst s9;
	s0 =	simm.s32 @!p0 $0x0  }
0x12: {  	s1 =	sld [smem:$0x3F56];
	s0 =	simm.s32 @p0 $0x1  }
0x13: {  	[smem:$0x3F71] =	sst s0;
	s0 =	simm.s32 @!p1 $0x0  }
0x14: {  	s2 =	sld [smem:$0x3F55];
	s0 =	simm.s32 @p1 $0x1  }
0x15: {  	[smem:$0x3F72] =	sst s0;
	s0 =	simm.s32 @!p2 $0x0  }
0x16: {  	s3 =	sld [smem:$0x3FDB];
	s0 =	simm.s32 @p2 $0x1  }
0x17: {  	s4 =	simm.s32 $0x1BF5;
	[smem:$0x3F74] =	sst s0  }
0x18: {  	s0 =	sld [smem:$0x3F57];
	_ =	swait.ge [sflag:s4], $0x0  }
0x19: {  	s7 =	sld [smem:$0x3F58]  }
0x1a: {  	s8 =	sadd.s32 $0xFFFFE003, lr  }
0x1b: {  	s9 =	sadd.s32 $0xFFFFFEF7, lr;
	s5 =	simm.s32 $0xFFFFFFFF;
	p2 =	slt.u32 s8, $0xFFFFF086  }
0x1c: {  	p1 =	slt.u32 s9, $0xF7A;
	s5 =	simm.s32 @!p2 $0x0  }
0x1d: {  	s5 =	simm.s32 @p1 $0x1;
	p0 =	seq.s32 s7, s2  }
0x1e: {  	s7 =	smul.u32 @!p0 $0xF7A, s2;
	p2 =	seq.s32 @!p0 s5, $0x0  }
0x1f: {  	s9 =	smul.u32 $0xF7A, s1;
	s8 =	simm.s32 @!p0 $0x1BF5;
	p2 =	por !p2, p0  }
0x20: {  	[sflag:s8] =	ssyncset.s32 @!p0 $0xFFFFF086;
	s6 =	sadd.s32 @!p0 s3, s7;
	s7 =	simm.s32 @!p0 $0x108  }
0x21: {  	s3 =	sadd.s32 s3, s9;
	s6 =	sadd.s32 @!p0 $0x88, s6;
	s7 =	simm.s32 @p2 $0x1082  }
0x22: {  	[simem:s7], [sflag:s8] =	dma.local @!p0 [hbm:s6], $0xF7A  }
0x23: {  	s9 =	sor.u32 $0xD0000000, s2;
	s6 =	simm.s32 $0x108;
	_ =	swait.ge @!p0 [sflag:s8], $0x0  }
0x24: {  	s3 =	sadd.s32 $0x88, s3;
	s6 =	simm.s32 @!p1 $0x1082;
	[sflag:s4] =	ssyncset.s32 $0xFFFFF086  }
0x25: {  	[simem:s6], [sflag:s4] =	dma.local [hbm:s3], $0xF7A  }
0x26: {  	[smem:$0x3F58] =	sst s1;
	(tag) =	ssettag s2;
	_ =	strace s9  }
0x27: {  	s1 =	sld [smem:$0x3F68]  }
0x28: {  	s2 =	sld [smem:$0x3F69]  }
0x29: {  	s4 =	sld [smem:$0x3F6B]  }
0x2a: {  	p0 =	seq.s32 s5, $0x0;
	s5 =	sld [smem:$0x3F6C]  }
0x2b: {  	s6 =	sld [smem:$0x3F6D]  }
0x2c: {  	s7 =	sld [smem:$0x3F6E]  }
0x2d: {  	s3 =	simm.s32 $0x108;
	s8 =	sld [smem:$0x3F6F]  }
0x2e: {  	s3 =	simm.s32 @!p0 $0x1082;
	s9 =	sld [smem:$0x3F70]  }
0x2f: {  	lr =	sadd.s32 s0, s3;
	s0 =	sld [smem:$0x3F67]  }
0x30: {  	s3 =	sld [smem:$0x3F6A]  }
0x31: {  	[smem:$0x3F73] =	sst s10  }
0x32: {  	s10 =	sld [smem:$0x3F71];
	_ =	sdelay $0x3  }
0x33: {  	p0 =	seq.s32 s10, $0x1;
	s10 =	sld [smem:$0x3F73];
	_ =	sdelay $0x3  }
0x34: {  	[smem:$0x3F73] =	sst s10  }
0x35: {  	s10 =	sld [smem:$0x3F72];
	_ =	sdelay $0x3  }
0x36: {  	p1 =	seq.s32 s10, $0x1;
	s10 =	sld [smem:$0x3F73];
	_ =	sdelay $0x3  }
0x37: {  	[smem:$0x3F73] =	sst s10  }
0x38: {  	s10 =	sld [smem:$0x3F74]  }
0x39: {  	_ = 	snop;
	(pc) =	sbr.ind lr, $3  }
0x3a: {  	_ = 	snop  }
0x3b: {  	_ = 	snop  }
0x3c: {  	p2 =	seq.s32 s10, $0x1;
	s10 =	sld [smem:$0x3F73]  }
0x3d: {  	_ =	shalt  }
0x3e: {  	_ =	shalt  }
0x3f: {  	_ =	shalt  }
0x40: {  	_ =	shalt  }
0x41: {  	_ =	shalt  }
0x42: {  	_ =	shalt  }
0x43: {  	_ =	shalt  }
0x44: {  	_ =	shalt  }
0x45: {  	_ =	shalt  }
0x46: {  	_ =	shalt  }
0x47: {  	_ =	shalt  }
0x48: {  	_ =	shalt  }
0x49: {  	_ =	shalt  }
0x4a: {  	_ =	shalt  }
0x4b: {  	_ =	shalt  }
0x4c: {  	_ =	shalt  }
0x4d: {  	_ =	shalt  }
0x4e: {  	_ =	shalt  }
0x4f: {  	_ =	shalt  }
0x50: {  	_ =	shalt  }
0x51: {  	_ =	shalt  }
0x52: {  	_ =	shalt  }
0x53: {  	_ =	shalt  }
0x54: {  	_ =	shalt  }
0x55: {  	_ =	shalt  }
0x56: {  	_ =	shalt  }
0x57: {  	_ =	shalt  }
0x58: {  	_ =	shalt  }
0x59: {  	_ =	shalt  }
0x5a: {  	_ =	shalt  }
0x5b: {  	_ =	shalt  }
0x5c: {  	_ =	shalt  }
0x5d: {  	_ =	shalt  }
0x5e: {  	_ =	shalt  }
0x5f: {  	_ =	shalt  }
0x60: {  	_ =	shalt  }
0x61: {  	_ =	shalt  }
0x62: {  	_ =	shalt  }
0x63: {  	_ =	shalt  }
0x64: {  	_ =	shalt  }
0x65: {  	_ =	shalt  }
0x66: {  	_ =	shalt  }
0x67: {  	_ =	shalt  }
0x68: {  	_ =	shalt  }
0x69: {  	_ =	shalt  }
0x6a: {  	_ =	shalt  }
0x6b: {  	_ =	shalt  }
0x6c: {  	_ =	shalt  }
0x6d: {  	_ =	shalt  }
0x6e: {  	_ =	shalt  }
0x6f: {  	_ =	shalt  }
0x70: {  	_ =	shalt  }
0x71: {  	_ =	shalt  }
0x72: {  	_ =	shalt  }
0x73: {  	_ =	shalt  }
0x74: {  	_ =	shalt  }
0x75: {  	_ =	shalt  }
0x76: {  	_ =	shalt  }
0x77: {  	_ =	shalt  }
0x78: {  	_ =	shalt  }
0x79: {  	_ =	shalt  }
0x7a: {  	_ =	shalt  }
0x7b: {  	_ =	shalt  }
0x7c: {  	_ =	shalt  }
0x7d: {  	_ =	shalt  }
0x7e: {  	_ =	shalt  }
0x7f: {  	_ =	shalt  }
0x80: {  	_ =	shalt  }
0x81: {  	_ =	shalt  }
0x82: {  	_ =	shalt  }
0x83: {  	_ =	shalt  }
0x84: {  	_ =	shalt  }
0x85: {  	_ =	shalt  }
0x86: {  	_ =	shalt  }
0x87: {  	_ =	shalt  }
.Lfunc_end0:
.L_simem_size_0:
called_computation.7_lowered:
.L_overlay_start_0:
0x88: {  	s2 =	sld [smem:$0x3FD9]  }
0x89: {  	s3 =	sld [smem:$0x3FFE];
	_ =	sdelay $0x1  }
0x8a: {  	s1 =	srdreg.scid  }
0x8b: {  	s0 =	sand.u32 $0x1, s1  }
0x8c: {  	s16 =	sshll.u32 s0, $0xA;
	s2 =	sadd.s32 s3, s2  }
0x8d: {  	s2 =	sadd.s32 s2, s16  }
0x8e: {  	[smem:$0x3F7F] =	sst s2  }
0x8f: {  	_ = 	snop  }
0x90: {  	(tm) =	ssettm $0x1  }
0x91: {  	s17 =	sld [smem:$0x3FFB];
	_ =	sdelay $0x3  }
0x92: {  	_ =	strace s17  }
0x93: {  	s2 =	sld [smem:$0x3FFC];
	_ =	sdelay $0x3  }
0x94: {  	_ =	strace s2  }
0x95: {  	s2 =	sld [smem:$0x3FFD];
	_ =	sdelay $0x3  }
0x96: {  	_ =	strace s2  }
0x97: {  	_ =	strace $0x8FFFFFFF  }
0x98: {  	s18 =	sld [smem:$0x3FDB];
	_ =	sdelay $0x1  }
0x99: {  	s19 =	simm.s32 $_scs_section_size  }
0x9a: {  	s4 =	simm.s32 $_size__tile_overlayer_lowered;
	s5 =	simm.s32 $_tile_overlayer_lowered  }
0x9b: {  	s22 =	simm.s32 $0x1BFF;
	s21 =	sshll.u32 s5, $0x1;
	s2 =	sadd.s32 s19, s18  }
0x9c: {  	s6 =	simm.s32 $0x0;
	s20 =	sshll.u32 s4, $0x1;
	s4 =	sadd.s32 s21, s2  }
0x9d: {  	[timem:s6], [sflag:s22] =	dma.local [hbm:s4], s20  }
0x9e: {  	_ =	swait.ge [sflag:s22], s20  }
0x9f: {  	s3 =	ssub.s32 $0x0, s20;
	[sflag:s22] =	ssyncset.done $0x0  }
0xa0: {  	[sflag:s22] =	ssyncadd.s32 s3;
	_ =	sdelay $0x1  }
0xa1: {  	s23 =	simm.s32 $0x1B8B  }
0xa2: {  	_ =	swait.ge [sflag:s23], $0x1  }
0xa3: {  	[sflag:s23] =	ssyncset.done $0x0  }
0xa4: {  	s25 =	simm.s32 $0x1B8E;
	s24 =	sld [smem:$0x3FFE];
	[sflag:s23] =	ssyncadd.s32 $0xFFFFFFFF  }
0xa5: {  	s26 =	simm.s32 $execute0_lowered;
	[smem:$0x3FD2] =	sst s25  }
0xa6: {  	s4 =	sshll.u32 s26, $0x1;
	_ =	strace $0x8000005B;
	[dreg:$0x1] =	wrdreg $0xFFFFFFFF  }
0xa7: {  	s28 =	simm.s32 $_size_execute0_lowered;
	s2 =	sadd.s32 s2, s4;
	[dreg:$0x0] =	wrdreg $0x0  }
0xa8: {  	s4 =	sshll.u32 s28, $0x1;
	[dreg:$0x2] =	wrdreg s2  }
0xa9: {  	[dreg:$0x3] =	wrdreg s4  }
0xaa: {  	[dreg:$0x4] =	wrdreg $0xC0  }
0xab: {  	_ =	task [dreg:s6], $0x5FFFF  }
0xac: {  	[dreg:$0x1] =	wrdreg $0xFFFFFFFF  }
0xad: {  	[dreg:$0x0] =	wrdreg $0x60  }
0xae: {  	[dreg:$0x2] =	wrdreg s24  }
0xaf: {  	[dreg:$0x3] =	wrdreg $0x94000  }
0xb0: {  	[dreg:$0x4] =	wrdreg $0x9  }
0xb1: {  	_ =	task.clear_ibuf [dreg:s6], $0x5FFFF;
	_ =	strace $0x9000005B  }
0xb2: {  	s29 =	simm.s32 $0x9;
	_ =	strace $0x8000005D  }
0xb3: {  	_ =	swait.ge [sflag:s29], $0x1  }
0xb4: {  	[sflag:s29] =	ssyncadd.s32 $0xFFFFFFFF  }
0xb5: {  	_ =	strace $0x9000005D  }
0xb6: {  	_ =	sfence  }
0xb7: {  	s30 =	sld [smem:$0x0];
	_ =	sdelay $0x2  }
0xb8: {  	s31 =	sshll.u32 s1, $0xD;
	s1 =	sshrl.u32 s1, $0x2  }
0xb9: {  	s3 =	sand.u32 $0x4000, s31;
	s1 =	sadd.s32 s1, s30  }
0xba: {  	s0 =	sor.u32 s3, s0;
	s1 =	sshll.u32 s1, $0x11  }
0xbb: {  	s0 =	sor.u32 s1, s0  }
0xbc: {  	s0 =	sadd.s32 $0x8F2B, s0  }
0xbd: {  	[sflag:s0] =	ssyncadd.remote.s32 $0x1  }
0xbe: {  	_ =	sfence.sel $0xFFFF  }
0xbf: {  	[dreg:$0x0] =	wrdreg $0xFFFFFFFF;
	(pc) =	sbr.abs _section_cstart, $3  }
0xc0: {  	[dreg:$0x1] =	wrdreg $0xFFFFFFFF  }
0xc1: {  	_ =	task.clear_ibuf [dreg:s6], $0x2FFFF;
	_ =	strace $0x9FFFFFFF  }
0xc2: {  	(tm) =	ssettm $0x7FFFFFFF  }
0xc3: {  	_ =	shalt  }
tec
execute0_lowered:
.L_overlay_start_1:
0x0: {  	(tag) =	ssettag $0x1  }
0x1: {  	s4 =	rddreg [dreg:$0x0]  }
0x2: {  	s0 =	srdreg.scid;
	s9 =	stileid.u32  }
0x3: {  	s1 =	rddreg [dreg:$0x1];
	s2 =	simm.s32 $0x0;
	s13 =	simm.s32 $0x5400  }
0x4: {  	s14 =	simm.s32 $0x1;
	s15 =	simm.s32 $0x2;
	s16 =	simm.s32 $0x3  }
0x5: {  	s17 =	simm.s32 $0x0;
	s5 =	sand.u32 $0x1, s0;
	s0 =	rddreg [dreg:$0x2]  }
0x6: {  	s3 =	sshll.u32 s9, $0x1;
	[smem:$0x7FF] =	sst s2;
	s10 =	smul.u32 $0x28000, s9  }
0x7: {  	s11 =	sadd.s32 $0x374200, s4;
	p0 =	sne.s32 s9, $0x0;
	s6 =	sor.u32 s5, s3  }
0x8: {  	_ =	strace $0x8000005C;
	s3 =	sadd.s32 $0x16200, s4;
	s12 =	smul.u32 $0x14000, s5  }
0x9: {  	s8 =	ssub.s32 $0x2, s5;
	s9 =	sshrl.u32 @!p0 s1, $0x3;
	s7 =	smul.u32 $0x1400, s6  }
0xa: {  	s6 =	smul.u32 $0x14000, s6;
	s28 =	sshrl.u32 s8, $0x1;
	s30 =	sadd.s32 s10, s11  }
0xb: {  	s10 =	simm.s32 $0x4;
	s29 =	ssub.s32 s8, s28;
	s31 =	sadd.s32 s12, s30  }
0xc: {  	s12 =	simm.s32 $0x1400;
	s7 =	sshrl.u32 s7, $0x3;
	s5 =	smax.u32 s29, $0x1  }
0xd: {  	s6 =	sadd.s32 s11, s6;
	s8 =	sadd.s32 $0x1800, s31;
	s7 =	sadd.s32 s7, s4  }
0xe: {  	s11 =	simm.s32 $0x80;
	s4 =	sadd.s32 $0x11200, s7;
	s7 =	sadd.s32 $0x800, s6  }
.LBB2_1:
0xf: {  	s18 =	simm.s32 @!p0 $0x1C04  }
0x10: {  	[spmem:s9], [sflag:s18] =	dma.local @!p0 [hbm:s3], $0x27100  }
0x11: {  	s18 =	simm.s32 @!p0 $0x4  }
0x12: {  	_ =	swait.ge @!p0 [sflag:s18], $0x27100  }
0x13: {  	[sflag:s18] =	ssyncset.done @!p0 $0x0  }
0x14: {  	[sflag:s18] =	ssyncadd.s32 @!p0 $0xFFFD8F00  }
0x15: {  	[tilespmem:s2], [sflag:$0x4] =	stream.linear.gather [hbm4b:s4+s2], $0x1400, $0x38;
	[tilespmem:$0x1CC80] =	vst v63  }
0x16: {  	_ =	swait.ge [sflag:s10], $0x1400  }
0x17: {  	[sflag:s10] =	ssyncset.done $0x0  }
0x18: {  	[sflag:s10] =	ssyncadd.s32 $0xFFFFEC00  }
0x19: {  	[bflag:$0x0] =	sbarrier.arrive $0xFFFF  }
0x1a: {  	[tilespmem:s12], [sflag:$0x1] =	stream.indirect.gather [spmem:s1], $0x80, s2, s11, $0xb8;
	[tilespmem:$0x1CC80] =	vst v63  }
0x1b: {  	_ = 	snop  }
0x1c: {  	[tilespmem:s13], [sflag:$0x1] =	stream.indirect.gather [spmem:s1], $0x80, s11, s11, $0xb8;
	[tilespmem:$0x1CC80] =	vst v63  }
0x1d: {  	_ =	swait.ge [sflag:s14], $0x4000  }
0x1e: {  	[sflag:s14] =	ssyncset.done $0x0  }
0x1f: {  	[sflag:s14] =	ssyncadd.s32 $0xFFFFC000  }
0x20: {  	_ =	swait.ge [sflag:s14], $0x4000  }
0x21: {  	[sflag:s14] =	ssyncset.done $0x0  }
0x22: {  	[sflag:s14] =	ssyncadd.s32 $0xFFFFC000  }
0x23: {  	[hbm4b:s6+s2] =	stream.linear.scatter [tilespmem:s12], [sflag:$0x2], $0x4000, $0x38;
	[tilespmem:$0x1CC80] =	vst v63  }
0x24: {  	_ = 	snop  }
0x25: {  	[hbm4b:s7+s2] =	stream.linear.scatter [tilespmem:s13], [sflag:$0x3], $0x4000, $0x38;
	[tilespmem:$0x1CC80] =	vst v63  }
0x26: {  	_ =	swait.ge [sflag:s15], $0x4000  }
0x27: {  	[sflag:s15] =	ssyncset.done $0x0  }
0x28: {  	[sflag:s15] =	ssyncadd.s32 $0xFFFFC000  }
0x29: {  	_ =	swait.ge [sflag:s16], $0x4000  }
0x2a: {  	[sflag:s16] =	ssyncset.done $0x0  }
0x2b: {  	s29 =	simm.s32 $0x100;
	[sflag:s16] =	ssyncadd.s32 $0xFFFFC000  }
0x2c: {  	[tilespmem:s12], [sflag:$0x1] =	stream.indirect.gather [spmem:s1], $0x80, s29, s11, $0xb8;
	[tilespmem:$0x1CC80] =	vst v63  }
0x2d: {  	s30 =	simm.s32 $0x180  }
0x2e: {  	[tilespmem:s13], [sflag:$0x1] =	stream.indirect.gather [spmem:s1], $0x80, s30, s11, $0xb8;
	[tilespmem:$0x1CC80] =	vst v63  }
0x2f: {  	_ =	swait.ge [sflag:s14], $0x4000  }
0x30: {  	[sflag:s14] =	ssyncset.done $0x0  }
0x31: {  	[sflag:s14] =	ssyncadd.s32 $0xFFFFC000  }
0x32: {  	_ =	swait.ge [sflag:s14], $0x4000  }
0x33: {  	s31 =	sadd.s32 $0xFFFFF800, s8;
	s19 =	sadd.s32 $0x1000, s8;
	[sflag:s14] =	ssyncset.done $0x0  }
0x34: {  	s20 =	smov.u32 s8;
	s18 =	simm.s32 $0x400;
	[sflag:s14] =	ssyncadd.s32 $0xFFFFC000  }
0x35: {  	[hbm4b:s31+s2] =	stream.linear.scatter [tilespmem:s12], [sflag:$0x2], $0x4000, $0x38;
	[tilespmem:$0x1CC80] =	vst v63  }
.LBB2_2:
0x36: {  	[hbm4b:s20+s2] =	stream.linear.scatter [tilespmem:s13], [sflag:$0x3], $0x4000, $0x38;
	[tilespmem:$0x1CC80] =	vst v63  }
0x37: {  	s21 =	smov.u32 s18;
	s20 =	smov.u32 s19  }
0x38: {  	p1 =	sne.s32 s18, $0x4800;
	s18 =	sadd.s32 $0x400, s18;
	_ =	swait.ge [sflag:s15], $0x4000  }
0x39: {  	[sflag:s15] =	ssyncset.done $0x0  }
0x3a: {  	[sflag:s15] =	ssyncadd.s32 $0xFFFFC000  }
0x3b: {  	_ =	swait.ge [sflag:s16], $0x4000  }
0x3c: {  	s21 =	sshra.s32 s21, $0x2;
	[sflag:s16] =	ssyncset.done $0x0  }
0x3d: {  	s22 =	sadd.s32 $0x100, s21;
	[sflag:s16] =	ssyncadd.s32 $0xFFFFC000  }
0x3e: {  	[tilespmem:s12], [sflag:$0x1] =	stream.indirect.gather [spmem:s1], $0x80, s22, s11, $0xb8;
	[tilespmem:$0x1CC80] =	vst v63  }
0x3f: {  	s21 =	sadd.s32 $0x180, s21  }
0x40: {  	[tilespmem:s13], [sflag:$0x1] =	stream.indirect.gather [spmem:s1], $0x80, s21, s11, $0xb8;
	[tilespmem:$0x1CC80] =	vst v63  }
0x41: {  	_ =	swait.ge [sflag:s14], $0x4000  }
0x42: {  	[sflag:s14] =	ssyncset.done $0x0  }
0x43: {  	[sflag:s14] =	ssyncadd.s32 $0xFFFFC000  }
.Ltmp0:
0x44: {  	_ =	swait.ge [sflag:s14], $0x4000;
	(pc) =	sbr.rel @p1 .LBB2_2-.Ltmp0, $4  }
0x45: {  	[sflag:s14] =	ssyncset.done $0x0  }
0x46: {  	s21 =	sadd.s32 $0xFFFFF800, s19;
	[sflag:s14] =	ssyncadd.s32 $0xFFFFC000  }
0x47: {  	[hbm4b:s21+s2] =	stream.linear.scatter [tilespmem:s12], [sflag:$0x2], $0x4000, $0x38;
	[tilespmem:$0x1CC80] =	vst v63  }
0x48: {  	s19 =	sadd.s32 $0x1000, s19  }
0x49: {  	[hbm4b:s20+s2] =	stream.linear.scatter [tilespmem:s13], [sflag:$0x3], $0x4000, $0x38;
	[tilespmem:$0x1CC80] =	vst v63  }
0x4a: {  	s17 =	sadd.s32 $0x1, s17  }
0x4b: {  	_ =	swait.ge [sflag:s15], $0x4000;
	p1 =	sne.s32 s17, s5  }
.Ltmp1:
0x4c: {  	[sflag:s15] =	ssyncset.done $0x0;
	(pc) =	sbr.rel @p1 .LBB2_1-.Ltmp1, $4  }
0x4d: {  	[sflag:s15] =	ssyncadd.s32 $0xFFFFC000  }
0x4e: {  	_ =	swait.ge [sflag:s16], $0x4000  }
0x4f: {  	[sflag:s16] =	ssyncset.done $0x0  }
0x50: {  	[sflag:s16] =	ssyncadd.s32 $0xFFFFC000  }
0x51: {  	_ =	sfence.sel $0x180000  }
0x52: {  	[bflag:$0x0] =	sbarrier.arrive $0xFFFF  }
0x53: {  	_ =	strace $0x9000005C  }
0x54: {  	s0 =	sadd.s32 @!p0 $0x100000, s0;
	[bflag:$0x2] =	sbarrier.arrive $0xFFFF  }
0x55: {  	[sflag:s0] =	ssyncadd.tile.s32 @!p0 $0x1;
	_ =	shalt  }
.Lfunc_end2:
_tile_overlayer_lowered:
.L_overlay_start_2:
0x56: {  	(tag) =	ssettag $0x2  }
0x57: {  	s0 =	rddreg [dreg:$0x0];
	s2 =	stileid.u32  }
0x58: {  	s1 =	rddreg [dreg:$0x1];
	p0 =	sne.s32 s2, $0x0  }
0x59: {  	s3 =	rddreg [dreg:$0x2];
	[bflag:$0x3] =	sbarrier.arrive $0xFFFF;
	s2 =	simm.s32 @!p0 $0x1C04  }
0x5a: {  	[timem:s3], [sflag:s2] =	dma.local @!p0 [hbm:s0], s1  }
0x5b: {  	s0 =	simm.s32 @!p0 $0x4  }
0x5c: {  	_ =	swait.ge @!p0 [sflag:s0], s1  }
0x5d: {  	s1 =	ssub.s32 @!p0 $0x0, s1;
	[sflag:s0] =	ssyncset.done @!p0 $0x0  }
0x5e: {  	[sflag:s0] =	ssyncadd.s32 @!p0 s1  }
0x5f: {  	[bflag:$0x3] =	sbarrier.arrive $0xFFFF  }
0x60: {  	_ =	shalt  }

// kernel: kernel.49.cloned.1.call-start
scs
__scs_entry_jumppad:
0x0: {  	(pc) =	sbr.rel $0x88, $3  }
0x1: {  	(tag) =	ssettag $0x0;
	lr =	simm.s32 $0x1  }
0x2: {  	[smem:$0x3F58] =	sst lr;
	_ =	strace $0xD0000000  }
0x3: {  	_ = 	snop  }
0x4: {  	_ = 	snop  }
0x5: {  	_ = 	snop  }
0x6: {  	_ = 	snop  }
0x7: {  	_ = 	snop  }
__scs_overlays_trampoline_lowered:
0x8: {  	[smem:$0x3F67] =	sst s0  }
0x9: {  	[smem:$0x3F68] =	sst s1  }
0xa: {  	[smem:$0x3F69] =	sst s2  }
0xb: {  	[smem:$0x3F6A] =	sst s3  }
0xc: {  	[smem:$0x3F6B] =	sst s4  }
0xd: {  	[smem:$0x3F6C] =	sst s5  }
0xe: {  	[smem:$0x3F6D] =	sst s6  }
0xf: {  	[smem:$0x3F6E] =	sst s7  }
0x10: {  	[smem:$0x3F6F] =	sst s8  }
0x11: {  	[smem:$0x3F70] =	sst s9;
	s0 =	simm.s32 @!p0 $0x0  }
0x12: {  	s1 =	sld [smem:$0x3F56];
	s0 =	simm.s32 @p0 $0x1  }
0x13: {  	[smem:$0x3F71] =	sst s0;
	s0 =	simm.s32 @!p1 $0x0  }
0x14: {  	s2 =	sld [smem:$0x3F55];
	s0 =	simm.s32 @p1 $0x1  }
0x15: {  	[smem:$0x3F72] =	sst s0;
	s0 =	simm.s32 @!p2 $0x0  }
0x16: {  	s3 =	sld [smem:$0x3FDB];
	s0 =	simm.s32 @p2 $0x1  }
0x17: {  	s4 =	simm.s32 $0x1BF5;
	[smem:$0x3F74] =	sst s0  }
0x18: {  	s0 =	sld [smem:$0x3F57];
	_ =	swait.ge [sflag:s4], $0x0  }
0x19: {  	s7 =	sld [smem:$0x3F58]  }
0x1a: {  	s8 =	sadd.s32 $0xFFFFE003, lr  }
0x1b: {  	s9 =	sadd.s32 $0xFFFFFEF7, lr;
	s5 =	simm.s32 $0xFFFFFFFF;
	p2 =	slt.u32 s8, $0xFFFFF086  }
0x1c: {  	p1 =	slt.u32 s9, $0xF7A;
	s5 =	simm.s32 @!p2 $0x0  }
0x1d: {  	s5 =	simm.s32 @p1 $0x1;
	p0 =	seq.s32 s7, s2  }
0x1e: {  	s7 =	smul.u32 @!p0 $0xF7A, s2;
	p2 =	seq.s32 @!p0 s5, $0x0  }
0x1f: {  	s9 =	smul.u32 $0xF7A, s1;
	s8 =	simm.s32 @!p0 $0x1BF5;
	p2 =	por !p2, p0  }
0x20: {  	[sflag:s8] =	ssyncset.s32 @!p0 $0xFFFFF086;
	s6 =	sadd.s32 @!p0 s3, s7;
	s7 =	simm.s32 @!p0 $0x108  }
0x21: {  	s3 =	sadd.s32 s3, s9;
	s6 =	sadd.s32 @!p0 $0x88, s6;
	s7 =	simm.s32 @p2 $0x1082  }
0x22: {  	[simem:s7], [sflag:s8] =	dma.local @!p0 [hbm:s6], $0xF7A  }
0x23: {  	s9 =	sor.u32 $0xD0000000, s2;
	s6 =	simm.s32 $0x108;
	_ =	swait.ge @!p0 [sflag:s8], $0x0  }
0x24: {  	s3 =	sadd.s32 $0x88, s3;
	s6 =	simm.s32 @!p1 $0x1082;
	[sflag:s4] =	ssyncset.s32 $0xFFFFF086  }
0x25: {  	[simem:s6], [sflag:s4] =	dma.local [hbm:s3], $0xF7A  }
0x26: {  	[smem:$0x3F58] =	sst s1;
	(tag) =	ssettag s2;
	_ =	strace s9  }
0x27: {  	s1 =	sld [smem:$0x3F68]  }
0x28: {  	s2 =	sld [smem:$0x3F69]  }
0x29: {  	s4 =	sld [smem:$0x3F6B]  }
0x2a: {  	p0 =	seq.s32 s5, $0x0;
	s5 =	sld [smem:$0x3F6C]  }
0x2b: {  	s6 =	sld [smem:$0x3F6D]  }
0x2c: {  	s7 =	sld [smem:$0x3F6E]  }
0x2d: {  	s3 =	simm.s32 $0x108;
	s8 =	sld [smem:$0x3F6F]  }
0x2e: {  	s3 =	simm.s32 @!p0 $0x1082;
	s9 =	sld [smem:$0x3F70]  }
0x2f: {  	lr =	sadd.s32 s0, s3;
	s0 =	sld [smem:$0x3F67]  }
0x30: {  	s3 =	sld [smem:$0x3F6A]  }
0x31: {  	[smem:$0x3F73] =	sst s10  }
0x32: {  	s10 =	sld [smem:$0x3F71];
	_ =	sdelay $0x3  }
0x33: {  	p0 =	seq.s32 s10, $0x1;
	s10 =	sld [smem:$0x3F73];
	_ =	sdelay $0x3  }
0x34: {  	[smem:$0x3F73] =	sst s10  }
0x35: {  	s10 =	sld [smem:$0x3F72];
	_ =	sdelay $0x3  }
0x36: {  	p1 =	seq.s32 s10, $0x1;
	s10 =	sld [smem:$0x3F73];
	_ =	sdelay $0x3  }
0x37: {  	[smem:$0x3F73] =	sst s10  }
0x38: {  	s10 =	sld [smem:$0x3F74]  }
0x39: {  	_ = 	snop;
	(pc) =	sbr.ind lr, $3  }
0x3a: {  	_ = 	snop  }
0x3b: {  	_ = 	snop  }
0x3c: {  	p2 =	seq.s32 s10, $0x1;
	s10 =	sld [smem:$0x3F73]  }
0x3d: {  	_ =	shalt  }
0x3e: {  	_ =	shalt  }
0x3f: {  	_ =	shalt  }
0x40: {  	_ =	shalt  }
0x41: {  	_ =	shalt  }
0x42: {  	_ =	shalt  }
0x43: {  	_ =	shalt  }
0x44: {  	_ =	shalt  }
0x45: {  	_ =	shalt  }
0x46: {  	_ =	shalt  }
0x47: {  	_ =	shalt  }
0x48: {  	_ =	shalt  }
0x49: {  	_ =	shalt  }
0x4a: {  	_ =	shalt  }
0x4b: {  	_ =	shalt  }
0x4c: {  	_ =	shalt  }
0x4d: {  	_ =	shalt  }
0x4e: {  	_ =	shalt  }
0x4f: {  	_ =	shalt  }
0x50: {  	_ =	shalt  }
0x51: {  	_ =	shalt  }
0x52: {  	_ =	shalt  }
0x53: {  	_ =	shalt  }
0x54: {  	_ =	shalt  }
0x55: {  	_ =	shalt  }
0x56: {  	_ =	shalt  }
0x57: {  	_ =	shalt  }
0x58: {  	_ =	shalt  }
0x59: {  	_ =	shalt  }
0x5a: {  	_ =	shalt  }
0x5b: {  	_ =	shalt  }
0x5c: {  	_ =	shalt  }
0x5d: {  	_ =	shalt  }
0x5e: {  	_ =	shalt  }
0x5f: {  	_ =	shalt  }
0x60: {  	_ =	shalt  }
0x61: {  	_ =	shalt  }
0x62: {  	_ =	shalt  }
0x63: {  	_ =	shalt  }
0x64: {  	_ =	shalt  }
0x65: {  	_ =	shalt  }
0x66: {  	_ =	shalt  }
0x67: {  	_ =	shalt  }
0x68: {  	_ =	shalt  }
0x69: {  	_ =	shalt  }
0x6a: {  	_ =	shalt  }
0x6b: {  	_ =	shalt  }
0x6c: {  	_ =	shalt  }
0x6d: {  	_ =	shalt  }
0x6e: {  	_ =	shalt  }
0x6f: {  	_ =	shalt  }
0x70: {  	_ =	shalt  }
0x71: {  	_ =	shalt  }
0x72: {  	_ =	shalt  }
0x73: {  	_ =	shalt  }
0x74: {  	_ =	shalt  }
0x75: {  	_ =	shalt  }
0x76: {  	_ =	shalt  }
0x77: {  	_ =	shalt  }
0x78: {  	_ =	shalt  }
0x79: {  	_ =	shalt  }
0x7a: {  	_ =	shalt  }
0x7b: {  	_ =	shalt  }
0x7c: {  	_ =	shalt  }
0x7d: {  	_ =	shalt  }
0x7e: {  	_ =	shalt  }
0x7f: {  	_ =	shalt  }
0x80: {  	_ =	shalt  }
0x81: {  	_ =	shalt  }
0x82: {  	_ =	shalt  }
0x83: {  	_ =	shalt  }
0x84: {  	_ =	shalt  }
0x85: {  	_ =	shalt  }
0x86: {  	_ =	shalt  }
0x87: {  	_ =	shalt  }
.Lfunc_end0:
.L_simem_size_0:
called_computation.8_lowered:
.L_overlay_start_0:
0x88: {  	s2 =	sld [smem:$0x3FD9]  }
0x89: {  	s3 =	sld [smem:$0x3FFE];
	_ =	sdelay $0x1  }
0x8a: {  	s1 =	srdreg.scid  }
0x8b: {  	s0 =	sand.u32 $0x1, s1  }
0x8c: {  	s16 =	sshll.u32 s0, $0xA;
	s2 =	sadd.s32 s3, s2  }
0x8d: {  	s2 =	sadd.s32 s2, s16  }
0x8e: {  	[smem:$0x3F7F] =	sst s2  }
0x8f: {  	_ = 	snop  }
0x90: {  	(tm) =	ssettm $0x1  }
0x91: {  	s17 =	sld [smem:$0x3FFB];
	_ =	sdelay $0x3  }
0x92: {  	_ =	strace s17  }
0x93: {  	s2 =	sld [smem:$0x3FFC];
	_ =	sdelay $0x3  }
0x94: {  	_ =	strace s2  }
0x95: {  	s2 =	sld [smem:$0x3FFD];
	_ =	sdelay $0x3  }
0x96: {  	_ =	strace s2  }
0x97: {  	_ =	strace $0x8FFFFFFF  }
0x98: {  	s18 =	sld [smem:$0x3FDB];
	_ =	sdelay $0x1  }
0x99: {  	s19 =	simm.s32 $_scs_section_size  }
0x9a: {  	s4 =	simm.s32 $_size__tile_overlayer_lowered;
	s5 =	simm.s32 $_tile_overlayer_lowered  }
0x9b: {  	s22 =	simm.s32 $0x1BFF;
	s21 =	sshll.u32 s5, $0x1;
	s2 =	sadd.s32 s19, s18  }
0x9c: {  	s6 =	simm.s32 $0x0;
	s20 =	sshll.u32 s4, $0x1;
	s4 =	sadd.s32 s21, s2  }
0x9d: {  	[timem:s6], [sflag:s22] =	dma.local [hbm:s4], s20  }
0x9e: {  	_ =	swait.ge [sflag:s22], s20  }
0x9f: {  	s3 =	ssub.s32 $0x0, s20;
	[sflag:s22] =	ssyncset.done $0x0  }
0xa0: {  	[sflag:s22] =	ssyncadd.s32 s3;
	_ =	sdelay $0x1  }
0xa1: {  	s23 =	simm.s32 $0x1B8B  }
0xa2: {  	_ =	swait.ge [sflag:s23], $0x1  }
0xa3: {  	[sflag:s23] =	ssyncset.done $0x0  }
0xa4: {  	s25 =	simm.s32 $0x1B8E;
	s24 =	sld [smem:$0x3FFE];
	[sflag:s23] =	ssyncadd.s32 $0xFFFFFFFF  }
0xa5: {  	s26 =	simm.s32 $execute0_lowered;
	[smem:$0x3FD2] =	sst s25  }
0xa6: {  	s4 =	sshll.u32 s26, $0x1;
	_ =	strace $0x8000005E;
	[dreg:$0x1] =	wrdreg $0xFFFFFFFF  }
0xa7: {  	s28 =	simm.s32 $_size_execute0_lowered;
	s2 =	sadd.s32 s2, s4;
	[dreg:$0x0] =	wrdreg $0x0  }
0xa8: {  	s4 =	sshll.u32 s28, $0x1;
	[dreg:$0x2] =	wrdreg s2  }
0xa9: {  	[dreg:$0x3] =	wrdreg s4  }
0xaa: {  	[dreg:$0x4] =	wrdreg $0xC0  }
0xab: {  	_ =	task [dreg:s6], $0x5FFFF  }
0xac: {  	[dreg:$0x1] =	wrdreg $0xFFFFFFFF  }
0xad: {  	[dreg:$0x0] =	wrdreg $0x60  }
0xae: {  	[dreg:$0x2] =	wrdreg s24  }
0xaf: {  	[dreg:$0x3] =	wrdreg $0x94000  }
0xb0: {  	[dreg:$0x4] =	wrdreg $0x9  }
0xb1: {  	_ =	task.clear_ibuf [dreg:s6], $0x5FFFF;
	_ =	strace $0x9000005E  }
0xb2: {  	s29 =	simm.s32 $0x9;
	_ =	strace $0x80000060  }
0xb3: {  	_ =	swait.ge [sflag:s29], $0x1  }
0xb4: {  	[sflag:s29] =	ssyncadd.s32 $0xFFFFFFFF  }
0xb5: {  	_ =	strace $0x90000060  }
0xb6: {  	_ =	sfence  }
0xb7: {  	s30 =	sld [smem:$0x0];
	_ =	sdelay $0x2  }
0xb8: {  	s31 =	sshll.u32 s1, $0xD;
	s1 =	sshrl.u32 s1, $0x2  }
0xb9: {  	s3 =	sand.u32 $0x4000, s31;
	s1 =	sadd.s32 s1, s30  }
0xba: {  	s0 =	sor.u32 s3, s0;
	s1 =	sshll.u32 s1, $0x11  }
0xbb: {  	s0 =	sor.u32 s1, s0  }
0xbc: {  	s0 =	sadd.s32 $0x8F2B, s0  }
0xbd: {  	[sflag:s0] =	ssyncadd.remote.s32 $0x1  }
0xbe: {  	_ =	sfence.sel $0xFFFF  }
0xbf: {  	[dreg:$0x0] =	wrdreg $0xFFFFFFFF;
	(pc) =	sbr.abs _section_cstart, $3  }
0xc0: {  	[dreg:$0x1] =	wrdreg $0xFFFFFFFF  }
0xc1: {  	_ =	task.clear_ibuf [dreg:s6], $0x2FFFF;
	_ =	strace $0x9FFFFFFF  }
0xc2: {  	(tm) =	ssettm $0x7FFFFFFF  }
0xc3: {  	_ =	shalt  }
tec
execute0_lowered:
.L_overlay_start_1:
0x0: {  	(tag) =	ssettag $0x1  }
0x1: {  	s4 =	rddreg [dreg:$0x0]  }
0x2: {  	s0 =	srdreg.scid;
	s20 =	stileid.u32  }
0x3: {  	s1 =	rddreg [dreg:$0x1];
	s6 =	smul.u32 $0x280, s20  }
0x4: {  	s2 =	simm.s32 $0x0;
	s14 =	simm.s32 $0x1400;
	s7 =	smul.u32 $0x2800, s20  }
0x5: {  	s15 =	simm.s32 $0x5400;
	s16 =	simm.s32 $0x1;
	s24 =	smul.u32 $0x50000, s20  }
0x6: {  	s8 =	sand.u32 $0x1, s0;
	s0 =	rddreg [dreg:$0x2];
	s13 =	smul.u32 $0x4E000, s20  }
0x7: {  	s17 =	simm.s32 $0x80;
	[smem:$0x7FF] =	sst s2;
	s29 =	smul.u32 $0x2700, s20  }
0x8: {  	s28 =	sshll.u32 s20, $0x6;
	s31 =	smul.u32 $0x14000, s20;
	s19 =	sadd.s32 $0x138000, s1  }
0x9: {  	p1 =	sne.s32 s20, $0x0;
	p2 =	seq.s32 s20, $0x0;
	s3 =	smul.u32 $0x140000, s8  }
0xa: {  	s20 =	simm.s32 $0x0;
	s5 =	smul.u32 $0x2800, s8;
	_ =	strace $0x8000005F  }
0xb: {  	s26 =	ssub.s32 $0x2, s8;
	p0 =	seq.s32 s8, $0x1;
	s19 =	sshrl.u32 s19, $0x3  }
0xc: {  	s25 =	sadd.s32 s7, s4;
	s10 =	sshrl.u32 s26, $0x1;
	s30 =	sshrl.u32 s13, $0x2  }
0xd: {  	s13 =	simm.s32 $0x2;
	s11 =	sadd.s32 s3, s4;
	s23 =	sadd.s32 s6, s5  }
0xe: {  	s3 =	sadd.s32 $0x16200, s4;
	s5 =	sshrl.u32 s24, $0x2;
	s10 =	ssub.s32 s26, s10  }
.Ltmp0:
0xf: {  	s6 =	sor.u32 $0x1C02, s28;
	s18 =	sadd.s32 s30, s1;
	(pc) =	sbr.rel .LBB2_1-.Ltmp0, $4  }
0x10: {  	s9 =	sadd.s32 s23, s4;
	s4 =	sadd.s32 $0x310800, s4;
	s12 =	sadd.s32 s5, s1  }
0x11: {  	s5 =	sadd.s32 $0x64600, s25;
	s8 =	sadd.s32 s3, s29;
	s10 =	smax.u32 s10, $0x1  }
0x12: {  	s11 =	sadd.s32 s31, s11;
	s18 =	sshrl.u32 s18, $0x3;
	s7 =	sadd.s32 $0x2E4600, s9  }
0x13: {  	s9 =	sadd.s32 s4, s29;
	s11 =	sadd.s32 $0x5F4A00, s11;
	s12 =	sshrl.u32 s12, $0x3  }
.LBB2_6:
0x14: {  	s21 =	sadd.s32 $0x27000, s21  }
0x15: {  	[hbm:s21], [sflag:s6] =	dma.local [spmem:s19], $0x100  }
0x16: {  	_ =	swait.ge [sflag:s13], $0x100  }
0x17: {  	[sflag:s13] =	ssyncset.done $0x0  }
0x18: {  	[sflag:s13] =	ssyncadd.s32 $0xFFFFFF00  }
.LBB2_7:
0x19: {  	s20 =	sadd.s32 $0x1, s20  }
0x1a: {  	p3 =	sne.s32 s20, s10  }
.Ltmp1:
0x1b: {  	_ = 	snop;
	(pc) =	sbr.rel @!p3 .LBB2_8-.Ltmp1, $1  }
0x1c: {  	_ =	sdelay $0x3  }
.LBB2_1:
0x1d: {  	[spmem:s12], [sflag:s6] =	dma.local [hbm:s5], $0x2800  }
0x1e: {  	_ =	swait.ge [sflag:s13], $0x2800  }
0x1f: {  	[sflag:s13] =	ssyncset.done $0x0  }
0x20: {  	[sflag:s13] =	ssyncadd.s32 $0xFFFFD800  }
0x21: {  	[tilespmem:s2], [sflag:$0x2] =	stream.linear.gather [hbm4b:s7+s2], $0x1400, $0x38;
	[tilespmem:$0x1D400] =	vst v63  }
0x22: {  	_ =	swait.ge [sflag:s13], $0x1400  }
0x23: {  	[sflag:s13] =	ssyncset.done $0x0  }
0x24: {  	[sflag:s13] =	ssyncadd.s32 $0xFFFFEC00  }
0x25: {  	s21 =	sadd.s32 $0xFFFFF800, s11;
	[bflag:$0x0] =	sbarrier.arrive $0xFFFF  }
0x26: {  	[tilespmem:s14], [sflag:$0x1] =	stream.linear.gather [hbm4b:s21+s2], $0x4000, $0x38;
	[tilespmem:$0x1D400] =	vst v63  }
0x27: {  	_ = 	snop  }
0x28: {  	[tilespmem:s15], [sflag:$0x1] =	stream.linear.gather [hbm4b:s11+s2], $0x4000, $0x38;
	[tilespmem:$0x1D400] =	vst v63  }
0x29: {  	_ =	swait.ge [sflag:s16], $0x4000  }
0x2a: {  	[sflag:s16] =	ssyncset.done $0x0  }
0x2b: {  	[sflag:s16] =	ssyncadd.s32 $0xFFFFC000  }
0x2c: {  	_ =	swait.ge [sflag:s16], $0x4000  }
0x2d: {  	[sflag:s16] =	ssyncset.done $0x0  }
0x2e: {  	s30 =	simm.s32 $0x0;
	[sflag:s16] =	ssyncadd.s32 $0xFFFFC000  }
0x2f: {  	[spmem:s1] =	stream.indirect.scatter.add.f32 [tilespmem:s14], [sflag:$0x2], $0x80, s30, s17, $0xb8;
	[tilespmem:$0x1D400] =	vst v63  }
0x30: {  	_ =	swait.ge [sflag:s13], $0x4000  }
0x31: {  	[sflag:s13] =	ssyncset.done $0x0  }
0x32: {  	s31 =	simm.s32 $0x80;
	[sflag:s13] =	ssyncadd.s32 $0xFFFFC000  }
0x33: {  	[spmem:s1] =	stream.indirect.scatter.add.f32 [tilespmem:s15], [sflag:$0x2], $0x80, s31, s17, $0xb8;
	[tilespmem:$0x1D400] =	vst v63  }
0x34: {  	s23 =	simm.s32 $0x800;
	_ =	swait.ge [sflag:s13], $0x4000  }
0x35: {  	s22 =	sadd.s32 $0x1000, s11;
	s21 =	simm.s32 $0x400;
	[sflag:s13] =	ssyncset.done $0x0  }
.LBB2_2:
0x36: {  	p3 =	sne.s32 s23, $0x4C00;
	s24 =	sadd.s32 $0xFFFFF800, s22;
	[sflag:s13] =	ssyncadd.s32 $0xFFFFC000  }
0x37: {  	[tilespmem:s14], [sflag:$0x1] =	stream.linear.gather [hbm4b:s24+s2], $0x4000, $0x38;
	[tilespmem:$0x1D400] =	vst v63  }
0x38: {  	s24 =	smov.u32 s23;
	s23 =	sadd.s32 $0x400, s23  }
0x39: {  	[tilespmem:s15], [sflag:$0x1] =	stream.linear.gather [hbm4b:s22+s2], $0x4000, $0x38;
	[tilespmem:$0x1D400] =	vst v63  }
0x3a: {  	_ =	swait.ge [sflag:s16], $0x4000  }
0x3b: {  	[sflag:s16] =	ssyncset.done $0x0  }
0x3c: {  	[sflag:s16] =	ssyncadd.s32 $0xFFFFC000  }
0x3d: {  	_ =	swait.ge [sflag:s16], $0x4000  }
0x3e: {  	[sflag:s16] =	ssyncset.done $0x0  }
0x3f: {  	s25 =	sshra.s32 s21, $0x2;
	s21 =	smov.u32 s24;
	[sflag:s16] =	ssyncadd.s32 $0xFFFFC000  }
0x40: {  	[spmem:s1] =	stream.indirect.scatter.add.f32 [tilespmem:s14], [sflag:$0x2], $0x80, s25, s17, $0xb8;
	[tilespmem:$0x1D400] =	vst v63  }
0x41: {  	_ =	swait.ge [sflag:s13], $0x4000  }
.Ltmp2:
0x42: {  	[sflag:s13] =	ssyncset.done $0x0;
	(pc) =	sbr.rel @p3 .LBB2_2-.Ltmp2, $4  }
0x43: {  	s24 =	sadd.s32 $0x80, s25;
	[sflag:s13] =	ssyncadd.s32 $0xFFFFC000  }
0x44: {  	[spmem:s1] =	stream.indirect.scatter.add.f32 [tilespmem:s15], [sflag:$0x2], $0x80, s24, s17, $0xb8;
	[tilespmem:$0x1D400] =	vst v63  }
0x45: {  	_ =	swait.ge [sflag:s13], $0x4000  }
0x46: {  	s22 =	sadd.s32 $0x1000, s22;
	[sflag:s13] =	ssyncset.done $0x0  }
0x47: {  	s23 =	sadd.s32 $0xFFFFF800, s22;
	[sflag:s13] =	ssyncadd.s32 $0xFFFFC000  }
0x48: {  	[tilespmem:s14], [sflag:$0x1] =	stream.linear.gather [hbm4b:s23+s2], $0x4000, $0x38;
	[tilespmem:$0x1D400] =	vst v63  }
0x49: {  	_ = 	snop  }
0x4a: {  	[tilespmem:s15], [sflag:$0x1] =	stream.linear.gather [hbm4b:s22+s2], $0x4000, $0x38;
	[tilespmem:$0x1D400] =	vst v63  }
0x4b: {  	_ =	swait.ge [sflag:s16], $0x4000  }
0x4c: {  	[sflag:s16] =	ssyncset.done $0x0  }
0x4d: {  	[sflag:s16] =	ssyncadd.s32 $0xFFFFC000  }
0x4e: {  	_ =	swait.ge [sflag:s16], $0x4000  }
0x4f: {  	[sflag:s16] =	ssyncset.done $0x0  }
0x50: {  	s21 =	sshra.s32 s21, $0x2;
	[sflag:s16] =	ssyncadd.s32 $0xFFFFC000  }
0x51: {  	[spmem:s1] =	stream.indirect.scatter.add.f32 [tilespmem:s14], [sflag:$0x2], $0x80, s21, s17, $0xb8;
	[tilespmem:$0x1D400] =	vst v63  }
0x52: {  	_ =	swait.ge [sflag:s13], $0x4000  }
0x53: {  	[sflag:s13] =	ssyncset.done $0x0  }
0x54: {  	s21 =	sadd.s32 $0x80, s21;
	[sflag:s13] =	ssyncadd.s32 $0xFFFFC000  }
0x55: {  	[spmem:s1] =	stream.indirect.scatter.add.f32 [tilespmem:s15], [sflag:$0x2], $0x80, s21, s17, $0xb8;
	[tilespmem:$0x1D400] =	vst v63  }
.Ltmp3:
0x56: {  	_ =	swait.ge [sflag:s13], $0x4000;
	(pc) =	sbr.rel @!p0 .LBB2_4-.Ltmp3, $3  }
0x57: {  	[sflag:s13] =	ssyncset.done $0x0  }
0x58: {  	[sflag:s13] =	ssyncadd.s32 $0xFFFFC000  }
0x59: {  	[bflag:$0x0] =	sbarrier.arrive $0xFFFF;
	_ =	sdelay $0x1  }
0x5a: {  	[hbm:s9], [sflag:s6] =	dma.local [spmem:s18], $0x2700  }
.Ltmp4:
0x5b: {  	_ = 	snop;
	(pc) =	sbr.rel @p1 .LBB2_7-.Ltmp4, $4  }
.Ltmp5:
0x5c: {  	_ = 	snop;
	(pc) =	sbr.rel @!p1 .LBB2_6-.Ltmp5, $4  }
0x5d: {  	_ =	swait.ge [sflag:s13], $0x2700  }
0x5e: {  	[sflag:s13] =	ssyncset.done $0x0  }
0x5f: {  	s21 =	smov.u32 s4;
	[sflag:s13] =	ssyncadd.s32 $0xFFFFD900  }
0x60: {  	_ = 	snop  }
.LBB2_4:
0x61: {  	[hbm:s8], [sflag:s6] =	dma.local [spmem:s18], $0x2700  }
.Ltmp6:
0x62: {  	_ = 	snop;
	(pc) =	sbr.rel @!p2 .LBB2_7-.Ltmp6, $4  }
.Ltmp7:
0x63: {  	_ = 	snop;
	(pc) =	sbr.rel @p2 .LBB2_6-.Ltmp7, $4  }
0x64: {  	_ =	swait.ge [sflag:s13], $0x2700  }
0x65: {  	[sflag:s13] =	ssyncset.done $0x0  }
0x66: {  	s21 =	smov.u32 s3;
	[sflag:s13] =	ssyncadd.s32 $0xFFFFD900  }
0x67: {  	_ = 	snop  }
.LBB2_8:
0x68: {  	_ =	sfence.sel $0x180000  }
0x69: {  	[bflag:$0x0] =	sbarrier.arrive $0xFFFF  }
0x6a: {  	_ =	strace $0x9000005F  }
0x6b: {  	s0 =	sadd.s32 @!p1 $0x100000, s0;
	[bflag:$0x2] =	sbarrier.arrive $0xFFFF  }
0x6c: {  	[sflag:s0] =	ssyncadd.tile.s32 @!p1 $0x1;
	_ =	shalt  }
.Lfunc_end2:
_tile_overlayer_lowered:
.L_overlay_start_2:
0x6d: {  	(tag) =	ssettag $0x2  }
0x6e: {  	s0 =	rddreg [dreg:$0x0];
	s2 =	stileid.u32  }
0x6f: {  	s1 =	rddreg [dreg:$0x1];
	p0 =	sne.s32 s2, $0x0  }
0x70: {  	s3 =	rddreg [dreg:$0x2];
	[bflag:$0x3] =	sbarrier.arrive $0xFFFF;
	s2 =	simm.s32 @!p0 $0x1C02  }
0x71: {  	[timem:s3], [sflag:s2] =	dma.local @!p0 [hbm:s0], s1  }
0x72: {  	s0 =	simm.s32 @!p0 $0x2  }
0x73: {  	_ =	swait.ge @!p0 [sflag:s0], s1  }
0x74: {  	s1 =	ssub.s32 @!p0 $0x0, s1;
	[sflag:s0] =	ssyncset.done @!p0 $0x0  }
0x75: {  	[sflag:s0] =	ssyncadd.s32 @!p0 s1  }
0x76: {  	[bflag:$0x3] =	sbarrier.arrive $0xFFFF  }
0x77: {  	_ =	shalt  }

// kernel: kernel.52.cloned.1.call-start
scs
__scs_entry_jumppad:
0x0: {  	(pc) =	sbr.rel $0x88, $3  }
0x1: {  	(tag) =	ssettag $0x0;
	lr =	simm.s32 $0x1  }
0x2: {  	[smem:$0x3F58] =	sst lr;
	_ =	strace $0xD0000000  }
0x3: {  	_ = 	snop  }
0x4: {  	_ = 	snop  }
0x5: {  	_ = 	snop  }
0x6: {  	_ = 	snop  }
0x7: {  	_ = 	snop  }
__scs_overlays_trampoline_lowered:
0x8: {  	[smem:$0x3F67] =	sst s0  }
0x9: {  	[smem:$0x3F68] =	sst s1  }
0xa: {  	[smem:$0x3F69] =	sst s2  }
0xb: {  	[smem:$0x3F6A] =	sst s3  }
0xc: {  	[smem:$0x3F6B] =	sst s4  }
0xd: {  	[smem:$0x3F6C] =	sst s5  }
0xe: {  	[smem:$0x3F6D] =	sst s6  }
0xf: {  	[smem:$0x3F6E] =	sst s7  }
0x10: {  	[smem:$0x3F6F] =	sst s8  }
0x11: {  	[smem:$0x3F70] =	sst s9;
	s0 =	simm.s32 @!p0 $0x0  }
0x12: {  	s1 =	sld [smem:$0x3F56];
	s0 =	simm.s32 @p0 $0x1  }
0x13: {  	[smem:$0x3F71] =	sst s0;
	s0 =	simm.s32 @!p1 $0x0  }
0x14: {  	s2 =	sld [smem:$0x3F55];
	s0 =	simm.s32 @p1 $0x1  }
0x15: {  	[smem:$0x3F72] =	sst s0;
	s0 =	simm.s32 @!p2 $0x0  }
0x16: {  	s3 =	sld [smem:$0x3FDB];
	s0 =	simm.s32 @p2 $0x1  }
0x17: {  	s4 =	simm.s32 $0x1BF5;
	[smem:$0x3F74] =	sst s0  }
0x18: {  	s0 =	sld [smem:$0x3F57];
	_ =	swait.ge [sflag:s4], $0x0  }
0x19: {  	s7 =	sld [smem:$0x3F58]  }
0x1a: {  	s8 =	sadd.s32 $0xFFFFE003, lr  }
0x1b: {  	s9 =	sadd.s32 $0xFFFFFEF7, lr;
	s5 =	simm.s32 $0xFFFFFFFF;
	p2 =	slt.u32 s8, $0xFFFFF086  }
0x1c: {  	p1 =	slt.u32 s9, $0xF7A;
	s5 =	simm.s32 @!p2 $0x0  }
0x1d: {  	s5 =	simm.s32 @p1 $0x1;
	p0 =	seq.s32 s7, s2  }
0x1e: {  	s7 =	smul.u32 @!p0 $0xF7A, s2;
	p2 =	seq.s32 @!p0 s5, $0x0  }
0x1f: {  	s9 =	smul.u32 $0xF7A, s1;
	s8 =	simm.s32 @!p0 $0x1BF5;
	p2 =	por !p2, p0  }
0x20: {  	[sflag:s8] =	ssyncset.s32 @!p0 $0xFFFFF086;
	s6 =	sadd.s32 @!p0 s3, s7;
	s7 =	simm.s32 @!p0 $0x108  }
0x21: {  	s3 =	sadd.s32 s3, s9;
	s6 =	sadd.s32 @!p0 $0x88, s6;
	s7 =	simm.s32 @p2 $0x1082  }
0x22: {  	[simem:s7], [sflag:s8] =	dma.local @!p0 [hbm:s6], $0xF7A  }
0x23: {  	s9 =	sor.u32 $0xD0000000, s2;
	s6 =	simm.s32 $0x108;
	_ =	swait.ge @!p0 [sflag:s8], $0x0  }
0x24: {  	s3 =	sadd.s32 $0x88, s3;
	s6 =	simm.s32 @!p1 $0x1082;
	[sflag:s4] =	ssyncset.s32 $0xFFFFF086  }
0x25: {  	[simem:s6], [sflag:s4] =	dma.local [hbm:s3], $0xF7A  }
0x26: {  	[smem:$0x3F58] =	sst s1;
	(tag) =	ssettag s2;
	_ =	strace s9  }
0x27: {  	s1 =	sld [smem:$0x3F68]  }
0x28: {  	s2 =	sld [smem:$0x3F69]  }
0x29: {  	s4 =	sld [smem:$0x3F6B]  }
0x2a: {  	p0 =	seq.s32 s5, $0x0;
	s5 =	sld [smem:$0x3F6C]  }
0x2b: {  	s6 =	sld [smem:$0x3F6D]  }
0x2c: {  	s7 =	sld [smem:$0x3F6E]  }
0x2d: {  	s3 =	simm.s32 $0x108;
	s8 =	sld [smem:$0x3F6F]  }
0x2e: {  	s3 =	simm.s32 @!p0 $0x1082;
	s9 =	sld [smem:$0x3F70]  }
0x2f: {  	lr =	sadd.s32 s0, s3;
	s0 =	sld [smem:$0x3F67]  }
0x30: {  	s3 =	sld [smem:$0x3F6A]  }
0x31: {  	[smem:$0x3F73] =	sst s10  }
0x32: {  	s10 =	sld [smem:$0x3F71];
	_ =	sdelay $0x3  }
0x33: {  	p0 =	seq.s32 s10, $0x1;
	s10 =	sld [smem:$0x3F73];
	_ =	sdelay $0x3  }
0x34: {  	[smem:$0x3F73] =	sst s10  }
0x35: {  	s10 =	sld [smem:$0x3F72];
	_ =	sdelay $0x3  }
0x36: {  	p1 =	seq.s32 s10, $0x1;
	s10 =	sld [smem:$0x3F73];
	_ =	sdelay $0x3  }
0x37: {  	[smem:$0x3F73] =	sst s10  }
0x38: {  	s10 =	sld [smem:$0x3F74]  }
0x39: {  	_ = 	snop;
	(pc) =	sbr.ind lr, $3  }
0x3a: {  	_ = 	snop  }
0x3b: {  	_ = 	snop  }
0x3c: {  	p2 =	seq.s32 s10, $0x1;
	s10 =	sld [smem:$0x3F73]  }
0x3d: {  	_ =	shalt  }
0x3e: {  	_ =	shalt  }
0x3f: {  	_ =	shalt  }
0x40: {  	_ =	shalt  }
0x41: {  	_ =	shalt  }
0x42: {  	_ =	shalt  }
0x43: {  	_ =	shalt  }
0x44: {  	_ =	shalt  }
0x45: {  	_ =	shalt  }
0x46: {  	_ =	shalt  }
0x47: {  	_ =	shalt  }
0x48: {  	_ =	shalt  }
0x49: {  	_ =	shalt  }
0x4a: {  	_ =	shalt  }
0x4b: {  	_ =	shalt  }
0x4c: {  	_ =	shalt  }
0x4d: {  	_ =	shalt  }
0x4e: {  	_ =	shalt  }
0x4f: {  	_ =	shalt  }
0x50: {  	_ =	shalt  }
0x51: {  	_ =	shalt  }
0x52: {  	_ =	shalt  }
0x53: {  	_ =	shalt  }
0x54: {  	_ =	shalt  }
0x55: {  	_ =	shalt  }
0x56: {  	_ =	shalt  }
0x57: {  	_ =	shalt  }
0x58: {  	_ =	shalt  }
0x59: {  	_ =	shalt  }
0x5a: {  	_ =	shalt  }
0x5b: {  	_ =	shalt  }
0x5c: {  	_ =	shalt  }
0x5d: {  	_ =	shalt  }
0x5e: {  	_ =	shalt  }
0x5f: {  	_ =	shalt  }
0x60: {  	_ =	shalt  }
0x61: {  	_ =	shalt  }
0x62: {  	_ =	shalt  }
0x63: {  	_ =	shalt  }
0x64: {  	_ =	shalt  }
0x65: {  	_ =	shalt  }
0x66: {  	_ =	shalt  }
0x67: {  	_ =	shalt  }
0x68: {  	_ =	shalt  }
0x69: {  	_ =	shalt  }
0x6a: {  	_ =	shalt  }
0x6b: {  	_ =	shalt  }
0x6c: {  	_ =	shalt  }
0x6d: {  	_ =	shalt  }
0x6e: {  	_ =	shalt  }
0x6f: {  	_ =	shalt  }
0x70: {  	_ =	shalt  }
0x71: {  	_ =	shalt  }
0x72: {  	_ =	shalt  }
0x73: {  	_ =	shalt  }
0x74: {  	_ =	shalt  }
0x75: {  	_ =	shalt  }
0x76: {  	_ =	shalt  }
0x77: {  	_ =	shalt  }
0x78: {  	_ =	shalt  }
0x79: {  	_ =	shalt  }
0x7a: {  	_ =	shalt  }
0x7b: {  	_ =	shalt  }
0x7c: {  	_ =	shalt  }
0x7d: {  	_ =	shalt  }
0x7e: {  	_ =	shalt  }
0x7f: {  	_ =	shalt  }
0x80: {  	_ =	shalt  }
0x81: {  	_ =	shalt  }
0x82: {  	_ =	shalt  }
0x83: {  	_ =	shalt  }
0x84: {  	_ =	shalt  }
0x85: {  	_ =	shalt  }
0x86: {  	_ =	shalt  }
0x87: {  	_ =	shalt  }
.Lfunc_end0:
.L_simem_size_0:
called_computation.9_lowered:
.L_overlay_start_0:
0x88: {  	s2 =	sld [smem:$0x3FD9]  }
0x89: {  	s3 =	sld [smem:$0x3FFE];
	_ =	sdelay $0x1  }
0x8a: {  	s1 =	srdreg.scid  }
0x8b: {  	s0 =	sand.u32 $0x1, s1  }
0x8c: {  	s16 =	sshll.u32 s0, $0xA;
	s2 =	sadd.s32 s3, s2  }
0x8d: {  	s2 =	sadd.s32 s2, s16  }
0x8e: {  	[smem:$0x3F7F] =	sst s2  }
0x8f: {  	_ = 	snop  }
0x90: {  	(tm) =	ssettm $0x1  }
0x91: {  	s17 =	sld [smem:$0x3FFB];
	_ =	sdelay $0x3  }
0x92: {  	_ =	strace s17  }
0x93: {  	s2 =	sld [smem:$0x3FFC];
	_ =	sdelay $0x3  }
0x94: {  	_ =	strace s2  }
0x95: {  	s2 =	sld [smem:$0x3FFD];
	_ =	sdelay $0x3  }
0x96: {  	_ =	strace s2  }
0x97: {  	_ =	strace $0x8FFFFFFF  }
0x98: {  	s18 =	sld [smem:$0x3FDB];
	_ =	sdelay $0x1  }
0x99: {  	s19 =	simm.s32 $_scs_section_size  }
0x9a: {  	s4 =	simm.s32 $_size__tile_overlayer_lowered;
	s5 =	simm.s32 $_tile_overlayer_lowered  }
0x9b: {  	s22 =	simm.s32 $0x1BFF;
	s21 =	sshll.u32 s5, $0x1;
	s2 =	sadd.s32 s19, s18  }
0x9c: {  	s6 =	simm.s32 $0x0;
	s20 =	sshll.u32 s4, $0x1;
	s4 =	sadd.s32 s21, s2  }
0x9d: {  	[timem:s6], [sflag:s22] =	dma.local [hbm:s4], s20  }
0x9e: {  	_ =	swait.ge [sflag:s22], s20  }
0x9f: {  	s3 =	ssub.s32 $0x0, s20;
	[sflag:s22] =	ssyncset.done $0x0  }
0xa0: {  	[sflag:s22] =	ssyncadd.s32 s3;
	_ =	sdelay $0x1  }
0xa1: {  	s23 =	simm.s32 $0x1B8B  }
0xa2: {  	_ =	swait.ge [sflag:s23], $0x1  }
0xa3: {  	[sflag:s23] =	ssyncset.done $0x0  }
0xa4: {  	s25 =	simm.s32 $0x1B8E;
	s24 =	sld [smem:$0x3FFE];
	[sflag:s23] =	ssyncadd.s32 $0xFFFFFFFF  }
0xa5: {  	s26 =	simm.s32 $execute0_lowered;
	[smem:$0x3FD2] =	sst s25  }
0xa6: {  	s4 =	sshll.u32 s26, $0x1;
	_ =	strace $0x80000061;
	[dreg:$0x1] =	wrdreg $0xFFFFFFFF  }
0xa7: {  	s28 =	simm.s32 $_size_execute0_lowered;
	s2 =	sadd.s32 s2, s4;
	[dreg:$0x0] =	wrdreg $0x0  }
0xa8: {  	s4 =	sshll.u32 s28, $0x1;
	[dreg:$0x2] =	wrdreg s2  }
0xa9: {  	[dreg:$0x3] =	wrdreg s4  }
0xaa: {  	[dreg:$0x4] =	wrdreg $0xC0  }
0xab: {  	_ =	task [dreg:s6], $0x5FFFF  }
0xac: {  	[dreg:$0x1] =	wrdreg $0xFFFFFFFF  }
0xad: {  	[dreg:$0x0] =	wrdreg $0x60  }
0xae: {  	[dreg:$0x2] =	wrdreg s24  }
0xaf: {  	[dreg:$0x3] =	wrdreg $0x94000  }
0xb0: {  	[dreg:$0x4] =	wrdreg $0x9  }
0xb1: {  	_ =	task.clear_ibuf [dreg:s6], $0x5FFFF;
	_ =	strace $0x90000061  }
0xb2: {  	s29 =	simm.s32 $0x9;
	_ =	strace $0x80000063  }
0xb3: {  	_ =	swait.ge [sflag:s29], $0x1  }
0xb4: {  	[sflag:s29] =	ssyncadd.s32 $0xFFFFFFFF  }
0xb5: {  	_ =	strace $0x90000063  }
0xb6: {  	_ =	sfence  }
0xb7: {  	s30 =	sld [smem:$0x0];
	_ =	sdelay $0x2  }
0xb8: {  	s31 =	sshll.u32 s1, $0xD;
	s1 =	sshrl.u32 s1, $0x2  }
0xb9: {  	s3 =	sand.u32 $0x4000, s31;
	s1 =	sadd.s32 s1, s30  }
0xba: {  	s0 =	sor.u32 s3, s0;
	s1 =	sshll.u32 s1, $0x11  }
0xbb: {  	s0 =	sor.u32 s1, s0  }
0xbc: {  	s0 =	sadd.s32 $0x8F2B, s0  }
0xbd: {  	[sflag:s0] =	ssyncadd.remote.s32 $0x1  }
0xbe: {  	_ =	sfence.sel $0xFFFF  }
0xbf: {  	[dreg:$0x0] =	wrdreg $0xFFFFFFFF;
	(pc) =	sbr.abs _section_cstart, $3  }
0xc0: {  	[dreg:$0x1] =	wrdreg $0xFFFFFFFF  }
0xc1: {  	_ =	task.clear_ibuf [dreg:s6], $0x2FFFF;
	_ =	strace $0x9FFFFFFF  }
0xc2: {  	(tm) =	ssettm $0x7FFFFFFF  }
0xc3: {  	_ =	shalt  }
tec
execute0_lowered:
.L_overlay_start_1:
0x0: {  	(tag) =	ssettag $0x1  }
0x1: {  	s4 =	rddreg [dreg:$0x0]  }
0x2: {  	s0 =	srdreg.scid;
	s9 =	stileid.u32  }
0x3: {  	s1 =	rddreg [dreg:$0x1];
	s2 =	simm.s32 $0x0;
	s13 =	simm.s32 $0x5400  }
0x4: {  	s14 =	simm.s32 $0x1;
	s15 =	simm.s32 $0x2;
	s16 =	simm.s32 $0x3  }
0x5: {  	s17 =	simm.s32 $0x0;
	s5 =	sand.u32 $0x1, s0;
	s0 =	rddreg [dreg:$0x2]  }
0x6: {  	s3 =	sshll.u32 s9, $0x1;
	[smem:$0x7FF] =	sst s2;
	s10 =	smul.u32 $0x28000, s9  }
0x7: {  	s11 =	sadd.s32 $0x374200, s4;
	p0 =	sne.s32 s9, $0x0;
	s6 =	sor.u32 s5, s3  }
0x8: {  	_ =	strace $0x80000062;
	s3 =	sadd.s32 $0x16200, s4;
	s12 =	smul.u32 $0x14000, s5  }
0x9: {  	s8 =	ssub.s32 $0x2, s5;
	s9 =	sshrl.u32 @!p0 s1, $0x3;
	s7 =	smul.u32 $0x1400, s6  }
0xa: {  	s6 =	smul.u32 $0x14000, s6;
	s28 =	sshrl.u32 s8, $0x1;
	s30 =	sadd.s32 s10, s11  }
0xb: {  	s10 =	simm.s32 $0x4;
	s29 =	ssub.s32 s8, s28;
	s31 =	sadd.s32 s12, s30  }
0xc: {  	s12 =	simm.s32 $0x1400;
	s7 =	sshrl.u32 s7, $0x3;
	s5 =	smax.u32 s29, $0x1  }
0xd: {  	s6 =	sadd.s32 s11, s6;
	s8 =	sadd.s32 $0x1800, s31;
	s7 =	sadd.s32 s7, s4  }
0xe: {  	s11 =	simm.s32 $0x80;
	s4 =	sadd.s32 $0x11200, s7;
	s7 =	sadd.s32 $0x800, s6  }
.LBB2_1:
0xf: {  	s18 =	simm.s32 @!p0 $0x1C04  }
0x10: {  	[spmem:s9], [sflag:s18] =	dma.local @!p0 [hbm:s3], $0x27100  }
0x11: {  	s18 =	simm.s32 @!p0 $0x4  }
0x12: {  	_ =	swait.ge @!p0 [sflag:s18], $0x27100  }
0x13: {  	[sflag:s18] =	ssyncset.done @!p0 $0x0  }
0x14: {  	[sflag:s18] =	ssyncadd.s32 @!p0 $0xFFFD8F00  }
0x15: {  	[tilespmem:s2], [sflag:$0x4] =	stream.linear.gather [hbm4b:s4+s2], $0x1400, $0x38;
	[tilespmem:$0x1CC80] =	vst v63  }
0x16: {  	_ =	swait.ge [sflag:s10], $0x1400  }
0x17: {  	[sflag:s10] =	ssyncset.done $0x0  }
0x18: {  	[sflag:s10] =	ssyncadd.s32 $0xFFFFEC00  }
0x19: {  	[bflag:$0x0] =	sbarrier.arrive $0xFFFF  }
0x1a: {  	[tilespmem:s12], [sflag:$0x1] =	stream.indirect.gather [spmem:s1], $0x80, s2, s11, $0xb8;
	[tilespmem:$0x1CC80] =	vst v63  }
0x1b: {  	_ = 	snop  }
0x1c: {  	[tilespmem:s13], [sflag:$0x1] =	stream.indirect.gather [spmem:s1], $0x80, s11, s11, $0xb8;
	[tilespmem:$0x1CC80] =	vst v63  }
0x1d: {  	_ =	swait.ge [sflag:s14], $0x4000  }
0x1e: {  	[sflag:s14] =	ssyncset.done $0x0  }
0x1f: {  	[sflag:s14] =	ssyncadd.s32 $0xFFFFC000  }
0x20: {  	_ =	swait.ge [sflag:s14], $0x4000  }
0x21: {  	[sflag:s14] =	ssyncset.done $0x0  }
0x22: {  	[sflag:s14] =	ssyncadd.s32 $0xFFFFC000  }
0x23: {  	[hbm4b:s6+s2] =	stream.linear.scatter [tilespmem:s12], [sflag:$0x2], $0x4000, $0x38;
	[tilespmem:$0x1CC80] =	vst v63  }
0x24: {  	_ = 	snop  }
0x25: {  	[hbm4b:s7+s2] =	stream.linear.scatter [tilespmem:s13], [sflag:$0x3], $0x4000, $0x38;
	[tilespmem:$0x1CC80] =	vst v63  }
0x26: {  	_ =	swait.ge [sflag:s15], $0x4000  }
0x27: {  	[sflag:s15] =	ssyncset.done $0x0  }
0x28: {  	[sflag:s15] =	ssyncadd.s32 $0xFFFFC000  }
0x29: {  	_ =	swait.ge [sflag:s16], $0x4000  }
0x2a: {  	[sflag:s16] =	ssyncset.done $0x0  }
0x2b: {  	s29 =	simm.s32 $0x100;
	[sflag:s16] =	ssyncadd.s32 $0xFFFFC000  }
0x2c: {  	[tilespmem:s12], [sflag:$0x1] =	stream.indirect.gather [spmem:s1], $0x80, s29, s11, $0xb8;
	[tilespmem:$0x1CC80] =	vst v63  }
0x2d: {  	s30 =	simm.s32 $0x180  }
0x2e: {  	[tilespmem:s13], [sflag:$0x1] =	stream.indirect.gather [spmem:s1], $0x80, s30, s11, $0xb8;
	[tilespmem:$0x1CC80] =	vst v63  }
0x2f: {  	_ =	swait.ge [sflag:s14], $0x4000  }
0x30: {  	[sflag:s14] =	ssyncset.done $0x0  }
0x31: {  	[sflag:s14] =	ssyncadd.s32 $0xFFFFC000  }
0x32: {  	_ =	swait.ge [sflag:s14], $0x4000  }
0x33: {  	s31 =	sadd.s32 $0xFFFFF800, s8;
	s19 =	sadd.s32 $0x1000, s8;
	[sflag:s14] =	ssyncset.done $0x0  }
0x34: {  	s20 =	smov.u32 s8;
	s18 =	simm.s32 $0x400;
	[sflag:s14] =	ssyncadd.s32 $0xFFFFC000  }
0x35: {  	[hbm4b:s31+s2] =	stream.linear.scatter [tilespmem:s12], [sflag:$0x2], $0x4000, $0x38;
	[tilespmem:$0x1CC80] =	vst v63  }
.LBB2_2:
0x36: {  	[hbm4b:s20+s2] =	stream.linear.scatter [tilespmem:s13], [sflag:$0x3], $0x4000, $0x38;
	[tilespmem:$0x1CC80] =	vst v63  }
0x37: {  	s21 =	smov.u32 s18;
	s20 =	smov.u32 s19  }
0x38: {  	p1 =	sne.s32 s18, $0x4800;
	s18 =	sadd.s32 $0x400, s18;
	_ =	swait.ge [sflag:s15], $0x4000  }
0x39: {  	[sflag:s15] =	ssyncset.done $0x0  }
0x3a: {  	[sflag:s15] =	ssyncadd.s32 $0xFFFFC000  }
0x3b: {  	_ =	swait.ge [sflag:s16], $0x4000  }
0x3c: {  	s21 =	sshra.s32 s21, $0x2;
	[sflag:s16] =	ssyncset.done $0x0  }
0x3d: {  	s22 =	sadd.s32 $0x100, s21;
	[sflag:s16] =	ssyncadd.s32 $0xFFFFC000  }
0x3e: {  	[tilespmem:s12], [sflag:$0x1] =	stream.indirect.gather [spmem:s1], $0x80, s22, s11, $0xb8;
	[tilespmem:$0x1CC80] =	vst v63  }
0x3f: {  	s21 =	sadd.s32 $0x180, s21  }
0x40: {  	[tilespmem:s13], [sflag:$0x1] =	stream.indirect.gather [spmem:s1], $0x80, s21, s11, $0xb8;
	[tilespmem:$0x1CC80] =	vst v63  }
0x41: {  	_ =	swait.ge [sflag:s14], $0x4000  }
0x42: {  	[sflag:s14] =	ssyncset.done $0x0  }
0x43: {  	[sflag:s14] =	ssyncadd.s32 $0xFFFFC000  }
.Ltmp0:
0x44: {  	_ =	swait.ge [sflag:s14], $0x4000;
	(pc) =	sbr.rel @p1 .LBB2_2-.Ltmp0, $4  }
0x45: {  	[sflag:s14] =	ssyncset.done $0x0  }
0x46: {  	s21 =	sadd.s32 $0xFFFFF800, s19;
	[sflag:s14] =	ssyncadd.s32 $0xFFFFC000  }
0x47: {  	[hbm4b:s21+s2] =	stream.linear.scatter [tilespmem:s12], [sflag:$0x2], $0x4000, $0x38;
	[tilespmem:$0x1CC80] =	vst v63  }
0x48: {  	s19 =	sadd.s32 $0x1000, s19  }
0x49: {  	[hbm4b:s20+s2] =	stream.linear.scatter [tilespmem:s13], [sflag:$0x3], $0x4000, $0x38;
	[tilespmem:$0x1CC80] =	vst v63  }
0x4a: {  	s17 =	sadd.s32 $0x1, s17  }
0x4b: {  	_ =	swait.ge [sflag:s15], $0x4000;
	p1 =	sne.s32 s17, s5  }
.Ltmp1:
0x4c: {  	[sflag:s15] =	ssyncset.done $0x0;
	(pc) =	sbr.rel @p1 .LBB2_1-.Ltmp1, $4  }
0x4d: {  	[sflag:s15] =	ssyncadd.s32 $0xFFFFC000  }
0x4e: {  	_ =	swait.ge [sflag:s16], $0x4000  }
0x4f: {  	[sflag:s16] =	ssyncset.done $0x0  }
0x50: {  	[sflag:s16] =	ssyncadd.s32 $0xFFFFC000  }
0x51: {  	_ =	sfence.sel $0x180000  }
0x52: {  	[bflag:$0x0] =	sbarrier.arrive $0xFFFF  }
0x53: {  	_ =	strace $0x90000062  }
0x54: {  	s0 =	sadd.s32 @!p0 $0x100000, s0;
	[bflag:$0x2] =	sbarrier.arrive $0xFFFF  }
0x55: {  	[sflag:s0] =	ssyncadd.tile.s32 @!p0 $0x1;
	_ =	shalt  }
.Lfunc_end2:
_tile_overlayer_lowered:
.L_overlay_start_2:
0x56: {  	(tag) =	ssettag $0x2  }
0x57: {  	s0 =	rddreg [dreg:$0x0];
	s2 =	stileid.u32  }
0x58: {  	s1 =	rddreg [dreg:$0x1];
	p0 =	sne.s32 s2, $0x0  }
0x59: {  	s3 =	rddreg [dreg:$0x2];
	[bflag:$0x3] =	sbarrier.arrive $0xFFFF;
	s2 =	simm.s32 @!p0 $0x1C04  }
0x5a: {  	[timem:s3], [sflag:s2] =	dma.local @!p0 [hbm:s0], s1  }
0x5b: {  	s0 =	simm.s32 @!p0 $0x4  }
0x5c: {  	_ =	swait.ge @!p0 [sflag:s0], s1  }
0x5d: {  	s1 =	ssub.s32 @!p0 $0x0, s1;
	[sflag:s0] =	ssyncset.done @!p0 $0x0  }
0x5e: {  	[sflag:s0] =	ssyncadd.s32 @!p0 s1  }
0x5f: {  	[bflag:$0x3] =	sbarrier.arrive $0xFFFF  }
0x60: {  	_ =	shalt  }

// kernel: kernel.55.cloned.1.call-start
scs
__scs_entry_jumppad:
0x0: {  	(pc) =	sbr.rel $0x88, $3  }
0x1: {  	(tag) =	ssettag $0x0;
	lr =	simm.s32 $0x1  }
0x2: {  	[smem:$0x3F58] =	sst lr;
	_ =	strace $0xD0000000  }
0x3: {  	_ = 	snop  }
0x4: {  	_ = 	snop  }
0x5: {  	_ = 	snop  }
0x6: {  	_ = 	snop  }
0x7: {  	_ = 	snop  }
__scs_overlays_trampoline_lowered:
0x8: {  	[smem:$0x3F67] =	sst s0  }
0x9: {  	[smem:$0x3F68] =	sst s1  }
0xa: {  	[smem:$0x3F69] =	sst s2  }
0xb: {  	[smem:$0x3F6A] =	sst s3  }
0xc: {  	[smem:$0x3F6B] =	sst s4  }
0xd: {  	[smem:$0x3F6C] =	sst s5  }
0xe: {  	[smem:$0x3F6D] =	sst s6  }
0xf: {  	[smem:$0x3F6E] =	sst s7  }
0x10: {  	[smem:$0x3F6F] =	sst s8  }
0x11: {  	[smem:$0x3F70] =	sst s9;
	s0 =	simm.s32 @!p0 $0x0  }
0x12: {  	s1 =	sld [smem:$0x3F56];
	s0 =	simm.s32 @p0 $0x1  }
0x13: {  	[smem:$0x3F71] =	sst s0;
	s0 =	simm.s32 @!p1 $0x0  }
0x14: {  	s2 =	sld [smem:$0x3F55];
	s0 =	simm.s32 @p1 $0x1  }
0x15: {  	[smem:$0x3F72] =	sst s0;
	s0 =	simm.s32 @!p2 $0x0  }
0x16: {  	s3 =	sld [smem:$0x3FDB];
	s0 =	simm.s32 @p2 $0x1  }
0x17: {  	s4 =	simm.s32 $0x1BF5;
	[smem:$0x3F74] =	sst s0  }
0x18: {  	s0 =	sld [smem:$0x3F57];
	_ =	swait.ge [sflag:s4], $0x0  }
0x19: {  	s7 =	sld [smem:$0x3F58]  }
0x1a: {  	s8 =	sadd.s32 $0xFFFFE003, lr  }
0x1b: {  	s9 =	sadd.s32 $0xFFFFFEF7, lr;
	s5 =	simm.s32 $0xFFFFFFFF;
	p2 =	slt.u32 s8, $0xFFFFF086  }
0x1c: {  	p1 =	slt.u32 s9, $0xF7A;
	s5 =	simm.s32 @!p2 $0x0  }
0x1d: {  	s5 =	simm.s32 @p1 $0x1;
	p0 =	seq.s32 s7, s2  }
0x1e: {  	s7 =	smul.u32 @!p0 $0xF7A, s2;
	p2 =	seq.s32 @!p0 s5, $0x0  }
0x1f: {  	s9 =	smul.u32 $0xF7A, s1;
	s8 =	simm.s32 @!p0 $0x1BF5;
	p2 =	por !p2, p0  }
0x20: {  	[sflag:s8] =	ssyncset.s32 @!p0 $0xFFFFF086;
	s6 =	sadd.s32 @!p0 s3, s7;
	s7 =	simm.s32 @!p0 $0x108  }
0x21: {  	s3 =	sadd.s32 s3, s9;
	s6 =	sadd.s32 @!p0 $0x88, s6;
	s7 =	simm.s32 @p2 $0x1082  }
0x22: {  	[simem:s7], [sflag:s8] =	dma.local @!p0 [hbm:s6], $0xF7A  }
0x23: {  	s9 =	sor.u32 $0xD0000000, s2;
	s6 =	simm.s32 $0x108;
	_ =	swait.ge @!p0 [sflag:s8], $0x0  }
0x24: {  	s3 =	sadd.s32 $0x88, s3;
	s6 =	simm.s32 @!p1 $0x1082;
	[sflag:s4] =	ssyncset.s32 $0xFFFFF086  }
0x25: {  	[simem:s6], [sflag:s4] =	dma.local [hbm:s3], $0xF7A  }
0x26: {  	[smem:$0x3F58] =	sst s1;
	(tag) =	ssettag s2;
	_ =	strace s9  }
0x27: {  	s1 =	sld [smem:$0x3F68]  }
0x28: {  	s2 =	sld [smem:$0x3F69]  }
0x29: {  	s4 =	sld [smem:$0x3F6B]  }
0x2a: {  	p0 =	seq.s32 s5, $0x0;
	s5 =	sld [smem:$0x3F6C]  }
0x2b: {  	s6 =	sld [smem:$0x3F6D]  }
0x2c: {  	s7 =	sld [smem:$0x3F6E]  }
0x2d: {  	s3 =	simm.s32 $0x108;
	s8 =	sld [smem:$0x3F6F]  }
0x2e: {  	s3 =	simm.s32 @!p0 $0x1082;
	s9 =	sld [smem:$0x3F70]  }
0x2f: {  	lr =	sadd.s32 s0, s3;
	s0 =	sld [smem:$0x3F67]  }
0x30: {  	s3 =	sld [smem:$0x3F6A]  }
0x31: {  	[smem:$0x3F73] =	sst s10  }
0x32: {  	s10 =	sld [smem:$0x3F71];
	_ =	sdelay $0x3  }
0x33: {  	p0 =	seq.s32 s10, $0x1;
	s10 =	sld [smem:$0x3F73];
	_ =	sdelay $0x3  }
0x34: {  	[smem:$0x3F73] =	sst s10  }
0x35: {  	s10 =	sld [smem:$0x3F72];
	_ =	sdelay $0x3  }
0x36: {  	p1 =	seq.s32 s10, $0x1;
	s10 =	sld [smem:$0x3F73];
	_ =	sdelay $0x3  }
0x37: {  	[smem:$0x3F73] =	sst s10  }
0x38: {  	s10 =	sld [smem:$0x3F74]  }
0x39: {  	_ = 	snop;
	(pc) =	sbr.ind lr, $3  }
0x3a: {  	_ = 	snop  }
0x3b: {  	_ = 	snop  }
0x3c: {  	p2 =	seq.s32 s10, $0x1;
	s10 =	sld [smem:$0x3F73]  }
0x3d: {  	_ =	shalt  }
0x3e: {  	_ =	shalt  }
0x3f: {  	_ =	shalt  }
0x40: {  	_ =	shalt  }
0x41: {  	_ =	shalt  }
0x42: {  	_ =	shalt  }
0x43: {  	_ =	shalt  }
0x44: {  	_ =	shalt  }
0x45: {  	_ =	shalt  }
0x46: {  	_ =	shalt  }
0x47: {  	_ =	shalt  }
0x48: {  	_ =	shalt  }
0x49: {  	_ =	shalt  }
0x4a: {  	_ =	shalt  }
0x4b: {  	_ =	shalt  }
0x4c: {  	_ =	shalt  }
0x4d: {  	_ =	shalt  }
0x4e: {  	_ =	shalt  }
0x4f: {  	_ =	shalt  }
0x50: {  	_ =	shalt  }
0x51: {  	_ =	shalt  }
0x52: {  	_ =	shalt  }
0x53: {  	_ =	shalt  }
0x54: {  	_ =	shalt  }
0x55: {  	_ =	shalt  }
0x56: {  	_ =	shalt  }
0x57: {  	_ =	shalt  }
0x58: {  	_ =	shalt  }
0x59: {  	_ =	shalt  }
0x5a: {  	_ =	shalt  }
0x5b: {  	_ =	shalt  }
0x5c: {  	_ =	shalt  }
0x5d: {  	_ =	shalt  }
0x5e: {  	_ =	shalt  }
0x5f: {  	_ =	shalt  }
0x60: {  	_ =	shalt  }
0x61: {  	_ =	shalt  }
0x62: {  	_ =	shalt  }
0x63: {  	_ =	shalt  }
0x64: {  	_ =	shalt  }
0x65: {  	_ =	shalt  }
0x66: {  	_ =	shalt  }
0x67: {  	_ =	shalt  }
0x68: {  	_ =	shalt  }
0x69: {  	_ =	shalt  }
0x6a: {  	_ =	shalt  }
0x6b: {  	_ =	shalt  }
0x6c: {  	_ =	shalt  }
0x6d: {  	_ =	shalt  }
0x6e: {  	_ =	shalt  }
0x6f: {  	_ =	shalt  }
0x70: {  	_ =	shalt  }
0x71: {  	_ =	shalt  }
0x72: {  	_ =	shalt  }
0x73: {  	_ =	shalt  }
0x74: {  	_ =	shalt  }
0x75: {  	_ =	shalt  }
0x76: {  	_ =	shalt  }
0x77: {  	_ =	shalt  }
0x78: {  	_ =	shalt  }
0x79: {  	_ =	shalt  }
0x7a: {  	_ =	shalt  }
0x7b: {  	_ =	shalt  }
0x7c: {  	_ =	shalt  }
0x7d: {  	_ =	shalt  }
0x7e: {  	_ =	shalt  }
0x7f: {  	_ =	shalt  }
0x80: {  	_ =	shalt  }
0x81: {  	_ =	shalt  }
0x82: {  	_ =	shalt  }
0x83: {  	_ =	shalt  }
0x84: {  	_ =	shalt  }
0x85: {  	_ =	shalt  }
0x86: {  	_ =	shalt  }
0x87: {  	_ =	shalt  }
.Lfunc_end0:
.L_simem_size_0:
called_computation.10_lowered:
.L_overlay_start_0:
0x88: {  	s2 =	sld [smem:$0x3FD9]  }
0x89: {  	s3 =	sld [smem:$0x3FFE];
	_ =	sdelay $0x1  }
0x8a: {  	s1 =	srdreg.scid  }
0x8b: {  	s0 =	sand.u32 $0x1, s1  }
0x8c: {  	s16 =	sshll.u32 s0, $0xA;
	s2 =	sadd.s32 s3, s2  }
0x8d: {  	s2 =	sadd.s32 s2, s16  }
0x8e: {  	[smem:$0x3F7F] =	sst s2  }
0x8f: {  	_ = 	snop  }
0x90: {  	(tm) =	ssettm $0x1  }
0x91: {  	s17 =	sld [smem:$0x3FFB];
	_ =	sdelay $0x3  }
0x92: {  	_ =	strace s17  }
0x93: {  	s2 =	sld [smem:$0x3FFC];
	_ =	sdelay $0x3  }
0x94: {  	_ =	strace s2  }
0x95: {  	s2 =	sld [smem:$0x3FFD];
	_ =	sdelay $0x3  }
0x96: {  	_ =	strace s2  }
0x97: {  	_ =	strace $0x8FFFFFFF  }
0x98: {  	s18 =	sld [smem:$0x3FDB];
	_ =	sdelay $0x1  }
0x99: {  	s19 =	simm.s32 $_scs_section_size  }
0x9a: {  	s4 =	simm.s32 $_size__tile_overlayer_lowered;
	s5 =	simm.s32 $_tile_overlayer_lowered  }
0x9b: {  	s22 =	simm.s32 $0x1BFF;
	s21 =	sshll.u32 s5, $0x1;
	s2 =	sadd.s32 s19, s18  }
0x9c: {  	s6 =	simm.s32 $0x0;
	s20 =	sshll.u32 s4, $0x1;
	s4 =	sadd.s32 s21, s2  }
0x9d: {  	[timem:s6], [sflag:s22] =	dma.local [hbm:s4], s20  }
0x9e: {  	_ =	swait.ge [sflag:s22], s20  }
0x9f: {  	s3 =	ssub.s32 $0x0, s20;
	[sflag:s22] =	ssyncset.done $0x0  }
0xa0: {  	[sflag:s22] =	ssyncadd.s32 s3;
	_ =	sdelay $0x1  }
0xa1: {  	s23 =	simm.s32 $0x1B8B  }
0xa2: {  	_ =	swait.ge [sflag:s23], $0x1  }
0xa3: {  	[sflag:s23] =	ssyncset.done $0x0  }
0xa4: {  	s25 =	simm.s32 $0x1B8E;
	s24 =	sld [smem:$0x3FFE];
	[sflag:s23] =	ssyncadd.s32 $0xFFFFFFFF  }
0xa5: {  	s26 =	simm.s32 $execute0_lowered;
	[smem:$0x3FD2] =	sst s25  }
0xa6: {  	s4 =	sshll.u32 s26, $0x1;
	_ =	strace $0x80000064;
	[dreg:$0x1] =	wrdreg $0xFFFFFFFF  }
0xa7: {  	s28 =	simm.s32 $_size_execute0_lowered;
	s2 =	sadd.s32 s2, s4;
	[dreg:$0x0] =	wrdreg $0x0  }
0xa8: {  	s4 =	sshll.u32 s28, $0x1;
	[dreg:$0x2] =	wrdreg s2  }
0xa9: {  	[dreg:$0x3] =	wrdreg s4  }
0xaa: {  	[dreg:$0x4] =	wrdreg $0xC0  }
0xab: {  	_ =	task [dreg:s6], $0x5FFFF  }
0xac: {  	[dreg:$0x1] =	wrdreg $0xFFFFFFFF  }
0xad: {  	[dreg:$0x0] =	wrdreg $0x60  }
0xae: {  	[dreg:$0x2] =	wrdreg s24  }
0xaf: {  	[dreg:$0x3] =	wrdreg $0x94000  }
0xb0: {  	[dreg:$0x4] =	wrdreg $0x9  }
0xb1: {  	_ =	task.clear_ibuf [dreg:s6], $0x5FFFF;
	_ =	strace $0x90000064  }
0xb2: {  	s29 =	simm.s32 $0x9;
	_ =	strace $0x80000066  }
0xb3: {  	_ =	swait.ge [sflag:s29], $0x1  }
0xb4: {  	[sflag:s29] =	ssyncadd.s32 $0xFFFFFFFF  }
0xb5: {  	_ =	strace $0x90000066  }
0xb6: {  	_ =	sfence  }
0xb7: {  	s30 =	sld [smem:$0x0];
	_ =	sdelay $0x2  }
0xb8: {  	s31 =	sshll.u32 s1, $0xD;
	s1 =	sshrl.u32 s1, $0x2  }
0xb9: {  	s3 =	sand.u32 $0x4000, s31;
	s1 =	sadd.s32 s1, s30  }
0xba: {  	s0 =	sor.u32 s3, s0;
	s1 =	sshll.u32 s1, $0x11  }
0xbb: {  	s0 =	sor.u32 s1, s0  }
0xbc: {  	s0 =	sadd.s32 $0x8F2B, s0  }
0xbd: {  	[sflag:s0] =	ssyncadd.remote.s32 $0x1  }
0xbe: {  	_ =	sfence.sel $0xFFFF  }
0xbf: {  	[dreg:$0x0] =	wrdreg $0xFFFFFFFF;
	(pc) =	sbr.abs _section_cstart, $3  }
0xc0: {  	[dreg:$0x1] =	wrdreg $0xFFFFFFFF  }
0xc1: {  	_ =	task.clear_ibuf [dreg:s6], $0x2FFFF;
	_ =	strace $0x9FFFFFFF  }
0xc2: {  	(tm) =	ssettm $0x7FFFFFFF  }
0xc3: {  	_ =	shalt  }
tec
execute0_lowered:
.L_overlay_start_1:
0x0: {  	(tag) =	ssettag $0x1  }
0x1: {  	s4 =	rddreg [dreg:$0x0]  }
0x2: {  	s0 =	srdreg.scid;
	s20 =	stileid.u32  }
0x3: {  	s1 =	rddreg [dreg:$0x1];
	s6 =	smul.u32 $0x280, s20  }
0x4: {  	s2 =	simm.s32 $0x0;
	s14 =	simm.s32 $0x1400;
	s7 =	smul.u32 $0x2800, s20  }
0x5: {  	s15 =	simm.s32 $0x5400;
	s16 =	simm.s32 $0x1;
	s24 =	smul.u32 $0x50000, s20  }
0x6: {  	s8 =	sand.u32 $0x1, s0;
	s0 =	rddreg [dreg:$0x2];
	s13 =	smul.u32 $0x4E000, s20  }
0x7: {  	s17 =	simm.s32 $0x80;
	[smem:$0x7FF] =	sst s2;
	s29 =	smul.u32 $0x2700, s20  }
0x8: {  	s28 =	sshll.u32 s20, $0x6;
	s31 =	smul.u32 $0x14000, s20;
	s19 =	sadd.s32 $0x138000, s1  }
0x9: {  	p1 =	sne.s32 s20, $0x0;
	p2 =	seq.s32 s20, $0x0;
	s3 =	smul.u32 $0x140000, s8  }
0xa: {  	s20 =	simm.s32 $0x0;
	s5 =	smul.u32 $0x2800, s8;
	_ =	strace $0x80000065  }
0xb: {  	s26 =	ssub.s32 $0x2, s8;
	p0 =	seq.s32 s8, $0x1;
	s19 =	sshrl.u32 s19, $0x3  }
0xc: {  	s25 =	sadd.s32 s7, s4;
	s10 =	sshrl.u32 s26, $0x1;
	s30 =	sshrl.u32 s13, $0x2  }
0xd: {  	s13 =	simm.s32 $0x2;
	s11 =	sadd.s32 s3, s4;
	s23 =	sadd.s32 s6, s5  }
0xe: {  	s3 =	sadd.s32 $0x11200, s4;
	s5 =	sshrl.u32 s24, $0x2;
	s10 =	ssub.s32 s26, s10  }
.Ltmp0:
0xf: {  	s6 =	sor.u32 $0x1C02, s28;
	s18 =	sadd.s32 s30, s1;
	(pc) =	sbr.rel .LBB2_1-.Ltmp0, $4  }
0x10: {  	s9 =	sadd.s32 s23, s4;
	s4 =	sadd.s32 $0x8C600, s4;
	s12 =	sadd.s32 s5, s1  }
0x11: {  	s5 =	sadd.s32 $0x64600, s25;
	s8 =	sadd.s32 s3, s29;
	s10 =	smax.u32 s10, $0x1  }
0x12: {  	s11 =	sadd.s32 s31, s11;
	s18 =	sshrl.u32 s18, $0x3;
	s7 =	sadd.s32 $0x2E4600, s9  }
0x13: {  	s9 =	sadd.s32 s4, s29;
	s11 =	sadd.s32 $0x5F4A00, s11;
	s12 =	sshrl.u32 s12, $0x3  }
.LBB2_6:
0x14: {  	s21 =	sadd.s32 $0x27000, s21  }
0x15: {  	[hbm:s21], [sflag:s6] =	dma.local [spmem:s19], $0x100  }
0x16: {  	_ =	swait.ge [sflag:s13], $0x100  }
0x17: {  	[sflag:s13] =	ssyncset.done $0x0  }
0x18: {  	[sflag:s13] =	ssyncadd.s32 $0xFFFFFF00  }
.LBB2_7:
0x19: {  	s20 =	sadd.s32 $0x1, s20  }
0x1a: {  	p3 =	sne.s32 s20, s10  }
.Ltmp1:
0x1b: {  	_ = 	snop;
	(pc) =	sbr.rel @!p3 .LBB2_8-.Ltmp1, $1  }
0x1c: {  	_ =	sdelay $0x3  }
.LBB2_1:
0x1d: {  	[spmem:s12], [sflag:s6] =	dma.local [hbm:s5], $0x2800  }
0x1e: {  	_ =	swait.ge [sflag:s13], $0x2800  }
0x1f: {  	[sflag:s13] =	ssyncset.done $0x0  }
0x20: {  	[sflag:s13] =	ssyncadd.s32 $0xFFFFD800  }
0x21: {  	[tilespmem:s2], [sflag:$0x2] =	stream.linear.gather [hbm4b:s7+s2], $0x1400, $0x38;
	[tilespmem:$0x1D400] =	vst v63  }
0x22: {  	_ =	swait.ge [sflag:s13], $0x1400  }
0x23: {  	[sflag:s13] =	ssyncset.done $0x0  }
0x24: {  	[sflag:s13] =	ssyncadd.s32 $0xFFFFEC00  }
0x25: {  	s21 =	sadd.s32 $0xFFFFF800, s11;
	[bflag:$0x0] =	sbarrier.arrive $0xFFFF  }
0x26: {  	[tilespmem:s14], [sflag:$0x1] =	stream.linear.gather [hbm4b:s21+s2], $0x4000, $0x38;
	[tilespmem:$0x1D400] =	vst v63  }
0x27: {  	_ = 	snop  }
0x28: {  	[tilespmem:s15], [sflag:$0x1] =	stream.linear.gather [hbm4b:s11+s2], $0x4000, $0x38;
	[tilespmem:$0x1D400] =	vst v63  }
0x29: {  	_ =	swait.ge [sflag:s16], $0x4000  }
0x2a: {  	[sflag:s16] =	ssyncset.done $0x0  }
0x2b: {  	[sflag:s16] =	ssyncadd.s32 $0xFFFFC000  }
0x2c: {  	_ =	swait.ge [sflag:s16], $0x4000  }
0x2d: {  	[sflag:s16] =	ssyncset.done $0x0  }
0x2e: {  	s30 =	simm.s32 $0x0;
	[sflag:s16] =	ssyncadd.s32 $0xFFFFC000  }
0x2f: {  	[spmem:s1] =	stream.indirect.scatter.add.f32 [tilespmem:s14], [sflag:$0x2], $0x80, s30, s17, $0xb8;
	[tilespmem:$0x1D400] =	vst v63  }
0x30: {  	_ =	swait.ge [sflag:s13], $0x4000  }
0x31: {  	[sflag:s13] =	ssyncset.done $0x0  }
0x32: {  	s31 =	simm.s32 $0x80;
	[sflag:s13] =	ssyncadd.s32 $0xFFFFC000  }
0x33: {  	[spmem:s1] =	stream.indirect.scatter.add.f32 [tilespmem:s15], [sflag:$0x2], $0x80, s31, s17, $0xb8;
	[tilespmem:$0x1D400] =	vst v63  }
0x34: {  	s23 =	simm.s32 $0x800;
	_ =	swait.ge [sflag:s13], $0x4000  }
0x35: {  	s22 =	sadd.s32 $0x1000, s11;
	s21 =	simm.s32 $0x400;
	[sflag:s13] =	ssyncset.done $0x0  }
.LBB2_2:
0x36: {  	p3 =	sne.s32 s23, $0x4C00;
	s24 =	sadd.s32 $0xFFFFF800, s22;
	[sflag:s13] =	ssyncadd.s32 $0xFFFFC000  }
0x37: {  	[tilespmem:s14], [sflag:$0x1] =	stream.linear.gather [hbm4b:s24+s2], $0x4000, $0x38;
	[tilespmem:$0x1D400] =	vst v63  }
0x38: {  	s24 =	smov.u32 s23;
	s23 =	sadd.s32 $0x400, s23  }
0x39: {  	[tilespmem:s15], [sflag:$0x1] =	stream.linear.gather [hbm4b:s22+s2], $0x4000, $0x38;
	[tilespmem:$0x1D400] =	vst v63  }
0x3a: {  	_ =	swait.ge [sflag:s16], $0x4000  }
0x3b: {  	[sflag:s16] =	ssyncset.done $0x0  }
0x3c: {  	[sflag:s16] =	ssyncadd.s32 $0xFFFFC000  }
0x3d: {  	_ =	swait.ge [sflag:s16], $0x4000  }
0x3e: {  	[sflag:s16] =	ssyncset.done $0x0  }
0x3f: {  	s25 =	sshra.s32 s21, $0x2;
	s21 =	smov.u32 s24;
	[sflag:s16] =	ssyncadd.s32 $0xFFFFC000  }
0x40: {  	[spmem:s1] =	stream.indirect.scatter.add.f32 [tilespmem:s14], [sflag:$0x2], $0x80, s25, s17, $0xb8;
	[tilespmem:$0x1D400] =	vst v63  }
0x41: {  	_ =	swait.ge [sflag:s13], $0x4000  }
.Ltmp2:
0x42: {  	[sflag:s13] =	ssyncset.done $0x0;
	(pc) =	sbr.rel @p3 .LBB2_2-.Ltmp2, $4  }
0x43: {  	s24 =	sadd.s32 $0x80, s25;
	[sflag:s13] =	ssyncadd.s32 $0xFFFFC000  }
0x44: {  	[spmem:s1] =	stream.indirect.scatter.add.f32 [tilespmem:s15], [sflag:$0x2], $0x80, s24, s17, $0xb8;
	[tilespmem:$0x1D400] =	vst v63  }
0x45: {  	_ =	swait.ge [sflag:s13], $0x4000  }
0x46: {  	s22 =	sadd.s32 $0x1000, s22;
	[sflag:s13] =	ssyncset.done $0x0  }
0x47: {  	s23 =	sadd.s32 $0xFFFFF800, s22;
	[sflag:s13] =	ssyncadd.s32 $0xFFFFC000  }
0x48: {  	[tilespmem:s14], [sflag:$0x1] =	stream.linear.gather [hbm4b:s23+s2], $0x4000, $0x38;
	[tilespmem:$0x1D400] =	vst v63  }
0x49: {  	_ = 	snop  }
0x4a: {  	[tilespmem:s15], [sflag:$0x1] =	stream.linear.gather [hbm4b:s22+s2], $0x4000, $0x38;
	[tilespmem:$0x1D400] =	vst v63  }
0x4b: {  	_ =	swait.ge [sflag:s16], $0x4000  }
0x4c: {  	[sflag:s16] =	ssyncset.done $0x0  }
0x4d: {  	[sflag:s16] =	ssyncadd.s32 $0xFFFFC000  }
0x4e: {  	_ =	swait.ge [sflag:s16], $0x4000  }
0x4f: {  	[sflag:s16] =	ssyncset.done $0x0  }
0x50: {  	s21 =	sshra.s32 s21, $0x2;
	[sflag:s16] =	ssyncadd.s32 $0xFFFFC000  }
0x51: {  	[spmem:s1] =	stream.indirect.scatter.add.f32 [tilespmem:s14], [sflag:$0x2], $0x80, s21, s17, $0xb8;
	[tilespmem:$0x1D400] =	vst v63  }
0x52: {  	_ =	swait.ge [sflag:s13], $0x4000  }
0x53: {  	[sflag:s13] =	ssyncset.done $0x0  }
0x54: {  	s21 =	sadd.s32 $0x80, s21;
	[sflag:s13] =	ssyncadd.s32 $0xFFFFC000  }
0x55: {  	[spmem:s1] =	stream.indirect.scatter.add.f32 [tilespmem:s15], [sflag:$0x2], $0x80, s21, s17, $0xb8;
	[tilespmem:$0x1D400] =	vst v63  }
.Ltmp3:
0x56: {  	_ =	swait.ge [sflag:s13], $0x4000;
	(pc) =	sbr.rel @!p0 .LBB2_4-.Ltmp3, $3  }
0x57: {  	[sflag:s13] =	ssyncset.done $0x0  }
0x58: {  	[sflag:s13] =	ssyncadd.s32 $0xFFFFC000  }
0x59: {  	[bflag:$0x0] =	sbarrier.arrive $0xFFFF;
	_ =	sdelay $0x1  }
0x5a: {  	[hbm:s9], [sflag:s6] =	dma.local [spmem:s18], $0x2700  }
.Ltmp4:
0x5b: {  	_ = 	snop;
	(pc) =	sbr.rel @p1 .LBB2_7-.Ltmp4, $4  }
.Ltmp5:
0x5c: {  	_ = 	snop;
	(pc) =	sbr.rel @!p1 .LBB2_6-.Ltmp5, $4  }
0x5d: {  	_ =	swait.ge [sflag:s13], $0x2700  }
0x5e: {  	[sflag:s13] =	ssyncset.done $0x0  }
0x5f: {  	s21 =	smov.u32 s4;
	[sflag:s13] =	ssyncadd.s32 $0xFFFFD900  }
0x60: {  	_ = 	snop  }
.LBB2_4:
0x61: {  	[hbm:s8], [sflag:s6] =	dma.local [spmem:s18], $0x2700  }
.Ltmp6:
0x62: {  	_ = 	snop;
	(pc) =	sbr.rel @!p2 .LBB2_7-.Ltmp6, $4  }
.Ltmp7:
0x63: {  	_ = 	snop;
	(pc) =	sbr.rel @p2 .LBB2_6-.Ltmp7, $4  }
0x64: {  	_ =	swait.ge [sflag:s13], $0x2700  }
0x65: {  	[sflag:s13] =	ssyncset.done $0x0  }
0x66: {  	s21 =	smov.u32 s3;
	[sflag:s13] =	ssyncadd.s32 $0xFFFFD900  }
0x67: {  	_ = 	snop  }
.LBB2_8:
0x68: {  	_ =	sfence.sel $0x180000  }
0x69: {  	[bflag:$0x0] =	sbarrier.arrive $0xFFFF  }
0x6a: {  	_ =	strace $0x90000065  }
0x6b: {  	s0 =	sadd.s32 @!p1 $0x100000, s0;
	[bflag:$0x2] =	sbarrier.arrive $0xFFFF  }
0x6c: {  	[sflag:s0] =	ssyncadd.tile.s32 @!p1 $0x1;
	_ =	shalt  }
.Lfunc_end2:
_tile_overlayer_lowered:
.L_overlay_start_2:
0x6d: {  	(tag) =	ssettag $0x2  }
0x6e: {  	s0 =	rddreg [dreg:$0x0];
	s2 =	stileid.u32  }
0x6f: {  	s1 =	rddreg [dreg:$0x1];
	p0 =	sne.s32 s2, $0x0  }
0x70: {  	s3 =	rddreg [dreg:$0x2];
	[bflag:$0x3] =	sbarrier.arrive $0xFFFF;
	s2 =	simm.s32 @!p0 $0x1C02  }
0x71: {  	[timem:s3], [sflag:s2] =	dma.local @!p0 [hbm:s0], s1  }
0x72: {  	s0 =	simm.s32 @!p0 $0x2  }
0x73: {  	_ =	swait.ge @!p0 [sflag:s0], s1  }
0x74: {  	s1 =	ssub.s32 @!p0 $0x0, s1;
	[sflag:s0] =	ssyncset.done @!p0 $0x0  }
0x75: {  	[sflag:s0] =	ssyncadd.s32 @!p0 s1  }
0x76: {  	[bflag:$0x3] =	sbarrier.arrive $0xFFFF  }
0x77: {  	_ =	shalt  }

</sc_bundles>
